<compile_context>
chip_gen: v7x
topology: tpu7x:2x2x1
jax: 0.10.2.dev20260603
libtpu: 0.0.44.dev20260713+nightly
codegen_flags: <defaults>
</compile_context>

<pallas_src>
import jax
import jax.numpy as jnp
from jax import lax
from jax.experimental import pallas as pl
from jax.experimental.pallas import tpu as pltpu
from jax.experimental.pallas import tpu_sc as plsc

N = 10000
E = 160000
F_IN = 256
H = 4
C = 64
HC = H * C

NC = 2
NS = 16
L = 16

EPT = E // NS
KE = 80
NCH = EPT // KE
BCH = 5
NFCH = N // KE
FPT = (NFCH + NS - 1) // NS
AW = 144

BN = 1000


def _tc_body(x_ref, w_ref, a_ref, xp_ref, att_ref):
    xp = jnp.dot(x_ref[...], w_ref[...], preferred_element_type=jnp.float32)
    xp_ref[...] = xp
    for c in range(2):
        a4 = jnp.dot(xp, a_ref[:, c * 4:(c + 1) * 4],
                     preferred_element_type=jnp.float32)
        att_ref[c] = jnp.concatenate(
            [a4, jnp.zeros((BN, 12), jnp.float32)], axis=1)


def _tc_call(x, W, A):
    return pl.pallas_call(
        _tc_body,
        grid=(N // BN,),
        in_specs=[
            pl.BlockSpec((BN, F_IN), lambda i: (i, 0)),
            pl.BlockSpec((F_IN, HC), lambda i: (0, 0)),
            pl.BlockSpec((HC, 8), lambda i: (0, 0)),
        ],
        out_specs=[
            pl.BlockSpec((BN, HC), lambda i: (i, 0)),
            pl.BlockSpec((2, BN, 16), lambda i: (0, i, 0)),
        ],
        out_shape=[
            jax.ShapeDtypeStruct((N, HC), jnp.float32),
            jax.ShapeDtypeStruct((2, N, 16), jnp.float32),
        ],
    )(x, W, A)


def _sc_body(att_hbm, xpr_hbm, src_hbm, dst_hbm, bias_hbm, out_hbm,
             src_v, dst_v, idxs0, idxs1, idxd0, idxd1, idxx0, idxx1,
             dsti0, dsti1, satt0, satt1, datt0, datt1, rows0, rows1,
             sc_v, wsb_v, bias_v, acc,
             semA0, semA1, semB0, semB1, semX0, semX1, semW):
    idxs = (idxs0, idxs1)
    idxd = (idxd0, idxd1)
    idxx = (idxx0, idxx1)
    dsti = (dsti0, dsti1)
    satt = (satt0, satt1)
    datt = (datt0, datt1)
    rows = (rows0, rows1)
    semA = (semA0, semA1)
    semB = (semB0, semB1)
    semX = (semX0, semX1)
    sem = semA0
    sem2 = semB0
    satt_v = satt0
    rows_v = rows0
    idxs_v = idxs0
    idxx_v = idxx0
    c = lax.axis_index("c")
    s = lax.axis_index("s")
    zero16 = jnp.zeros((L,), jnp.float32)
    iota16 = lax.iota(jnp.int32, L)

    @pl.loop(0, KE)
    def _zrow(r):
        for j in range(AW // L):
            sc_v[r, pl.ds(j * L, L)] = zero16

    @pl.loop(0, FPT)
    def _zacc(i):
        cid = s + i * NS

        @pl.when(cid < NFCH)
        def _():
            pltpu.sync_copy(sc_v, acc.at[pl.ds(cid * KE, KE)])

    pltpu.sync_copy(bias_hbm.at[pl.ds(c * 128, 128)], bias_v)
    plsc.subcore_barrier()

    ebase = s * EPT
    cn = c * N

    @pl.loop(0, NCH // BCH)
    def _batch(bt):
        bb = ebase + bt * (BCH * KE)
        pltpu.sync_copy(src_hbm.at[pl.ds(bb, BCH * KE)], src_v)
        pltpu.sync_copy(dst_hbm.at[pl.ds(bb, BCH * KE)], dst_v)

        def _compute_idx(ch):
            p = ch % 2
            bl = ch * KE
            for g in range(KE // L):
                sl = pl.ds(g * L, L)
                blsl = pl.ds(bl + g * L, L)
                s16 = src_v[blsl]
                d16 = dst_v[blsl]
                idxs[p][sl] = s16 + cn
                idxd[p][sl] = d16 + cn
                idxx[p][sl] = s16 * 2 + c
                dsti[p][sl] = d16

        def _issue(ch):
            p = ch % 2
            return (pltpu.async_copy(att_hbm.at[idxs[p]], satt[p], semA[p]),
                    pltpu.async_copy(att_hbm.at[idxd[p]], datt[p], semB[p]),
                    pltpu.async_copy(xpr_hbm.at[idxx[p]], rows[p], semX[p]))

        _compute_idx(0)
        cps = _issue(0)
        wcp = None
        for ch in range(BCH):
            p = ch % 2
            if wcp is not None:
                wcp.wait()
            if ch + 1 < BCH:
                _compute_idx(ch + 1)
                ncps = _issue(ch + 1)
            cps[0].wait()
            cps[1].wait()
            for g in range(KE // L):
                row16 = iota16 + g * L
                for h in range(2):
                    ga = plsc.load_gather(
                        satt[p], [row16, jnp.full((L,), h, jnp.int32)])
                    gd = plsc.load_gather(
                        datt[p], [row16, jnp.full((L,), 2 + h, jnp.int32)])
                    z = ga + gd
                    z = jnp.where(z > 0, z, z * jnp.float32(0.2))
                    w = jnp.exp(z)
                    plsc.store_scatter(
                        sc_v, [row16, jnp.full((L,), 128 + h, jnp.int32)], w)
            cps[2].wait()
            rp = rows[p]

            @pl.loop(0, KE)
            def _scale(e):
                wv = sc_v[e, pl.ds(128, L)]
                w0 = wv[0]
                w1 = wv[1]
                for j in range(8):
                    wj = w0 if j < 4 else w1
                    sc_v[e, pl.ds(j * L, L)] = rp[e, pl.ds(j * L, L)] * wj

            wcp = pltpu.async_copy(sc_v, acc.at[dsti[p]], semW, add=True)
            if ch + 1 < BCH:
                cps = ncps
        wcp.wait()

    plsc.subcore_barrier()

    @pl.loop(0, FPT)
    def _fin(i):
        cid = s + i * NS

        @pl.when(cid < NFCH)
        def _():
            r0 = cid * KE
            for g in range(KE // L):
                sl = pl.ds(g * L, L)
                idxs_v[sl] = iota16 + (g * L + r0 + cn)
                idxx_v[sl] = (iota16 + (g * L + r0)) * 2 + c
            cp1 = pltpu.async_copy(att_hbm.at[idxs_v], satt_v, sem)
            cp2 = pltpu.async_copy(xpr_hbm.at[idxx_v], rows_v, sem2)
            pltpu.sync_copy(acc.at[pl.ds(r0, KE)], sc_v)
            cp1.wait()
            cp2.wait()
            for g in range(KE // L):
                row16 = iota16 + g * L
                for h in range(2):
                    ga = plsc.load_gather(
                        satt_v, [row16, jnp.full((L,), h, jnp.int32)])
                    gd = plsc.load_gather(
                        satt_v, [row16, jnp.full((L,), 2 + h, jnp.int32)])
                    z = ga + gd
                    z = jnp.where(z > 0, z, z * jnp.float32(0.2))
                    ws = jnp.exp(z)
                    den = plsc.load_gather(
                        sc_v, [row16, jnp.full((L,), 128 + h, jnp.int32)])
                    rec = jnp.float32(1.0) / (den + ws + jnp.float32(1e-16))
                    plsc.store_scatter(
                        wsb_v, [row16, jnp.full((L,), h, jnp.int32)], ws)
                    plsc.store_scatter(
                        wsb_v, [row16, jnp.full((L,), 2 + h, jnp.int32)], rec)

            @pl.loop(0, KE)
            def _row(e):
                wv = wsb_v[e, pl.ds(0, L)]
                ws0 = wv[0]
                ws1 = wv[1]
                rc0 = wv[2]
                rc1 = wv[3]
                for j in range(8):
                    wj = ws0 if j < 4 else ws1
                    rj = rc0 if j < 4 else rc1
                    t = (sc_v[e, pl.ds(j * L, L)]
                         + wj * rows_v[e, pl.ds(j * L, L)]) * rj
                    t = t + bias_v[pl.ds(j * L, L)]
                    rows_v[e, pl.ds(j * L, L)] = jnp.maximum(
                        t, jnp.float32(0.0))

            pltpu.sync_copy(
                rows_v, out_hbm.at[pl.ds(r0, KE), pl.ds(c * 128, 128)])


def _sc_call(att_all, xpr, src, dst, bias):
    mesh = plsc.VectorSubcoreMesh(
        core_axis_name="c", subcore_axis_name="s",
        num_cores=NC, num_subcores=NS)
    return pl.kernel(
        _sc_body,
        out_type=jax.ShapeDtypeStruct((N, HC), jnp.float32),
        mesh=mesh,
        compiler_params=pltpu.CompilerParams(
            use_tc_tiling_on_sc=False, needs_layout_passes=False),
        scratch_types=(
            [pltpu.VMEM((BCH * KE,), jnp.int32)] * 2
            + [pltpu.VMEM((KE,), jnp.int32)] * 8
            + [pltpu.VMEM((KE, 16), jnp.float32)] * 4
            + [pltpu.VMEM((KE, 128), jnp.float32)] * 2
            + [
                pltpu.VMEM((KE, AW), jnp.float32),
                pltpu.VMEM((KE, L), jnp.float32),
                pltpu.VMEM((128,), jnp.float32),
                pltpu.VMEM_SHARED((N, AW), jnp.float32),
            ]
            + [pltpu.SemaphoreType.DMA] * 7
        ),
    )(att_all, xpr, src, dst, bias)


def _build_a(att_src, att_dst):
    As = att_src.reshape(H, C)
    Ad = att_dst.reshape(H, C)
    Ms = jnp.zeros((HC, H), jnp.float32)
    Md = jnp.zeros((HC, H), jnp.float32)
    for h in range(H):
        Ms = Ms.at[h * C:(h + 1) * C, h].set(As[h])
        Md = Md.at[h * C:(h + 1) * C, h].set(Ad[h])
    cols = []
    for c in range(2):
        cols += [Ms[:, 2 * c], Ms[:, 2 * c + 1],
                 Md[:, 2 * c], Md[:, 2 * c + 1]]
    return jnp.stack(cols, axis=1)


def kernel(x, adj, W, att_src, att_dst, bias):
    A = _build_a(att_src, att_dst)
    xp, att_tab = _tc_call(x, W, A)
    xpr = xp.reshape(2 * N, 128)
    att_all = att_tab.reshape(2 * N, 16)
    return _sc_call(att_all, xpr, adj[0], adj[1], bias)

# --- scband reference (transcript-rebuilt; emitter-appended) ---
"""Pipeline reference for scband-stand-gat1-9122510537106 (READ-ONLY COPY).

The authoritative reference and input builder live on the scoring server;
editing this copy changes nothing except your own understanding.
"""

import jax, jax.numpy as jnp
import numpy as np

N = 10000
E = 160000
F_IN = 256
H = 4
C = 64

def setup_inputs(seed: int = 0) -> dict:
    key = jax.random.key(seed)
    k1, k2, k3, k4, k5 = jax.random.split(key, 5)
    x = jax.random.normal(k1, (N, F_IN), dtype=jnp.float32)
    adj = jax.random.randint(k2, (2, E), 0, N, dtype=jnp.int32)
    W = jax.random.normal(k3, (F_IN, H * C), dtype=jnp.float32) * 0.1
    att_src = jax.random.normal(k4, (1, H, C), dtype=jnp.float32) * 0.1
    att_dst = jax.random.normal(k5, (1, H, C), dtype=jnp.float32) * 0.1
    bias = jnp.zeros((H * C,), dtype=jnp.float32)
    return {"x": x, "adj": adj, "W": W, "att_src": att_src, "att_dst": att_dst, "bias": bias}

def reference(x, adj, W, att_src, att_dst, bias):
    # GATConv(nfeat, nclass, heads=4), default concat=True, add_self_loops=True,
    # negative_slope=0.2, followed by ReLU (dropout inactive in eval).
    xp = (x @ W).reshape(N, H, C)
    # add self loops (PyG default)
    loops = jnp.arange(N, dtype=adj.dtype)
    src = jnp.concatenate([adj[0], loops])
    dst = jnp.concatenate([adj[1], loops])
    a_src = jnp.sum(xp * att_src, axis=-1)  # [N, H]
    a_dst = jnp.sum(xp * att_dst, axis=-1)  # [N, H]
    alpha = a_src[src] + a_dst[dst]          # [E+N, H]
    alpha = jax.nn.leaky_relu(alpha, negative_slope=0.2)
    # softmax over incoming edges per destination node, per head
    amax = jax.ops.segment_max(alpha, dst, num_segments=N)
    alpha = jnp.exp(alpha - amax[dst])
    denom = jax.ops.segment_sum(alpha, dst, num_segments=N)
    alpha = alpha / (denom[dst] + 1e-16)
    msg = xp[src] * alpha[:, :, None]        # [E+N, H, C]
    out = jax.ops.segment_sum(msg, dst, num_segments=N)  # [N, H, C]
    out = out.reshape(N, H * C) + bias
    return jax.nn.relu(out)

if __name__ == "__main__":
    import jax
    _d = setup_inputs()
    print(jax.jit(kernel)(*tuple(_d.values())))

</pallas_src>

<mosaic_0001>
#map = affine_map<(d0, d1) -> (0, 0)>
#map1 = affine_map<(d0, d1) -> (0)>
module attributes {stable_mosaic.version = 14 : i64} {
  func.func @_sc_body(%arg0: i32, %arg1: i32, %arg2: memref<20000x16xf32, #tpu.memory_space<hbm>>, %arg3: memref<20000x128xf32, #tpu.memory_space<hbm>>, %arg4: memref<160000xi32, #tpu.memory_space<hbm>>, %arg5: memref<160000xi32, #tpu.memory_space<hbm>>, %arg6: memref<256xf32, #tpu.memory_space<hbm>>, %arg7: memref<10000x256xf32, #tpu.memory_space<hbm>>, %arg8: memref<400xi32, #tpu.memory_space<vmem>>, %arg9: memref<400xi32, #tpu.memory_space<vmem>>, %arg10: memref<80xi32, #tpu.memory_space<vmem>>, %arg11: memref<80xi32, #tpu.memory_space<vmem>>, %arg12: memref<80xi32, #tpu.memory_space<vmem>>, %arg13: memref<80xi32, #tpu.memory_space<vmem>>, %arg14: memref<80xi32, #tpu.memory_space<vmem>>, %arg15: memref<80xi32, #tpu.memory_space<vmem>>, %arg16: memref<80xi32, #tpu.memory_space<vmem>>, %arg17: memref<80xi32, #tpu.memory_space<vmem>>, %arg18: memref<80x16xf32, #tpu.memory_space<vmem>>, %arg19: memref<80x16xf32, #tpu.memory_space<vmem>>, %arg20: memref<80x16xf32, #tpu.memory_space<vmem>>, %arg21: memref<80x16xf32, #tpu.memory_space<vmem>>, %arg22: memref<80x128xf32, #tpu.memory_space<vmem>>, %arg23: memref<80x128xf32, #tpu.memory_space<vmem>>, %arg24: memref<80x144xf32, #tpu.memory_space<vmem>>, %arg25: memref<80x16xf32, #tpu.memory_space<vmem>>, %arg26: memref<128xf32, #tpu.memory_space<vmem>>, %arg27: memref<10000x144xf32, #tpu.memory_space<vmem_shared>>, %arg28: memref<!tpu.dma_semaphore, #tpu.memory_space<semaphore_mem>>, %arg29: memref<!tpu.dma_semaphore, #tpu.memory_space<semaphore_mem>>, %arg30: memref<!tpu.dma_semaphore, #tpu.memory_space<semaphore_mem>>, %arg31: memref<!tpu.dma_semaphore, #tpu.memory_space<semaphore_mem>>, %arg32: memref<!tpu.dma_semaphore, #tpu.memory_space<semaphore_mem>>, %arg33: memref<!tpu.dma_semaphore, #tpu.memory_space<semaphore_mem>>, %arg34: memref<!tpu.dma_semaphore, #tpu.memory_space<semaphore_mem>>) attributes {dimension_semantics = [#tpu.dimension_semantics<core_parallel>, #tpu.dimension_semantics<subcore_parallel>], iteration_bounds = array<i64: 2, 16>, scalar_prefetch = 0 : i64, scratch_operands = 27 : i64, tpu.core_type = #tpu.core_type<sc_vector_subcore>, window_params = [{transform_indices = #map}, {transform_indices = #map}, {transform_indices = #map1}, {transform_indices = #map1}, {transform_indices = #map1}, {transform_indices = #map}]} {
    %broadcast_in_dim3A = arith.constant 0.000000e+00 : f32
    %broadcast_in_dim3A_0 = vector.broadcast %broadcast_in_dim3A : f32 to vector<16xf32>
    %iota3A = tpu.iota {dimensions = array<i32: 0>} : vector<16xi32>
    %scan3A = arith.constant 0 : i32
    %scan3A_1 = arith.constant 80 : i32
    %scan3A_2 = arith.addi %scan3A, %scan3A_1 : i32
    %scan3A_3 = arith.constant 1 : i32
    scf.for %scan3A_26 = %scan3A to %scan3A_2 step %scan3A_3  : i32 {
      %mul3A_27 = arith.constant 1 : i32
      %mul3A_28 = arith.muli %scan3A_26, %mul3A_27 : i32
      %add3A = arith.constant 0 : i32
      %add3A_29 = arith.addi %add3A, %mul3A_28 : i32
      %swap3A = arith.index_cast %add3A_29 : i32 to index
      %swap3A_30 = arith.constant 0 : index
      %swap3A_31 = tpu.vector_load %arg24[%swap3A, %swap3A_30] {strides = array<i32>} : memref<80x144xf32, #tpu.memory_space<vmem>>, vector<16xf32>,
      tpu.vector_store %arg24[%swap3A, %swap3A_30], %broadcast_in_dim3A_0 {strides = array<i32>} : memref<80x144xf32, #tpu.memory_space<vmem>>, vector<16xf32>,
      %swap3A_32 = arith.index_cast %add3A_29 : i32 to index
      %swap3A_33 = arith.constant 16 : index
      %swap3A_34 = tpu.vector_load %arg24[%swap3A_32, %swap3A_33] {strides = array<i32>} : memref<80x144xf32, #tpu.memory_space<vmem>>, vector<16xf32>,
      tpu.vector_store %arg24[%swap3A_32, %swap3A_33], %broadcast_in_dim3A_0 {strides = array<i32>} : memref<80x144xf32, #tpu.memory_space<vmem>>, vector<16xf32>,
      %swap3A_35 = arith.index_cast %add3A_29 : i32 to index
      %swap3A_36 = arith.constant 32 : index
      %swap3A_37 = tpu.vector_load %arg24[%swap3A_35, %swap3A_36] {strides = array<i32>} : memref<80x144xf32, #tpu.memory_space<vmem>>, vector<16xf32>,
      tpu.vector_store %arg24[%swap3A_35, %swap3A_36], %broadcast_in_dim3A_0 {strides = array<i32>} : memref<80x144xf32, #tpu.memory_space<vmem>>, vector<16xf32>,
      %swap3A_38 = arith.index_cast %add3A_29 : i32 to index
      %swap3A_39 = arith.constant 48 : index
      %swap3A_40 = tpu.vector_load %arg24[%swap3A_38, %swap3A_39] {strides = array<i32>} : memref<80x144xf32, #tpu.memory_space<vmem>>, vector<16xf32>,
      tpu.vector_store %arg24[%swap3A_38, %swap3A_39], %broadcast_in_dim3A_0 {strides = array<i32>} : memref<80x144xf32, #tpu.memory_space<vmem>>, vector<16xf32>,
      %swap3A_41 = arith.index_cast %add3A_29 : i32 to index
      %swap3A_42 = arith.constant 64 : index
      %swap3A_43 = tpu.vector_load %arg24[%swap3A_41, %swap3A_42] {strides = array<i32>} : memref<80x144xf32, #tpu.memory_space<vmem>>, vector<16xf32>,
      tpu.vector_store %arg24[%swap3A_41, %swap3A_42], %broadcast_in_dim3A_0 {strides = array<i32>} : memref<80x144xf32, #tpu.memory_space<vmem>>, vector<16xf32>,
      %swap3A_44 = arith.index_cast %add3A_29 : i32 to index
      %swap3A_45 = arith.constant 80 : index
      %swap3A_46 = tpu.vector_load %arg24[%swap3A_44, %swap3A_45] {strides = array<i32>} : memref<80x144xf32, #tpu.memory_space<vmem>>, vector<16xf32>,
      tpu.vector_store %arg24[%swap3A_44, %swap3A_45], %broadcast_in_dim3A_0 {strides = array<i32>} : memref<80x144xf32, #tpu.memory_space<vmem>>, vector<16xf32>,
      %swap3A_47 = arith.index_cast %add3A_29 : i32 to index
      %swap3A_48 = arith.constant 96 : index
      %swap3A_49 = tpu.vector_load %arg24[%swap3A_47, %swap3A_48] {strides = array<i32>} : memref<80x144xf32, #tpu.memory_space<vmem>>, vector<16xf32>,
      tpu.vector_store %arg24[%swap3A_47, %swap3A_48], %broadcast_in_dim3A_0 {strides = array<i32>} : memref<80x144xf32, #tpu.memory_space<vmem>>, vector<16xf32>,
      %swap3A_50 = arith.index_cast %add3A_29 : i32 to index
      %swap3A_51 = arith.constant 112 : index
      %swap3A_52 = tpu.vector_load %arg24[%swap3A_50, %swap3A_51] {strides = array<i32>} : memref<80x144xf32, #tpu.memory_space<vmem>>, vector<16xf32>,
      tpu.vector_store %arg24[%swap3A_50, %swap3A_51], %broadcast_in_dim3A_0 {strides = array<i32>} : memref<80x144xf32, #tpu.memory_space<vmem>>, vector<16xf32>,
      %swap3A_53 = arith.index_cast %add3A_29 : i32 to index
      %swap3A_54 = arith.constant 128 : index
      %swap3A_55 = tpu.vector_load %arg24[%swap3A_53, %swap3A_54] {strides = array<i32>} : memref<80x144xf32, #tpu.memory_space<vmem>>, vector<16xf32>,
      tpu.vector_store %arg24[%swap3A_53, %swap3A_54], %broadcast_in_dim3A_0 {strides = array<i32>} : memref<80x144xf32, #tpu.memory_space<vmem>>, vector<16xf32>,
    }
    %scan3A_4 = arith.constant 80 : i32
    %scan3A_5 = arith.constant 0 : i32
    %scan3A_6 = arith.constant 8 : i32
    %scan3A_7 = arith.addi %scan3A_5, %scan3A_6 : i32
    %scan3A_8 = arith.constant 1 : i32
    scf.for %scan3A_26 = %scan3A_5 to %scan3A_7 step %scan3A_8  : i32 {
      %mul3A_27 = arith.constant 1 : i32
      %mul3A_28 = arith.muli %scan3A_26, %mul3A_27 : i32
      %add3A = arith.constant 0 : i32
      %add3A_29 = arith.addi %add3A, %mul3A_28 : i32
      %mul3A_30 = arith.constant 16 : i32
      %mul3A_31 = arith.muli %add3A_29, %mul3A_30 : i32
      %add3A_32 = arith.addi %arg1, %mul3A_31 : i32
      %lt3A = arith.constant 125 : i32
      %lt3A_33 = arith.cmpi slt, %add3A_32, %lt3A : i32
      %convert_element_type3A = arith.extui %lt3A_33 : i1 to i32
      %cond3A = arith.constant 0 : i32
      %cond3A_34 = arith.cmpi ne, %convert_element_type3A, %cond3A : i32
      scf.if %cond3A_34 {
        %mul3A_35 = arith.constant 80 : i32
        %mul3A_36 = arith.muli %add3A_32, %mul3A_35 : i32
        "tpu.region"() ({
          %run_scoped3A = tpu.sem_alloc : memref<!tpu.dma_semaphore, #tpu.memory_space<semaphore_mem>>
          %dma_start3A = arith.constant 0 : i32
          %dma_start3A_37 = tpu.memref_slice %arg27[%mul3A_36, %dma_start3A] : memref<10000x144xf32, #tpu.memory_space<vmem_shared>> -> memref<80x144xf32, #tpu.memory_space<vmem_shared>>
          %dma_start3A_38 = arith.constant 0 : i32
          %dma_start3A_39 = tpu.memref_slice %arg27[%mul3A_36, %dma_start3A_38] : memref<10000x144xf32, #tpu.memory_space<vmem_shared>> -> memref<80x144xf32, #tpu.memory_space<vmem_shared>>
          tpu.enqueue_dma source(%arg24 : memref<80x144xf32, #tpu.memory_space<vmem>>) target(%dma_start3A_39 : memref<80x144xf32, #tpu.memory_space<vmem_shared>>) target_semaphore(%run_scoped3A : memref<!tpu.dma_semaphore, #tpu.memory_space<semaphore_mem>>)
          %dma_wait3A = arith.constant 0 : i32
          %dma_wait3A_40 = tpu.memref_slice %arg27[%mul3A_36, %dma_wait3A] : memref<10000x144xf32, #tpu.memory_space<vmem_shared>> -> memref<80x144xf32, #tpu.memory_space<vmem_shared>>
          %dma_wait3A_41 = arith.constant 0 : i32
          %dma_wait3A_42 = tpu.memref_slice %arg27[%mul3A_36, %dma_wait3A_41] : memref<10000x144xf32, #tpu.memory_space<vmem_shared>> -> memref<80x144xf32, #tpu.memory_space<vmem_shared>>
          tpu.wait_dma2 semaphore(%run_scoped3A : memref<!tpu.dma_semaphore, #tpu.memory_space<semaphore_mem>>) src(%arg24 : memref<80x144xf32, #tpu.memory_space<vmem>>) dst(%dma_wait3A_42 : memref<80x144xf32, #tpu.memory_space<vmem_shared>>)
          tpu.yield
        }) : () -> ()
      } else {
      }
    }
    %scan3A_9 = arith.constant 8 : i32
    %mul3A = arith.constant 128 : i32
    %mul3A_10 = arith.muli %arg0, %mul3A : i32
    "tpu.region"() ({
      %run_scoped3A = tpu.sem_alloc : memref<!tpu.dma_semaphore, #tpu.memory_space<semaphore_mem>>
      %dma_start3A = tpu.memref_slice %arg6[%mul3A_10] : memref<256xf32, #tpu.memory_space<hbm>> -> memref<128xf32, #tpu.memory_space<hbm>>
      %dma_start3A_26 = tpu.memref_slice %arg6[%mul3A_10] : memref<256xf32, #tpu.memory_space<hbm>> -> memref<128xf32, #tpu.memory_space<hbm>>
      tpu.enqueue_dma source(%dma_start3A_26 : memref<128xf32, #tpu.memory_space<hbm>>) target(%arg26 : memref<128xf32, #tpu.memory_space<vmem>>) target_semaphore(%run_scoped3A : memref<!tpu.dma_semaphore, #tpu.memory_space<semaphore_mem>>)
      %dma_wait3A = tpu.memref_slice %arg6[%mul3A_10] : memref<256xf32, #tpu.memory_space<hbm>> -> memref<128xf32, #tpu.memory_space<hbm>>
      %dma_wait3A_27 = tpu.memref_slice %arg6[%mul3A_10] : memref<256xf32, #tpu.memory_space<hbm>> -> memref<128xf32, #tpu.memory_space<hbm>>
      tpu.wait_dma2 semaphore(%run_scoped3A : memref<!tpu.dma_semaphore, #tpu.memory_space<semaphore_mem>>) src(%dma_wait3A_27 : memref<128xf32, #tpu.memory_space<hbm>>) dst(%arg26 : memref<128xf32, #tpu.memory_space<vmem>>)
      tpu.yield
    }) : () -> ()
    %barrier3A = arith.constant 0 : index
    tpu.barrier barrier_id(%barrier3A)
    %mul3A_11 = arith.constant 10000 : i32
    %mul3A_12 = arith.muli %arg1, %mul3A_11 : i32
    %mul3A_13 = arith.constant 10000 : i32
    %mul3A_14 = arith.muli %arg0, %mul3A_13 : i32
    %scan3A_15 = arith.constant 0 : i32
    %scan3A_16 = arith.constant 25 : i32
    %scan3A_17 = arith.addi %scan3A_15, %scan3A_16 : i32
    %scan3A_18 = arith.constant 1 : i32
    scf.for %scan3A_26 = %scan3A_15 to %scan3A_17 step %scan3A_18  : i32 {
      %mul3A_27 = arith.constant 1 : i32
      %mul3A_28 = arith.muli %scan3A_26, %mul3A_27 : i32
      %add3A = arith.constant 0 : i32
      %add3A_29 = arith.addi %add3A, %mul3A_28 : i32
      %mul3A_30 = arith.constant 400 : i32
      %mul3A_31 = arith.muli %add3A_29, %mul3A_30 : i32
      %add3A_32 = arith.addi %mul3A_12, %mul3A_31 : i32
      "tpu.region"() ({
        %run_scoped3A = tpu.sem_alloc : memref<!tpu.dma_semaphore, #tpu.memory_space<semaphore_mem>>
        %dma_start3A_1620 = tpu.memref_slice %arg4[%add3A_32] : memref<160000xi32, #tpu.memory_space<hbm>> -> memref<400xi32, #tpu.memory_space<hbm>>
        %dma_start3A_1621 = tpu.memref_slice %arg4[%add3A_32] : memref<160000xi32, #tpu.memory_space<hbm>> -> memref<400xi32, #tpu.memory_space<hbm>>
        tpu.enqueue_dma source(%dma_start3A_1621 : memref<400xi32, #tpu.memory_space<hbm>>) target(%arg8 : memref<400xi32, #tpu.memory_space<vmem>>) target_semaphore(%run_scoped3A : memref<!tpu.dma_semaphore, #tpu.memory_space<semaphore_mem>>)
        %dma_wait3A_1622 = tpu.memref_slice %arg4[%add3A_32] : memref<160000xi32, #tpu.memory_space<hbm>> -> memref<400xi32, #tpu.memory_space<hbm>>
        %dma_wait3A_1623 = tpu.memref_slice %arg4[%add3A_32] : memref<160000xi32, #tpu.memory_space<hbm>> -> memref<400xi32, #tpu.memory_space<hbm>>
        tpu.wait_dma2 semaphore(%run_scoped3A : memref<!tpu.dma_semaphore, #tpu.memory_space<semaphore_mem>>) src(%dma_wait3A_1623 : memref<400xi32, #tpu.memory_space<hbm>>) dst(%arg8 : memref<400xi32, #tpu.memory_space<vmem>>)
        tpu.yield
      }) : () -> ()
      "tpu.region"() ({
        %run_scoped3A = tpu.sem_alloc : memref<!tpu.dma_semaphore, #tpu.memory_space<semaphore_mem>>
        %dma_start3A_1620 = tpu.memref_slice %arg5[%add3A_32] : memref<160000xi32, #tpu.memory_space<hbm>> -> memref<400xi32, #tpu.memory_space<hbm>>
        %dma_start3A_1621 = tpu.memref_slice %arg5[%add3A_32] : memref<160000xi32, #tpu.memory_space<hbm>> -> memref<400xi32, #tpu.memory_space<hbm>>
        tpu.enqueue_dma source(%dma_start3A_1621 : memref<400xi32, #tpu.memory_space<hbm>>) target(%arg9 : memref<400xi32, #tpu.memory_space<vmem>>) target_semaphore(%run_scoped3A : memref<!tpu.dma_semaphore, #tpu.memory_space<semaphore_mem>>)
        %dma_wait3A_1622 = tpu.memref_slice %arg5[%add3A_32] : memref<160000xi32, #tpu.memory_space<hbm>> -> memref<400xi32, #tpu.memory_space<hbm>>
        %dma_wait3A_1623 = tpu.memref_slice %arg5[%add3A_32] : memref<160000xi32, #tpu.memory_space<hbm>> -> memref<400xi32, #tpu.memory_space<hbm>>
        tpu.wait_dma2 semaphore(%run_scoped3A : memref<!tpu.dma_semaphore, #tpu.memory_space<semaphore_mem>>) src(%dma_wait3A_1623 : memref<400xi32, #tpu.memory_space<hbm>>) dst(%arg9 : memref<400xi32, #tpu.memory_space<vmem>>)
        tpu.yield
      }) : () -> ()
      %get3A = arith.constant 0 : index
      %get3A_33 = tpu.vector_load %arg8[%get3A] {strides = array<i32>} : memref<400xi32, #tpu.memory_space<vmem>>, vector<16xi32>,
      %get3A_34 = arith.constant 0 : index
      %get3A_35 = tpu.vector_load %arg9[%get3A_34] {strides = array<i32>} : memref<400xi32, #tpu.memory_space<vmem>>, vector<16xi32>,
      %add3A_36 = vector.broadcast %mul3A_14 : i32 to vector<16xi32>
      %add3A_37 = arith.addi %get3A_33, %add3A_36 : vector<16xi32>
      %swap3A = arith.constant 0 : index
      %swap3A_38 = tpu.vector_load %arg10[%swap3A] {strides = array<i32>} : memref<80xi32, #tpu.memory_space<vmem>>, vector<16xi32>,
      tpu.vector_store %arg10[%swap3A], %add3A_37 {strides = array<i32>} : memref<80xi32, #tpu.memory_space<vmem>>, vector<16xi32>,
      %add3A_39 = vector.broadcast %mul3A_14 : i32 to vector<16xi32>
      %add3A_40 = arith.addi %get3A_35, %add3A_39 : vector<16xi32>
      %swap3A_41 = arith.constant 0 : index
      %swap3A_42 = tpu.vector_load %arg12[%swap3A_41] {strides = array<i32>} : memref<80xi32, #tpu.memory_space<vmem>>, vector<16xi32>,
      tpu.vector_store %arg12[%swap3A_41], %add3A_40 {strides = array<i32>} : memref<80xi32, #tpu.memory_space<vmem>>, vector<16xi32>,
      %mul3A_43 = arith.constant 2 : i32
      %mul3A_44 = vector.broadcast %mul3A_43 : i32 to vector<16xi32>
      %mul3A_45 = arith.muli %get3A_33, %mul3A_44 : vector<16xi32>
      %add3A_46 = vector.broadcast %arg0 : i32 to vector<16xi32>
      %add3A_47 = arith.addi %mul3A_45, %add3A_46 : vector<16xi32>
      %swap3A_48 = arith.constant 0 : index
      %swap3A_49 = tpu.vector_load %arg14[%swap3A_48] {strides = array<i32>} : memref<80xi32, #tpu.memory_space<vmem>>, vector<16xi32>,
      tpu.vector_store %arg14[%swap3A_48], %add3A_47 {strides = array<i32>} : memref<80xi32, #tpu.memory_space<vmem>>, vector<16xi32>,
      %swap3A_50 = arith.constant 0 : index
      %swap3A_51 = tpu.vector_load %arg16[%swap3A_50] {strides = array<i32>} : memref<80xi32, #tpu.memory_space<vmem>>, vector<16xi32>,
      tpu.vector_store %arg16[%swap3A_50], %get3A_35 {strides = array<i32>} : memref<80xi32, #tpu.memory_space<vmem>>, vector<16xi32>,
      %get3A_52 = arith.constant 16 : index
      %get3A_53 = tpu.vector_load %arg8[%get3A_52] {strides = array<i32>} : memref<400xi32, #tpu.memory_space<vmem>>, vector<16xi32>,
      %get3A_54 = arith.constant 16 : index
      %get3A_55 = tpu.vector_load %arg9[%get3A_54] {strides = array<i32>} : memref<400xi32, #tpu.memory_space<vmem>>, vector<16xi32>,
      %add3A_56 = vector.broadcast %mul3A_14 : i32 to vector<16xi32>
      %add3A_57 = arith.addi %get3A_53, %add3A_56 : vector<16xi32>
      %swap3A_58 = arith.constant 16 : index
      %swap3A_59 = tpu.vector_load %arg10[%swap3A_58] {strides = array<i32>} : memref<80xi32, #tpu.memory_space<vmem>>, vector<16xi32>,
      tpu.vector_store %arg10[%swap3A_58], %add3A_57 {strides = array<i32>} : memref<80xi32, #tpu.memory_space<vmem>>, vector<16xi32>,
      %add3A_60 = vector.broadcast %mul3A_14 : i32 to vector<16xi32>
      %add3A_61 = arith.addi %get3A_55, %add3A_60 : vector<16xi32>
      %swap3A_62 = arith.constant 16 : index
      %swap3A_63 = tpu.vector_load %arg12[%swap3A_62] {strides = array<i32>} : memref<80xi32, #tpu.memory_space<vmem>>, vector<16xi32>,
      tpu.vector_store %arg12[%swap3A_62], %add3A_61 {strides = array<i32>} : memref<80xi32, #tpu.memory_space<vmem>>, vector<16xi32>,
      %mul3A_64 = arith.constant 2 : i32
      %mul3A_65 = vector.broadcast %mul3A_64 : i32 to vector<16xi32>
      %mul3A_66 = arith.muli %get3A_53, %mul3A_65 : vector<16xi32>
      %add3A_67 = vector.broadcast %arg0 : i32 to vector<16xi32>
      %add3A_68 = arith.addi %mul3A_66, %add3A_67 : vector<16xi32>
      %swap3A_69 = arith.constant 16 : index
      %swap3A_70 = tpu.vector_load %arg14[%swap3A_69] {strides = array<i32>} : memref<80xi32, #tpu.memory_space<vmem>>, vector<16xi32>,
      tpu.vector_store %arg14[%swap3A_69], %add3A_68 {strides = array<i32>} : memref<80xi32, #tpu.memory_space<vmem>>, vector<16xi32>,
      %swap3A_71 = arith.constant 16 : index
      %swap3A_72 = tpu.vector_load %arg16[%swap3A_71] {strides = array<i32>} : memref<80xi32, #tpu.memory_space<vmem>>, vector<16xi32>,
      tpu.vector_store %arg16[%swap3A_71], %get3A_55 {strides = array<i32>} : memref<80xi32, #tpu.memory_space<vmem>>, vector<16xi32>,
      %get3A_73 = arith.constant 32 : index
      %get3A_74 = tpu.vector_load %arg8[%get3A_73] {strides = array<i32>} : memref<400xi32, #tpu.memory_space<vmem>>, vector<16xi32>,
      %get3A_75 = arith.constant 32 : index
      %get3A_76 = tpu.vector_load %arg9[%get3A_75] {strides = array<i32>} : memref<400xi32, #tpu.memory_space<vmem>>, vector<16xi32>,
      %add3A_77 = vector.broadcast %mul3A_14 : i32 to vector<16xi32>
      %add3A_78 = arith.addi %get3A_74, %add3A_77 : vector<16xi32>
      %swap3A_79 = arith.constant 32 : index
      %swap3A_80 = tpu.vector_load %arg10[%swap3A_79] {strides = array<i32>} : memref<80xi32, #tpu.memory_space<vmem>>, vector<16xi32>,
      tpu.vector_store %arg10[%swap3A_79], %add3A_78 {strides = array<i32>} : memref<80xi32, #tpu.memory_space<vmem>>, vector<16xi32>,
      %add3A_81 = vector.broadcast %mul3A_14 : i32 to vector<16xi32>
      %add3A_82 = arith.addi %get3A_76, %add3A_81 : vector<16xi32>
      %swap3A_83 = arith.constant 32 : index
      %swap3A_84 = tpu.vector_load %arg12[%swap3A_83] {strides = array<i32>} : memref<80xi32, #tpu.memory_space<vmem>>, vector<16xi32>,
      tpu.vector_store %arg12[%swap3A_83], %add3A_82 {strides = array<i32>} : memref<80xi32, #tpu.memory_space<vmem>>, vector<16xi32>,
      %mul3A_85 = arith.constant 2 : i32
      %mul3A_86 = vector.broadcast %mul3A_85 : i32 to vector<16xi32>
      %mul3A_87 = arith.muli %get3A_74, %mul3A_86 : vector<16xi32>
      %add3A_88 = vector.broadcast %arg0 : i32 to vector<16xi32>
      %add3A_89 = arith.addi %mul3A_87, %add3A_88 : vector<16xi32>
      %swap3A_90 = arith.constant 32 : index
      %swap3A_91 = tpu.vector_load %arg14[%swap3A_90] {strides = array<i32>} : memref<80xi32, #tpu.memory_space<vmem>>, vector<16xi32>,
      tpu.vector_store %arg14[%swap3A_90], %add3A_89 {strides = array<i32>} : memref<80xi32, #tpu.memory_space<vmem>>, vector<16xi32>,
      %swap3A_92 = arith.constant 32 : index
      %swap3A_93 = tpu.vector_load %arg16[%swap3A_92] {strides = array<i32>} : memref<80xi32, #tpu.memory_space<vmem>>, vector<16xi32>,
      tpu.vector_store %arg16[%swap3A_92], %get3A_76 {strides = array<i32>} : memref<80xi32, #tpu.memory_space<vmem>>, vector<16xi32>,
      %get3A_94 = arith.constant 48 : index
      %get3A_95 = tpu.vector_load %arg8[%get3A_94] {strides = array<i32>} : memref<400xi32, #tpu.memory_space<vmem>>, vector<16xi32>,
      %get3A_96 = arith.constant 48 : index
      %get3A_97 = tpu.vector_load %arg9[%get3A_96] {strides = array<i32>} : memref<400xi32, #tpu.memory_space<vmem>>, vector<16xi32>,
      %add3A_98 = vector.broadcast %mul3A_14 : i32 to vector<16xi32>
      %add3A_99 = arith.addi %get3A_95, %add3A_98 : vector<16xi32>
      %swap3A_100 = arith.constant 48 : index
      %swap3A_101 = tpu.vector_load %arg10[%swap3A_100] {strides = array<i32>} : memref<80xi32, #tpu.memory_space<vmem>>, vector<16xi32>,
      tpu.vector_store %arg10[%swap3A_100], %add3A_99 {strides = array<i32>} : memref<80xi32, #tpu.memory_space<vmem>>, vector<16xi32>,
      %add3A_102 = vector.broadcast %mul3A_14 : i32 to vector<16xi32>
      %add3A_103 = arith.addi %get3A_97, %add3A_102 : vector<16xi32>
      %swap3A_104 = arith.constant 48 : index
      %swap3A_105 = tpu.vector_load %arg12[%swap3A_104] {strides = array<i32>} : memref<80xi32, #tpu.memory_space<vmem>>, vector<16xi32>,
      tpu.vector_store %arg12[%swap3A_104], %add3A_103 {strides = array<i32>} : memref<80xi32, #tpu.memory_space<vmem>>, vector<16xi32>,
      %mul3A_106 = arith.constant 2 : i32
      %mul3A_107 = vector.broadcast %mul3A_106 : i32 to vector<16xi32>
      %mul3A_108 = arith.muli %get3A_95, %mul3A_107 : vector<16xi32>
      %add3A_109 = vector.broadcast %arg0 : i32 to vector<16xi32>
      %add3A_110 = arith.addi %mul3A_108, %add3A_109 : vector<16xi32>
      %swap3A_111 = arith.constant 48 : index
      %swap3A_112 = tpu.vector_load %arg14[%swap3A_111] {strides = array<i32>} : memref<80xi32, #tpu.memory_space<vmem>>, vector<16xi32>,
      tpu.vector_store %arg14[%swap3A_111], %add3A_110 {strides = array<i32>} : memref<80xi32, #tpu.memory_space<vmem>>, vector<16xi32>,
      %swap3A_113 = arith.constant 48 : index
      %swap3A_114 = tpu.vector_load %arg16[%swap3A_113] {strides = array<i32>} : memref<80xi32, #tpu.memory_space<vmem>>, vector<16xi32>,
      tpu.vector_store %arg16[%swap3A_113], %get3A_97 {strides = array<i32>} : memref<80xi32, #tpu.memory_space<vmem>>, vector<16xi32>,
      %get3A_115 = arith.constant 64 : index
      %get3A_116 = tpu.vector_load %arg8[%get3A_115] {strides = array<i32>} : memref<400xi32, #tpu.memory_space<vmem>>, vector<16xi32>,
      %get3A_117 = arith.constant 64 : index
      %get3A_118 = tpu.vector_load %arg9[%get3A_117] {strides = array<i32>} : memref<400xi32, #tpu.memory_space<vmem>>, vector<16xi32>,
      %add3A_119 = vector.broadcast %mul3A_14 : i32 to vector<16xi32>
      %add3A_120 = arith.addi %get3A_116, %add3A_119 : vector<16xi32>
      %swap3A_121 = arith.constant 64 : index
      %swap3A_122 = tpu.vector_load %arg10[%swap3A_121] {strides = array<i32>} : memref<80xi32, #tpu.memory_space<vmem>>, vector<16xi32>,
      tpu.vector_store %arg10[%swap3A_121], %add3A_120 {strides = array<i32>} : memref<80xi32, #tpu.memory_space<vmem>>, vector<16xi32>,
      %add3A_123 = vector.broadcast %mul3A_14 : i32 to vector<16xi32>
      %add3A_124 = arith.addi %get3A_118, %add3A_123 : vector<16xi32>
      %swap3A_125 = arith.constant 64 : index
      %swap3A_126 = tpu.vector_load %arg12[%swap3A_125] {strides = array<i32>} : memref<80xi32, #tpu.memory_space<vmem>>, vector<16xi32>,
      tpu.vector_store %arg12[%swap3A_125], %add3A_124 {strides = array<i32>} : memref<80xi32, #tpu.memory_space<vmem>>, vector<16xi32>,
      %mul3A_127 = arith.constant 2 : i32
      %mul3A_128 = vector.broadcast %mul3A_127 : i32 to vector<16xi32>
      %mul3A_129 = arith.muli %get3A_116, %mul3A_128 : vector<16xi32>
      %add3A_130 = vector.broadcast %arg0 : i32 to vector<16xi32>
      %add3A_131 = arith.addi %mul3A_129, %add3A_130 : vector<16xi32>
      %swap3A_132 = arith.constant 64 : index
      %swap3A_133 = tpu.vector_load %arg14[%swap3A_132] {strides = array<i32>} : memref<80xi32, #tpu.memory_space<vmem>>, vector<16xi32>,
      tpu.vector_store %arg14[%swap3A_132], %add3A_131 {strides = array<i32>} : memref<80xi32, #tpu.memory_space<vmem>>, vector<16xi32>,
      %swap3A_134 = arith.constant 64 : index
      %swap3A_135 = tpu.vector_load %arg16[%swap3A_134] {strides = array<i32>} : memref<80xi32, #tpu.memory_space<vmem>>, vector<16xi32>,
      tpu.vector_store %arg16[%swap3A_134], %get3A_118 {strides = array<i32>} : memref<80xi32, #tpu.memory_space<vmem>>, vector<16xi32>,
      %dma_start3A = arith.constant 0 : i32
      %dma_start3A_136 = arith.constant 0 : i32
      %dma_start3A_137 = tpu.memref_slice %arg2[%dma_start3A, %dma_start3A_136] : memref<20000x16xf32, #tpu.memory_space<hbm>> -> memref<20000x16xf32, #tpu.memory_space<hbm>>
      tpu.enqueue_indirect_dma source(%dma_start3A_137 : memref<20000x16xf32, #tpu.memory_space<hbm>>) target(%arg18 : memref<80x16xf32, #tpu.memory_space<vmem>>) offsets(%arg10 : memref<80xi32, #tpu.memory_space<vmem>>) semaphore(%arg28 : memref<!tpu.dma_semaphore, #tpu.memory_space<semaphore_mem>>)
      %dma_start3A_138 = arith.constant 0 : i32
      %dma_start3A_139 = arith.constant 0 : i32
      %dma_start3A_140 = tpu.memref_slice %arg2[%dma_start3A_138, %dma_start3A_139] : memref<20000x16xf32, #tpu.memory_space<hbm>> -> memref<20000x16xf32, #tpu.memory_space<hbm>>
      tpu.enqueue_indirect_dma source(%dma_start3A_140 : memref<20000x16xf32, #tpu.memory_space<hbm>>) target(%arg20 : memref<80x16xf32, #tpu.memory_space<vmem>>) offsets(%arg12 : memref<80xi32, #tpu.memory_space<vmem>>) semaphore(%arg30 : memref<!tpu.dma_semaphore, #tpu.memory_space<semaphore_mem>>)
      %dma_start3A_141 = arith.constant 0 : i32
      %dma_start3A_142 = arith.constant 0 : i32
      %dma_start3A_143 = tpu.memref_slice %arg3[%dma_start3A_141, %dma_start3A_142] : memref<20000x128xf32, #tpu.memory_space<hbm>> -> memref<20000x128xf32, #tpu.memory_space<hbm>>
      tpu.enqueue_indirect_dma source(%dma_start3A_143 : memref<20000x128xf32, #tpu.memory_space<hbm>>) target(%arg22 : memref<80x128xf32, #tpu.memory_space<vmem>>) offsets(%arg14 : memref<80xi32, #tpu.memory_space<vmem>>) semaphore(%arg32 : memref<!tpu.dma_semaphore, #tpu.memory_space<semaphore_mem>>)
      %get3A_144 = arith.constant 80 : index
      %get3A_145 = tpu.vector_load %arg8[%get3A_144] {strides = array<i32>} : memref<400xi32, #tpu.memory_space<vmem>>, vector<16xi32>,
      %get3A_146 = arith.constant 80 : index
      %get3A_147 = tpu.vector_load %arg9[%get3A_146] {strides = array<i32>} : memref<400xi32, #tpu.memory_space<vmem>>, vector<16xi32>,
      %add3A_148 = vector.broadcast %mul3A_14 : i32 to vector<16xi32>
      %add3A_149 = arith.addi %get3A_145, %add3A_148 : vector<16xi32>
      %swap3A_150 = arith.constant 0 : index
      %swap3A_151 = tpu.vector_load %arg11[%swap3A_150] {strides = array<i32>} : memref<80xi32, #tpu.memory_space<vmem>>, vector<16xi32>,
      tpu.vector_store %arg11[%swap3A_150], %add3A_149 {strides = array<i32>} : memref<80xi32, #tpu.memory_space<vmem>>, vector<16xi32>,
      %add3A_152 = vector.broadcast %mul3A_14 : i32 to vector<16xi32>
      %add3A_153 = arith.addi %get3A_147, %add3A_152 : vector<16xi32>
      %swap3A_154 = arith.constant 0 : index
      %swap3A_155 = tpu.vector_load %arg13[%swap3A_154] {strides = array<i32>} : memref<80xi32, #tpu.memory_space<vmem>>, vector<16xi32>,
      tpu.vector_store %arg13[%swap3A_154], %add3A_153 {strides = array<i32>} : memref<80xi32, #tpu.memory_space<vmem>>, vector<16xi32>,
      %mul3A_156 = arith.constant 2 : i32
      %mul3A_157 = vector.broadcast %mul3A_156 : i32 to vector<16xi32>
      %mul3A_158 = arith.muli %get3A_145, %mul3A_157 : vector<16xi32>
      %add3A_159 = vector.broadcast %arg0 : i32 to vector<16xi32>
      %add3A_160 = arith.addi %mul3A_158, %add3A_159 : vector<16xi32>
      %swap3A_161 = arith.constant 0 : index
      %swap3A_162 = tpu.vector_load %arg15[%swap3A_161] {strides = array<i32>} : memref<80xi32, #tpu.memory_space<vmem>>, vector<16xi32>,
      tpu.vector_store %arg15[%swap3A_161], %add3A_160 {strides = array<i32>} : memref<80xi32, #tpu.memory_space<vmem>>, vector<16xi32>,
      %swap3A_163 = arith.constant 0 : index
      %swap3A_164 = tpu.vector_load %arg17[%swap3A_163] {strides = array<i32>} : memref<80xi32, #tpu.memory_space<vmem>>, vector<16xi32>,
      tpu.vector_store %arg17[%swap3A_163], %get3A_147 {strides = array<i32>} : memref<80xi32, #tpu.memory_space<vmem>>, vector<16xi32>,
      %get3A_165 = arith.constant 96 : index
      %get3A_166 = tpu.vector_load %arg8[%get3A_165] {strides = array<i32>} : memref<400xi32, #tpu.memory_space<vmem>>, vector<16xi32>,
      %get3A_167 = arith.constant 96 : index
      %get3A_168 = tpu.vector_load %arg9[%get3A_167] {strides = array<i32>} : memref<400xi32, #tpu.memory_space<vmem>>, vector<16xi32>,
      %add3A_169 = vector.broadcast %mul3A_14 : i32 to vector<16xi32>
      %add3A_170 = arith.addi %get3A_166, %add3A_169 : vector<16xi32>
      %swap3A_171 = arith.constant 16 : index
      %swap3A_172 = tpu.vector_load %arg11[%swap3A_171] {strides = array<i32>} : memref<80xi32, #tpu.memory_space<vmem>>, vector<16xi32>,
      tpu.vector_store %arg11[%swap3A_171], %add3A_170 {strides = array<i32>} : memref<80xi32, #tpu.memory_space<vmem>>, vector<16xi32>,
      %add3A_173 = vector.broadcast %mul3A_14 : i32 to vector<16xi32>
      %add3A_174 = arith.addi %get3A_168, %add3A_173 : vector<16xi32>
      %swap3A_175 = arith.constant 16 : index
      %swap3A_176 = tpu.vector_load %arg13[%swap3A_175] {strides = array<i32>} : memref<80xi32, #tpu.memory_space<vmem>>, vector<16xi32>,
      tpu.vector_store %arg13[%swap3A_175], %add3A_174 {strides = array<i32>} : memref<80xi32, #tpu.memory_space<vmem>>, vector<16xi32>,
      %mul3A_177 = arith.constant 2 : i32
      %mul3A_178 = vector.broadcast %mul3A_177 : i32 to vector<16xi32>
      %mul3A_179 = arith.muli %get3A_166, %mul3A_178 : vector<16xi32>
      %add3A_180 = vector.broadcast %arg0 : i32 to vector<16xi32>
      %add3A_181 = arith.addi %mul3A_179, %add3A_180 : vector<16xi32>
      %swap3A_182 = arith.constant 16 : index
      %swap3A_183 = tpu.vector_load %arg15[%swap3A_182] {strides = array<i32>} : memref<80xi32, #tpu.memory_space<vmem>>, vector<16xi32>,
      tpu.vector_store %arg15[%swap3A_182], %add3A_181 {strides = array<i32>} : memref<80xi32, #tpu.memory_space<vmem>>, vector<16xi32>,
      %swap3A_184 = arith.constant 16 : index
      %swap3A_185 = tpu.vector_load %arg17[%swap3A_184] {strides = array<i32>} : memref<80xi32, #tpu.memory_space<vmem>>, vector<16xi32>,
      tpu.vector_store %arg17[%swap3A_184], %get3A_168 {strides = array<i32>} : memref<80xi32, #tpu.memory_space<vmem>>, vector<16xi32>,
      %get3A_186 = arith.constant 112 : index
      %get3A_187 = tpu.vector_load %arg8[%get3A_186] {strides = array<i32>} : memref<400xi32, #tpu.memory_space<vmem>>, vector<16xi32>,
      %get3A_188 = arith.constant 112 : index
      %get3A_189 = tpu.vector_load %arg9[%get3A_188] {strides = array<i32>} : memref<400xi32, #tpu.memory_space<vmem>>, vector<16xi32>,
      %add3A_190 = vector.broadcast %mul3A_14 : i32 to vector<16xi32>
      %add3A_191 = arith.addi %get3A_187, %add3A_190 : vector<16xi32>
      %swap3A_192 = arith.constant 32 : index
      %swap3A_193 = tpu.vector_load %arg11[%swap3A_192] {strides = array<i32>} : memref<80xi32, #tpu.memory_space<vmem>>, vector<16xi32>,
      tpu.vector_store %arg11[%swap3A_192], %add3A_191 {strides = array<i32>} : memref<80xi32, #tpu.memory_space<vmem>>, vector<16xi32>,
      %add3A_194 = vector.broadcast %mul3A_14 : i32 to vector<16xi32>
      %add3A_195 = arith.addi %get3A_189, %add3A_194 : vector<16xi32>
      %swap3A_196 = arith.constant 32 : index
      %swap3A_197 = tpu.vector_load %arg13[%swap3A_196] {strides = array<i32>} : memref<80xi32, #tpu.memory_space<vmem>>, vector<16xi32>,
      tpu.vector_store %arg13[%swap3A_196], %add3A_195 {strides = array<i32>} : memref<80xi32, #tpu.memory_space<vmem>>, vector<16xi32>,
      %mul3A_198 = arith.constant 2 : i32
      %mul3A_199 = vector.broadcast %mul3A_198 : i32 to vector<16xi32>
      %mul3A_200 = arith.muli %get3A_187, %mul3A_199 : vector<16xi32>
      %add3A_201 = vector.broadcast %arg0 : i32 to vector<16xi32>
      %add3A_202 = arith.addi %mul3A_200, %add3A_201 : vector<16xi32>
      %swap3A_203 = arith.constant 32 : index
      %swap3A_204 = tpu.vector_load %arg15[%swap3A_203] {strides = array<i32>} : memref<80xi32, #tpu.memory_space<vmem>>, vector<16xi32>,
      tpu.vector_store %arg15[%swap3A_203], %add3A_202 {strides = array<i32>} : memref<80xi32, #tpu.memory_space<vmem>>, vector<16xi32>,
      %swap3A_205 = arith.constant 32 : index
      %swap3A_206 = tpu.vector_load %arg17[%swap3A_205] {strides = array<i32>} : memref<80xi32, #tpu.memory_space<vmem>>, vector<16xi32>,
      tpu.vector_store %arg17[%swap3A_205], %get3A_189 {strides = array<i32>} : memref<80xi32, #tpu.memory_space<vmem>>, vector<16xi32>,
      %get3A_207 = arith.constant 128 : index
      %get3A_208 = tpu.vector_load %arg8[%get3A_207] {strides = array<i32>} : memref<400xi32, #tpu.memory_space<vmem>>, vector<16xi32>,
      %get3A_209 = arith.constant 128 : index
      %get3A_210 = tpu.vector_load %arg9[%get3A_209] {strides = array<i32>} : memref<400xi32, #tpu.memory_space<vmem>>, vector<16xi32>,
      %add3A_211 = vector.broadcast %mul3A_14 : i32 to vector<16xi32>
      %add3A_212 = arith.addi %get3A_208, %add3A_211 : vector<16xi32>
      %swap3A_213 = arith.constant 48 : index
      %swap3A_214 = tpu.vector_load %arg11[%swap3A_213] {strides = array<i32>} : memref<80xi32, #tpu.memory_space<vmem>>, vector<16xi32>,
      tpu.vector_store %arg11[%swap3A_213], %add3A_212 {strides = array<i32>} : memref<80xi32, #tpu.memory_space<vmem>>, vector<16xi32>,
      %add3A_215 = vector.broadcast %mul3A_14 : i32 to vector<16xi32>
      %add3A_216 = arith.addi %get3A_210, %add3A_215 : vector<16xi32>
      %swap3A_217 = arith.constant 48 : index
      %swap3A_218 = tpu.vector_load %arg13[%swap3A_217] {strides = array<i32>} : memref<80xi32, #tpu.memory_space<vmem>>, vector<16xi32>,
      tpu.vector_store %arg13[%swap3A_217], %add3A_216 {strides = array<i32>} : memref<80xi32, #tpu.memory_space<vmem>>, vector<16xi32>,
      %mul3A_219 = arith.constant 2 : i32
      %mul3A_220 = vector.broadcast %mul3A_219 : i32 to vector<16xi32>
      %mul3A_221 = arith.muli %get3A_208, %mul3A_220 : vector<16xi32>
      %add3A_222 = vector.broadcast %arg0 : i32 to vector<16xi32>
      %add3A_223 = arith.addi %mul3A_221, %add3A_222 : vector<16xi32>
      %swap3A_224 = arith.constant 48 : index
      %swap3A_225 = tpu.vector_load %arg15[%swap3A_224] {strides = array<i32>} : memref<80xi32, #tpu.memory_space<vmem>>, vector<16xi32>,
      tpu.vector_store %arg15[%swap3A_224], %add3A_223 {strides = array<i32>} : memref<80xi32, #tpu.memory_space<vmem>>, vector<16xi32>,
      %swap3A_226 = arith.constant 48 : index
      %swap3A_227 = tpu.vector_load %arg17[%swap3A_226] {strides = array<i32>} : memref<80xi32, #tpu.memory_space<vmem>>, vector<16xi32>,
      tpu.vector_store %arg17[%swap3A_226], %get3A_210 {strides = array<i32>} : memref<80xi32, #tpu.memory_space<vmem>>, vector<16xi32>,
      %get3A_228 = arith.constant 144 : index
      %get3A_229 = tpu.vector_load %arg8[%get3A_228] {strides = array<i32>} : memref<400xi32, #tpu.memory_space<vmem>>, vector<16xi32>,
      %get3A_230 = arith.constant 144 : index
      %get3A_231 = tpu.vector_load %arg9[%get3A_230] {strides = array<i32>} : memref<400xi32, #tpu.memory_space<vmem>>, vector<16xi32>,
      %add3A_232 = vector.broadcast %mul3A_14 : i32 to vector<16xi32>
      %add3A_233 = arith.addi %get3A_229, %add3A_232 : vector<16xi32>
      %swap3A_234 = arith.constant 64 : index
      %swap3A_235 = tpu.vector_load %arg11[%swap3A_234] {strides = array<i32>} : memref<80xi32, #tpu.memory_space<vmem>>, vector<16xi32>,
      tpu.vector_store %arg11[%swap3A_234], %add3A_233 {strides = array<i32>} : memref<80xi32, #tpu.memory_space<vmem>>, vector<16xi32>,
      %add3A_236 = vector.broadcast %mul3A_14 : i32 to vector<16xi32>
      %add3A_237 = arith.addi %get3A_231, %add3A_236 : vector<16xi32>
      %swap3A_238 = arith.constant 64 : index
      %swap3A_239 = tpu.vector_load %arg13[%swap3A_238] {strides = array<i32>} : memref<80xi32, #tpu.memory_space<vmem>>, vector<16xi32>,
      tpu.vector_store %arg13[%swap3A_238], %add3A_237 {strides = array<i32>} : memref<80xi32, #tpu.memory_space<vmem>>, vector<16xi32>,
      %mul3A_240 = arith.constant 2 : i32
      %mul3A_241 = vector.broadcast %mul3A_240 : i32 to vector<16xi32>
      %mul3A_242 = arith.muli %get3A_229, %mul3A_241 : vector<16xi32>
      %add3A_243 = vector.broadcast %arg0 : i32 to vector<16xi32>
      %add3A_244 = arith.addi %mul3A_242, %add3A_243 : vector<16xi32>
      %swap3A_245 = arith.constant 64 : index
      %swap3A_246 = tpu.vector_load %arg15[%swap3A_245] {strides = array<i32>} : memref<80xi32, #tpu.memory_space<vmem>>, vector<16xi32>,
      tpu.vector_store %arg15[%swap3A_245], %add3A_244 {strides = array<i32>} : memref<80xi32, #tpu.memory_space<vmem>>, vector<16xi32>,
      %swap3A_247 = arith.constant 64 : index
      %swap3A_248 = tpu.vector_load %arg17[%swap3A_247] {strides = array<i32>} : memref<80xi32, #tpu.memory_space<vmem>>, vector<16xi32>,
      tpu.vector_store %arg17[%swap3A_247], %get3A_231 {strides = array<i32>} : memref<80xi32, #tpu.memory_space<vmem>>, vector<16xi32>,
      %dma_start3A_249 = arith.constant 0 : i32
      %dma_start3A_250 = arith.constant 0 : i32
      %dma_start3A_251 = tpu.memref_slice %arg2[%dma_start3A_249, %dma_start3A_250] : memref<20000x16xf32, #tpu.memory_space<hbm>> -> memref<20000x16xf32, #tpu.memory_space<hbm>>
      tpu.enqueue_indirect_dma source(%dma_start3A_251 : memref<20000x16xf32, #tpu.memory_space<hbm>>) target(%arg19 : memref<80x16xf32, #tpu.memory_space<vmem>>) offsets(%arg11 : memref<80xi32, #tpu.memory_space<vmem>>) semaphore(%arg29 : memref<!tpu.dma_semaphore, #tpu.memory_space<semaphore_mem>>)
      %dma_start3A_252 = arith.constant 0 : i32
      %dma_start3A_253 = arith.constant 0 : i32
      %dma_start3A_254 = tpu.memref_slice %arg2[%dma_start3A_252, %dma_start3A_253] : memref<20000x16xf32, #tpu.memory_space<hbm>> -> memref<20000x16xf32, #tpu.memory_space<hbm>>
      tpu.enqueue_indirect_dma source(%dma_start3A_254 : memref<20000x16xf32, #tpu.memory_space<hbm>>) target(%arg21 : memref<80x16xf32, #tpu.memory_space<vmem>>) offsets(%arg13 : memref<80xi32, #tpu.memory_space<vmem>>) semaphore(%arg31 : memref<!tpu.dma_semaphore, #tpu.memory_space<semaphore_mem>>)
      %dma_start3A_255 = arith.constant 0 : i32
      %dma_start3A_256 = arith.constant 0 : i32
      %dma_start3A_257 = tpu.memref_slice %arg3[%dma_start3A_255, %dma_start3A_256] : memref<20000x128xf32, #tpu.memory_space<hbm>> -> memref<20000x128xf32, #tpu.memory_space<hbm>>
      tpu.enqueue_indirect_dma source(%dma_start3A_257 : memref<20000x128xf32, #tpu.memory_space<hbm>>) target(%arg23 : memref<80x128xf32, #tpu.memory_space<vmem>>) offsets(%arg15 : memref<80xi32, #tpu.memory_space<vmem>>) semaphore(%arg33 : memref<!tpu.dma_semaphore, #tpu.memory_space<semaphore_mem>>)
      %dma_wait3A = arith.constant 0 : i32
      %dma_wait3A_258 = arith.constant 0 : i32
      %dma_wait3A_259 = tpu.memref_slice %arg2[%dma_wait3A, %dma_wait3A_258] : memref<20000x16xf32, #tpu.memory_space<hbm>> -> memref<20000x16xf32, #tpu.memory_space<hbm>>
      tpu.wait_indirect_dma semaphore(%arg28 : memref<!tpu.dma_semaphore, #tpu.memory_space<semaphore_mem>>) src(%dma_wait3A_259 : memref<20000x16xf32, #tpu.memory_space<hbm>>) dst(%arg18 : memref<80x16xf32, #tpu.memory_space<vmem>>)
      %dma_wait3A_260 = arith.constant 0 : i32
      %dma_wait3A_261 = arith.constant 0 : i32
      %dma_wait3A_262 = tpu.memref_slice %arg2[%dma_wait3A_260, %dma_wait3A_261] : memref<20000x16xf32, #tpu.memory_space<hbm>> -> memref<20000x16xf32, #tpu.memory_space<hbm>>
      tpu.wait_indirect_dma semaphore(%arg30 : memref<!tpu.dma_semaphore, #tpu.memory_space<semaphore_mem>>) src(%dma_wait3A_262 : memref<20000x16xf32, #tpu.memory_space<hbm>>) dst(%arg20 : memref<80x16xf32, #tpu.memory_space<vmem>>)
      %add3A_263 = arith.constant 0 : i32
      %add3A_264 = vector.broadcast %add3A_263 : i32 to vector<16xi32>
      %add3A_265 = arith.addi %iota3A, %add3A_264 : vector<16xi32>
      %broadcast_in_dim3A_266 = arith.constant 0 : i32
      %broadcast_in_dim3A_267 = vector.broadcast %broadcast_in_dim3A_266 : i32 to vector<16xi32>
      %gather3A = tpu.vector_load_idx %arg18[%add3A_265, %broadcast_in_dim3A_267] : memref<80x16xf32, #tpu.memory_space<vmem>>[vector<16xi32>, vector<16xi32>], vector<16xf32>,
      %broadcast_in_dim3A_268 = arith.constant 2 : i32
      %broadcast_in_dim3A_269 = vector.broadcast %broadcast_in_dim3A_268 : i32 to vector<16xi32>
      %gather3A_270 = tpu.vector_load_idx %arg20[%add3A_265, %broadcast_in_dim3A_269] : memref<80x16xf32, #tpu.memory_space<vmem>>[vector<16xi32>, vector<16xi32>], vector<16xf32>,
      %add3A_271 = arith.addf %gather3A, %gather3A_270 : vector<16xf32>
      %gt3A = arith.constant 0.000000e+00 : f32
      %gt3A_272 = vector.broadcast %gt3A : f32 to vector<16xf32>
      %gt3A_273 = arith.cmpf ogt, %add3A_271, %gt3A_272 : vector<16xf32>
      %mul3A_274 = arith.constant 2.000000e-01 : f32
      %mul3A_275 = vector.broadcast %mul3A_274 : f32 to vector<16xf32>
      %mul3A_276 = arith.mulf %add3A_271, %mul3A_275 : vector<16xf32>
      %select_n3A = arith.select %gt3A_273, %add3A_271, %mul3A_276 : vector<16xi1>, vector<16xf32>
      %exp3A = math.exp %select_n3A : vector<16xf32>
      %broadcast_in_dim3A_277 = arith.constant 128 : i32
      %broadcast_in_dim3A_278 = vector.broadcast %broadcast_in_dim3A_277 : i32 to vector<16xi32>
      tpu.vector_store_idx %arg24[%add3A_265, %broadcast_in_dim3A_278], %exp3A : memref<80x144xf32, #tpu.memory_space<vmem>>[vector<16xi32>, vector<16xi32>], vector<16xf32>,
      %broadcast_in_dim3A_279 = arith.constant 1 : i32
      %broadcast_in_dim3A_280 = vector.broadcast %broadcast_in_dim3A_279 : i32 to vector<16xi32>
      %gather3A_281 = tpu.vector_load_idx %arg18[%add3A_265, %broadcast_in_dim3A_280] : memref<80x16xf32, #tpu.memory_space<vmem>>[vector<16xi32>, vector<16xi32>], vector<16xf32>,
      %broadcast_in_dim3A_282 = arith.constant 3 : i32
      %broadcast_in_dim3A_283 = vector.broadcast %broadcast_in_dim3A_282 : i32 to vector<16xi32>
      %gather3A_284 = tpu.vector_load_idx %arg20[%add3A_265, %broadcast_in_dim3A_283] : memref<80x16xf32, #tpu.memory_space<vmem>>[vector<16xi32>, vector<16xi32>], vector<16xf32>,
      %add3A_285 = arith.addf %gather3A_281, %gather3A_284 : vector<16xf32>
      %gt3A_286 = arith.constant 0.000000e+00 : f32
      %gt3A_287 = vector.broadcast %gt3A_286 : f32 to vector<16xf32>
      %gt3A_288 = arith.cmpf ogt, %add3A_285, %gt3A_287 : vector<16xf32>
      %mul3A_289 = arith.constant 2.000000e-01 : f32
      %mul3A_290 = vector.broadcast %mul3A_289 : f32 to vector<16xf32>
      %mul3A_291 = arith.mulf %add3A_285, %mul3A_290 : vector<16xf32>
      %select_n3A_292 = arith.select %gt3A_288, %add3A_285, %mul3A_291 : vector<16xi1>, vector<16xf32>
      %exp3A_293 = math.exp %select_n3A_292 : vector<16xf32>
      %broadcast_in_dim3A_294 = arith.constant 129 : i32
      %broadcast_in_dim3A_295 = vector.broadcast %broadcast_in_dim3A_294 : i32 to vector<16xi32>
      tpu.vector_store_idx %arg24[%add3A_265, %broadcast_in_dim3A_295], %exp3A_293 : memref<80x144xf32, #tpu.memory_space<vmem>>[vector<16xi32>, vector<16xi32>], vector<16xf32>,
      %add3A_296 = arith.constant 16 : i32
      %add3A_297 = vector.broadcast %add3A_296 : i32 to vector<16xi32>
      %add3A_298 = arith.addi %iota3A, %add3A_297 : vector<16xi32>
      %broadcast_in_dim3A_299 = arith.constant 0 : i32
      %broadcast_in_dim3A_300 = vector.broadcast %broadcast_in_dim3A_299 : i32 to vector<16xi32>
      %gather3A_301 = tpu.vector_load_idx %arg18[%add3A_298, %broadcast_in_dim3A_300] : memref<80x16xf32, #tpu.memory_space<vmem>>[vector<16xi32>, vector<16xi32>], vector<16xf32>,
      %broadcast_in_dim3A_302 = arith.constant 2 : i32
      %broadcast_in_dim3A_303 = vector.broadcast %broadcast_in_dim3A_302 : i32 to vector<16xi32>
      %gather3A_304 = tpu.vector_load_idx %arg20[%add3A_298, %broadcast_in_dim3A_303] : memref<80x16xf32, #tpu.memory_space<vmem>>[vector<16xi32>, vector<16xi32>], vector<16xf32>,
      %add3A_305 = arith.addf %gather3A_301, %gather3A_304 : vector<16xf32>
      %gt3A_306 = arith.constant 0.000000e+00 : f32
      %gt3A_307 = vector.broadcast %gt3A_306 : f32 to vector<16xf32>
      %gt3A_308 = arith.cmpf ogt, %add3A_305, %gt3A_307 : vector<16xf32>
      %mul3A_309 = arith.constant 2.000000e-01 : f32
      %mul3A_310 = vector.broadcast %mul3A_309 : f32 to vector<16xf32>
      %mul3A_311 = arith.mulf %add3A_305, %mul3A_310 : vector<16xf32>
      %select_n3A_312 = arith.select %gt3A_308, %add3A_305, %mul3A_311 : vector<16xi1>, vector<16xf32>
      %exp3A_313 = math.exp %select_n3A_312 : vector<16xf32>
      %broadcast_in_dim3A_314 = arith.constant 128 : i32
      %broadcast_in_dim3A_315 = vector.broadcast %broadcast_in_dim3A_314 : i32 to vector<16xi32>
      tpu.vector_store_idx %arg24[%add3A_298, %broadcast_in_dim3A_315], %exp3A_313 : memref<80x144xf32, #tpu.memory_space<vmem>>[vector<16xi32>, vector<16xi32>], vector<16xf32>,
      %broadcast_in_dim3A_316 = arith.constant 1 : i32
      %broadcast_in_dim3A_317 = vector.broadcast %broadcast_in_dim3A_316 : i32 to vector<16xi32>
      %gather3A_318 = tpu.vector_load_idx %arg18[%add3A_298, %broadcast_in_dim3A_317] : memref<80x16xf32, #tpu.memory_space<vmem>>[vector<16xi32>, vector<16xi32>], vector<16xf32>,
      %broadcast_in_dim3A_319 = arith.constant 3 : i32
      %broadcast_in_dim3A_320 = vector.broadcast %broadcast_in_dim3A_319 : i32 to vector<16xi32>
      %gather3A_321 = tpu.vector_load_idx %arg20[%add3A_298, %broadcast_in_dim3A_320] : memref<80x16xf32, #tpu.memory_space<vmem>>[vector<16xi32>, vector<16xi32>], vector<16xf32>,
      %add3A_322 = arith.addf %gather3A_318, %gather3A_321 : vector<16xf32>
      %gt3A_323 = arith.constant 0.000000e+00 : f32
      %gt3A_324 = vector.broadcast %gt3A_323 : f32 to vector<16xf32>
      %gt3A_325 = arith.cmpf ogt, %add3A_322, %gt3A_324 : vector<16xf32>
      %mul3A_326 = arith.constant 2.000000e-01 : f32
      %mul3A_327 = vector.broadcast %mul3A_326 : f32 to vector<16xf32>
      %mul3A_328 = arith.mulf %add3A_322, %mul3A_327 : vector<16xf32>
      %select_n3A_329 = arith.select %gt3A_325, %add3A_322, %mul3A_328 : vector<16xi1>, vector<16xf32>
      %exp3A_330 = math.exp %select_n3A_329 : vector<16xf32>
      %broadcast_in_dim3A_331 = arith.constant 129 : i32
      %broadcast_in_dim3A_332 = vector.broadcast %broadcast_in_dim3A_331 : i32 to vector<16xi32>
      tpu.vector_store_idx %arg24[%add3A_298, %broadcast_in_dim3A_332], %exp3A_330 : memref<80x144xf32, #tpu.memory_space<vmem>>[vector<16xi32>, vector<16xi32>], vector<16xf32>,
      %add3A_333 = arith.constant 32 : i32
      %add3A_334 = vector.broadcast %add3A_333 : i32 to vector<16xi32>
      %add3A_335 = arith.addi %iota3A, %add3A_334 : vector<16xi32>
      %broadcast_in_dim3A_336 = arith.constant 0 : i32
      %broadcast_in_dim3A_337 = vector.broadcast %broadcast_in_dim3A_336 : i32 to vector<16xi32>
      %gather3A_338 = tpu.vector_load_idx %arg18[%add3A_335, %broadcast_in_dim3A_337] : memref<80x16xf32, #tpu.memory_space<vmem>>[vector<16xi32>, vector<16xi32>], vector<16xf32>,
      %broadcast_in_dim3A_339 = arith.constant 2 : i32
      %broadcast_in_dim3A_340 = vector.broadcast %broadcast_in_dim3A_339 : i32 to vector<16xi32>
      %gather3A_341 = tpu.vector_load_idx %arg20[%add3A_335, %broadcast_in_dim3A_340] : memref<80x16xf32, #tpu.memory_space<vmem>>[vector<16xi32>, vector<16xi32>], vector<16xf32>,
      %add3A_342 = arith.addf %gather3A_338, %gather3A_341 : vector<16xf32>
      %gt3A_343 = arith.constant 0.000000e+00 : f32
      %gt3A_344 = vector.broadcast %gt3A_343 : f32 to vector<16xf32>
      %gt3A_345 = arith.cmpf ogt, %add3A_342, %gt3A_344 : vector<16xf32>
      %mul3A_346 = arith.constant 2.000000e-01 : f32
      %mul3A_347 = vector.broadcast %mul3A_346 : f32 to vector<16xf32>
      %mul3A_348 = arith.mulf %add3A_342, %mul3A_347 : vector<16xf32>
      %select_n3A_349 = arith.select %gt3A_345, %add3A_342, %mul3A_348 : vector<16xi1>, vector<16xf32>
      %exp3A_350 = math.exp %select_n3A_349 : vector<16xf32>
      %broadcast_in_dim3A_351 = arith.constant 128 : i32
      %broadcast_in_dim3A_352 = vector.broadcast %broadcast_in_dim3A_351 : i32 to vector<16xi32>
      tpu.vector_store_idx %arg24[%add3A_335, %broadcast_in_dim3A_352], %exp3A_350 : memref<80x144xf32, #tpu.memory_space<vmem>>[vector<16xi32>, vector<16xi32>], vector<16xf32>,
      %broadcast_in_dim3A_353 = arith.constant 1 : i32
      %broadcast_in_dim3A_354 = vector.broadcast %broadcast_in_dim3A_353 : i32 to vector<16xi32>
      %gather3A_355 = tpu.vector_load_idx %arg18[%add3A_335, %broadcast_in_dim3A_354] : memref<80x16xf32, #tpu.memory_space<vmem>>[vector<16xi32>, vector<16xi32>], vector<16xf32>,
      %broadcast_in_dim3A_356 = arith.constant 3 : i32
      %broadcast_in_dim3A_357 = vector.broadcast %broadcast_in_dim3A_356 : i32 to vector<16xi32>
      %gather3A_358 = tpu.vector_load_idx %arg20[%add3A_335, %broadcast_in_dim3A_357] : memref<80x16xf32, #tpu.memory_space<vmem>>[vector<16xi32>, vector<16xi32>], vector<16xf32>,
      %add3A_359 = arith.addf %gather3A_355, %gather3A_358 : vector<16xf32>
      %gt3A_360 = arith.constant 0.000000e+00 : f32
      %gt3A_361 = vector.broadcast %gt3A_360 : f32 to vector<16xf32>
      %gt3A_362 = arith.cmpf ogt, %add3A_359, %gt3A_361 : vector<16xf32>
      %mul3A_363 = arith.constant 2.000000e-01 : f32
      %mul3A_364 = vector.broadcast %mul3A_363 : f32 to vector<16xf32>
      %mul3A_365 = arith.mulf %add3A_359, %mul3A_364 : vector<16xf32>
      %select_n3A_366 = arith.select %gt3A_362, %add3A_359, %mul3A_365 : vector<16xi1>, vector<16xf32>
      %exp3A_367 = math.exp %select_n3A_366 : vector<16xf32>
      %broadcast_in_dim3A_368 = arith.constant 129 : i32
      %broadcast_in_dim3A_369 = vector.broadcast %broadcast_in_dim3A_368 : i32 to vector<16xi32>
      tpu.vector_store_idx %arg24[%add3A_335, %broadcast_in_dim3A_369], %exp3A_367 : memref<80x144xf32, #tpu.memory_space<vmem>>[vector<16xi32>, vector<16xi32>], vector<16xf32>,
      %add3A_370 = arith.constant 48 : i32
      %add3A_371 = vector.broadcast %add3A_370 : i32 to vector<16xi32>
      %add3A_372 = arith.addi %iota3A, %add3A_371 : vector<16xi32>
      %broadcast_in_dim3A_373 = arith.constant 0 : i32
      %broadcast_in_dim3A_374 = vector.broadcast %broadcast_in_dim3A_373 : i32 to vector<16xi32>
      %gather3A_375 = tpu.vector_load_idx %arg18[%add3A_372, %broadcast_in_dim3A_374] : memref<80x16xf32, #tpu.memory_space<vmem>>[vector<16xi32>, vector<16xi32>], vector<16xf32>,
      %broadcast_in_dim3A_376 = arith.constant 2 : i32
      %broadcast_in_dim3A_377 = vector.broadcast %broadcast_in_dim3A_376 : i32 to vector<16xi32>
      %gather3A_378 = tpu.vector_load_idx %arg20[%add3A_372, %broadcast_in_dim3A_377] : memref<80x16xf32, #tpu.memory_space<vmem>>[vector<16xi32>, vector<16xi32>], vector<16xf32>,
      %add3A_379 = arith.addf %gather3A_375, %gather3A_378 : vector<16xf32>
      %gt3A_380 = arith.constant 0.000000e+00 : f32
      %gt3A_381 = vector.broadcast %gt3A_380 : f32 to vector<16xf32>
      %gt3A_382 = arith.cmpf ogt, %add3A_379, %gt3A_381 : vector<16xf32>
      %mul3A_383 = arith.constant 2.000000e-01 : f32
      %mul3A_384 = vector.broadcast %mul3A_383 : f32 to vector<16xf32>
      %mul3A_385 = arith.mulf %add3A_379, %mul3A_384 : vector<16xf32>
      %select_n3A_386 = arith.select %gt3A_382, %add3A_379, %mul3A_385 : vector<16xi1>, vector<16xf32>
      %exp3A_387 = math.exp %select_n3A_386 : vector<16xf32>
      %broadcast_in_dim3A_388 = arith.constant 128 : i32
      %broadcast_in_dim3A_389 = vector.broadcast %broadcast_in_dim3A_388 : i32 to vector<16xi32>
      tpu.vector_store_idx %arg24[%add3A_372, %broadcast_in_dim3A_389], %exp3A_387 : memref<80x144xf32, #tpu.memory_space<vmem>>[vector<16xi32>, vector<16xi32>], vector<16xf32>,
      %broadcast_in_dim3A_390 = arith.constant 1 : i32
      %broadcast_in_dim3A_391 = vector.broadcast %broadcast_in_dim3A_390 : i32 to vector<16xi32>
      %gather3A_392 = tpu.vector_load_idx %arg18[%add3A_372, %broadcast_in_dim3A_391] : memref<80x16xf32, #tpu.memory_space<vmem>>[vector<16xi32>, vector<16xi32>], vector<16xf32>,
      %broadcast_in_dim3A_393 = arith.constant 3 : i32
      %broadcast_in_dim3A_394 = vector.broadcast %broadcast_in_dim3A_393 : i32 to vector<16xi32>
      %gather3A_395 = tpu.vector_load_idx %arg20[%add3A_372, %broadcast_in_dim3A_394] : memref<80x16xf32, #tpu.memory_space<vmem>>[vector<16xi32>, vector<16xi32>], vector<16xf32>,
      %add3A_396 = arith.addf %gather3A_392, %gather3A_395 : vector<16xf32>
      %gt3A_397 = arith.constant 0.000000e+00 : f32
      %gt3A_398 = vector.broadcast %gt3A_397 : f32 to vector<16xf32>
      %gt3A_399 = arith.cmpf ogt, %add3A_396, %gt3A_398 : vector<16xf32>
      %mul3A_400 = arith.constant 2.000000e-01 : f32
      %mul3A_401 = vector.broadcast %mul3A_400 : f32 to vector<16xf32>
      %mul3A_402 = arith.mulf %add3A_396, %mul3A_401 : vector<16xf32>
      %select_n3A_403 = arith.select %gt3A_399, %add3A_396, %mul3A_402 : vector<16xi1>, vector<16xf32>
      %exp3A_404 = math.exp %select_n3A_403 : vector<16xf32>
      %broadcast_in_dim3A_405 = arith.constant 129 : i32
      %broadcast_in_dim3A_406 = vector.broadcast %broadcast_in_dim3A_405 : i32 to vector<16xi32>
      tpu.vector_store_idx %arg24[%add3A_372, %broadcast_in_dim3A_406], %exp3A_404 : memref<80x144xf32, #tpu.memory_space<vmem>>[vector<16xi32>, vector<16xi32>], vector<16xf32>,
      %add3A_407 = arith.constant 64 : i32
      %add3A_408 = vector.broadcast %add3A_407 : i32 to vector<16xi32>
      %add3A_409 = arith.addi %iota3A, %add3A_408 : vector<16xi32>
      %broadcast_in_dim3A_410 = arith.constant 0 : i32
      %broadcast_in_dim3A_411 = vector.broadcast %broadcast_in_dim3A_410 : i32 to vector<16xi32>
      %gather3A_412 = tpu.vector_load_idx %arg18[%add3A_409, %broadcast_in_dim3A_411] : memref<80x16xf32, #tpu.memory_space<vmem>>[vector<16xi32>, vector<16xi32>], vector<16xf32>,
      %broadcast_in_dim3A_413 = arith.constant 2 : i32
      %broadcast_in_dim3A_414 = vector.broadcast %broadcast_in_dim3A_413 : i32 to vector<16xi32>
      %gather3A_415 = tpu.vector_load_idx %arg20[%add3A_409, %broadcast_in_dim3A_414] : memref<80x16xf32, #tpu.memory_space<vmem>>[vector<16xi32>, vector<16xi32>], vector<16xf32>,
      %add3A_416 = arith.addf %gather3A_412, %gather3A_415 : vector<16xf32>
      %gt3A_417 = arith.constant 0.000000e+00 : f32
      %gt3A_418 = vector.broadcast %gt3A_417 : f32 to vector<16xf32>
      %gt3A_419 = arith.cmpf ogt, %add3A_416, %gt3A_418 : vector<16xf32>
      %mul3A_420 = arith.constant 2.000000e-01 : f32
      %mul3A_421 = vector.broadcast %mul3A_420 : f32 to vector<16xf32>
      %mul3A_422 = arith.mulf %add3A_416, %mul3A_421 : vector<16xf32>
      %select_n3A_423 = arith.select %gt3A_419, %add3A_416, %mul3A_422 : vector<16xi1>, vector<16xf32>
      %exp3A_424 = math.exp %select_n3A_423 : vector<16xf32>
      %broadcast_in_dim3A_425 = arith.constant 128 : i32
      %broadcast_in_dim3A_426 = vector.broadcast %broadcast_in_dim3A_425 : i32 to vector<16xi32>
      tpu.vector_store_idx %arg24[%add3A_409, %broadcast_in_dim3A_426], %exp3A_424 : memref<80x144xf32, #tpu.memory_space<vmem>>[vector<16xi32>, vector<16xi32>], vector<16xf32>,
      %broadcast_in_dim3A_427 = arith.constant 1 : i32
      %broadcast_in_dim3A_428 = vector.broadcast %broadcast_in_dim3A_427 : i32 to vector<16xi32>
      %gather3A_429 = tpu.vector_load_idx %arg18[%add3A_409, %broadcast_in_dim3A_428] : memref<80x16xf32, #tpu.memory_space<vmem>>[vector<16xi32>, vector<16xi32>], vector<16xf32>,
      %broadcast_in_dim3A_430 = arith.constant 3 : i32
      %broadcast_in_dim3A_431 = vector.broadcast %broadcast_in_dim3A_430 : i32 to vector<16xi32>
      %gather3A_432 = tpu.vector_load_idx %arg20[%add3A_409, %broadcast_in_dim3A_431] : memref<80x16xf32, #tpu.memory_space<vmem>>[vector<16xi32>, vector<16xi32>], vector<16xf32>,
      %add3A_433 = arith.addf %gather3A_429, %gather3A_432 : vector<16xf32>
      %gt3A_434 = arith.constant 0.000000e+00 : f32
      %gt3A_435 = vector.broadcast %gt3A_434 : f32 to vector<16xf32>
      %gt3A_436 = arith.cmpf ogt, %add3A_433, %gt3A_435 : vector<16xf32>
      %mul3A_437 = arith.constant 2.000000e-01 : f32
      %mul3A_438 = vector.broadcast %mul3A_437 : f32 to vector<16xf32>
      %mul3A_439 = arith.mulf %add3A_433, %mul3A_438 : vector<16xf32>
      %select_n3A_440 = arith.select %gt3A_436, %add3A_433, %mul3A_439 : vector<16xi1>, vector<16xf32>
      %exp3A_441 = math.exp %select_n3A_440 : vector<16xf32>
      %broadcast_in_dim3A_442 = arith.constant 129 : i32
      %broadcast_in_dim3A_443 = vector.broadcast %broadcast_in_dim3A_442 : i32 to vector<16xi32>
      tpu.vector_store_idx %arg24[%add3A_409, %broadcast_in_dim3A_443], %exp3A_441 : memref<80x144xf32, #tpu.memory_space<vmem>>[vector<16xi32>, vector<16xi32>], vector<16xf32>,
      %dma_wait3A_444 = arith.constant 0 : i32
      %dma_wait3A_445 = arith.constant 0 : i32
      %dma_wait3A_446 = tpu.memref_slice %arg3[%dma_wait3A_444, %dma_wait3A_445] : memref<20000x128xf32, #tpu.memory_space<hbm>> -> memref<20000x128xf32, #tpu.memory_space<hbm>>
      tpu.wait_indirect_dma semaphore(%arg32 : memref<!tpu.dma_semaphore, #tpu.memory_space<semaphore_mem>>) src(%dma_wait3A_446 : memref<20000x128xf32, #tpu.memory_space<hbm>>) dst(%arg22 : memref<80x128xf32, #tpu.memory_space<vmem>>)
      %scan3A_447 = arith.constant 0 : i32
      %scan3A_448 = arith.constant 80 : i32
      %scan3A_449 = arith.addi %scan3A_447, %scan3A_448 : i32
      %scan3A_450 = arith.constant 1 : i32
      scf.for %scan3A_1620 = %scan3A_447 to %scan3A_449 step %scan3A_450  : i32 {
        %mul3A_1621 = arith.constant 1 : i32
        %mul3A_1622 = arith.muli %scan3A_1620, %mul3A_1621 : i32
        %add3A_1623 = arith.constant 0 : i32
        %add3A_1624 = arith.addi %add3A_1623, %mul3A_1622 : i32
        %get3A_1625 = arith.index_cast %add3A_1624 : i32 to index
        %get3A_1626 = arith.constant 128 : index
        %get3A_1627 = tpu.vector_load %arg24[%get3A_1625, %get3A_1626] {strides = array<i32>} : memref<80x144xf32, #tpu.memory_space<vmem>>, vector<16xf32>,
        %slice3A = vector.extract_strided_slice %get3A_1627 {offsets = [0], sizes = [1], strides = [1]} : vector<16xf32> to vector<1xf32>
        %squeeze3A = vector.extract %slice3A[0] : f32 from vector<1xf32>
        %slice3A_1628 = vector.extract_strided_slice %get3A_1627 {offsets = [1], sizes = [1], strides = [1]} : vector<16xf32> to vector<1xf32>
        %squeeze3A_1629 = vector.extract %slice3A_1628[0] : f32 from vector<1xf32>
        %get3A_1630 = arith.index_cast %add3A_1624 : i32 to index
        %get3A_1631 = arith.constant 0 : index
        %get3A_1632 = tpu.vector_load %arg22[%get3A_1630, %get3A_1631] {strides = array<i32>} : memref<80x128xf32, #tpu.memory_space<vmem>>, vector<16xf32>,
        %mul3A_1633 = vector.broadcast %squeeze3A : f32 to vector<16xf32>
        %mul3A_1634 = arith.mulf %get3A_1632, %mul3A_1633 : vector<16xf32>
        %swap3A_1635 = arith.index_cast %add3A_1624 : i32 to index
        %swap3A_1636 = arith.constant 0 : index
        %swap3A_1637 = tpu.vector_load %arg24[%swap3A_1635, %swap3A_1636] {strides = array<i32>} : memref<80x144xf32, #tpu.memory_space<vmem>>, vector<16xf32>,
        tpu.vector_store %arg24[%swap3A_1635, %swap3A_1636], %mul3A_1634 {strides = array<i32>} : memref<80x144xf32, #tpu.memory_space<vmem>>, vector<16xf32>,
        %get3A_1638 = arith.index_cast %add3A_1624 : i32 to index
        %get3A_1639 = arith.constant 16 : index
        %get3A_1640 = tpu.vector_load %arg22[%get3A_1638, %get3A_1639] {strides = array<i32>} : memref<80x128xf32, #tpu.memory_space<vmem>>, vector<16xf32>,
        %mul3A_1641 = vector.broadcast %squeeze3A : f32 to vector<16xf32>
        %mul3A_1642 = arith.mulf %get3A_1640, %mul3A_1641 : vector<16xf32>
        %swap3A_1643 = arith.index_cast %add3A_1624 : i32 to index
        %swap3A_1644 = arith.constant 16 : index
        %swap3A_1645 = tpu.vector_load %arg24[%swap3A_1643, %swap3A_1644] {strides = array<i32>} : memref<80x144xf32, #tpu.memory_space<vmem>>, vector<16xf32>,
        tpu.vector_store %arg24[%swap3A_1643, %swap3A_1644], %mul3A_1642 {strides = array<i32>} : memref<80x144xf32, #tpu.memory_space<vmem>>, vector<16xf32>,
        %get3A_1646 = arith.index_cast %add3A_1624 : i32 to index
        %get3A_1647 = arith.constant 32 : index
        %get3A_1648 = tpu.vector_load %arg22[%get3A_1646, %get3A_1647] {strides = array<i32>} : memref<80x128xf32, #tpu.memory_space<vmem>>, vector<16xf32>,
        %mul3A_1649 = vector.broadcast %squeeze3A : f32 to vector<16xf32>
        %mul3A_1650 = arith.mulf %get3A_1648, %mul3A_1649 : vector<16xf32>
        %swap3A_1651 = arith.index_cast %add3A_1624 : i32 to index
        %swap3A_1652 = arith.constant 32 : index
        %swap3A_1653 = tpu.vector_load %arg24[%swap3A_1651, %swap3A_1652] {strides = array<i32>} : memref<80x144xf32, #tpu.memory_space<vmem>>, vector<16xf32>,
        tpu.vector_store %arg24[%swap3A_1651, %swap3A_1652], %mul3A_1650 {strides = array<i32>} : memref<80x144xf32, #tpu.memory_space<vmem>>, vector<16xf32>,
        %get3A_1654 = arith.index_cast %add3A_1624 : i32 to index
        %get3A_1655 = arith.constant 48 : index
        %get3A_1656 = tpu.vector_load %arg22[%get3A_1654, %get3A_1655] {strides = array<i32>} : memref<80x128xf32, #tpu.memory_space<vmem>>, vector<16xf32>,
        %mul3A_1657 = vector.broadcast %squeeze3A : f32 to vector<16xf32>
        %mul3A_1658 = arith.mulf %get3A_1656, %mul3A_1657 : vector<16xf32>
        %swap3A_1659 = arith.index_cast %add3A_1624 : i32 to index
        %swap3A_1660 = arith.constant 48 : index
        %swap3A_1661 = tpu.vector_load %arg24[%swap3A_1659, %swap3A_1660] {strides = array<i32>} : memref<80x144xf32, #tpu.memory_space<vmem>>, vector<16xf32>,
        tpu.vector_store %arg24[%swap3A_1659, %swap3A_1660], %mul3A_1658 {strides = array<i32>} : memref<80x144xf32, #tpu.memory_space<vmem>>, vector<16xf32>,
        %get3A_1662 = arith.index_cast %add3A_1624 : i32 to index
        %get3A_1663 = arith.constant 64 : index
        %get3A_1664 = tpu.vector_load %arg22[%get3A_1662, %get3A_1663] {strides = array<i32>} : memref<80x128xf32, #tpu.memory_space<vmem>>, vector<16xf32>,
        %mul3A_1665 = vector.broadcast %squeeze3A_1629 : f32 to vector<16xf32>
        %mul3A_1666 = arith.mulf %get3A_1664, %mul3A_1665 : vector<16xf32>
        %swap3A_1667 = arith.index_cast %add3A_1624 : i32 to index
        %swap3A_1668 = arith.constant 64 : index
        %swap3A_1669 = tpu.vector_load %arg24[%swap3A_1667, %swap3A_1668] {strides = array<i32>} : memref<80x144xf32, #tpu.memory_space<vmem>>, vector<16xf32>,
        tpu.vector_store %arg24[%swap3A_1667, %swap3A_1668], %mul3A_1666 {strides = array<i32>} : memref<80x144xf32, #tpu.memory_space<vmem>>, vector<16xf32>,
        %get3A_1670 = arith.index_cast %add3A_1624 : i32 to index
        %get3A_1671 = arith.constant 80 : index
        %get3A_1672 = tpu.vector_load %arg22[%get3A_1670, %get3A_1671] {strides = array<i32>} : memref<80x128xf32, #tpu.memory_space<vmem>>, vector<16xf32>,
        %mul3A_1673 = vector.broadcast %squeeze3A_1629 : f32 to vector<16xf32>
        %mul3A_1674 = arith.mulf %get3A_1672, %mul3A_1673 : vector<16xf32>
        %swap3A_1675 = arith.index_cast %add3A_1624 : i32 to index
        %swap3A_1676 = arith.constant 80 : index
        %swap3A_1677 = tpu.vector_load %arg24[%swap3A_1675, %swap3A_1676] {strides = array<i32>} : memref<80x144xf32, #tpu.memory_space<vmem>>, vector<16xf32>,
        tpu.vector_store %arg24[%swap3A_1675, %swap3A_1676], %mul3A_1674 {strides = array<i32>} : memref<80x144xf32, #tpu.memory_space<vmem>>, vector<16xf32>,
        %get3A_1678 = arith.index_cast %add3A_1624 : i32 to index
        %get3A_1679 = arith.constant 96 : index
        %get3A_1680 = tpu.vector_load %arg22[%get3A_1678, %get3A_1679] {strides = array<i32>} : memref<80x128xf32, #tpu.memory_space<vmem>>, vector<16xf32>,
        %mul3A_1681 = vector.broadcast %squeeze3A_1629 : f32 to vector<16xf32>
        %mul3A_1682 = arith.mulf %get3A_1680, %mul3A_1681 : vector<16xf32>
        %swap3A_1683 = arith.index_cast %add3A_1624 : i32 to index
        %swap3A_1684 = arith.constant 96 : index
        %swap3A_1685 = tpu.vector_load %arg24[%swap3A_1683, %swap3A_1684] {strides = array<i32>} : memref<80x144xf32, #tpu.memory_space<vmem>>, vector<16xf32>,
        tpu.vector_store %arg24[%swap3A_1683, %swap3A_1684], %mul3A_1682 {strides = array<i32>} : memref<80x144xf32, #tpu.memory_space<vmem>>, vector<16xf32>,
        %get3A_1686 = arith.index_cast %add3A_1624 : i32 to index
        %get3A_1687 = arith.constant 112 : index
        %get3A_1688 = tpu.vector_load %arg22[%get3A_1686, %get3A_1687] {strides = array<i32>} : memref<80x128xf32, #tpu.memory_space<vmem>>, vector<16xf32>,
        %mul3A_1689 = vector.broadcast %squeeze3A_1629 : f32 to vector<16xf32>
        %mul3A_1690 = arith.mulf %get3A_1688, %mul3A_1689 : vector<16xf32>
        %swap3A_1691 = arith.index_cast %add3A_1624 : i32 to index
        %swap3A_1692 = arith.constant 112 : index
        %swap3A_1693 = tpu.vector_load %arg24[%swap3A_1691, %swap3A_1692] {strides = array<i32>} : memref<80x144xf32, #tpu.memory_space<vmem>>, vector<16xf32>,
        tpu.vector_store %arg24[%swap3A_1691, %swap3A_1692], %mul3A_1690 {strides = array<i32>} : memref<80x144xf32, #tpu.memory_space<vmem>>, vector<16xf32>,
      }
      %scan3A_451 = arith.constant 80 : i32
      %dma_start3A_452 = arith.constant 0 : i32
      %dma_start3A_453 = arith.constant 0 : i32
      %dma_start3A_454 = tpu.memref_slice %arg27[%dma_start3A_452, %dma_start3A_453] : memref<10000x144xf32, #tpu.memory_space<vmem_shared>> -> memref<10000x144xf32, #tpu.memory_space<vmem_shared>>
      tpu.enqueue_indirect_dma source(%arg24 : memref<80x144xf32, #tpu.memory_space<vmem>>) target(%dma_start3A_454 : memref<10000x144xf32, #tpu.memory_space<vmem_shared>>) offsets(%arg16 : memref<80xi32, #tpu.memory_space<vmem>>) semaphore(%arg34 : memref<!tpu.dma_semaphore, #tpu.memory_space<semaphore_mem>>) {add = true}
      %dma_wait3A_455 = arith.constant 0 : i32
      %dma_wait3A_456 = arith.constant 0 : i32
      %dma_wait3A_457 = tpu.memref_slice %arg27[%dma_wait3A_455, %dma_wait3A_456] : memref<10000x144xf32, #tpu.memory_space<vmem_shared>> -> memref<10000x144xf32, #tpu.memory_space<vmem_shared>>
      tpu.wait_indirect_dma semaphore(%arg34 : memref<!tpu.dma_semaphore, #tpu.memory_space<semaphore_mem>>) src(%arg24 : memref<80x144xf32, #tpu.memory_space<vmem>>) dst(%dma_wait3A_457 : memref<10000x144xf32, #tpu.memory_space<vmem_shared>>)
      %get3A_458 = arith.constant 160 : index
      %get3A_459 = tpu.vector_load %arg8[%get3A_458] {strides = array<i32>} : memref<400xi32, #tpu.memory_space<vmem>>, vector<16xi32>,
      %get3A_460 = arith.constant 160 : index
      %get3A_461 = tpu.vector_load %arg9[%get3A_460] {strides = array<i32>} : memref<400xi32, #tpu.memory_space<vmem>>, vector<16xi32>,
      %add3A_462 = vector.broadcast %mul3A_14 : i32 to vector<16xi32>
      %add3A_463 = arith.addi %get3A_459, %add3A_462 : vector<16xi32>
      %swap3A_464 = arith.constant 0 : index
      %swap3A_465 = tpu.vector_load %arg10[%swap3A_464] {strides = array<i32>} : memref<80xi32, #tpu.memory_space<vmem>>, vector<16xi32>,
      tpu.vector_store %arg10[%swap3A_464], %add3A_463 {strides = array<i32>} : memref<80xi32, #tpu.memory_space<vmem>>, vector<16xi32>,
      %add3A_466 = vector.broadcast %mul3A_14 : i32 to vector<16xi32>
      %add3A_467 = arith.addi %get3A_461, %add3A_466 : vector<16xi32>
      %swap3A_468 = arith.constant 0 : index
      %swap3A_469 = tpu.vector_load %arg12[%swap3A_468] {strides = array<i32>} : memref<80xi32, #tpu.memory_space<vmem>>, vector<16xi32>,
      tpu.vector_store %arg12[%swap3A_468], %add3A_467 {strides = array<i32>} : memref<80xi32, #tpu.memory_space<vmem>>, vector<16xi32>,
      %mul3A_470 = arith.constant 2 : i32
      %mul3A_471 = vector.broadcast %mul3A_470 : i32 to vector<16xi32>
      %mul3A_472 = arith.muli %get3A_459, %mul3A_471 : vector<16xi32>
      %add3A_473 = vector.broadcast %arg0 : i32 to vector<16xi32>
      %add3A_474 = arith.addi %mul3A_472, %add3A_473 : vector<16xi32>
      %swap3A_475 = arith.constant 0 : index
      %swap3A_476 = tpu.vector_load %arg14[%swap3A_475] {strides = array<i32>} : memref<80xi32, #tpu.memory_space<vmem>>, vector<16xi32>,
      tpu.vector_store %arg14[%swap3A_475], %add3A_474 {strides = array<i32>} : memref<80xi32, #tpu.memory_space<vmem>>, vector<16xi32>,
      %swap3A_477 = arith.constant 0 : index
      %swap3A_478 = tpu.vector_load %arg16[%swap3A_477] {strides = array<i32>} : memref<80xi32, #tpu.memory_space<vmem>>, vector<16xi32>,
      tpu.vector_store %arg16[%swap3A_477], %get3A_461 {strides = array<i32>} : memref<80xi32, #tpu.memory_space<vmem>>, vector<16xi32>,
      %get3A_479 = arith.constant 176 : index
      %get3A_480 = tpu.vector_load %arg8[%get3A_479] {strides = array<i32>} : memref<400xi32, #tpu.memory_space<vmem>>, vector<16xi32>,
      %get3A_481 = arith.constant 176 : index
      %get3A_482 = tpu.vector_load %arg9[%get3A_481] {strides = array<i32>} : memref<400xi32, #tpu.memory_space<vmem>>, vector<16xi32>,
      %add3A_483 = vector.broadcast %mul3A_14 : i32 to vector<16xi32>
      %add3A_484 = arith.addi %get3A_480, %add3A_483 : vector<16xi32>
      %swap3A_485 = arith.constant 16 : index
      %swap3A_486 = tpu.vector_load %arg10[%swap3A_485] {strides = array<i32>} : memref<80xi32, #tpu.memory_space<vmem>>, vector<16xi32>,
      tpu.vector_store %arg10[%swap3A_485], %add3A_484 {strides = array<i32>} : memref<80xi32, #tpu.memory_space<vmem>>, vector<16xi32>,
      %add3A_487 = vector.broadcast %mul3A_14 : i32 to vector<16xi32>
      %add3A_488 = arith.addi %get3A_482, %add3A_487 : vector<16xi32>
      %swap3A_489 = arith.constant 16 : index
      %swap3A_490 = tpu.vector_load %arg12[%swap3A_489] {strides = array<i32>} : memref<80xi32, #tpu.memory_space<vmem>>, vector<16xi32>,
      tpu.vector_store %arg12[%swap3A_489], %add3A_488 {strides = array<i32>} : memref<80xi32, #tpu.memory_space<vmem>>, vector<16xi32>,
      %mul3A_491 = arith.constant 2 : i32
      %mul3A_492 = vector.broadcast %mul3A_491 : i32 to vector<16xi32>
      %mul3A_493 = arith.muli %get3A_480, %mul3A_492 : vector<16xi32>
      %add3A_494 = vector.broadcast %arg0 : i32 to vector<16xi32>
      %add3A_495 = arith.addi %mul3A_493, %add3A_494 : vector<16xi32>
      %swap3A_496 = arith.constant 16 : index
      %swap3A_497 = tpu.vector_load %arg14[%swap3A_496] {strides = array<i32>} : memref<80xi32, #tpu.memory_space<vmem>>, vector<16xi32>,
      tpu.vector_store %arg14[%swap3A_496], %add3A_495 {strides = array<i32>} : memref<80xi32, #tpu.memory_space<vmem>>, vector<16xi32>,
      %swap3A_498 = arith.constant 16 : index
      %swap3A_499 = tpu.vector_load %arg16[%swap3A_498] {strides = array<i32>} : memref<80xi32, #tpu.memory_space<vmem>>, vector<16xi32>,
      tpu.vector_store %arg16[%swap3A_498], %get3A_482 {strides = array<i32>} : memref<80xi32, #tpu.memory_space<vmem>>, vector<16xi32>,
      %get3A_500 = arith.constant 192 : index
      %get3A_501 = tpu.vector_load %arg8[%get3A_500] {strides = array<i32>} : memref<400xi32, #tpu.memory_space<vmem>>, vector<16xi32>,
      %get3A_502 = arith.constant 192 : index
      %get3A_503 = tpu.vector_load %arg9[%get3A_502] {strides = array<i32>} : memref<400xi32, #tpu.memory_space<vmem>>, vector<16xi32>,
      %add3A_504 = vector.broadcast %mul3A_14 : i32 to vector<16xi32>
      %add3A_505 = arith.addi %get3A_501, %add3A_504 : vector<16xi32>
      %swap3A_506 = arith.constant 32 : index
      %swap3A_507 = tpu.vector_load %arg10[%swap3A_506] {strides = array<i32>} : memref<80xi32, #tpu.memory_space<vmem>>, vector<16xi32>,
      tpu.vector_store %arg10[%swap3A_506], %add3A_505 {strides = array<i32>} : memref<80xi32, #tpu.memory_space<vmem>>, vector<16xi32>,
      %add3A_508 = vector.broadcast %mul3A_14 : i32 to vector<16xi32>
      %add3A_509 = arith.addi %get3A_503, %add3A_508 : vector<16xi32>
      %swap3A_510 = arith.constant 32 : index
      %swap3A_511 = tpu.vector_load %arg12[%swap3A_510] {strides = array<i32>} : memref<80xi32, #tpu.memory_space<vmem>>, vector<16xi32>,
      tpu.vector_store %arg12[%swap3A_510], %add3A_509 {strides = array<i32>} : memref<80xi32, #tpu.memory_space<vmem>>, vector<16xi32>,
      %mul3A_512 = arith.constant 2 : i32
      %mul3A_513 = vector.broadcast %mul3A_512 : i32 to vector<16xi32>
      %mul3A_514 = arith.muli %get3A_501, %mul3A_513 : vector<16xi32>
      %add3A_515 = vector.broadcast %arg0 : i32 to vector<16xi32>
      %add3A_516 = arith.addi %mul3A_514, %add3A_515 : vector<16xi32>
      %swap3A_517 = arith.constant 32 : index
      %swap3A_518 = tpu.vector_load %arg14[%swap3A_517] {strides = array<i32>} : memref<80xi32, #tpu.memory_space<vmem>>, vector<16xi32>,
      tpu.vector_store %arg14[%swap3A_517], %add3A_516 {strides = array<i32>} : memref<80xi32, #tpu.memory_space<vmem>>, vector<16xi32>,
      %swap3A_519 = arith.constant 32 : index
      %swap3A_520 = tpu.vector_load %arg16[%swap3A_519] {strides = array<i32>} : memref<80xi32, #tpu.memory_space<vmem>>, vector<16xi32>,
      tpu.vector_store %arg16[%swap3A_519], %get3A_503 {strides = array<i32>} : memref<80xi32, #tpu.memory_space<vmem>>, vector<16xi32>,
      %get3A_521 = arith.constant 208 : index
      %get3A_522 = tpu.vector_load %arg8[%get3A_521] {strides = array<i32>} : memref<400xi32, #tpu.memory_space<vmem>>, vector<16xi32>,
      %get3A_523 = arith.constant 208 : index
      %get3A_524 = tpu.vector_load %arg9[%get3A_523] {strides = array<i32>} : memref<400xi32, #tpu.memory_space<vmem>>, vector<16xi32>,
      %add3A_525 = vector.broadcast %mul3A_14 : i32 to vector<16xi32>
      %add3A_526 = arith.addi %get3A_522, %add3A_525 : vector<16xi32>
      %swap3A_527 = arith.constant 48 : index
      %swap3A_528 = tpu.vector_load %arg10[%swap3A_527] {strides = array<i32>} : memref<80xi32, #tpu.memory_space<vmem>>, vector<16xi32>,
      tpu.vector_store %arg10[%swap3A_527], %add3A_526 {strides = array<i32>} : memref<80xi32, #tpu.memory_space<vmem>>, vector<16xi32>,
      %add3A_529 = vector.broadcast %mul3A_14 : i32 to vector<16xi32>
      %add3A_530 = arith.addi %get3A_524, %add3A_529 : vector<16xi32>
      %swap3A_531 = arith.constant 48 : index
      %swap3A_532 = tpu.vector_load %arg12[%swap3A_531] {strides = array<i32>} : memref<80xi32, #tpu.memory_space<vmem>>, vector<16xi32>,
      tpu.vector_store %arg12[%swap3A_531], %add3A_530 {strides = array<i32>} : memref<80xi32, #tpu.memory_space<vmem>>, vector<16xi32>,
      %mul3A_533 = arith.constant 2 : i32
      %mul3A_534 = vector.broadcast %mul3A_533 : i32 to vector<16xi32>
      %mul3A_535 = arith.muli %get3A_522, %mul3A_534 : vector<16xi32>
      %add3A_536 = vector.broadcast %arg0 : i32 to vector<16xi32>
      %add3A_537 = arith.addi %mul3A_535, %add3A_536 : vector<16xi32>
      %swap3A_538 = arith.constant 48 : index
      %swap3A_539 = tpu.vector_load %arg14[%swap3A_538] {strides = array<i32>} : memref<80xi32, #tpu.memory_space<vmem>>, vector<16xi32>,
      tpu.vector_store %arg14[%swap3A_538], %add3A_537 {strides = array<i32>} : memref<80xi32, #tpu.memory_space<vmem>>, vector<16xi32>,
      %swap3A_540 = arith.constant 48 : index
      %swap3A_541 = tpu.vector_load %arg16[%swap3A_540] {strides = array<i32>} : memref<80xi32, #tpu.memory_space<vmem>>, vector<16xi32>,
      tpu.vector_store %arg16[%swap3A_540], %get3A_524 {strides = array<i32>} : memref<80xi32, #tpu.memory_space<vmem>>, vector<16xi32>,
      %get3A_542 = arith.constant 224 : index
      %get3A_543 = tpu.vector_load %arg8[%get3A_542] {strides = array<i32>} : memref<400xi32, #tpu.memory_space<vmem>>, vector<16xi32>,
      %get3A_544 = arith.constant 224 : index
      %get3A_545 = tpu.vector_load %arg9[%get3A_544] {strides = array<i32>} : memref<400xi32, #tpu.memory_space<vmem>>, vector<16xi32>,
      %add3A_546 = vector.broadcast %mul3A_14 : i32 to vector<16xi32>
      %add3A_547 = arith.addi %get3A_543, %add3A_546 : vector<16xi32>
      %swap3A_548 = arith.constant 64 : index
      %swap3A_549 = tpu.vector_load %arg10[%swap3A_548] {strides = array<i32>} : memref<80xi32, #tpu.memory_space<vmem>>, vector<16xi32>,
      tpu.vector_store %arg10[%swap3A_548], %add3A_547 {strides = array<i32>} : memref<80xi32, #tpu.memory_space<vmem>>, vector<16xi32>,
      %add3A_550 = vector.broadcast %mul3A_14 : i32 to vector<16xi32>
      %add3A_551 = arith.addi %get3A_545, %add3A_550 : vector<16xi32>
      %swap3A_552 = arith.constant 64 : index
      %swap3A_553 = tpu.vector_load %arg12[%swap3A_552] {strides = array<i32>} : memref<80xi32, #tpu.memory_space<vmem>>, vector<16xi32>,
      tpu.vector_store %arg12[%swap3A_552], %add3A_551 {strides = array<i32>} : memref<80xi32, #tpu.memory_space<vmem>>, vector<16xi32>,
      %mul3A_554 = arith.constant 2 : i32
      %mul3A_555 = vector.broadcast %mul3A_554 : i32 to vector<16xi32>
      %mul3A_556 = arith.muli %get3A_543, %mul3A_555 : vector<16xi32>
      %add3A_557 = vector.broadcast %arg0 : i32 to vector<16xi32>
      %add3A_558 = arith.addi %mul3A_556, %add3A_557 : vector<16xi32>
      %swap3A_559 = arith.constant 64 : index
      %swap3A_560 = tpu.vector_load %arg14[%swap3A_559] {strides = array<i32>} : memref<80xi32, #tpu.memory_space<vmem>>, vector<16xi32>,
      tpu.vector_store %arg14[%swap3A_559], %add3A_558 {strides = array<i32>} : memref<80xi32, #tpu.memory_space<vmem>>, vector<16xi32>,
      %swap3A_561 = arith.constant 64 : index
      %swap3A_562 = tpu.vector_load %arg16[%swap3A_561] {strides = array<i32>} : memref<80xi32, #tpu.memory_space<vmem>>, vector<16xi32>,
      tpu.vector_store %arg16[%swap3A_561], %get3A_545 {strides = array<i32>} : memref<80xi32, #tpu.memory_space<vmem>>, vector<16xi32>,
      %dma_start3A_563 = arith.constant 0 : i32
      %dma_start3A_564 = arith.constant 0 : i32
      %dma_start3A_565 = tpu.memref_slice %arg2[%dma_start3A_563, %dma_start3A_564] : memref<20000x16xf32, #tpu.memory_space<hbm>> -> memref<20000x16xf32, #tpu.memory_space<hbm>>
      tpu.enqueue_indirect_dma source(%dma_start3A_565 : memref<20000x16xf32, #tpu.memory_space<hbm>>) target(%arg18 : memref<80x16xf32, #tpu.memory_space<vmem>>) offsets(%arg10 : memref<80xi32, #tpu.memory_space<vmem>>) semaphore(%arg28 : memref<!tpu.dma_semaphore, #tpu.memory_space<semaphore_mem>>)
      %dma_start3A_566 = arith.constant 0 : i32
      %dma_start3A_567 = arith.constant 0 : i32
      %dma_start3A_568 = tpu.memref_slice %arg2[%dma_start3A_566, %dma_start3A_567] : memref<20000x16xf32, #tpu.memory_space<hbm>> -> memref<20000x16xf32, #tpu.memory_space<hbm>>
      tpu.enqueue_indirect_dma source(%dma_start3A_568 : memref<20000x16xf32, #tpu.memory_space<hbm>>) target(%arg20 : memref<80x16xf32, #tpu.memory_space<vmem>>) offsets(%arg12 : memref<80xi32, #tpu.memory_space<vmem>>) semaphore(%arg30 : memref<!tpu.dma_semaphore, #tpu.memory_space<semaphore_mem>>)
      %dma_start3A_569 = arith.constant 0 : i32
      %dma_start3A_570 = arith.constant 0 : i32
      %dma_start3A_571 = tpu.memref_slice %arg3[%dma_start3A_569, %dma_start3A_570] : memref<20000x128xf32, #tpu.memory_space<hbm>> -> memref<20000x128xf32, #tpu.memory_space<hbm>>
      tpu.enqueue_indirect_dma source(%dma_start3A_571 : memref<20000x128xf32, #tpu.memory_space<hbm>>) target(%arg22 : memref<80x128xf32, #tpu.memory_space<vmem>>) offsets(%arg14 : memref<80xi32, #tpu.memory_space<vmem>>) semaphore(%arg32 : memref<!tpu.dma_semaphore, #tpu.memory_space<semaphore_mem>>)
      %dma_wait3A_572 = arith.constant 0 : i32
      %dma_wait3A_573 = arith.constant 0 : i32
      %dma_wait3A_574 = tpu.memref_slice %arg2[%dma_wait3A_572, %dma_wait3A_573] : memref<20000x16xf32, #tpu.memory_space<hbm>> -> memref<20000x16xf32, #tpu.memory_space<hbm>>
      tpu.wait_indirect_dma semaphore(%arg29 : memref<!tpu.dma_semaphore, #tpu.memory_space<semaphore_mem>>) src(%dma_wait3A_574 : memref<20000x16xf32, #tpu.memory_space<hbm>>) dst(%arg19 : memref<80x16xf32, #tpu.memory_space<vmem>>)
      %dma_wait3A_575 = arith.constant 0 : i32
      %dma_wait3A_576 = arith.constant 0 : i32
      %dma_wait3A_577 = tpu.memref_slice %arg2[%dma_wait3A_575, %dma_wait3A_576] : memref<20000x16xf32, #tpu.memory_space<hbm>> -> memref<20000x16xf32, #tpu.memory_space<hbm>>
      tpu.wait_indirect_dma semaphore(%arg31 : memref<!tpu.dma_semaphore, #tpu.memory_space<semaphore_mem>>) src(%dma_wait3A_577 : memref<20000x16xf32, #tpu.memory_space<hbm>>) dst(%arg21 : memref<80x16xf32, #tpu.memory_space<vmem>>)
      %add3A_578 = arith.constant 0 : i32
      %add3A_579 = vector.broadcast %add3A_578 : i32 to vector<16xi32>
      %add3A_580 = arith.addi %iota3A, %add3A_579 : vector<16xi32>
      %broadcast_in_dim3A_581 = arith.constant 0 : i32
      %broadcast_in_dim3A_582 = vector.broadcast %broadcast_in_dim3A_581 : i32 to vector<16xi32>
      %gather3A_583 = tpu.vector_load_idx %arg19[%add3A_580, %broadcast_in_dim3A_582] : memref<80x16xf32, #tpu.memory_space<vmem>>[vector<16xi32>, vector<16xi32>], vector<16xf32>,
      %broadcast_in_dim3A_584 = arith.constant 2 : i32
      %broadcast_in_dim3A_585 = vector.broadcast %broadcast_in_dim3A_584 : i32 to vector<16xi32>
      %gather3A_586 = tpu.vector_load_idx %arg21[%add3A_580, %broadcast_in_dim3A_585] : memref<80x16xf32, #tpu.memory_space<vmem>>[vector<16xi32>, vector<16xi32>], vector<16xf32>,
      %add3A_587 = arith.addf %gather3A_583, %gather3A_586 : vector<16xf32>
      %gt3A_588 = arith.constant 0.000000e+00 : f32
      %gt3A_589 = vector.broadcast %gt3A_588 : f32 to vector<16xf32>
      %gt3A_590 = arith.cmpf ogt, %add3A_587, %gt3A_589 : vector<16xf32>
      %mul3A_591 = arith.constant 2.000000e-01 : f32
      %mul3A_592 = vector.broadcast %mul3A_591 : f32 to vector<16xf32>
      %mul3A_593 = arith.mulf %add3A_587, %mul3A_592 : vector<16xf32>
      %select_n3A_594 = arith.select %gt3A_590, %add3A_587, %mul3A_593 : vector<16xi1>, vector<16xf32>
      %exp3A_595 = math.exp %select_n3A_594 : vector<16xf32>
      %broadcast_in_dim3A_596 = arith.constant 128 : i32
      %broadcast_in_dim3A_597 = vector.broadcast %broadcast_in_dim3A_596 : i32 to vector<16xi32>
      tpu.vector_store_idx %arg24[%add3A_580, %broadcast_in_dim3A_597], %exp3A_595 : memref<80x144xf32, #tpu.memory_space<vmem>>[vector<16xi32>, vector<16xi32>], vector<16xf32>,
      %broadcast_in_dim3A_598 = arith.constant 1 : i32
      %broadcast_in_dim3A_599 = vector.broadcast %broadcast_in_dim3A_598 : i32 to vector<16xi32>
      %gather3A_600 = tpu.vector_load_idx %arg19[%add3A_580, %broadcast_in_dim3A_599] : memref<80x16xf32, #tpu.memory_space<vmem>>[vector<16xi32>, vector<16xi32>], vector<16xf32>,
      %broadcast_in_dim3A_601 = arith.constant 3 : i32
      %broadcast_in_dim3A_602 = vector.broadcast %broadcast_in_dim3A_601 : i32 to vector<16xi32>
      %gather3A_603 = tpu.vector_load_idx %arg21[%add3A_580, %broadcast_in_dim3A_602] : memref<80x16xf32, #tpu.memory_space<vmem>>[vector<16xi32>, vector<16xi32>], vector<16xf32>,
      %add3A_604 = arith.addf %gather3A_600, %gather3A_603 : vector<16xf32>
      %gt3A_605 = arith.constant 0.000000e+00 : f32
      %gt3A_606 = vector.broadcast %gt3A_605 : f32 to vector<16xf32>
      %gt3A_607 = arith.cmpf ogt, %add3A_604, %gt3A_606 : vector<16xf32>
      %mul3A_608 = arith.constant 2.000000e-01 : f32
      %mul3A_609 = vector.broadcast %mul3A_608 : f32 to vector<16xf32>
      %mul3A_610 = arith.mulf %add3A_604, %mul3A_609 : vector<16xf32>
      %select_n3A_611 = arith.select %gt3A_607, %add3A_604, %mul3A_610 : vector<16xi1>, vector<16xf32>
      %exp3A_612 = math.exp %select_n3A_611 : vector<16xf32>
      %broadcast_in_dim3A_613 = arith.constant 129 : i32
      %broadcast_in_dim3A_614 = vector.broadcast %broadcast_in_dim3A_613 : i32 to vector<16xi32>
      tpu.vector_store_idx %arg24[%add3A_580, %broadcast_in_dim3A_614], %exp3A_612 : memref<80x144xf32, #tpu.memory_space<vmem>>[vector<16xi32>, vector<16xi32>], vector<16xf32>,
      %add3A_615 = arith.constant 16 : i32
      %add3A_616 = vector.broadcast %add3A_615 : i32 to vector<16xi32>
      %add3A_617 = arith.addi %iota3A, %add3A_616 : vector<16xi32>
      %broadcast_in_dim3A_618 = arith.constant 0 : i32
      %broadcast_in_dim3A_619 = vector.broadcast %broadcast_in_dim3A_618 : i32 to vector<16xi32>
      %gather3A_620 = tpu.vector_load_idx %arg19[%add3A_617, %broadcast_in_dim3A_619] : memref<80x16xf32, #tpu.memory_space<vmem>>[vector<16xi32>, vector<16xi32>], vector<16xf32>,
      %broadcast_in_dim3A_621 = arith.constant 2 : i32
      %broadcast_in_dim3A_622 = vector.broadcast %broadcast_in_dim3A_621 : i32 to vector<16xi32>
      %gather3A_623 = tpu.vector_load_idx %arg21[%add3A_617, %broadcast_in_dim3A_622] : memref<80x16xf32, #tpu.memory_space<vmem>>[vector<16xi32>, vector<16xi32>], vector<16xf32>,
      %add3A_624 = arith.addf %gather3A_620, %gather3A_623 : vector<16xf32>
      %gt3A_625 = arith.constant 0.000000e+00 : f32
      %gt3A_626 = vector.broadcast %gt3A_625 : f32 to vector<16xf32>
      %gt3A_627 = arith.cmpf ogt, %add3A_624, %gt3A_626 : vector<16xf32>
      %mul3A_628 = arith.constant 2.000000e-01 : f32
      %mul3A_629 = vector.broadcast %mul3A_628 : f32 to vector<16xf32>
      %mul3A_630 = arith.mulf %add3A_624, %mul3A_629 : vector<16xf32>
      %select_n3A_631 = arith.select %gt3A_627, %add3A_624, %mul3A_630 : vector<16xi1>, vector<16xf32>
      %exp3A_632 = math.exp %select_n3A_631 : vector<16xf32>
      %broadcast_in_dim3A_633 = arith.constant 128 : i32
      %broadcast_in_dim3A_634 = vector.broadcast %broadcast_in_dim3A_633 : i32 to vector<16xi32>
      tpu.vector_store_idx %arg24[%add3A_617, %broadcast_in_dim3A_634], %exp3A_632 : memref<80x144xf32, #tpu.memory_space<vmem>>[vector<16xi32>, vector<16xi32>], vector<16xf32>,
      %broadcast_in_dim3A_635 = arith.constant 1 : i32
      %broadcast_in_dim3A_636 = vector.broadcast %broadcast_in_dim3A_635 : i32 to vector<16xi32>
      %gather3A_637 = tpu.vector_load_idx %arg19[%add3A_617, %broadcast_in_dim3A_636] : memref<80x16xf32, #tpu.memory_space<vmem>>[vector<16xi32>, vector<16xi32>], vector<16xf32>,
      %broadcast_in_dim3A_638 = arith.constant 3 : i32
      %broadcast_in_dim3A_639 = vector.broadcast %broadcast_in_dim3A_638 : i32 to vector<16xi32>
      %gather3A_640 = tpu.vector_load_idx %arg21[%add3A_617, %broadcast_in_dim3A_639] : memref<80x16xf32, #tpu.memory_space<vmem>>[vector<16xi32>, vector<16xi32>], vector<16xf32>,
      %add3A_641 = arith.addf %gather3A_637, %gather3A_640 : vector<16xf32>
      %gt3A_642 = arith.constant 0.000000e+00 : f32
      %gt3A_643 = vector.broadcast %gt3A_642 : f32 to vector<16xf32>
      %gt3A_644 = arith.cmpf ogt, %add3A_641, %gt3A_643 : vector<16xf32>
      %mul3A_645 = arith.constant 2.000000e-01 : f32
      %mul3A_646 = vector.broadcast %mul3A_645 : f32 to vector<16xf32>
      %mul3A_647 = arith.mulf %add3A_641, %mul3A_646 : vector<16xf32>
      %select_n3A_648 = arith.select %gt3A_644, %add3A_641, %mul3A_647 : vector<16xi1>, vector<16xf32>
      %exp3A_649 = math.exp %select_n3A_648 : vector<16xf32>
      %broadcast_in_dim3A_650 = arith.constant 129 : i32
      %broadcast_in_dim3A_651 = vector.broadcast %broadcast_in_dim3A_650 : i32 to vector<16xi32>
      tpu.vector_store_idx %arg24[%add3A_617, %broadcast_in_dim3A_651], %exp3A_649 : memref<80x144xf32, #tpu.memory_space<vmem>>[vector<16xi32>, vector<16xi32>], vector<16xf32>,
      %add3A_652 = arith.constant 32 : i32
      %add3A_653 = vector.broadcast %add3A_652 : i32 to vector<16xi32>
      %add3A_654 = arith.addi %iota3A, %add3A_653 : vector<16xi32>
      %broadcast_in_dim3A_655 = arith.constant 0 : i32
      %broadcast_in_dim3A_656 = vector.broadcast %broadcast_in_dim3A_655 : i32 to vector<16xi32>
      %gather3A_657 = tpu.vector_load_idx %arg19[%add3A_654, %broadcast_in_dim3A_656] : memref<80x16xf32, #tpu.memory_space<vmem>>[vector<16xi32>, vector<16xi32>], vector<16xf32>,
      %broadcast_in_dim3A_658 = arith.constant 2 : i32
      %broadcast_in_dim3A_659 = vector.broadcast %broadcast_in_dim3A_658 : i32 to vector<16xi32>
      %gather3A_660 = tpu.vector_load_idx %arg21[%add3A_654, %broadcast_in_dim3A_659] : memref<80x16xf32, #tpu.memory_space<vmem>>[vector<16xi32>, vector<16xi32>], vector<16xf32>,
      %add3A_661 = arith.addf %gather3A_657, %gather3A_660 : vector<16xf32>
      %gt3A_662 = arith.constant 0.000000e+00 : f32
      %gt3A_663 = vector.broadcast %gt3A_662 : f32 to vector<16xf32>
      %gt3A_664 = arith.cmpf ogt, %add3A_661, %gt3A_663 : vector<16xf32>
      %mul3A_665 = arith.constant 2.000000e-01 : f32
      %mul3A_666 = vector.broadcast %mul3A_665 : f32 to vector<16xf32>
      %mul3A_667 = arith.mulf %add3A_661, %mul3A_666 : vector<16xf32>
      %select_n3A_668 = arith.select %gt3A_664, %add3A_661, %mul3A_667 : vector<16xi1>, vector<16xf32>
      %exp3A_669 = math.exp %select_n3A_668 : vector<16xf32>
      %broadcast_in_dim3A_670 = arith.constant 128 : i32
      %broadcast_in_dim3A_671 = vector.broadcast %broadcast_in_dim3A_670 : i32 to vector<16xi32>
      tpu.vector_store_idx %arg24[%add3A_654, %broadcast_in_dim3A_671], %exp3A_669 : memref<80x144xf32, #tpu.memory_space<vmem>>[vector<16xi32>, vector<16xi32>], vector<16xf32>,
      %broadcast_in_dim3A_672 = arith.constant 1 : i32
      %broadcast_in_dim3A_673 = vector.broadcast %broadcast_in_dim3A_672 : i32 to vector<16xi32>
      %gather3A_674 = tpu.vector_load_idx %arg19[%add3A_654, %broadcast_in_dim3A_673] : memref<80x16xf32, #tpu.memory_space<vmem>>[vector<16xi32>, vector<16xi32>], vector<16xf32>,
      %broadcast_in_dim3A_675 = arith.constant 3 : i32
      %broadcast_in_dim3A_676 = vector.broadcast %broadcast_in_dim3A_675 : i32 to vector<16xi32>
      %gather3A_677 = tpu.vector_load_idx %arg21[%add3A_654, %broadcast_in_dim3A_676] : memref<80x16xf32, #tpu.memory_space<vmem>>[vector<16xi32>, vector<16xi32>], vector<16xf32>,
      %add3A_678 = arith.addf %gather3A_674, %gather3A_677 : vector<16xf32>
      %gt3A_679 = arith.constant 0.000000e+00 : f32
      %gt3A_680 = vector.broadcast %gt3A_679 : f32 to vector<16xf32>
      %gt3A_681 = arith.cmpf ogt, %add3A_678, %gt3A_680 : vector<16xf32>
      %mul3A_682 = arith.constant 2.000000e-01 : f32
      %mul3A_683 = vector.broadcast %mul3A_682 : f32 to vector<16xf32>
      %mul3A_684 = arith.mulf %add3A_678, %mul3A_683 : vector<16xf32>
      %select_n3A_685 = arith.select %gt3A_681, %add3A_678, %mul3A_684 : vector<16xi1>, vector<16xf32>
      %exp3A_686 = math.exp %select_n3A_685 : vector<16xf32>
      %broadcast_in_dim3A_687 = arith.constant 129 : i32
      %broadcast_in_dim3A_688 = vector.broadcast %broadcast_in_dim3A_687 : i32 to vector<16xi32>
      tpu.vector_store_idx %arg24[%add3A_654, %broadcast_in_dim3A_688], %exp3A_686 : memref<80x144xf32, #tpu.memory_space<vmem>>[vector<16xi32>, vector<16xi32>], vector<16xf32>,
      %add3A_689 = arith.constant 48 : i32
      %add3A_690 = vector.broadcast %add3A_689 : i32 to vector<16xi32>
      %add3A_691 = arith.addi %iota3A, %add3A_690 : vector<16xi32>
      %broadcast_in_dim3A_692 = arith.constant 0 : i32
      %broadcast_in_dim3A_693 = vector.broadcast %broadcast_in_dim3A_692 : i32 to vector<16xi32>
      %gather3A_694 = tpu.vector_load_idx %arg19[%add3A_691, %broadcast_in_dim3A_693] : memref<80x16xf32, #tpu.memory_space<vmem>>[vector<16xi32>, vector<16xi32>], vector<16xf32>,
      %broadcast_in_dim3A_695 = arith.constant 2 : i32
      %broadcast_in_dim3A_696 = vector.broadcast %broadcast_in_dim3A_695 : i32 to vector<16xi32>
      %gather3A_697 = tpu.vector_load_idx %arg21[%add3A_691, %broadcast_in_dim3A_696] : memref<80x16xf32, #tpu.memory_space<vmem>>[vector<16xi32>, vector<16xi32>], vector<16xf32>,
      %add3A_698 = arith.addf %gather3A_694, %gather3A_697 : vector<16xf32>
      %gt3A_699 = arith.constant 0.000000e+00 : f32
      %gt3A_700 = vector.broadcast %gt3A_699 : f32 to vector<16xf32>
      %gt3A_701 = arith.cmpf ogt, %add3A_698, %gt3A_700 : vector<16xf32>
      %mul3A_702 = arith.constant 2.000000e-01 : f32
      %mul3A_703 = vector.broadcast %mul3A_702 : f32 to vector<16xf32>
      %mul3A_704 = arith.mulf %add3A_698, %mul3A_703 : vector<16xf32>
      %select_n3A_705 = arith.select %gt3A_701, %add3A_698, %mul3A_704 : vector<16xi1>, vector<16xf32>
      %exp3A_706 = math.exp %select_n3A_705 : vector<16xf32>
      %broadcast_in_dim3A_707 = arith.constant 128 : i32
      %broadcast_in_dim3A_708 = vector.broadcast %broadcast_in_dim3A_707 : i32 to vector<16xi32>
      tpu.vector_store_idx %arg24[%add3A_691, %broadcast_in_dim3A_708], %exp3A_706 : memref<80x144xf32, #tpu.memory_space<vmem>>[vector<16xi32>, vector<16xi32>], vector<16xf32>,
      %broadcast_in_dim3A_709 = arith.constant 1 : i32
      %broadcast_in_dim3A_710 = vector.broadcast %broadcast_in_dim3A_709 : i32 to vector<16xi32>
      %gather3A_711 = tpu.vector_load_idx %arg19[%add3A_691, %broadcast_in_dim3A_710] : memref<80x16xf32, #tpu.memory_space<vmem>>[vector<16xi32>, vector<16xi32>], vector<16xf32>,
      %broadcast_in_dim3A_712 = arith.constant 3 : i32
      %broadcast_in_dim3A_713 = vector.broadcast %broadcast_in_dim3A_712 : i32 to vector<16xi32>
      %gather3A_714 = tpu.vector_load_idx %arg21[%add3A_691, %broadcast_in_dim3A_713] : memref<80x16xf32, #tpu.memory_space<vmem>>[vector<16xi32>, vector<16xi32>], vector<16xf32>,
      %add3A_715 = arith.addf %gather3A_711, %gather3A_714 : vector<16xf32>
      %gt3A_716 = arith.constant 0.000000e+00 : f32
      %gt3A_717 = vector.broadcast %gt3A_716 : f32 to vector<16xf32>
      %gt3A_718 = arith.cmpf ogt, %add3A_715, %gt3A_717 : vector<16xf32>
      %mul3A_719 = arith.constant 2.000000e-01 : f32
      %mul3A_720 = vector.broadcast %mul3A_719 : f32 to vector<16xf32>
      %mul3A_721 = arith.mulf %add3A_715, %mul3A_720 : vector<16xf32>
      %select_n3A_722 = arith.select %gt3A_718, %add3A_715, %mul3A_721 : vector<16xi1>, vector<16xf32>
      %exp3A_723 = math.exp %select_n3A_722 : vector<16xf32>
      %broadcast_in_dim3A_724 = arith.constant 129 : i32
      %broadcast_in_dim3A_725 = vector.broadcast %broadcast_in_dim3A_724 : i32 to vector<16xi32>
      tpu.vector_store_idx %arg24[%add3A_691, %broadcast_in_dim3A_725], %exp3A_723 : memref<80x144xf32, #tpu.memory_space<vmem>>[vector<16xi32>, vector<16xi32>], vector<16xf32>,
      %add3A_726 = arith.constant 64 : i32
      %add3A_727 = vector.broadcast %add3A_726 : i32 to vector<16xi32>
      %add3A_728 = arith.addi %iota3A, %add3A_727 : vector<16xi32>
      %broadcast_in_dim3A_729 = arith.constant 0 : i32
      %broadcast_in_dim3A_730 = vector.broadcast %broadcast_in_dim3A_729 : i32 to vector<16xi32>
      %gather3A_731 = tpu.vector_load_idx %arg19[%add3A_728, %broadcast_in_dim3A_730] : memref<80x16xf32, #tpu.memory_space<vmem>>[vector<16xi32>, vector<16xi32>], vector<16xf32>,
      %broadcast_in_dim3A_732 = arith.constant 2 : i32
      %broadcast_in_dim3A_733 = vector.broadcast %broadcast_in_dim3A_732 : i32 to vector<16xi32>
      %gather3A_734 = tpu.vector_load_idx %arg21[%add3A_728, %broadcast_in_dim3A_733] : memref<80x16xf32, #tpu.memory_space<vmem>>[vector<16xi32>, vector<16xi32>], vector<16xf32>,
      %add3A_735 = arith.addf %gather3A_731, %gather3A_734 : vector<16xf32>
      %gt3A_736 = arith.constant 0.000000e+00 : f32
      %gt3A_737 = vector.broadcast %gt3A_736 : f32 to vector<16xf32>
      %gt3A_738 = arith.cmpf ogt, %add3A_735, %gt3A_737 : vector<16xf32>
      %mul3A_739 = arith.constant 2.000000e-01 : f32
      %mul3A_740 = vector.broadcast %mul3A_739 : f32 to vector<16xf32>
      %mul3A_741 = arith.mulf %add3A_735, %mul3A_740 : vector<16xf32>
      %select_n3A_742 = arith.select %gt3A_738, %add3A_735, %mul3A_741 : vector<16xi1>, vector<16xf32>
      %exp3A_743 = math.exp %select_n3A_742 : vector<16xf32>
      %broadcast_in_dim3A_744 = arith.constant 128 : i32
      %broadcast_in_dim3A_745 = vector.broadcast %broadcast_in_dim3A_744 : i32 to vector<16xi32>
      tpu.vector_store_idx %arg24[%add3A_728, %broadcast_in_dim3A_745], %exp3A_743 : memref<80x144xf32, #tpu.memory_space<vmem>>[vector<16xi32>, vector<16xi32>], vector<16xf32>,
      %broadcast_in_dim3A_746 = arith.constant 1 : i32
      %broadcast_in_dim3A_747 = vector.broadcast %broadcast_in_dim3A_746 : i32 to vector<16xi32>
      %gather3A_748 = tpu.vector_load_idx %arg19[%add3A_728, %broadcast_in_dim3A_747] : memref<80x16xf32, #tpu.memory_space<vmem>>[vector<16xi32>, vector<16xi32>], vector<16xf32>,
      %broadcast_in_dim3A_749 = arith.constant 3 : i32
      %broadcast_in_dim3A_750 = vector.broadcast %broadcast_in_dim3A_749 : i32 to vector<16xi32>
      %gather3A_751 = tpu.vector_load_idx %arg21[%add3A_728, %broadcast_in_dim3A_750] : memref<80x16xf32, #tpu.memory_space<vmem>>[vector<16xi32>, vector<16xi32>], vector<16xf32>,
      %add3A_752 = arith.addf %gather3A_748, %gather3A_751 : vector<16xf32>
      %gt3A_753 = arith.constant 0.000000e+00 : f32
      %gt3A_754 = vector.broadcast %gt3A_753 : f32 to vector<16xf32>
      %gt3A_755 = arith.cmpf ogt, %add3A_752, %gt3A_754 : vector<16xf32>
      %mul3A_756 = arith.constant 2.000000e-01 : f32
      %mul3A_757 = vector.broadcast %mul3A_756 : f32 to vector<16xf32>
      %mul3A_758 = arith.mulf %add3A_752, %mul3A_757 : vector<16xf32>
      %select_n3A_759 = arith.select %gt3A_755, %add3A_752, %mul3A_758 : vector<16xi1>, vector<16xf32>
      %exp3A_760 = math.exp %select_n3A_759 : vector<16xf32>
      %broadcast_in_dim3A_761 = arith.constant 129 : i32
      %broadcast_in_dim3A_762 = vector.broadcast %broadcast_in_dim3A_761 : i32 to vector<16xi32>
      tpu.vector_store_idx %arg24[%add3A_728, %broadcast_in_dim3A_762], %exp3A_760 : memref<80x144xf32, #tpu.memory_space<vmem>>[vector<16xi32>, vector<16xi32>], vector<16xf32>,
      %dma_wait3A_763 = arith.constant 0 : i32
      %dma_wait3A_764 = arith.constant 0 : i32
      %dma_wait3A_765 = tpu.memref_slice %arg3[%dma_wait3A_763, %dma_wait3A_764] : memref<20000x128xf32, #tpu.memory_space<hbm>> -> memref<20000x128xf32, #tpu.memory_space<hbm>>
      tpu.wait_indirect_dma semaphore(%arg33 : memref<!tpu.dma_semaphore, #tpu.memory_space<semaphore_mem>>) src(%dma_wait3A_765 : memref<20000x128xf32, #tpu.memory_space<hbm>>) dst(%arg23 : memref<80x128xf32, #tpu.memory_space<vmem>>)
      %scan3A_766 = arith.constant 0 : i32
      %scan3A_767 = arith.constant 80 : i32
      %scan3A_768 = arith.addi %scan3A_766, %scan3A_767 : i32
      %scan3A_769 = arith.constant 1 : i32
      scf.for %scan3A_1620 = %scan3A_766 to %scan3A_768 step %scan3A_769  : i32 {
        %mul3A_1621 = arith.constant 1 : i32
        %mul3A_1622 = arith.muli %scan3A_1620, %mul3A_1621 : i32
        %add3A_1623 = arith.constant 0 : i32
        %add3A_1624 = arith.addi %add3A_1623, %mul3A_1622 : i32
        %get3A_1625 = arith.index_cast %add3A_1624 : i32 to index
        %get3A_1626 = arith.constant 128 : index
        %get3A_1627 = tpu.vector_load %arg24[%get3A_1625, %get3A_1626] {strides = array<i32>} : memref<80x144xf32, #tpu.memory_space<vmem>>, vector<16xf32>,
        %slice3A = vector.extract_strided_slice %get3A_1627 {offsets = [0], sizes = [1], strides = [1]} : vector<16xf32> to vector<1xf32>
        %squeeze3A = vector.extract %slice3A[0] : f32 from vector<1xf32>
        %slice3A_1628 = vector.extract_strided_slice %get3A_1627 {offsets = [1], sizes = [1], strides = [1]} : vector<16xf32> to vector<1xf32>
        %squeeze3A_1629 = vector.extract %slice3A_1628[0] : f32 from vector<1xf32>
        %get3A_1630 = arith.index_cast %add3A_1624 : i32 to index
        %get3A_1631 = arith.constant 0 : index
        %get3A_1632 = tpu.vector_load %arg23[%get3A_1630, %get3A_1631] {strides = array<i32>} : memref<80x128xf32, #tpu.memory_space<vmem>>, vector<16xf32>,
        %mul3A_1633 = vector.broadcast %squeeze3A : f32 to vector<16xf32>
        %mul3A_1634 = arith.mulf %get3A_1632, %mul3A_1633 : vector<16xf32>
        %swap3A_1635 = arith.index_cast %add3A_1624 : i32 to index
        %swap3A_1636 = arith.constant 0 : index
        %swap3A_1637 = tpu.vector_load %arg24[%swap3A_1635, %swap3A_1636] {strides = array<i32>} : memref<80x144xf32, #tpu.memory_space<vmem>>, vector<16xf32>,
        tpu.vector_store %arg24[%swap3A_1635, %swap3A_1636], %mul3A_1634 {strides = array<i32>} : memref<80x144xf32, #tpu.memory_space<vmem>>, vector<16xf32>,
        %get3A_1638 = arith.index_cast %add3A_1624 : i32 to index
        %get3A_1639 = arith.constant 16 : index
        %get3A_1640 = tpu.vector_load %arg23[%get3A_1638, %get3A_1639] {strides = array<i32>} : memref<80x128xf32, #tpu.memory_space<vmem>>, vector<16xf32>,
        %mul3A_1641 = vector.broadcast %squeeze3A : f32 to vector<16xf32>
        %mul3A_1642 = arith.mulf %get3A_1640, %mul3A_1641 : vector<16xf32>
        %swap3A_1643 = arith.index_cast %add3A_1624 : i32 to index
        %swap3A_1644 = arith.constant 16 : index
        %swap3A_1645 = tpu.vector_load %arg24[%swap3A_1643, %swap3A_1644] {strides = array<i32>} : memref<80x144xf32, #tpu.memory_space<vmem>>, vector<16xf32>,
        tpu.vector_store %arg24[%swap3A_1643, %swap3A_1644], %mul3A_1642 {strides = array<i32>} : memref<80x144xf32, #tpu.memory_space<vmem>>, vector<16xf32>,
        %get3A_1646 = arith.index_cast %add3A_1624 : i32 to index
        %get3A_1647 = arith.constant 32 : index
        %get3A_1648 = tpu.vector_load %arg23[%get3A_1646, %get3A_1647] {strides = array<i32>} : memref<80x128xf32, #tpu.memory_space<vmem>>, vector<16xf32>,
        %mul3A_1649 = vector.broadcast %squeeze3A : f32 to vector<16xf32>
        %mul3A_1650 = arith.mulf %get3A_1648, %mul3A_1649 : vector<16xf32>
        %swap3A_1651 = arith.index_cast %add3A_1624 : i32 to index
        %swap3A_1652 = arith.constant 32 : index
        %swap3A_1653 = tpu.vector_load %arg24[%swap3A_1651, %swap3A_1652] {strides = array<i32>} : memref<80x144xf32, #tpu.memory_space<vmem>>, vector<16xf32>,
        tpu.vector_store %arg24[%swap3A_1651, %swap3A_1652], %mul3A_1650 {strides = array<i32>} : memref<80x144xf32, #tpu.memory_space<vmem>>, vector<16xf32>,
        %get3A_1654 = arith.index_cast %add3A_1624 : i32 to index
        %get3A_1655 = arith.constant 48 : index
        %get3A_1656 = tpu.vector_load %arg23[%get3A_1654, %get3A_1655] {strides = array<i32>} : memref<80x128xf32, #tpu.memory_space<vmem>>, vector<16xf32>,
        %mul3A_1657 = vector.broadcast %squeeze3A : f32 to vector<16xf32>
        %mul3A_1658 = arith.mulf %get3A_1656, %mul3A_1657 : vector<16xf32>
        %swap3A_1659 = arith.index_cast %add3A_1624 : i32 to index
        %swap3A_1660 = arith.constant 48 : index
        %swap3A_1661 = tpu.vector_load %arg24[%swap3A_1659, %swap3A_1660] {strides = array<i32>} : memref<80x144xf32, #tpu.memory_space<vmem>>, vector<16xf32>,
        tpu.vector_store %arg24[%swap3A_1659, %swap3A_1660], %mul3A_1658 {strides = array<i32>} : memref<80x144xf32, #tpu.memory_space<vmem>>, vector<16xf32>,
        %get3A_1662 = arith.index_cast %add3A_1624 : i32 to index
        %get3A_1663 = arith.constant 64 : index
        %get3A_1664 = tpu.vector_load %arg23[%get3A_1662, %get3A_1663] {strides = array<i32>} : memref<80x128xf32, #tpu.memory_space<vmem>>, vector<16xf32>,
        %mul3A_1665 = vector.broadcast %squeeze3A_1629 : f32 to vector<16xf32>
        %mul3A_1666 = arith.mulf %get3A_1664, %mul3A_1665 : vector<16xf32>
        %swap3A_1667 = arith.index_cast %add3A_1624 : i32 to index
        %swap3A_1668 = arith.constant 64 : index
        %swap3A_1669 = tpu.vector_load %arg24[%swap3A_1667, %swap3A_1668] {strides = array<i32>} : memref<80x144xf32, #tpu.memory_space<vmem>>, vector<16xf32>,
        tpu.vector_store %arg24[%swap3A_1667, %swap3A_1668], %mul3A_1666 {strides = array<i32>} : memref<80x144xf32, #tpu.memory_space<vmem>>, vector<16xf32>,
        %get3A_1670 = arith.index_cast %add3A_1624 : i32 to index
        %get3A_1671 = arith.constant 80 : index
        %get3A_1672 = tpu.vector_load %arg23[%get3A_1670, %get3A_1671] {strides = array<i32>} : memref<80x128xf32, #tpu.memory_space<vmem>>, vector<16xf32>,
        %mul3A_1673 = vector.broadcast %squeeze3A_1629 : f32 to vector<16xf32>
        %mul3A_1674 = arith.mulf %get3A_1672, %mul3A_1673 : vector<16xf32>
        %swap3A_1675 = arith.index_cast %add3A_1624 : i32 to index
        %swap3A_1676 = arith.constant 80 : index
        %swap3A_1677 = tpu.vector_load %arg24[%swap3A_1675, %swap3A_1676] {strides = array<i32>} : memref<80x144xf32, #tpu.memory_space<vmem>>, vector<16xf32>,
        tpu.vector_store %arg24[%swap3A_1675, %swap3A_1676], %mul3A_1674 {strides = array<i32>} : memref<80x144xf32, #tpu.memory_space<vmem>>, vector<16xf32>,
        %get3A_1678 = arith.index_cast %add3A_1624 : i32 to index
        %get3A_1679 = arith.constant 96 : index
        %get3A_1680 = tpu.vector_load %arg23[%get3A_1678, %get3A_1679] {strides = array<i32>} : memref<80x128xf32, #tpu.memory_space<vmem>>, vector<16xf32>,
        %mul3A_1681 = vector.broadcast %squeeze3A_1629 : f32 to vector<16xf32>
        %mul3A_1682 = arith.mulf %get3A_1680, %mul3A_1681 : vector<16xf32>
        %swap3A_1683 = arith.index_cast %add3A_1624 : i32 to index
        %swap3A_1684 = arith.constant 96 : index
        %swap3A_1685 = tpu.vector_load %arg24[%swap3A_1683, %swap3A_1684] {strides = array<i32>} : memref<80x144xf32, #tpu.memory_space<vmem>>, vector<16xf32>,
        tpu.vector_store %arg24[%swap3A_1683, %swap3A_1684], %mul3A_1682 {strides = array<i32>} : memref<80x144xf32, #tpu.memory_space<vmem>>, vector<16xf32>,
        %get3A_1686 = arith.index_cast %add3A_1624 : i32 to index
        %get3A_1687 = arith.constant 112 : index
        %get3A_1688 = tpu.vector_load %arg23[%get3A_1686, %get3A_1687] {strides = array<i32>} : memref<80x128xf32, #tpu.memory_space<vmem>>, vector<16xf32>,
        %mul3A_1689 = vector.broadcast %squeeze3A_1629 : f32 to vector<16xf32>
        %mul3A_1690 = arith.mulf %get3A_1688, %mul3A_1689 : vector<16xf32>
        %swap3A_1691 = arith.index_cast %add3A_1624 : i32 to index
        %swap3A_1692 = arith.constant 112 : index
        %swap3A_1693 = tpu.vector_load %arg24[%swap3A_1691, %swap3A_1692] {strides = array<i32>} : memref<80x144xf32, #tpu.memory_space<vmem>>, vector<16xf32>,
        tpu.vector_store %arg24[%swap3A_1691, %swap3A_1692], %mul3A_1690 {strides = array<i32>} : memref<80x144xf32, #tpu.memory_space<vmem>>, vector<16xf32>,
      }
      %scan3A_770 = arith.constant 80 : i32
      %dma_start3A_771 = arith.constant 0 : i32
      %dma_start3A_772 = arith.constant 0 : i32
      %dma_start3A_773 = tpu.memref_slice %arg27[%dma_start3A_771, %dma_start3A_772] : memref<10000x144xf32, #tpu.memory_space<vmem_shared>> -> memref<10000x144xf32, #tpu.memory_space<vmem_shared>>
      tpu.enqueue_indirect_dma source(%arg24 : memref<80x144xf32, #tpu.memory_space<vmem>>) target(%dma_start3A_773 : memref<10000x144xf32, #tpu.memory_space<vmem_shared>>) offsets(%arg17 : memref<80xi32, #tpu.memory_space<vmem>>) semaphore(%arg34 : memref<!tpu.dma_semaphore, #tpu.memory_space<semaphore_mem>>) {add = true}
      %dma_wait3A_774 = arith.constant 0 : i32
      %dma_wait3A_775 = arith.constant 0 : i32
      %dma_wait3A_776 = tpu.memref_slice %arg27[%dma_wait3A_774, %dma_wait3A_775] : memref<10000x144xf32, #tpu.memory_space<vmem_shared>> -> memref<10000x144xf32, #tpu.memory_space<vmem_shared>>
      tpu.wait_indirect_dma semaphore(%arg34 : memref<!tpu.dma_semaphore, #tpu.memory_space<semaphore_mem>>) src(%arg24 : memref<80x144xf32, #tpu.memory_space<vmem>>) dst(%dma_wait3A_776 : memref<10000x144xf32, #tpu.memory_space<vmem_shared>>)
      %get3A_777 = arith.constant 240 : index
      %get3A_778 = tpu.vector_load %arg8[%get3A_777] {strides = array<i32>} : memref<400xi32, #tpu.memory_space<vmem>>, vector<16xi32>,
      %get3A_779 = arith.constant 240 : index
      %get3A_780 = tpu.vector_load %arg9[%get3A_779] {strides = array<i32>} : memref<400xi32, #tpu.memory_space<vmem>>, vector<16xi32>,
      %add3A_781 = vector.broadcast %mul3A_14 : i32 to vector<16xi32>
      %add3A_782 = arith.addi %get3A_778, %add3A_781 : vector<16xi32>
      %swap3A_783 = arith.constant 0 : index
      %swap3A_784 = tpu.vector_load %arg11[%swap3A_783] {strides = array<i32>} : memref<80xi32, #tpu.memory_space<vmem>>, vector<16xi32>,
      tpu.vector_store %arg11[%swap3A_783], %add3A_782 {strides = array<i32>} : memref<80xi32, #tpu.memory_space<vmem>>, vector<16xi32>,
      %add3A_785 = vector.broadcast %mul3A_14 : i32 to vector<16xi32>
      %add3A_786 = arith.addi %get3A_780, %add3A_785 : vector<16xi32>
      %swap3A_787 = arith.constant 0 : index
      %swap3A_788 = tpu.vector_load %arg13[%swap3A_787] {strides = array<i32>} : memref<80xi32, #tpu.memory_space<vmem>>, vector<16xi32>,
      tpu.vector_store %arg13[%swap3A_787], %add3A_786 {strides = array<i32>} : memref<80xi32, #tpu.memory_space<vmem>>, vector<16xi32>,
      %mul3A_789 = arith.constant 2 : i32
      %mul3A_790 = vector.broadcast %mul3A_789 : i32 to vector<16xi32>
      %mul3A_791 = arith.muli %get3A_778, %mul3A_790 : vector<16xi32>
      %add3A_792 = vector.broadcast %arg0 : i32 to vector<16xi32>
      %add3A_793 = arith.addi %mul3A_791, %add3A_792 : vector<16xi32>
      %swap3A_794 = arith.constant 0 : index
      %swap3A_795 = tpu.vector_load %arg15[%swap3A_794] {strides = array<i32>} : memref<80xi32, #tpu.memory_space<vmem>>, vector<16xi32>,
      tpu.vector_store %arg15[%swap3A_794], %add3A_793 {strides = array<i32>} : memref<80xi32, #tpu.memory_space<vmem>>, vector<16xi32>,
      %swap3A_796 = arith.constant 0 : index
      %swap3A_797 = tpu.vector_load %arg17[%swap3A_796] {strides = array<i32>} : memref<80xi32, #tpu.memory_space<vmem>>, vector<16xi32>,
      tpu.vector_store %arg17[%swap3A_796], %get3A_780 {strides = array<i32>} : memref<80xi32, #tpu.memory_space<vmem>>, vector<16xi32>,
      %get3A_798 = arith.constant 256 : index
      %get3A_799 = tpu.vector_load %arg8[%get3A_798] {strides = array<i32>} : memref<400xi32, #tpu.memory_space<vmem>>, vector<16xi32>,
      %get3A_800 = arith.constant 256 : index
      %get3A_801 = tpu.vector_load %arg9[%get3A_800] {strides = array<i32>} : memref<400xi32, #tpu.memory_space<vmem>>, vector<16xi32>,
      %add3A_802 = vector.broadcast %mul3A_14 : i32 to vector<16xi32>
      %add3A_803 = arith.addi %get3A_799, %add3A_802 : vector<16xi32>
      %swap3A_804 = arith.constant 16 : index
      %swap3A_805 = tpu.vector_load %arg11[%swap3A_804] {strides = array<i32>} : memref<80xi32, #tpu.memory_space<vmem>>, vector<16xi32>,
      tpu.vector_store %arg11[%swap3A_804], %add3A_803 {strides = array<i32>} : memref<80xi32, #tpu.memory_space<vmem>>, vector<16xi32>,
      %add3A_806 = vector.broadcast %mul3A_14 : i32 to vector<16xi32>
      %add3A_807 = arith.addi %get3A_801, %add3A_806 : vector<16xi32>
      %swap3A_808 = arith.constant 16 : index
      %swap3A_809 = tpu.vector_load %arg13[%swap3A_808] {strides = array<i32>} : memref<80xi32, #tpu.memory_space<vmem>>, vector<16xi32>,
      tpu.vector_store %arg13[%swap3A_808], %add3A_807 {strides = array<i32>} : memref<80xi32, #tpu.memory_space<vmem>>, vector<16xi32>,
      %mul3A_810 = arith.constant 2 : i32
      %mul3A_811 = vector.broadcast %mul3A_810 : i32 to vector<16xi32>
      %mul3A_812 = arith.muli %get3A_799, %mul3A_811 : vector<16xi32>
      %add3A_813 = vector.broadcast %arg0 : i32 to vector<16xi32>
      %add3A_814 = arith.addi %mul3A_812, %add3A_813 : vector<16xi32>
      %swap3A_815 = arith.constant 16 : index
      %swap3A_816 = tpu.vector_load %arg15[%swap3A_815] {strides = array<i32>} : memref<80xi32, #tpu.memory_space<vmem>>, vector<16xi32>,
      tpu.vector_store %arg15[%swap3A_815], %add3A_814 {strides = array<i32>} : memref<80xi32, #tpu.memory_space<vmem>>, vector<16xi32>,
      %swap3A_817 = arith.constant 16 : index
      %swap3A_818 = tpu.vector_load %arg17[%swap3A_817] {strides = array<i32>} : memref<80xi32, #tpu.memory_space<vmem>>, vector<16xi32>,
      tpu.vector_store %arg17[%swap3A_817], %get3A_801 {strides = array<i32>} : memref<80xi32, #tpu.memory_space<vmem>>, vector<16xi32>,
      %get3A_819 = arith.constant 272 : index
      %get3A_820 = tpu.vector_load %arg8[%get3A_819] {strides = array<i32>} : memref<400xi32, #tpu.memory_space<vmem>>, vector<16xi32>,
      %get3A_821 = arith.constant 272 : index
      %get3A_822 = tpu.vector_load %arg9[%get3A_821] {strides = array<i32>} : memref<400xi32, #tpu.memory_space<vmem>>, vector<16xi32>,
      %add3A_823 = vector.broadcast %mul3A_14 : i32 to vector<16xi32>
      %add3A_824 = arith.addi %get3A_820, %add3A_823 : vector<16xi32>
      %swap3A_825 = arith.constant 32 : index
      %swap3A_826 = tpu.vector_load %arg11[%swap3A_825] {strides = array<i32>} : memref<80xi32, #tpu.memory_space<vmem>>, vector<16xi32>,
      tpu.vector_store %arg11[%swap3A_825], %add3A_824 {strides = array<i32>} : memref<80xi32, #tpu.memory_space<vmem>>, vector<16xi32>,
      %add3A_827 = vector.broadcast %mul3A_14 : i32 to vector<16xi32>
      %add3A_828 = arith.addi %get3A_822, %add3A_827 : vector<16xi32>
      %swap3A_829 = arith.constant 32 : index
      %swap3A_830 = tpu.vector_load %arg13[%swap3A_829] {strides = array<i32>} : memref<80xi32, #tpu.memory_space<vmem>>, vector<16xi32>,
      tpu.vector_store %arg13[%swap3A_829], %add3A_828 {strides = array<i32>} : memref<80xi32, #tpu.memory_space<vmem>>, vector<16xi32>,
      %mul3A_831 = arith.constant 2 : i32
      %mul3A_832 = vector.broadcast %mul3A_831 : i32 to vector<16xi32>
      %mul3A_833 = arith.muli %get3A_820, %mul3A_832 : vector<16xi32>
      %add3A_834 = vector.broadcast %arg0 : i32 to vector<16xi32>
      %add3A_835 = arith.addi %mul3A_833, %add3A_834 : vector<16xi32>
      %swap3A_836 = arith.constant 32 : index
      %swap3A_837 = tpu.vector_load %arg15[%swap3A_836] {strides = array<i32>} : memref<80xi32, #tpu.memory_space<vmem>>, vector<16xi32>,
      tpu.vector_store %arg15[%swap3A_836], %add3A_835 {strides = array<i32>} : memref<80xi32, #tpu.memory_space<vmem>>, vector<16xi32>,
      %swap3A_838 = arith.constant 32 : index
      %swap3A_839 = tpu.vector_load %arg17[%swap3A_838] {strides = array<i32>} : memref<80xi32, #tpu.memory_space<vmem>>, vector<16xi32>,
      tpu.vector_store %arg17[%swap3A_838], %get3A_822 {strides = array<i32>} : memref<80xi32, #tpu.memory_space<vmem>>, vector<16xi32>,
      %get3A_840 = arith.constant 288 : index
      %get3A_841 = tpu.vector_load %arg8[%get3A_840] {strides = array<i32>} : memref<400xi32, #tpu.memory_space<vmem>>, vector<16xi32>,
      %get3A_842 = arith.constant 288 : index
      %get3A_843 = tpu.vector_load %arg9[%get3A_842] {strides = array<i32>} : memref<400xi32, #tpu.memory_space<vmem>>, vector<16xi32>,
      %add3A_844 = vector.broadcast %mul3A_14 : i32 to vector<16xi32>
      %add3A_845 = arith.addi %get3A_841, %add3A_844 : vector<16xi32>
      %swap3A_846 = arith.constant 48 : index
      %swap3A_847 = tpu.vector_load %arg11[%swap3A_846] {strides = array<i32>} : memref<80xi32, #tpu.memory_space<vmem>>, vector<16xi32>,
      tpu.vector_store %arg11[%swap3A_846], %add3A_845 {strides = array<i32>} : memref<80xi32, #tpu.memory_space<vmem>>, vector<16xi32>,
      %add3A_848 = vector.broadcast %mul3A_14 : i32 to vector<16xi32>
      %add3A_849 = arith.addi %get3A_843, %add3A_848 : vector<16xi32>
      %swap3A_850 = arith.constant 48 : index
      %swap3A_851 = tpu.vector_load %arg13[%swap3A_850] {strides = array<i32>} : memref<80xi32, #tpu.memory_space<vmem>>, vector<16xi32>,
      tpu.vector_store %arg13[%swap3A_850], %add3A_849 {strides = array<i32>} : memref<80xi32, #tpu.memory_space<vmem>>, vector<16xi32>,
      %mul3A_852 = arith.constant 2 : i32
      %mul3A_853 = vector.broadcast %mul3A_852 : i32 to vector<16xi32>
      %mul3A_854 = arith.muli %get3A_841, %mul3A_853 : vector<16xi32>
      %add3A_855 = vector.broadcast %arg0 : i32 to vector<16xi32>
      %add3A_856 = arith.addi %mul3A_854, %add3A_855 : vector<16xi32>
      %swap3A_857 = arith.constant 48 : index
      %swap3A_858 = tpu.vector_load %arg15[%swap3A_857] {strides = array<i32>} : memref<80xi32, #tpu.memory_space<vmem>>, vector<16xi32>,
      tpu.vector_store %arg15[%swap3A_857], %add3A_856 {strides = array<i32>} : memref<80xi32, #tpu.memory_space<vmem>>, vector<16xi32>,
      %swap3A_859 = arith.constant 48 : index
      %swap3A_860 = tpu.vector_load %arg17[%swap3A_859] {strides = array<i32>} : memref<80xi32, #tpu.memory_space<vmem>>, vector<16xi32>,
      tpu.vector_store %arg17[%swap3A_859], %get3A_843 {strides = array<i32>} : memref<80xi32, #tpu.memory_space<vmem>>, vector<16xi32>,
      %get3A_861 = arith.constant 304 : index
      %get3A_862 = tpu.vector_load %arg8[%get3A_861] {strides = array<i32>} : memref<400xi32, #tpu.memory_space<vmem>>, vector<16xi32>,
      %get3A_863 = arith.constant 304 : index
      %get3A_864 = tpu.vector_load %arg9[%get3A_863] {strides = array<i32>} : memref<400xi32, #tpu.memory_space<vmem>>, vector<16xi32>,
      %add3A_865 = vector.broadcast %mul3A_14 : i32 to vector<16xi32>
      %add3A_866 = arith.addi %get3A_862, %add3A_865 : vector<16xi32>
      %swap3A_867 = arith.constant 64 : index
      %swap3A_868 = tpu.vector_load %arg11[%swap3A_867] {strides = array<i32>} : memref<80xi32, #tpu.memory_space<vmem>>, vector<16xi32>,
      tpu.vector_store %arg11[%swap3A_867], %add3A_866 {strides = array<i32>} : memref<80xi32, #tpu.memory_space<vmem>>, vector<16xi32>,
      %add3A_869 = vector.broadcast %mul3A_14 : i32 to vector<16xi32>
      %add3A_870 = arith.addi %get3A_864, %add3A_869 : vector<16xi32>
      %swap3A_871 = arith.constant 64 : index
      %swap3A_872 = tpu.vector_load %arg13[%swap3A_871] {strides = array<i32>} : memref<80xi32, #tpu.memory_space<vmem>>, vector<16xi32>,
      tpu.vector_store %arg13[%swap3A_871], %add3A_870 {strides = array<i32>} : memref<80xi32, #tpu.memory_space<vmem>>, vector<16xi32>,
      %mul3A_873 = arith.constant 2 : i32
      %mul3A_874 = vector.broadcast %mul3A_873 : i32 to vector<16xi32>
      %mul3A_875 = arith.muli %get3A_862, %mul3A_874 : vector<16xi32>
      %add3A_876 = vector.broadcast %arg0 : i32 to vector<16xi32>
      %add3A_877 = arith.addi %mul3A_875, %add3A_876 : vector<16xi32>
      %swap3A_878 = arith.constant 64 : index
      %swap3A_879 = tpu.vector_load %arg15[%swap3A_878] {strides = array<i32>} : memref<80xi32, #tpu.memory_space<vmem>>, vector<16xi32>,
      tpu.vector_store %arg15[%swap3A_878], %add3A_877 {strides = array<i32>} : memref<80xi32, #tpu.memory_space<vmem>>, vector<16xi32>,
      %swap3A_880 = arith.constant 64 : index
      %swap3A_881 = tpu.vector_load %arg17[%swap3A_880] {strides = array<i32>} : memref<80xi32, #tpu.memory_space<vmem>>, vector<16xi32>,
      tpu.vector_store %arg17[%swap3A_880], %get3A_864 {strides = array<i32>} : memref<80xi32, #tpu.memory_space<vmem>>, vector<16xi32>,
      %dma_start3A_882 = arith.constant 0 : i32
      %dma_start3A_883 = arith.constant 0 : i32
      %dma_start3A_884 = tpu.memref_slice %arg2[%dma_start3A_882, %dma_start3A_883] : memref<20000x16xf32, #tpu.memory_space<hbm>> -> memref<20000x16xf32, #tpu.memory_space<hbm>>
      tpu.enqueue_indirect_dma source(%dma_start3A_884 : memref<20000x16xf32, #tpu.memory_space<hbm>>) target(%arg19 : memref<80x16xf32, #tpu.memory_space<vmem>>) offsets(%arg11 : memref<80xi32, #tpu.memory_space<vmem>>) semaphore(%arg29 : memref<!tpu.dma_semaphore, #tpu.memory_space<semaphore_mem>>)
      %dma_start3A_885 = arith.constant 0 : i32
      %dma_start3A_886 = arith.constant 0 : i32
      %dma_start3A_887 = tpu.memref_slice %arg2[%dma_start3A_885, %dma_start3A_886] : memref<20000x16xf32, #tpu.memory_space<hbm>> -> memref<20000x16xf32, #tpu.memory_space<hbm>>
      tpu.enqueue_indirect_dma source(%dma_start3A_887 : memref<20000x16xf32, #tpu.memory_space<hbm>>) target(%arg21 : memref<80x16xf32, #tpu.memory_space<vmem>>) offsets(%arg13 : memref<80xi32, #tpu.memory_space<vmem>>) semaphore(%arg31 : memref<!tpu.dma_semaphore, #tpu.memory_space<semaphore_mem>>)
      %dma_start3A_888 = arith.constant 0 : i32
      %dma_start3A_889 = arith.constant 0 : i32
      %dma_start3A_890 = tpu.memref_slice %arg3[%dma_start3A_888, %dma_start3A_889] : memref<20000x128xf32, #tpu.memory_space<hbm>> -> memref<20000x128xf32, #tpu.memory_space<hbm>>
      tpu.enqueue_indirect_dma source(%dma_start3A_890 : memref<20000x128xf32, #tpu.memory_space<hbm>>) target(%arg23 : memref<80x128xf32, #tpu.memory_space<vmem>>) offsets(%arg15 : memref<80xi32, #tpu.memory_space<vmem>>) semaphore(%arg33 : memref<!tpu.dma_semaphore, #tpu.memory_space<semaphore_mem>>)
      %dma_wait3A_891 = arith.constant 0 : i32
      %dma_wait3A_892 = arith.constant 0 : i32
      %dma_wait3A_893 = tpu.memref_slice %arg2[%dma_wait3A_891, %dma_wait3A_892] : memref<20000x16xf32, #tpu.memory_space<hbm>> -> memref<20000x16xf32, #tpu.memory_space<hbm>>
      tpu.wait_indirect_dma semaphore(%arg28 : memref<!tpu.dma_semaphore, #tpu.memory_space<semaphore_mem>>) src(%dma_wait3A_893 : memref<20000x16xf32, #tpu.memory_space<hbm>>) dst(%arg18 : memref<80x16xf32, #tpu.memory_space<vmem>>)
      %dma_wait3A_894 = arith.constant 0 : i32
      %dma_wait3A_895 = arith.constant 0 : i32
      %dma_wait3A_896 = tpu.memref_slice %arg2[%dma_wait3A_894, %dma_wait3A_895] : memref<20000x16xf32, #tpu.memory_space<hbm>> -> memref<20000x16xf32, #tpu.memory_space<hbm>>
      tpu.wait_indirect_dma semaphore(%arg30 : memref<!tpu.dma_semaphore, #tpu.memory_space<semaphore_mem>>) src(%dma_wait3A_896 : memref<20000x16xf32, #tpu.memory_space<hbm>>) dst(%arg20 : memref<80x16xf32, #tpu.memory_space<vmem>>)
      %add3A_897 = arith.constant 0 : i32
      %add3A_898 = vector.broadcast %add3A_897 : i32 to vector<16xi32>
      %add3A_899 = arith.addi %iota3A, %add3A_898 : vector<16xi32>
      %broadcast_in_dim3A_900 = arith.constant 0 : i32
      %broadcast_in_dim3A_901 = vector.broadcast %broadcast_in_dim3A_900 : i32 to vector<16xi32>
      %gather3A_902 = tpu.vector_load_idx %arg18[%add3A_899, %broadcast_in_dim3A_901] : memref<80x16xf32, #tpu.memory_space<vmem>>[vector<16xi32>, vector<16xi32>], vector<16xf32>,
      %broadcast_in_dim3A_903 = arith.constant 2 : i32
      %broadcast_in_dim3A_904 = vector.broadcast %broadcast_in_dim3A_903 : i32 to vector<16xi32>
      %gather3A_905 = tpu.vector_load_idx %arg20[%add3A_899, %broadcast_in_dim3A_904] : memref<80x16xf32, #tpu.memory_space<vmem>>[vector<16xi32>, vector<16xi32>], vector<16xf32>,
      %add3A_906 = arith.addf %gather3A_902, %gather3A_905 : vector<16xf32>
      %gt3A_907 = arith.constant 0.000000e+00 : f32
      %gt3A_908 = vector.broadcast %gt3A_907 : f32 to vector<16xf32>
      %gt3A_909 = arith.cmpf ogt, %add3A_906, %gt3A_908 : vector<16xf32>
      %mul3A_910 = arith.constant 2.000000e-01 : f32
      %mul3A_911 = vector.broadcast %mul3A_910 : f32 to vector<16xf32>
      %mul3A_912 = arith.mulf %add3A_906, %mul3A_911 : vector<16xf32>
      %select_n3A_913 = arith.select %gt3A_909, %add3A_906, %mul3A_912 : vector<16xi1>, vector<16xf32>
      %exp3A_914 = math.exp %select_n3A_913 : vector<16xf32>
      %broadcast_in_dim3A_915 = arith.constant 128 : i32
      %broadcast_in_dim3A_916 = vector.broadcast %broadcast_in_dim3A_915 : i32 to vector<16xi32>
      tpu.vector_store_idx %arg24[%add3A_899, %broadcast_in_dim3A_916], %exp3A_914 : memref<80x144xf32, #tpu.memory_space<vmem>>[vector<16xi32>, vector<16xi32>], vector<16xf32>,
      %broadcast_in_dim3A_917 = arith.constant 1 : i32
      %broadcast_in_dim3A_918 = vector.broadcast %broadcast_in_dim3A_917 : i32 to vector<16xi32>
      %gather3A_919 = tpu.vector_load_idx %arg18[%add3A_899, %broadcast_in_dim3A_918] : memref<80x16xf32, #tpu.memory_space<vmem>>[vector<16xi32>, vector<16xi32>], vector<16xf32>,
      %broadcast_in_dim3A_920 = arith.constant 3 : i32
      %broadcast_in_dim3A_921 = vector.broadcast %broadcast_in_dim3A_920 : i32 to vector<16xi32>
      %gather3A_922 = tpu.vector_load_idx %arg20[%add3A_899, %broadcast_in_dim3A_921] : memref<80x16xf32, #tpu.memory_space<vmem>>[vector<16xi32>, vector<16xi32>], vector<16xf32>,
      %add3A_923 = arith.addf %gather3A_919, %gather3A_922 : vector<16xf32>
      %gt3A_924 = arith.constant 0.000000e+00 : f32
      %gt3A_925 = vector.broadcast %gt3A_924 : f32 to vector<16xf32>
      %gt3A_926 = arith.cmpf ogt, %add3A_923, %gt3A_925 : vector<16xf32>
      %mul3A_927 = arith.constant 2.000000e-01 : f32
      %mul3A_928 = vector.broadcast %mul3A_927 : f32 to vector<16xf32>
      %mul3A_929 = arith.mulf %add3A_923, %mul3A_928 : vector<16xf32>
      %select_n3A_930 = arith.select %gt3A_926, %add3A_923, %mul3A_929 : vector<16xi1>, vector<16xf32>
      %exp3A_931 = math.exp %select_n3A_930 : vector<16xf32>
      %broadcast_in_dim3A_932 = arith.constant 129 : i32
      %broadcast_in_dim3A_933 = vector.broadcast %broadcast_in_dim3A_932 : i32 to vector<16xi32>
      tpu.vector_store_idx %arg24[%add3A_899, %broadcast_in_dim3A_933], %exp3A_931 : memref<80x144xf32, #tpu.memory_space<vmem>>[vector<16xi32>, vector<16xi32>], vector<16xf32>,
      %add3A_934 = arith.constant 16 : i32
      %add3A_935 = vector.broadcast %add3A_934 : i32 to vector<16xi32>
      %add3A_936 = arith.addi %iota3A, %add3A_935 : vector<16xi32>
      %broadcast_in_dim3A_937 = arith.constant 0 : i32
      %broadcast_in_dim3A_938 = vector.broadcast %broadcast_in_dim3A_937 : i32 to vector<16xi32>
      %gather3A_939 = tpu.vector_load_idx %arg18[%add3A_936, %broadcast_in_dim3A_938] : memref<80x16xf32, #tpu.memory_space<vmem>>[vector<16xi32>, vector<16xi32>], vector<16xf32>,
      %broadcast_in_dim3A_940 = arith.constant 2 : i32
      %broadcast_in_dim3A_941 = vector.broadcast %broadcast_in_dim3A_940 : i32 to vector<16xi32>
      %gather3A_942 = tpu.vector_load_idx %arg20[%add3A_936, %broadcast_in_dim3A_941] : memref<80x16xf32, #tpu.memory_space<vmem>>[vector<16xi32>, vector<16xi32>], vector<16xf32>,
      %add3A_943 = arith.addf %gather3A_939, %gather3A_942 : vector<16xf32>
      %gt3A_944 = arith.constant 0.000000e+00 : f32
      %gt3A_945 = vector.broadcast %gt3A_944 : f32 to vector<16xf32>
      %gt3A_946 = arith.cmpf ogt, %add3A_943, %gt3A_945 : vector<16xf32>
      %mul3A_947 = arith.constant 2.000000e-01 : f32
      %mul3A_948 = vector.broadcast %mul3A_947 : f32 to vector<16xf32>
      %mul3A_949 = arith.mulf %add3A_943, %mul3A_948 : vector<16xf32>
      %select_n3A_950 = arith.select %gt3A_946, %add3A_943, %mul3A_949 : vector<16xi1>, vector<16xf32>
      %exp3A_951 = math.exp %select_n3A_950 : vector<16xf32>
      %broadcast_in_dim3A_952 = arith.constant 128 : i32
      %broadcast_in_dim3A_953 = vector.broadcast %broadcast_in_dim3A_952 : i32 to vector<16xi32>
      tpu.vector_store_idx %arg24[%add3A_936, %broadcast_in_dim3A_953], %exp3A_951 : memref<80x144xf32, #tpu.memory_space<vmem>>[vector<16xi32>, vector<16xi32>], vector<16xf32>,
      %broadcast_in_dim3A_954 = arith.constant 1 : i32
      %broadcast_in_dim3A_955 = vector.broadcast %broadcast_in_dim3A_954 : i32 to vector<16xi32>
      %gather3A_956 = tpu.vector_load_idx %arg18[%add3A_936, %broadcast_in_dim3A_955] : memref<80x16xf32, #tpu.memory_space<vmem>>[vector<16xi32>, vector<16xi32>], vector<16xf32>,
      %broadcast_in_dim3A_957 = arith.constant 3 : i32
      %broadcast_in_dim3A_958 = vector.broadcast %broadcast_in_dim3A_957 : i32 to vector<16xi32>
      %gather3A_959 = tpu.vector_load_idx %arg20[%add3A_936, %broadcast_in_dim3A_958] : memref<80x16xf32, #tpu.memory_space<vmem>>[vector<16xi32>, vector<16xi32>], vector<16xf32>,
      %add3A_960 = arith.addf %gather3A_956, %gather3A_959 : vector<16xf32>
      %gt3A_961 = arith.constant 0.000000e+00 : f32
      %gt3A_962 = vector.broadcast %gt3A_961 : f32 to vector<16xf32>
      %gt3A_963 = arith.cmpf ogt, %add3A_960, %gt3A_962 : vector<16xf32>
      %mul3A_964 = arith.constant 2.000000e-01 : f32
      %mul3A_965 = vector.broadcast %mul3A_964 : f32 to vector<16xf32>
      %mul3A_966 = arith.mulf %add3A_960, %mul3A_965 : vector<16xf32>
      %select_n3A_967 = arith.select %gt3A_963, %add3A_960, %mul3A_966 : vector<16xi1>, vector<16xf32>
      %exp3A_968 = math.exp %select_n3A_967 : vector<16xf32>
      %broadcast_in_dim3A_969 = arith.constant 129 : i32
      %broadcast_in_dim3A_970 = vector.broadcast %broadcast_in_dim3A_969 : i32 to vector<16xi32>
      tpu.vector_store_idx %arg24[%add3A_936, %broadcast_in_dim3A_970], %exp3A_968 : memref<80x144xf32, #tpu.memory_space<vmem>>[vector<16xi32>, vector<16xi32>], vector<16xf32>,
      %add3A_971 = arith.constant 32 : i32
      %add3A_972 = vector.broadcast %add3A_971 : i32 to vector<16xi32>
      %add3A_973 = arith.addi %iota3A, %add3A_972 : vector<16xi32>
      %broadcast_in_dim3A_974 = arith.constant 0 : i32
      %broadcast_in_dim3A_975 = vector.broadcast %broadcast_in_dim3A_974 : i32 to vector<16xi32>
      %gather3A_976 = tpu.vector_load_idx %arg18[%add3A_973, %broadcast_in_dim3A_975] : memref<80x16xf32, #tpu.memory_space<vmem>>[vector<16xi32>, vector<16xi32>], vector<16xf32>,
      %broadcast_in_dim3A_977 = arith.constant 2 : i32
      %broadcast_in_dim3A_978 = vector.broadcast %broadcast_in_dim3A_977 : i32 to vector<16xi32>
      %gather3A_979 = tpu.vector_load_idx %arg20[%add3A_973, %broadcast_in_dim3A_978] : memref<80x16xf32, #tpu.memory_space<vmem>>[vector<16xi32>, vector<16xi32>], vector<16xf32>,
      %add3A_980 = arith.addf %gather3A_976, %gather3A_979 : vector<16xf32>
      %gt3A_981 = arith.constant 0.000000e+00 : f32
      %gt3A_982 = vector.broadcast %gt3A_981 : f32 to vector<16xf32>
      %gt3A_983 = arith.cmpf ogt, %add3A_980, %gt3A_982 : vector<16xf32>
      %mul3A_984 = arith.constant 2.000000e-01 : f32
      %mul3A_985 = vector.broadcast %mul3A_984 : f32 to vector<16xf32>
      %mul3A_986 = arith.mulf %add3A_980, %mul3A_985 : vector<16xf32>
      %select_n3A_987 = arith.select %gt3A_983, %add3A_980, %mul3A_986 : vector<16xi1>, vector<16xf32>
      %exp3A_988 = math.exp %select_n3A_987 : vector<16xf32>
      %broadcast_in_dim3A_989 = arith.constant 128 : i32
      %broadcast_in_dim3A_990 = vector.broadcast %broadcast_in_dim3A_989 : i32 to vector<16xi32>
      tpu.vector_store_idx %arg24[%add3A_973, %broadcast_in_dim3A_990], %exp3A_988 : memref<80x144xf32, #tpu.memory_space<vmem>>[vector<16xi32>, vector<16xi32>], vector<16xf32>,
      %broadcast_in_dim3A_991 = arith.constant 1 : i32
      %broadcast_in_dim3A_992 = vector.broadcast %broadcast_in_dim3A_991 : i32 to vector<16xi32>
      %gather3A_993 = tpu.vector_load_idx %arg18[%add3A_973, %broadcast_in_dim3A_992] : memref<80x16xf32, #tpu.memory_space<vmem>>[vector<16xi32>, vector<16xi32>], vector<16xf32>,
      %broadcast_in_dim3A_994 = arith.constant 3 : i32
      %broadcast_in_dim3A_995 = vector.broadcast %broadcast_in_dim3A_994 : i32 to vector<16xi32>
      %gather3A_996 = tpu.vector_load_idx %arg20[%add3A_973, %broadcast_in_dim3A_995] : memref<80x16xf32, #tpu.memory_space<vmem>>[vector<16xi32>, vector<16xi32>], vector<16xf32>,
      %add3A_997 = arith.addf %gather3A_993, %gather3A_996 : vector<16xf32>
      %gt3A_998 = arith.constant 0.000000e+00 : f32
      %gt3A_999 = vector.broadcast %gt3A_998 : f32 to vector<16xf32>
      %gt3A_1000 = arith.cmpf ogt, %add3A_997, %gt3A_999 : vector<16xf32>
      %mul3A_1001 = arith.constant 2.000000e-01 : f32
      %mul3A_1002 = vector.broadcast %mul3A_1001 : f32 to vector<16xf32>
      %mul3A_1003 = arith.mulf %add3A_997, %mul3A_1002 : vector<16xf32>
      %select_n3A_1004 = arith.select %gt3A_1000, %add3A_997, %mul3A_1003 : vector<16xi1>, vector<16xf32>
      %exp3A_1005 = math.exp %select_n3A_1004 : vector<16xf32>
      %broadcast_in_dim3A_1006 = arith.constant 129 : i32
      %broadcast_in_dim3A_1007 = vector.broadcast %broadcast_in_dim3A_1006 : i32 to vector<16xi32>
      tpu.vector_store_idx %arg24[%add3A_973, %broadcast_in_dim3A_1007], %exp3A_1005 : memref<80x144xf32, #tpu.memory_space<vmem>>[vector<16xi32>, vector<16xi32>], vector<16xf32>,
      %add3A_1008 = arith.constant 48 : i32
      %add3A_1009 = vector.broadcast %add3A_1008 : i32 to vector<16xi32>
      %add3A_1010 = arith.addi %iota3A, %add3A_1009 : vector<16xi32>
      %broadcast_in_dim3A_1011 = arith.constant 0 : i32
      %broadcast_in_dim3A_1012 = vector.broadcast %broadcast_in_dim3A_1011 : i32 to vector<16xi32>
      %gather3A_1013 = tpu.vector_load_idx %arg18[%add3A_1010, %broadcast_in_dim3A_1012] : memref<80x16xf32, #tpu.memory_space<vmem>>[vector<16xi32>, vector<16xi32>], vector<16xf32>,
      %broadcast_in_dim3A_1014 = arith.constant 2 : i32
      %broadcast_in_dim3A_1015 = vector.broadcast %broadcast_in_dim3A_1014 : i32 to vector<16xi32>
      %gather3A_1016 = tpu.vector_load_idx %arg20[%add3A_1010, %broadcast_in_dim3A_1015] : memref<80x16xf32, #tpu.memory_space<vmem>>[vector<16xi32>, vector<16xi32>], vector<16xf32>,
      %add3A_1017 = arith.addf %gather3A_1013, %gather3A_1016 : vector<16xf32>
      %gt3A_1018 = arith.constant 0.000000e+00 : f32
      %gt3A_1019 = vector.broadcast %gt3A_1018 : f32 to vector<16xf32>
      %gt3A_1020 = arith.cmpf ogt, %add3A_1017, %gt3A_1019 : vector<16xf32>
      %mul3A_1021 = arith.constant 2.000000e-01 : f32
      %mul3A_1022 = vector.broadcast %mul3A_1021 : f32 to vector<16xf32>
      %mul3A_1023 = arith.mulf %add3A_1017, %mul3A_1022 : vector<16xf32>
      %select_n3A_1024 = arith.select %gt3A_1020, %add3A_1017, %mul3A_1023 : vector<16xi1>, vector<16xf32>
      %exp3A_1025 = math.exp %select_n3A_1024 : vector<16xf32>
      %broadcast_in_dim3A_1026 = arith.constant 128 : i32
      %broadcast_in_dim3A_1027 = vector.broadcast %broadcast_in_dim3A_1026 : i32 to vector<16xi32>
      tpu.vector_store_idx %arg24[%add3A_1010, %broadcast_in_dim3A_1027], %exp3A_1025 : memref<80x144xf32, #tpu.memory_space<vmem>>[vector<16xi32>, vector<16xi32>], vector<16xf32>,
      %broadcast_in_dim3A_1028 = arith.constant 1 : i32
      %broadcast_in_dim3A_1029 = vector.broadcast %broadcast_in_dim3A_1028 : i32 to vector<16xi32>
      %gather3A_1030 = tpu.vector_load_idx %arg18[%add3A_1010, %broadcast_in_dim3A_1029] : memref<80x16xf32, #tpu.memory_space<vmem>>[vector<16xi32>, vector<16xi32>], vector<16xf32>,
      %broadcast_in_dim3A_1031 = arith.constant 3 : i32
      %broadcast_in_dim3A_1032 = vector.broadcast %broadcast_in_dim3A_1031 : i32 to vector<16xi32>
      %gather3A_1033 = tpu.vector_load_idx %arg20[%add3A_1010, %broadcast_in_dim3A_1032] : memref<80x16xf32, #tpu.memory_space<vmem>>[vector<16xi32>, vector<16xi32>], vector<16xf32>,
      %add3A_1034 = arith.addf %gather3A_1030, %gather3A_1033 : vector<16xf32>
      %gt3A_1035 = arith.constant 0.000000e+00 : f32
      %gt3A_1036 = vector.broadcast %gt3A_1035 : f32 to vector<16xf32>
      %gt3A_1037 = arith.cmpf ogt, %add3A_1034, %gt3A_1036 : vector<16xf32>
      %mul3A_1038 = arith.constant 2.000000e-01 : f32
      %mul3A_1039 = vector.broadcast %mul3A_1038 : f32 to vector<16xf32>
      %mul3A_1040 = arith.mulf %add3A_1034, %mul3A_1039 : vector<16xf32>
      %select_n3A_1041 = arith.select %gt3A_1037, %add3A_1034, %mul3A_1040 : vector<16xi1>, vector<16xf32>
      %exp3A_1042 = math.exp %select_n3A_1041 : vector<16xf32>
      %broadcast_in_dim3A_1043 = arith.constant 129 : i32
      %broadcast_in_dim3A_1044 = vector.broadcast %broadcast_in_dim3A_1043 : i32 to vector<16xi32>
      tpu.vector_store_idx %arg24[%add3A_1010, %broadcast_in_dim3A_1044], %exp3A_1042 : memref<80x144xf32, #tpu.memory_space<vmem>>[vector<16xi32>, vector<16xi32>], vector<16xf32>,
      %add3A_1045 = arith.constant 64 : i32
      %add3A_1046 = vector.broadcast %add3A_1045 : i32 to vector<16xi32>
      %add3A_1047 = arith.addi %iota3A, %add3A_1046 : vector<16xi32>
      %broadcast_in_dim3A_1048 = arith.constant 0 : i32
      %broadcast_in_dim3A_1049 = vector.broadcast %broadcast_in_dim3A_1048 : i32 to vector<16xi32>
      %gather3A_1050 = tpu.vector_load_idx %arg18[%add3A_1047, %broadcast_in_dim3A_1049] : memref<80x16xf32, #tpu.memory_space<vmem>>[vector<16xi32>, vector<16xi32>], vector<16xf32>,
      %broadcast_in_dim3A_1051 = arith.constant 2 : i32
      %broadcast_in_dim3A_1052 = vector.broadcast %broadcast_in_dim3A_1051 : i32 to vector<16xi32>
      %gather3A_1053 = tpu.vector_load_idx %arg20[%add3A_1047, %broadcast_in_dim3A_1052] : memref<80x16xf32, #tpu.memory_space<vmem>>[vector<16xi32>, vector<16xi32>], vector<16xf32>,
      %add3A_1054 = arith.addf %gather3A_1050, %gather3A_1053 : vector<16xf32>
      %gt3A_1055 = arith.constant 0.000000e+00 : f32
      %gt3A_1056 = vector.broadcast %gt3A_1055 : f32 to vector<16xf32>
      %gt3A_1057 = arith.cmpf ogt, %add3A_1054, %gt3A_1056 : vector<16xf32>
      %mul3A_1058 = arith.constant 2.000000e-01 : f32
      %mul3A_1059 = vector.broadcast %mul3A_1058 : f32 to vector<16xf32>
      %mul3A_1060 = arith.mulf %add3A_1054, %mul3A_1059 : vector<16xf32>
      %select_n3A_1061 = arith.select %gt3A_1057, %add3A_1054, %mul3A_1060 : vector<16xi1>, vector<16xf32>
      %exp3A_1062 = math.exp %select_n3A_1061 : vector<16xf32>
      %broadcast_in_dim3A_1063 = arith.constant 128 : i32
      %broadcast_in_dim3A_1064 = vector.broadcast %broadcast_in_dim3A_1063 : i32 to vector<16xi32>
      tpu.vector_store_idx %arg24[%add3A_1047, %broadcast_in_dim3A_1064], %exp3A_1062 : memref<80x144xf32, #tpu.memory_space<vmem>>[vector<16xi32>, vector<16xi32>], vector<16xf32>,
      %broadcast_in_dim3A_1065 = arith.constant 1 : i32
      %broadcast_in_dim3A_1066 = vector.broadcast %broadcast_in_dim3A_1065 : i32 to vector<16xi32>
      %gather3A_1067 = tpu.vector_load_idx %arg18[%add3A_1047, %broadcast_in_dim3A_1066] : memref<80x16xf32, #tpu.memory_space<vmem>>[vector<16xi32>, vector<16xi32>], vector<16xf32>,
      %broadcast_in_dim3A_1068 = arith.constant 3 : i32
      %broadcast_in_dim3A_1069 = vector.broadcast %broadcast_in_dim3A_1068 : i32 to vector<16xi32>
      %gather3A_1070 = tpu.vector_load_idx %arg20[%add3A_1047, %broadcast_in_dim3A_1069] : memref<80x16xf32, #tpu.memory_space<vmem>>[vector<16xi32>, vector<16xi32>], vector<16xf32>,
      %add3A_1071 = arith.addf %gather3A_1067, %gather3A_1070 : vector<16xf32>
      %gt3A_1072 = arith.constant 0.000000e+00 : f32
      %gt3A_1073 = vector.broadcast %gt3A_1072 : f32 to vector<16xf32>
      %gt3A_1074 = arith.cmpf ogt, %add3A_1071, %gt3A_1073 : vector<16xf32>
      %mul3A_1075 = arith.constant 2.000000e-01 : f32
      %mul3A_1076 = vector.broadcast %mul3A_1075 : f32 to vector<16xf32>
      %mul3A_1077 = arith.mulf %add3A_1071, %mul3A_1076 : vector<16xf32>
      %select_n3A_1078 = arith.select %gt3A_1074, %add3A_1071, %mul3A_1077 : vector<16xi1>, vector<16xf32>
      %exp3A_1079 = math.exp %select_n3A_1078 : vector<16xf32>
      %broadcast_in_dim3A_1080 = arith.constant 129 : i32
      %broadcast_in_dim3A_1081 = vector.broadcast %broadcast_in_dim3A_1080 : i32 to vector<16xi32>
      tpu.vector_store_idx %arg24[%add3A_1047, %broadcast_in_dim3A_1081], %exp3A_1079 : memref<80x144xf32, #tpu.memory_space<vmem>>[vector<16xi32>, vector<16xi32>], vector<16xf32>,
      %dma_wait3A_1082 = arith.constant 0 : i32
      %dma_wait3A_1083 = arith.constant 0 : i32
      %dma_wait3A_1084 = tpu.memref_slice %arg3[%dma_wait3A_1082, %dma_wait3A_1083] : memref<20000x128xf32, #tpu.memory_space<hbm>> -> memref<20000x128xf32, #tpu.memory_space<hbm>>
      tpu.wait_indirect_dma semaphore(%arg32 : memref<!tpu.dma_semaphore, #tpu.memory_space<semaphore_mem>>) src(%dma_wait3A_1084 : memref<20000x128xf32, #tpu.memory_space<hbm>>) dst(%arg22 : memref<80x128xf32, #tpu.memory_space<vmem>>)
      %scan3A_1085 = arith.constant 0 : i32
      %scan3A_1086 = arith.constant 80 : i32
      %scan3A_1087 = arith.addi %scan3A_1085, %scan3A_1086 : i32
      %scan3A_1088 = arith.constant 1 : i32
      scf.for %scan3A_1620 = %scan3A_1085 to %scan3A_1087 step %scan3A_1088  : i32 {
        %mul3A_1621 = arith.constant 1 : i32
        %mul3A_1622 = arith.muli %scan3A_1620, %mul3A_1621 : i32
        %add3A_1623 = arith.constant 0 : i32
        %add3A_1624 = arith.addi %add3A_1623, %mul3A_1622 : i32
        %get3A_1625 = arith.index_cast %add3A_1624 : i32 to index
        %get3A_1626 = arith.constant 128 : index
        %get3A_1627 = tpu.vector_load %arg24[%get3A_1625, %get3A_1626] {strides = array<i32>} : memref<80x144xf32, #tpu.memory_space<vmem>>, vector<16xf32>,
        %slice3A = vector.extract_strided_slice %get3A_1627 {offsets = [0], sizes = [1], strides = [1]} : vector<16xf32> to vector<1xf32>
        %squeeze3A = vector.extract %slice3A[0] : f32 from vector<1xf32>
        %slice3A_1628 = vector.extract_strided_slice %get3A_1627 {offsets = [1], sizes = [1], strides = [1]} : vector<16xf32> to vector<1xf32>
        %squeeze3A_1629 = vector.extract %slice3A_1628[0] : f32 from vector<1xf32>
        %get3A_1630 = arith.index_cast %add3A_1624 : i32 to index
        %get3A_1631 = arith.constant 0 : index
        %get3A_1632 = tpu.vector_load %arg22[%get3A_1630, %get3A_1631] {strides = array<i32>} : memref<80x128xf32, #tpu.memory_space<vmem>>, vector<16xf32>,
        %mul3A_1633 = vector.broadcast %squeeze3A : f32 to vector<16xf32>
        %mul3A_1634 = arith.mulf %get3A_1632, %mul3A_1633 : vector<16xf32>
        %swap3A_1635 = arith.index_cast %add3A_1624 : i32 to index
        %swap3A_1636 = arith.constant 0 : index
        %swap3A_1637 = tpu.vector_load %arg24[%swap3A_1635, %swap3A_1636] {strides = array<i32>} : memref<80x144xf32, #tpu.memory_space<vmem>>, vector<16xf32>,
        tpu.vector_store %arg24[%swap3A_1635, %swap3A_1636], %mul3A_1634 {strides = array<i32>} : memref<80x144xf32, #tpu.memory_space<vmem>>, vector<16xf32>,
        %get3A_1638 = arith.index_cast %add3A_1624 : i32 to index
        %get3A_1639 = arith.constant 16 : index
        %get3A_1640 = tpu.vector_load %arg22[%get3A_1638, %get3A_1639] {strides = array<i32>} : memref<80x128xf32, #tpu.memory_space<vmem>>, vector<16xf32>,
        %mul3A_1641 = vector.broadcast %squeeze3A : f32 to vector<16xf32>
        %mul3A_1642 = arith.mulf %get3A_1640, %mul3A_1641 : vector<16xf32>
        %swap3A_1643 = arith.index_cast %add3A_1624 : i32 to index
        %swap3A_1644 = arith.constant 16 : index
        %swap3A_1645 = tpu.vector_load %arg24[%swap3A_1643, %swap3A_1644] {strides = array<i32>} : memref<80x144xf32, #tpu.memory_space<vmem>>, vector<16xf32>,
        tpu.vector_store %arg24[%swap3A_1643, %swap3A_1644], %mul3A_1642 {strides = array<i32>} : memref<80x144xf32, #tpu.memory_space<vmem>>, vector<16xf32>,
        %get3A_1646 = arith.index_cast %add3A_1624 : i32 to index
        %get3A_1647 = arith.constant 32 : index
        %get3A_1648 = tpu.vector_load %arg22[%get3A_1646, %get3A_1647] {strides = array<i32>} : memref<80x128xf32, #tpu.memory_space<vmem>>, vector<16xf32>,
        %mul3A_1649 = vector.broadcast %squeeze3A : f32 to vector<16xf32>
        %mul3A_1650 = arith.mulf %get3A_1648, %mul3A_1649 : vector<16xf32>
        %swap3A_1651 = arith.index_cast %add3A_1624 : i32 to index
        %swap3A_1652 = arith.constant 32 : index
        %swap3A_1653 = tpu.vector_load %arg24[%swap3A_1651, %swap3A_1652] {strides = array<i32>} : memref<80x144xf32, #tpu.memory_space<vmem>>, vector<16xf32>,
        tpu.vector_store %arg24[%swap3A_1651, %swap3A_1652], %mul3A_1650 {strides = array<i32>} : memref<80x144xf32, #tpu.memory_space<vmem>>, vector<16xf32>,
        %get3A_1654 = arith.index_cast %add3A_1624 : i32 to index
        %get3A_1655 = arith.constant 48 : index
        %get3A_1656 = tpu.vector_load %arg22[%get3A_1654, %get3A_1655] {strides = array<i32>} : memref<80x128xf32, #tpu.memory_space<vmem>>, vector<16xf32>,
        %mul3A_1657 = vector.broadcast %squeeze3A : f32 to vector<16xf32>
        %mul3A_1658 = arith.mulf %get3A_1656, %mul3A_1657 : vector<16xf32>
        %swap3A_1659 = arith.index_cast %add3A_1624 : i32 to index
        %swap3A_1660 = arith.constant 48 : index
        %swap3A_1661 = tpu.vector_load %arg24[%swap3A_1659, %swap3A_1660] {strides = array<i32>} : memref<80x144xf32, #tpu.memory_space<vmem>>, vector<16xf32>,
        tpu.vector_store %arg24[%swap3A_1659, %swap3A_1660], %mul3A_1658 {strides = array<i32>} : memref<80x144xf32, #tpu.memory_space<vmem>>, vector<16xf32>,
        %get3A_1662 = arith.index_cast %add3A_1624 : i32 to index
        %get3A_1663 = arith.constant 64 : index
        %get3A_1664 = tpu.vector_load %arg22[%get3A_1662, %get3A_1663] {strides = array<i32>} : memref<80x128xf32, #tpu.memory_space<vmem>>, vector<16xf32>,
        %mul3A_1665 = vector.broadcast %squeeze3A_1629 : f32 to vector<16xf32>
        %mul3A_1666 = arith.mulf %get3A_1664, %mul3A_1665 : vector<16xf32>
        %swap3A_1667 = arith.index_cast %add3A_1624 : i32 to index
        %swap3A_1668 = arith.constant 64 : index
        %swap3A_1669 = tpu.vector_load %arg24[%swap3A_1667, %swap3A_1668] {strides = array<i32>} : memref<80x144xf32, #tpu.memory_space<vmem>>, vector<16xf32>,
        tpu.vector_store %arg24[%swap3A_1667, %swap3A_1668], %mul3A_1666 {strides = array<i32>} : memref<80x144xf32, #tpu.memory_space<vmem>>, vector<16xf32>,
        %get3A_1670 = arith.index_cast %add3A_1624 : i32 to index
        %get3A_1671 = arith.constant 80 : index
        %get3A_1672 = tpu.vector_load %arg22[%get3A_1670, %get3A_1671] {strides = array<i32>} : memref<80x128xf32, #tpu.memory_space<vmem>>, vector<16xf32>,
        %mul3A_1673 = vector.broadcast %squeeze3A_1629 : f32 to vector<16xf32>
        %mul3A_1674 = arith.mulf %get3A_1672, %mul3A_1673 : vector<16xf32>
        %swap3A_1675 = arith.index_cast %add3A_1624 : i32 to index
        %swap3A_1676 = arith.constant 80 : index
        %swap3A_1677 = tpu.vector_load %arg24[%swap3A_1675, %swap3A_1676] {strides = array<i32>} : memref<80x144xf32, #tpu.memory_space<vmem>>, vector<16xf32>,
        tpu.vector_store %arg24[%swap3A_1675, %swap3A_1676], %mul3A_1674 {strides = array<i32>} : memref<80x144xf32, #tpu.memory_space<vmem>>, vector<16xf32>,
        %get3A_1678 = arith.index_cast %add3A_1624 : i32 to index
        %get3A_1679 = arith.constant 96 : index
        %get3A_1680 = tpu.vector_load %arg22[%get3A_1678, %get3A_1679] {strides = array<i32>} : memref<80x128xf32, #tpu.memory_space<vmem>>, vector<16xf32>,
        %mul3A_1681 = vector.broadcast %squeeze3A_1629 : f32 to vector<16xf32>
        %mul3A_1682 = arith.mulf %get3A_1680, %mul3A_1681 : vector<16xf32>
        %swap3A_1683 = arith.index_cast %add3A_1624 : i32 to index
        %swap3A_1684 = arith.constant 96 : index
        %swap3A_1685 = tpu.vector_load %arg24[%swap3A_1683, %swap3A_1684] {strides = array<i32>} : memref<80x144xf32, #tpu.memory_space<vmem>>, vector<16xf32>,
        tpu.vector_store %arg24[%swap3A_1683, %swap3A_1684], %mul3A_1682 {strides = array<i32>} : memref<80x144xf32, #tpu.memory_space<vmem>>, vector<16xf32>,
        %get3A_1686 = arith.index_cast %add3A_1624 : i32 to index
        %get3A_1687 = arith.constant 112 : index
        %get3A_1688 = tpu.vector_load %arg22[%get3A_1686, %get3A_1687] {strides = array<i32>} : memref<80x128xf32, #tpu.memory_space<vmem>>, vector<16xf32>,
        %mul3A_1689 = vector.broadcast %squeeze3A_1629 : f32 to vector<16xf32>
        %mul3A_1690 = arith.mulf %get3A_1688, %mul3A_1689 : vector<16xf32>
        %swap3A_1691 = arith.index_cast %add3A_1624 : i32 to index
        %swap3A_1692 = arith.constant 112 : index
        %swap3A_1693 = tpu.vector_load %arg24[%swap3A_1691, %swap3A_1692] {strides = array<i32>} : memref<80x144xf32, #tpu.memory_space<vmem>>, vector<16xf32>,
        tpu.vector_store %arg24[%swap3A_1691, %swap3A_1692], %mul3A_1690 {strides = array<i32>} : memref<80x144xf32, #tpu.memory_space<vmem>>, vector<16xf32>,
      }
      %scan3A_1089 = arith.constant 80 : i32
      %dma_start3A_1090 = arith.constant 0 : i32
      %dma_start3A_1091 = arith.constant 0 : i32
      %dma_start3A_1092 = tpu.memref_slice %arg27[%dma_start3A_1090, %dma_start3A_1091] : memref<10000x144xf32, #tpu.memory_space<vmem_shared>> -> memref<10000x144xf32, #tpu.memory_space<vmem_shared>>
      tpu.enqueue_indirect_dma source(%arg24 : memref<80x144xf32, #tpu.memory_space<vmem>>) target(%dma_start3A_1092 : memref<10000x144xf32, #tpu.memory_space<vmem_shared>>) offsets(%arg16 : memref<80xi32, #tpu.memory_space<vmem>>) semaphore(%arg34 : memref<!tpu.dma_semaphore, #tpu.memory_space<semaphore_mem>>) {add = true}
      %dma_wait3A_1093 = arith.constant 0 : i32
      %dma_wait3A_1094 = arith.constant 0 : i32
      %dma_wait3A_1095 = tpu.memref_slice %arg27[%dma_wait3A_1093, %dma_wait3A_1094] : memref<10000x144xf32, #tpu.memory_space<vmem_shared>> -> memref<10000x144xf32, #tpu.memory_space<vmem_shared>>
      tpu.wait_indirect_dma semaphore(%arg34 : memref<!tpu.dma_semaphore, #tpu.memory_space<semaphore_mem>>) src(%arg24 : memref<80x144xf32, #tpu.memory_space<vmem>>) dst(%dma_wait3A_1095 : memref<10000x144xf32, #tpu.memory_space<vmem_shared>>)
      %get3A_1096 = arith.constant 320 : index
      %get3A_1097 = tpu.vector_load %arg8[%get3A_1096] {strides = array<i32>} : memref<400xi32, #tpu.memory_space<vmem>>, vector<16xi32>,
      %get3A_1098 = arith.constant 320 : index
      %get3A_1099 = tpu.vector_load %arg9[%get3A_1098] {strides = array<i32>} : memref<400xi32, #tpu.memory_space<vmem>>, vector<16xi32>,
      %add3A_1100 = vector.broadcast %mul3A_14 : i32 to vector<16xi32>
      %add3A_1101 = arith.addi %get3A_1097, %add3A_1100 : vector<16xi32>
      %swap3A_1102 = arith.constant 0 : index
      %swap3A_1103 = tpu.vector_load %arg10[%swap3A_1102] {strides = array<i32>} : memref<80xi32, #tpu.memory_space<vmem>>, vector<16xi32>,
      tpu.vector_store %arg10[%swap3A_1102], %add3A_1101 {strides = array<i32>} : memref<80xi32, #tpu.memory_space<vmem>>, vector<16xi32>,
      %add3A_1104 = vector.broadcast %mul3A_14 : i32 to vector<16xi32>
      %add3A_1105 = arith.addi %get3A_1099, %add3A_1104 : vector<16xi32>
      %swap3A_1106 = arith.constant 0 : index
      %swap3A_1107 = tpu.vector_load %arg12[%swap3A_1106] {strides = array<i32>} : memref<80xi32, #tpu.memory_space<vmem>>, vector<16xi32>,
      tpu.vector_store %arg12[%swap3A_1106], %add3A_1105 {strides = array<i32>} : memref<80xi32, #tpu.memory_space<vmem>>, vector<16xi32>,
      %mul3A_1108 = arith.constant 2 : i32
      %mul3A_1109 = vector.broadcast %mul3A_1108 : i32 to vector<16xi32>
      %mul3A_1110 = arith.muli %get3A_1097, %mul3A_1109 : vector<16xi32>
      %add3A_1111 = vector.broadcast %arg0 : i32 to vector<16xi32>
      %add3A_1112 = arith.addi %mul3A_1110, %add3A_1111 : vector<16xi32>
      %swap3A_1113 = arith.constant 0 : index
      %swap3A_1114 = tpu.vector_load %arg14[%swap3A_1113] {strides = array<i32>} : memref<80xi32, #tpu.memory_space<vmem>>, vector<16xi32>,
      tpu.vector_store %arg14[%swap3A_1113], %add3A_1112 {strides = array<i32>} : memref<80xi32, #tpu.memory_space<vmem>>, vector<16xi32>,
      %swap3A_1115 = arith.constant 0 : index
      %swap3A_1116 = tpu.vector_load %arg16[%swap3A_1115] {strides = array<i32>} : memref<80xi32, #tpu.memory_space<vmem>>, vector<16xi32>,
      tpu.vector_store %arg16[%swap3A_1115], %get3A_1099 {strides = array<i32>} : memref<80xi32, #tpu.memory_space<vmem>>, vector<16xi32>,
      %get3A_1117 = arith.constant 336 : index
      %get3A_1118 = tpu.vector_load %arg8[%get3A_1117] {strides = array<i32>} : memref<400xi32, #tpu.memory_space<vmem>>, vector<16xi32>,
      %get3A_1119 = arith.constant 336 : index
      %get3A_1120 = tpu.vector_load %arg9[%get3A_1119] {strides = array<i32>} : memref<400xi32, #tpu.memory_space<vmem>>, vector<16xi32>,
      %add3A_1121 = vector.broadcast %mul3A_14 : i32 to vector<16xi32>
      %add3A_1122 = arith.addi %get3A_1118, %add3A_1121 : vector<16xi32>
      %swap3A_1123 = arith.constant 16 : index
      %swap3A_1124 = tpu.vector_load %arg10[%swap3A_1123] {strides = array<i32>} : memref<80xi32, #tpu.memory_space<vmem>>, vector<16xi32>,
      tpu.vector_store %arg10[%swap3A_1123], %add3A_1122 {strides = array<i32>} : memref<80xi32, #tpu.memory_space<vmem>>, vector<16xi32>,
      %add3A_1125 = vector.broadcast %mul3A_14 : i32 to vector<16xi32>
      %add3A_1126 = arith.addi %get3A_1120, %add3A_1125 : vector<16xi32>
      %swap3A_1127 = arith.constant 16 : index
      %swap3A_1128 = tpu.vector_load %arg12[%swap3A_1127] {strides = array<i32>} : memref<80xi32, #tpu.memory_space<vmem>>, vector<16xi32>,
      tpu.vector_store %arg12[%swap3A_1127], %add3A_1126 {strides = array<i32>} : memref<80xi32, #tpu.memory_space<vmem>>, vector<16xi32>,
      %mul3A_1129 = arith.constant 2 : i32
      %mul3A_1130 = vector.broadcast %mul3A_1129 : i32 to vector<16xi32>
      %mul3A_1131 = arith.muli %get3A_1118, %mul3A_1130 : vector<16xi32>
      %add3A_1132 = vector.broadcast %arg0 : i32 to vector<16xi32>
      %add3A_1133 = arith.addi %mul3A_1131, %add3A_1132 : vector<16xi32>
      %swap3A_1134 = arith.constant 16 : index
      %swap3A_1135 = tpu.vector_load %arg14[%swap3A_1134] {strides = array<i32>} : memref<80xi32, #tpu.memory_space<vmem>>, vector<16xi32>,
      tpu.vector_store %arg14[%swap3A_1134], %add3A_1133 {strides = array<i32>} : memref<80xi32, #tpu.memory_space<vmem>>, vector<16xi32>,
      %swap3A_1136 = arith.constant 16 : index
      %swap3A_1137 = tpu.vector_load %arg16[%swap3A_1136] {strides = array<i32>} : memref<80xi32, #tpu.memory_space<vmem>>, vector<16xi32>,
      tpu.vector_store %arg16[%swap3A_1136], %get3A_1120 {strides = array<i32>} : memref<80xi32, #tpu.memory_space<vmem>>, vector<16xi32>,
      %get3A_1138 = arith.constant 352 : index
      %get3A_1139 = tpu.vector_load %arg8[%get3A_1138] {strides = array<i32>} : memref<400xi32, #tpu.memory_space<vmem>>, vector<16xi32>,
      %get3A_1140 = arith.constant 352 : index
      %get3A_1141 = tpu.vector_load %arg9[%get3A_1140] {strides = array<i32>} : memref<400xi32, #tpu.memory_space<vmem>>, vector<16xi32>,
      %add3A_1142 = vector.broadcast %mul3A_14 : i32 to vector<16xi32>
      %add3A_1143 = arith.addi %get3A_1139, %add3A_1142 : vector<16xi32>
      %swap3A_1144 = arith.constant 32 : index
      %swap3A_1145 = tpu.vector_load %arg10[%swap3A_1144] {strides = array<i32>} : memref<80xi32, #tpu.memory_space<vmem>>, vector<16xi32>,
      tpu.vector_store %arg10[%swap3A_1144], %add3A_1143 {strides = array<i32>} : memref<80xi32, #tpu.memory_space<vmem>>, vector<16xi32>,
      %add3A_1146 = vector.broadcast %mul3A_14 : i32 to vector<16xi32>
      %add3A_1147 = arith.addi %get3A_1141, %add3A_1146 : vector<16xi32>
      %swap3A_1148 = arith.constant 32 : index
      %swap3A_1149 = tpu.vector_load %arg12[%swap3A_1148] {strides = array<i32>} : memref<80xi32, #tpu.memory_space<vmem>>, vector<16xi32>,
      tpu.vector_store %arg12[%swap3A_1148], %add3A_1147 {strides = array<i32>} : memref<80xi32, #tpu.memory_space<vmem>>, vector<16xi32>,
      %mul3A_1150 = arith.constant 2 : i32
      %mul3A_1151 = vector.broadcast %mul3A_1150 : i32 to vector<16xi32>
      %mul3A_1152 = arith.muli %get3A_1139, %mul3A_1151 : vector<16xi32>
      %add3A_1153 = vector.broadcast %arg0 : i32 to vector<16xi32>
      %add3A_1154 = arith.addi %mul3A_1152, %add3A_1153 : vector<16xi32>
      %swap3A_1155 = arith.constant 32 : index
      %swap3A_1156 = tpu.vector_load %arg14[%swap3A_1155] {strides = array<i32>} : memref<80xi32, #tpu.memory_space<vmem>>, vector<16xi32>,
      tpu.vector_store %arg14[%swap3A_1155], %add3A_1154 {strides = array<i32>} : memref<80xi32, #tpu.memory_space<vmem>>, vector<16xi32>,
      %swap3A_1157 = arith.constant 32 : index
      %swap3A_1158 = tpu.vector_load %arg16[%swap3A_1157] {strides = array<i32>} : memref<80xi32, #tpu.memory_space<vmem>>, vector<16xi32>,
      tpu.vector_store %arg16[%swap3A_1157], %get3A_1141 {strides = array<i32>} : memref<80xi32, #tpu.memory_space<vmem>>, vector<16xi32>,
      %get3A_1159 = arith.constant 368 : index
      %get3A_1160 = tpu.vector_load %arg8[%get3A_1159] {strides = array<i32>} : memref<400xi32, #tpu.memory_space<vmem>>, vector<16xi32>,
      %get3A_1161 = arith.constant 368 : index
      %get3A_1162 = tpu.vector_load %arg9[%get3A_1161] {strides = array<i32>} : memref<400xi32, #tpu.memory_space<vmem>>, vector<16xi32>,
      %add3A_1163 = vector.broadcast %mul3A_14 : i32 to vector<16xi32>
      %add3A_1164 = arith.addi %get3A_1160, %add3A_1163 : vector<16xi32>
      %swap3A_1165 = arith.constant 48 : index
      %swap3A_1166 = tpu.vector_load %arg10[%swap3A_1165] {strides = array<i32>} : memref<80xi32, #tpu.memory_space<vmem>>, vector<16xi32>,
      tpu.vector_store %arg10[%swap3A_1165], %add3A_1164 {strides = array<i32>} : memref<80xi32, #tpu.memory_space<vmem>>, vector<16xi32>,
      %add3A_1167 = vector.broadcast %mul3A_14 : i32 to vector<16xi32>
      %add3A_1168 = arith.addi %get3A_1162, %add3A_1167 : vector<16xi32>
      %swap3A_1169 = arith.constant 48 : index
      %swap3A_1170 = tpu.vector_load %arg12[%swap3A_1169] {strides = array<i32>} : memref<80xi32, #tpu.memory_space<vmem>>, vector<16xi32>,
      tpu.vector_store %arg12[%swap3A_1169], %add3A_1168 {strides = array<i32>} : memref<80xi32, #tpu.memory_space<vmem>>, vector<16xi32>,
      %mul3A_1171 = arith.constant 2 : i32
      %mul3A_1172 = vector.broadcast %mul3A_1171 : i32 to vector<16xi32>
      %mul3A_1173 = arith.muli %get3A_1160, %mul3A_1172 : vector<16xi32>
      %add3A_1174 = vector.broadcast %arg0 : i32 to vector<16xi32>
      %add3A_1175 = arith.addi %mul3A_1173, %add3A_1174 : vector<16xi32>
      %swap3A_1176 = arith.constant 48 : index
      %swap3A_1177 = tpu.vector_load %arg14[%swap3A_1176] {strides = array<i32>} : memref<80xi32, #tpu.memory_space<vmem>>, vector<16xi32>,
      tpu.vector_store %arg14[%swap3A_1176], %add3A_1175 {strides = array<i32>} : memref<80xi32, #tpu.memory_space<vmem>>, vector<16xi32>,
      %swap3A_1178 = arith.constant 48 : index
      %swap3A_1179 = tpu.vector_load %arg16[%swap3A_1178] {strides = array<i32>} : memref<80xi32, #tpu.memory_space<vmem>>, vector<16xi32>,
      tpu.vector_store %arg16[%swap3A_1178], %get3A_1162 {strides = array<i32>} : memref<80xi32, #tpu.memory_space<vmem>>, vector<16xi32>,
      %get3A_1180 = arith.constant 384 : index
      %get3A_1181 = tpu.vector_load %arg8[%get3A_1180] {strides = array<i32>} : memref<400xi32, #tpu.memory_space<vmem>>, vector<16xi32>,
      %get3A_1182 = arith.constant 384 : index
      %get3A_1183 = tpu.vector_load %arg9[%get3A_1182] {strides = array<i32>} : memref<400xi32, #tpu.memory_space<vmem>>, vector<16xi32>,
      %add3A_1184 = vector.broadcast %mul3A_14 : i32 to vector<16xi32>
      %add3A_1185 = arith.addi %get3A_1181, %add3A_1184 : vector<16xi32>
      %swap3A_1186 = arith.constant 64 : index
      %swap3A_1187 = tpu.vector_load %arg10[%swap3A_1186] {strides = array<i32>} : memref<80xi32, #tpu.memory_space<vmem>>, vector<16xi32>,
      tpu.vector_store %arg10[%swap3A_1186], %add3A_1185 {strides = array<i32>} : memref<80xi32, #tpu.memory_space<vmem>>, vector<16xi32>,
      %add3A_1188 = vector.broadcast %mul3A_14 : i32 to vector<16xi32>
      %add3A_1189 = arith.addi %get3A_1183, %add3A_1188 : vector<16xi32>
      %swap3A_1190 = arith.constant 64 : index
      %swap3A_1191 = tpu.vector_load %arg12[%swap3A_1190] {strides = array<i32>} : memref<80xi32, #tpu.memory_space<vmem>>, vector<16xi32>,
      tpu.vector_store %arg12[%swap3A_1190], %add3A_1189 {strides = array<i32>} : memref<80xi32, #tpu.memory_space<vmem>>, vector<16xi32>,
      %mul3A_1192 = arith.constant 2 : i32
      %mul3A_1193 = vector.broadcast %mul3A_1192 : i32 to vector<16xi32>
      %mul3A_1194 = arith.muli %get3A_1181, %mul3A_1193 : vector<16xi32>
      %add3A_1195 = vector.broadcast %arg0 : i32 to vector<16xi32>
      %add3A_1196 = arith.addi %mul3A_1194, %add3A_1195 : vector<16xi32>
      %swap3A_1197 = arith.constant 64 : index
      %swap3A_1198 = tpu.vector_load %arg14[%swap3A_1197] {strides = array<i32>} : memref<80xi32, #tpu.memory_space<vmem>>, vector<16xi32>,
      tpu.vector_store %arg14[%swap3A_1197], %add3A_1196 {strides = array<i32>} : memref<80xi32, #tpu.memory_space<vmem>>, vector<16xi32>,
      %swap3A_1199 = arith.constant 64 : index
      %swap3A_1200 = tpu.vector_load %arg16[%swap3A_1199] {strides = array<i32>} : memref<80xi32, #tpu.memory_space<vmem>>, vector<16xi32>,
      tpu.vector_store %arg16[%swap3A_1199], %get3A_1183 {strides = array<i32>} : memref<80xi32, #tpu.memory_space<vmem>>, vector<16xi32>,
      %dma_start3A_1201 = arith.constant 0 : i32
      %dma_start3A_1202 = arith.constant 0 : i32
      %dma_start3A_1203 = tpu.memref_slice %arg2[%dma_start3A_1201, %dma_start3A_1202] : memref<20000x16xf32, #tpu.memory_space<hbm>> -> memref<20000x16xf32, #tpu.memory_space<hbm>>
      tpu.enqueue_indirect_dma source(%dma_start3A_1203 : memref<20000x16xf32, #tpu.memory_space<hbm>>) target(%arg18 : memref<80x16xf32, #tpu.memory_space<vmem>>) offsets(%arg10 : memref<80xi32, #tpu.memory_space<vmem>>) semaphore(%arg28 : memref<!tpu.dma_semaphore, #tpu.memory_space<semaphore_mem>>)
      %dma_start3A_1204 = arith.constant 0 : i32
      %dma_start3A_1205 = arith.constant 0 : i32
      %dma_start3A_1206 = tpu.memref_slice %arg2[%dma_start3A_1204, %dma_start3A_1205] : memref<20000x16xf32, #tpu.memory_space<hbm>> -> memref<20000x16xf32, #tpu.memory_space<hbm>>
      tpu.enqueue_indirect_dma source(%dma_start3A_1206 : memref<20000x16xf32, #tpu.memory_space<hbm>>) target(%arg20 : memref<80x16xf32, #tpu.memory_space<vmem>>) offsets(%arg12 : memref<80xi32, #tpu.memory_space<vmem>>) semaphore(%arg30 : memref<!tpu.dma_semaphore, #tpu.memory_space<semaphore_mem>>)
      %dma_start3A_1207 = arith.constant 0 : i32
      %dma_start3A_1208 = arith.constant 0 : i32
      %dma_start3A_1209 = tpu.memref_slice %arg3[%dma_start3A_1207, %dma_start3A_1208] : memref<20000x128xf32, #tpu.memory_space<hbm>> -> memref<20000x128xf32, #tpu.memory_space<hbm>>
      tpu.enqueue_indirect_dma source(%dma_start3A_1209 : memref<20000x128xf32, #tpu.memory_space<hbm>>) target(%arg22 : memref<80x128xf32, #tpu.memory_space<vmem>>) offsets(%arg14 : memref<80xi32, #tpu.memory_space<vmem>>) semaphore(%arg32 : memref<!tpu.dma_semaphore, #tpu.memory_space<semaphore_mem>>)
      %dma_wait3A_1210 = arith.constant 0 : i32
      %dma_wait3A_1211 = arith.constant 0 : i32
      %dma_wait3A_1212 = tpu.memref_slice %arg2[%dma_wait3A_1210, %dma_wait3A_1211] : memref<20000x16xf32, #tpu.memory_space<hbm>> -> memref<20000x16xf32, #tpu.memory_space<hbm>>
      tpu.wait_indirect_dma semaphore(%arg29 : memref<!tpu.dma_semaphore, #tpu.memory_space<semaphore_mem>>) src(%dma_wait3A_1212 : memref<20000x16xf32, #tpu.memory_space<hbm>>) dst(%arg19 : memref<80x16xf32, #tpu.memory_space<vmem>>)
      %dma_wait3A_1213 = arith.constant 0 : i32
      %dma_wait3A_1214 = arith.constant 0 : i32
      %dma_wait3A_1215 = tpu.memref_slice %arg2[%dma_wait3A_1213, %dma_wait3A_1214] : memref<20000x16xf32, #tpu.memory_space<hbm>> -> memref<20000x16xf32, #tpu.memory_space<hbm>>
      tpu.wait_indirect_dma semaphore(%arg31 : memref<!tpu.dma_semaphore, #tpu.memory_space<semaphore_mem>>) src(%dma_wait3A_1215 : memref<20000x16xf32, #tpu.memory_space<hbm>>) dst(%arg21 : memref<80x16xf32, #tpu.memory_space<vmem>>)
      %add3A_1216 = arith.constant 0 : i32
      %add3A_1217 = vector.broadcast %add3A_1216 : i32 to vector<16xi32>
      %add3A_1218 = arith.addi %iota3A, %add3A_1217 : vector<16xi32>
      %broadcast_in_dim3A_1219 = arith.constant 0 : i32
      %broadcast_in_dim3A_1220 = vector.broadcast %broadcast_in_dim3A_1219 : i32 to vector<16xi32>
      %gather3A_1221 = tpu.vector_load_idx %arg19[%add3A_1218, %broadcast_in_dim3A_1220] : memref<80x16xf32, #tpu.memory_space<vmem>>[vector<16xi32>, vector<16xi32>], vector<16xf32>,
      %broadcast_in_dim3A_1222 = arith.constant 2 : i32
      %broadcast_in_dim3A_1223 = vector.broadcast %broadcast_in_dim3A_1222 : i32 to vector<16xi32>
      %gather3A_1224 = tpu.vector_load_idx %arg21[%add3A_1218, %broadcast_in_dim3A_1223] : memref<80x16xf32, #tpu.memory_space<vmem>>[vector<16xi32>, vector<16xi32>], vector<16xf32>,
      %add3A_1225 = arith.addf %gather3A_1221, %gather3A_1224 : vector<16xf32>
      %gt3A_1226 = arith.constant 0.000000e+00 : f32
      %gt3A_1227 = vector.broadcast %gt3A_1226 : f32 to vector<16xf32>
      %gt3A_1228 = arith.cmpf ogt, %add3A_1225, %gt3A_1227 : vector<16xf32>
      %mul3A_1229 = arith.constant 2.000000e-01 : f32
      %mul3A_1230 = vector.broadcast %mul3A_1229 : f32 to vector<16xf32>
      %mul3A_1231 = arith.mulf %add3A_1225, %mul3A_1230 : vector<16xf32>
      %select_n3A_1232 = arith.select %gt3A_1228, %add3A_1225, %mul3A_1231 : vector<16xi1>, vector<16xf32>
      %exp3A_1233 = math.exp %select_n3A_1232 : vector<16xf32>
      %broadcast_in_dim3A_1234 = arith.constant 128 : i32
      %broadcast_in_dim3A_1235 = vector.broadcast %broadcast_in_dim3A_1234 : i32 to vector<16xi32>
      tpu.vector_store_idx %arg24[%add3A_1218, %broadcast_in_dim3A_1235], %exp3A_1233 : memref<80x144xf32, #tpu.memory_space<vmem>>[vector<16xi32>, vector<16xi32>], vector<16xf32>,
      %broadcast_in_dim3A_1236 = arith.constant 1 : i32
      %broadcast_in_dim3A_1237 = vector.broadcast %broadcast_in_dim3A_1236 : i32 to vector<16xi32>
      %gather3A_1238 = tpu.vector_load_idx %arg19[%add3A_1218, %broadcast_in_dim3A_1237] : memref<80x16xf32, #tpu.memory_space<vmem>>[vector<16xi32>, vector<16xi32>], vector<16xf32>,
      %broadcast_in_dim3A_1239 = arith.constant 3 : i32
      %broadcast_in_dim3A_1240 = vector.broadcast %broadcast_in_dim3A_1239 : i32 to vector<16xi32>
      %gather3A_1241 = tpu.vector_load_idx %arg21[%add3A_1218, %broadcast_in_dim3A_1240] : memref<80x16xf32, #tpu.memory_space<vmem>>[vector<16xi32>, vector<16xi32>], vector<16xf32>,
      %add3A_1242 = arith.addf %gather3A_1238, %gather3A_1241 : vector<16xf32>
      %gt3A_1243 = arith.constant 0.000000e+00 : f32
      %gt3A_1244 = vector.broadcast %gt3A_1243 : f32 to vector<16xf32>
      %gt3A_1245 = arith.cmpf ogt, %add3A_1242, %gt3A_1244 : vector<16xf32>
      %mul3A_1246 = arith.constant 2.000000e-01 : f32
      %mul3A_1247 = vector.broadcast %mul3A_1246 : f32 to vector<16xf32>
      %mul3A_1248 = arith.mulf %add3A_1242, %mul3A_1247 : vector<16xf32>
      %select_n3A_1249 = arith.select %gt3A_1245, %add3A_1242, %mul3A_1248 : vector<16xi1>, vector<16xf32>
      %exp3A_1250 = math.exp %select_n3A_1249 : vector<16xf32>
      %broadcast_in_dim3A_1251 = arith.constant 129 : i32
      %broadcast_in_dim3A_1252 = vector.broadcast %broadcast_in_dim3A_1251 : i32 to vector<16xi32>
      tpu.vector_store_idx %arg24[%add3A_1218, %broadcast_in_dim3A_1252], %exp3A_1250 : memref<80x144xf32, #tpu.memory_space<vmem>>[vector<16xi32>, vector<16xi32>], vector<16xf32>,
      %add3A_1253 = arith.constant 16 : i32
      %add3A_1254 = vector.broadcast %add3A_1253 : i32 to vector<16xi32>
      %add3A_1255 = arith.addi %iota3A, %add3A_1254 : vector<16xi32>
      %broadcast_in_dim3A_1256 = arith.constant 0 : i32
      %broadcast_in_dim3A_1257 = vector.broadcast %broadcast_in_dim3A_1256 : i32 to vector<16xi32>
      %gather3A_1258 = tpu.vector_load_idx %arg19[%add3A_1255, %broadcast_in_dim3A_1257] : memref<80x16xf32, #tpu.memory_space<vmem>>[vector<16xi32>, vector<16xi32>], vector<16xf32>,
      %broadcast_in_dim3A_1259 = arith.constant 2 : i32
      %broadcast_in_dim3A_1260 = vector.broadcast %broadcast_in_dim3A_1259 : i32 to vector<16xi32>
      %gather3A_1261 = tpu.vector_load_idx %arg21[%add3A_1255, %broadcast_in_dim3A_1260] : memref<80x16xf32, #tpu.memory_space<vmem>>[vector<16xi32>, vector<16xi32>], vector<16xf32>,
      %add3A_1262 = arith.addf %gather3A_1258, %gather3A_1261 : vector<16xf32>
      %gt3A_1263 = arith.constant 0.000000e+00 : f32
      %gt3A_1264 = vector.broadcast %gt3A_1263 : f32 to vector<16xf32>
      %gt3A_1265 = arith.cmpf ogt, %add3A_1262, %gt3A_1264 : vector<16xf32>
      %mul3A_1266 = arith.constant 2.000000e-01 : f32
      %mul3A_1267 = vector.broadcast %mul3A_1266 : f32 to vector<16xf32>
      %mul3A_1268 = arith.mulf %add3A_1262, %mul3A_1267 : vector<16xf32>
      %select_n3A_1269 = arith.select %gt3A_1265, %add3A_1262, %mul3A_1268 : vector<16xi1>, vector<16xf32>
      %exp3A_1270 = math.exp %select_n3A_1269 : vector<16xf32>
      %broadcast_in_dim3A_1271 = arith.constant 128 : i32
      %broadcast_in_dim3A_1272 = vector.broadcast %broadcast_in_dim3A_1271 : i32 to vector<16xi32>
      tpu.vector_store_idx %arg24[%add3A_1255, %broadcast_in_dim3A_1272], %exp3A_1270 : memref<80x144xf32, #tpu.memory_space<vmem>>[vector<16xi32>, vector<16xi32>], vector<16xf32>,
      %broadcast_in_dim3A_1273 = arith.constant 1 : i32
      %broadcast_in_dim3A_1274 = vector.broadcast %broadcast_in_dim3A_1273 : i32 to vector<16xi32>
      %gather3A_1275 = tpu.vector_load_idx %arg19[%add3A_1255, %broadcast_in_dim3A_1274] : memref<80x16xf32, #tpu.memory_space<vmem>>[vector<16xi32>, vector<16xi32>], vector<16xf32>,
      %broadcast_in_dim3A_1276 = arith.constant 3 : i32
      %broadcast_in_dim3A_1277 = vector.broadcast %broadcast_in_dim3A_1276 : i32 to vector<16xi32>
      %gather3A_1278 = tpu.vector_load_idx %arg21[%add3A_1255, %broadcast_in_dim3A_1277] : memref<80x16xf32, #tpu.memory_space<vmem>>[vector<16xi32>, vector<16xi32>], vector<16xf32>,
      %add3A_1279 = arith.addf %gather3A_1275, %gather3A_1278 : vector<16xf32>
      %gt3A_1280 = arith.constant 0.000000e+00 : f32
      %gt3A_1281 = vector.broadcast %gt3A_1280 : f32 to vector<16xf32>
      %gt3A_1282 = arith.cmpf ogt, %add3A_1279, %gt3A_1281 : vector<16xf32>
      %mul3A_1283 = arith.constant 2.000000e-01 : f32
      %mul3A_1284 = vector.broadcast %mul3A_1283 : f32 to vector<16xf32>
      %mul3A_1285 = arith.mulf %add3A_1279, %mul3A_1284 : vector<16xf32>
      %select_n3A_1286 = arith.select %gt3A_1282, %add3A_1279, %mul3A_1285 : vector<16xi1>, vector<16xf32>
      %exp3A_1287 = math.exp %select_n3A_1286 : vector<16xf32>
      %broadcast_in_dim3A_1288 = arith.constant 129 : i32
      %broadcast_in_dim3A_1289 = vector.broadcast %broadcast_in_dim3A_1288 : i32 to vector<16xi32>
      tpu.vector_store_idx %arg24[%add3A_1255, %broadcast_in_dim3A_1289], %exp3A_1287 : memref<80x144xf32, #tpu.memory_space<vmem>>[vector<16xi32>, vector<16xi32>], vector<16xf32>,
      %add3A_1290 = arith.constant 32 : i32
      %add3A_1291 = vector.broadcast %add3A_1290 : i32 to vector<16xi32>
      %add3A_1292 = arith.addi %iota3A, %add3A_1291 : vector<16xi32>
      %broadcast_in_dim3A_1293 = arith.constant 0 : i32
      %broadcast_in_dim3A_1294 = vector.broadcast %broadcast_in_dim3A_1293 : i32 to vector<16xi32>
      %gather3A_1295 = tpu.vector_load_idx %arg19[%add3A_1292, %broadcast_in_dim3A_1294] : memref<80x16xf32, #tpu.memory_space<vmem>>[vector<16xi32>, vector<16xi32>], vector<16xf32>,
      %broadcast_in_dim3A_1296 = arith.constant 2 : i32
      %broadcast_in_dim3A_1297 = vector.broadcast %broadcast_in_dim3A_1296 : i32 to vector<16xi32>
      %gather3A_1298 = tpu.vector_load_idx %arg21[%add3A_1292, %broadcast_in_dim3A_1297] : memref<80x16xf32, #tpu.memory_space<vmem>>[vector<16xi32>, vector<16xi32>], vector<16xf32>,
      %add3A_1299 = arith.addf %gather3A_1295, %gather3A_1298 : vector<16xf32>
      %gt3A_1300 = arith.constant 0.000000e+00 : f32
      %gt3A_1301 = vector.broadcast %gt3A_1300 : f32 to vector<16xf32>
      %gt3A_1302 = arith.cmpf ogt, %add3A_1299, %gt3A_1301 : vector<16xf32>
      %mul3A_1303 = arith.constant 2.000000e-01 : f32
      %mul3A_1304 = vector.broadcast %mul3A_1303 : f32 to vector<16xf32>
      %mul3A_1305 = arith.mulf %add3A_1299, %mul3A_1304 : vector<16xf32>
      %select_n3A_1306 = arith.select %gt3A_1302, %add3A_1299, %mul3A_1305 : vector<16xi1>, vector<16xf32>
      %exp3A_1307 = math.exp %select_n3A_1306 : vector<16xf32>
      %broadcast_in_dim3A_1308 = arith.constant 128 : i32
      %broadcast_in_dim3A_1309 = vector.broadcast %broadcast_in_dim3A_1308 : i32 to vector<16xi32>
      tpu.vector_store_idx %arg24[%add3A_1292, %broadcast_in_dim3A_1309], %exp3A_1307 : memref<80x144xf32, #tpu.memory_space<vmem>>[vector<16xi32>, vector<16xi32>], vector<16xf32>,
      %broadcast_in_dim3A_1310 = arith.constant 1 : i32
      %broadcast_in_dim3A_1311 = vector.broadcast %broadcast_in_dim3A_1310 : i32 to vector<16xi32>
      %gather3A_1312 = tpu.vector_load_idx %arg19[%add3A_1292, %broadcast_in_dim3A_1311] : memref<80x16xf32, #tpu.memory_space<vmem>>[vector<16xi32>, vector<16xi32>], vector<16xf32>,
      %broadcast_in_dim3A_1313 = arith.constant 3 : i32
      %broadcast_in_dim3A_1314 = vector.broadcast %broadcast_in_dim3A_1313 : i32 to vector<16xi32>
      %gather3A_1315 = tpu.vector_load_idx %arg21[%add3A_1292, %broadcast_in_dim3A_1314] : memref<80x16xf32, #tpu.memory_space<vmem>>[vector<16xi32>, vector<16xi32>], vector<16xf32>,
      %add3A_1316 = arith.addf %gather3A_1312, %gather3A_1315 : vector<16xf32>
      %gt3A_1317 = arith.constant 0.000000e+00 : f32
      %gt3A_1318 = vector.broadcast %gt3A_1317 : f32 to vector<16xf32>
      %gt3A_1319 = arith.cmpf ogt, %add3A_1316, %gt3A_1318 : vector<16xf32>
      %mul3A_1320 = arith.constant 2.000000e-01 : f32
      %mul3A_1321 = vector.broadcast %mul3A_1320 : f32 to vector<16xf32>
      %mul3A_1322 = arith.mulf %add3A_1316, %mul3A_1321 : vector<16xf32>
      %select_n3A_1323 = arith.select %gt3A_1319, %add3A_1316, %mul3A_1322 : vector<16xi1>, vector<16xf32>
      %exp3A_1324 = math.exp %select_n3A_1323 : vector<16xf32>
      %broadcast_in_dim3A_1325 = arith.constant 129 : i32
      %broadcast_in_dim3A_1326 = vector.broadcast %broadcast_in_dim3A_1325 : i32 to vector<16xi32>
      tpu.vector_store_idx %arg24[%add3A_1292, %broadcast_in_dim3A_1326], %exp3A_1324 : memref<80x144xf32, #tpu.memory_space<vmem>>[vector<16xi32>, vector<16xi32>], vector<16xf32>,
      %add3A_1327 = arith.constant 48 : i32
      %add3A_1328 = vector.broadcast %add3A_1327 : i32 to vector<16xi32>
      %add3A_1329 = arith.addi %iota3A, %add3A_1328 : vector<16xi32>
      %broadcast_in_dim3A_1330 = arith.constant 0 : i32
      %broadcast_in_dim3A_1331 = vector.broadcast %broadcast_in_dim3A_1330 : i32 to vector<16xi32>
      %gather3A_1332 = tpu.vector_load_idx %arg19[%add3A_1329, %broadcast_in_dim3A_1331] : memref<80x16xf32, #tpu.memory_space<vmem>>[vector<16xi32>, vector<16xi32>], vector<16xf32>,
      %broadcast_in_dim3A_1333 = arith.constant 2 : i32
      %broadcast_in_dim3A_1334 = vector.broadcast %broadcast_in_dim3A_1333 : i32 to vector<16xi32>
      %gather3A_1335 = tpu.vector_load_idx %arg21[%add3A_1329, %broadcast_in_dim3A_1334] : memref<80x16xf32, #tpu.memory_space<vmem>>[vector<16xi32>, vector<16xi32>], vector<16xf32>,
      %add3A_1336 = arith.addf %gather3A_1332, %gather3A_1335 : vector<16xf32>
      %gt3A_1337 = arith.constant 0.000000e+00 : f32
      %gt3A_1338 = vector.broadcast %gt3A_1337 : f32 to vector<16xf32>
      %gt3A_1339 = arith.cmpf ogt, %add3A_1336, %gt3A_1338 : vector<16xf32>
      %mul3A_1340 = arith.constant 2.000000e-01 : f32
      %mul3A_1341 = vector.broadcast %mul3A_1340 : f32 to vector<16xf32>
      %mul3A_1342 = arith.mulf %add3A_1336, %mul3A_1341 : vector<16xf32>
      %select_n3A_1343 = arith.select %gt3A_1339, %add3A_1336, %mul3A_1342 : vector<16xi1>, vector<16xf32>
      %exp3A_1344 = math.exp %select_n3A_1343 : vector<16xf32>
      %broadcast_in_dim3A_1345 = arith.constant 128 : i32
      %broadcast_in_dim3A_1346 = vector.broadcast %broadcast_in_dim3A_1345 : i32 to vector<16xi32>
      tpu.vector_store_idx %arg24[%add3A_1329, %broadcast_in_dim3A_1346], %exp3A_1344 : memref<80x144xf32, #tpu.memory_space<vmem>>[vector<16xi32>, vector<16xi32>], vector<16xf32>,
      %broadcast_in_dim3A_1347 = arith.constant 1 : i32
      %broadcast_in_dim3A_1348 = vector.broadcast %broadcast_in_dim3A_1347 : i32 to vector<16xi32>
      %gather3A_1349 = tpu.vector_load_idx %arg19[%add3A_1329, %broadcast_in_dim3A_1348] : memref<80x16xf32, #tpu.memory_space<vmem>>[vector<16xi32>, vector<16xi32>], vector<16xf32>,
      %broadcast_in_dim3A_1350 = arith.constant 3 : i32
      %broadcast_in_dim3A_1351 = vector.broadcast %broadcast_in_dim3A_1350 : i32 to vector<16xi32>
      %gather3A_1352 = tpu.vector_load_idx %arg21[%add3A_1329, %broadcast_in_dim3A_1351] : memref<80x16xf32, #tpu.memory_space<vmem>>[vector<16xi32>, vector<16xi32>], vector<16xf32>,
      %add3A_1353 = arith.addf %gather3A_1349, %gather3A_1352 : vector<16xf32>
      %gt3A_1354 = arith.constant 0.000000e+00 : f32
      %gt3A_1355 = vector.broadcast %gt3A_1354 : f32 to vector<16xf32>
      %gt3A_1356 = arith.cmpf ogt, %add3A_1353, %gt3A_1355 : vector<16xf32>
      %mul3A_1357 = arith.constant 2.000000e-01 : f32
      %mul3A_1358 = vector.broadcast %mul3A_1357 : f32 to vector<16xf32>
      %mul3A_1359 = arith.mulf %add3A_1353, %mul3A_1358 : vector<16xf32>
      %select_n3A_1360 = arith.select %gt3A_1356, %add3A_1353, %mul3A_1359 : vector<16xi1>, vector<16xf32>
      %exp3A_1361 = math.exp %select_n3A_1360 : vector<16xf32>
      %broadcast_in_dim3A_1362 = arith.constant 129 : i32
      %broadcast_in_dim3A_1363 = vector.broadcast %broadcast_in_dim3A_1362 : i32 to vector<16xi32>
      tpu.vector_store_idx %arg24[%add3A_1329, %broadcast_in_dim3A_1363], %exp3A_1361 : memref<80x144xf32, #tpu.memory_space<vmem>>[vector<16xi32>, vector<16xi32>], vector<16xf32>,
      %add3A_1364 = arith.constant 64 : i32
      %add3A_1365 = vector.broadcast %add3A_1364 : i32 to vector<16xi32>
      %add3A_1366 = arith.addi %iota3A, %add3A_1365 : vector<16xi32>
      %broadcast_in_dim3A_1367 = arith.constant 0 : i32
      %broadcast_in_dim3A_1368 = vector.broadcast %broadcast_in_dim3A_1367 : i32 to vector<16xi32>
      %gather3A_1369 = tpu.vector_load_idx %arg19[%add3A_1366, %broadcast_in_dim3A_1368] : memref<80x16xf32, #tpu.memory_space<vmem>>[vector<16xi32>, vector<16xi32>], vector<16xf32>,
      %broadcast_in_dim3A_1370 = arith.constant 2 : i32
      %broadcast_in_dim3A_1371 = vector.broadcast %broadcast_in_dim3A_1370 : i32 to vector<16xi32>
      %gather3A_1372 = tpu.vector_load_idx %arg21[%add3A_1366, %broadcast_in_dim3A_1371] : memref<80x16xf32, #tpu.memory_space<vmem>>[vector<16xi32>, vector<16xi32>], vector<16xf32>,
      %add3A_1373 = arith.addf %gather3A_1369, %gather3A_1372 : vector<16xf32>
      %gt3A_1374 = arith.constant 0.000000e+00 : f32
      %gt3A_1375 = vector.broadcast %gt3A_1374 : f32 to vector<16xf32>
      %gt3A_1376 = arith.cmpf ogt, %add3A_1373, %gt3A_1375 : vector<16xf32>
      %mul3A_1377 = arith.constant 2.000000e-01 : f32
      %mul3A_1378 = vector.broadcast %mul3A_1377 : f32 to vector<16xf32>
      %mul3A_1379 = arith.mulf %add3A_1373, %mul3A_1378 : vector<16xf32>
      %select_n3A_1380 = arith.select %gt3A_1376, %add3A_1373, %mul3A_1379 : vector<16xi1>, vector<16xf32>
      %exp3A_1381 = math.exp %select_n3A_1380 : vector<16xf32>
      %broadcast_in_dim3A_1382 = arith.constant 128 : i32
      %broadcast_in_dim3A_1383 = vector.broadcast %broadcast_in_dim3A_1382 : i32 to vector<16xi32>
      tpu.vector_store_idx %arg24[%add3A_1366, %broadcast_in_dim3A_1383], %exp3A_1381 : memref<80x144xf32, #tpu.memory_space<vmem>>[vector<16xi32>, vector<16xi32>], vector<16xf32>,
      %broadcast_in_dim3A_1384 = arith.constant 1 : i32
      %broadcast_in_dim3A_1385 = vector.broadcast %broadcast_in_dim3A_1384 : i32 to vector<16xi32>
      %gather3A_1386 = tpu.vector_load_idx %arg19[%add3A_1366, %broadcast_in_dim3A_1385] : memref<80x16xf32, #tpu.memory_space<vmem>>[vector<16xi32>, vector<16xi32>], vector<16xf32>,
      %broadcast_in_dim3A_1387 = arith.constant 3 : i32
      %broadcast_in_dim3A_1388 = vector.broadcast %broadcast_in_dim3A_1387 : i32 to vector<16xi32>
      %gather3A_1389 = tpu.vector_load_idx %arg21[%add3A_1366, %broadcast_in_dim3A_1388] : memref<80x16xf32, #tpu.memory_space<vmem>>[vector<16xi32>, vector<16xi32>], vector<16xf32>,
      %add3A_1390 = arith.addf %gather3A_1386, %gather3A_1389 : vector<16xf32>
      %gt3A_1391 = arith.constant 0.000000e+00 : f32
      %gt3A_1392 = vector.broadcast %gt3A_1391 : f32 to vector<16xf32>
      %gt3A_1393 = arith.cmpf ogt, %add3A_1390, %gt3A_1392 : vector<16xf32>
      %mul3A_1394 = arith.constant 2.000000e-01 : f32
      %mul3A_1395 = vector.broadcast %mul3A_1394 : f32 to vector<16xf32>
      %mul3A_1396 = arith.mulf %add3A_1390, %mul3A_1395 : vector<16xf32>
      %select_n3A_1397 = arith.select %gt3A_1393, %add3A_1390, %mul3A_1396 : vector<16xi1>, vector<16xf32>
      %exp3A_1398 = math.exp %select_n3A_1397 : vector<16xf32>
      %broadcast_in_dim3A_1399 = arith.constant 129 : i32
      %broadcast_in_dim3A_1400 = vector.broadcast %broadcast_in_dim3A_1399 : i32 to vector<16xi32>
      tpu.vector_store_idx %arg24[%add3A_1366, %broadcast_in_dim3A_1400], %exp3A_1398 : memref<80x144xf32, #tpu.memory_space<vmem>>[vector<16xi32>, vector<16xi32>], vector<16xf32>,
      %dma_wait3A_1401 = arith.constant 0 : i32
      %dma_wait3A_1402 = arith.constant 0 : i32
      %dma_wait3A_1403 = tpu.memref_slice %arg3[%dma_wait3A_1401, %dma_wait3A_1402] : memref<20000x128xf32, #tpu.memory_space<hbm>> -> memref<20000x128xf32, #tpu.memory_space<hbm>>
      tpu.wait_indirect_dma semaphore(%arg33 : memref<!tpu.dma_semaphore, #tpu.memory_space<semaphore_mem>>) src(%dma_wait3A_1403 : memref<20000x128xf32, #tpu.memory_space<hbm>>) dst(%arg23 : memref<80x128xf32, #tpu.memory_space<vmem>>)
      %scan3A_1404 = arith.constant 0 : i32
      %scan3A_1405 = arith.constant 80 : i32
      %scan3A_1406 = arith.addi %scan3A_1404, %scan3A_1405 : i32
      %scan3A_1407 = arith.constant 1 : i32
      scf.for %scan3A_1620 = %scan3A_1404 to %scan3A_1406 step %scan3A_1407  : i32 {
        %mul3A_1621 = arith.constant 1 : i32
        %mul3A_1622 = arith.muli %scan3A_1620, %mul3A_1621 : i32
        %add3A_1623 = arith.constant 0 : i32
        %add3A_1624 = arith.addi %add3A_1623, %mul3A_1622 : i32
        %get3A_1625 = arith.index_cast %add3A_1624 : i32 to index
        %get3A_1626 = arith.constant 128 : index
        %get3A_1627 = tpu.vector_load %arg24[%get3A_1625, %get3A_1626] {strides = array<i32>} : memref<80x144xf32, #tpu.memory_space<vmem>>, vector<16xf32>,
        %slice3A = vector.extract_strided_slice %get3A_1627 {offsets = [0], sizes = [1], strides = [1]} : vector<16xf32> to vector<1xf32>
        %squeeze3A = vector.extract %slice3A[0] : f32 from vector<1xf32>
        %slice3A_1628 = vector.extract_strided_slice %get3A_1627 {offsets = [1], sizes = [1], strides = [1]} : vector<16xf32> to vector<1xf32>
        %squeeze3A_1629 = vector.extract %slice3A_1628[0] : f32 from vector<1xf32>
        %get3A_1630 = arith.index_cast %add3A_1624 : i32 to index
        %get3A_1631 = arith.constant 0 : index
        %get3A_1632 = tpu.vector_load %arg23[%get3A_1630, %get3A_1631] {strides = array<i32>} : memref<80x128xf32, #tpu.memory_space<vmem>>, vector<16xf32>,
        %mul3A_1633 = vector.broadcast %squeeze3A : f32 to vector<16xf32>
        %mul3A_1634 = arith.mulf %get3A_1632, %mul3A_1633 : vector<16xf32>
        %swap3A_1635 = arith.index_cast %add3A_1624 : i32 to index
        %swap3A_1636 = arith.constant 0 : index
        %swap3A_1637 = tpu.vector_load %arg24[%swap3A_1635, %swap3A_1636] {strides = array<i32>} : memref<80x144xf32, #tpu.memory_space<vmem>>, vector<16xf32>,
        tpu.vector_store %arg24[%swap3A_1635, %swap3A_1636], %mul3A_1634 {strides = array<i32>} : memref<80x144xf32, #tpu.memory_space<vmem>>, vector<16xf32>,
        %get3A_1638 = arith.index_cast %add3A_1624 : i32 to index
        %get3A_1639 = arith.constant 16 : index
        %get3A_1640 = tpu.vector_load %arg23[%get3A_1638, %get3A_1639] {strides = array<i32>} : memref<80x128xf32, #tpu.memory_space<vmem>>, vector<16xf32>,
        %mul3A_1641 = vector.broadcast %squeeze3A : f32 to vector<16xf32>
        %mul3A_1642 = arith.mulf %get3A_1640, %mul3A_1641 : vector<16xf32>
        %swap3A_1643 = arith.index_cast %add3A_1624 : i32 to index
        %swap3A_1644 = arith.constant 16 : index
        %swap3A_1645 = tpu.vector_load %arg24[%swap3A_1643, %swap3A_1644] {strides = array<i32>} : memref<80x144xf32, #tpu.memory_space<vmem>>, vector<16xf32>,
        tpu.vector_store %arg24[%swap3A_1643, %swap3A_1644], %mul3A_1642 {strides = array<i32>} : memref<80x144xf32, #tpu.memory_space<vmem>>, vector<16xf32>,
        %get3A_1646 = arith.index_cast %add3A_1624 : i32 to index
        %get3A_1647 = arith.constant 32 : index
        %get3A_1648 = tpu.vector_load %arg23[%get3A_1646, %get3A_1647] {strides = array<i32>} : memref<80x128xf32, #tpu.memory_space<vmem>>, vector<16xf32>,
        %mul3A_1649 = vector.broadcast %squeeze3A : f32 to vector<16xf32>
        %mul3A_1650 = arith.mulf %get3A_1648, %mul3A_1649 : vector<16xf32>
        %swap3A_1651 = arith.index_cast %add3A_1624 : i32 to index
        %swap3A_1652 = arith.constant 32 : index
        %swap3A_1653 = tpu.vector_load %arg24[%swap3A_1651, %swap3A_1652] {strides = array<i32>} : memref<80x144xf32, #tpu.memory_space<vmem>>, vector<16xf32>,
        tpu.vector_store %arg24[%swap3A_1651, %swap3A_1652], %mul3A_1650 {strides = array<i32>} : memref<80x144xf32, #tpu.memory_space<vmem>>, vector<16xf32>,
        %get3A_1654 = arith.index_cast %add3A_1624 : i32 to index
        %get3A_1655 = arith.constant 48 : index
        %get3A_1656 = tpu.vector_load %arg23[%get3A_1654, %get3A_1655] {strides = array<i32>} : memref<80x128xf32, #tpu.memory_space<vmem>>, vector<16xf32>,
        %mul3A_1657 = vector.broadcast %squeeze3A : f32 to vector<16xf32>
        %mul3A_1658 = arith.mulf %get3A_1656, %mul3A_1657 : vector<16xf32>
        %swap3A_1659 = arith.index_cast %add3A_1624 : i32 to index
        %swap3A_1660 = arith.constant 48 : index
        %swap3A_1661 = tpu.vector_load %arg24[%swap3A_1659, %swap3A_1660] {strides = array<i32>} : memref<80x144xf32, #tpu.memory_space<vmem>>, vector<16xf32>,
        tpu.vector_store %arg24[%swap3A_1659, %swap3A_1660], %mul3A_1658 {strides = array<i32>} : memref<80x144xf32, #tpu.memory_space<vmem>>, vector<16xf32>,
        %get3A_1662 = arith.index_cast %add3A_1624 : i32 to index
        %get3A_1663 = arith.constant 64 : index
        %get3A_1664 = tpu.vector_load %arg23[%get3A_1662, %get3A_1663] {strides = array<i32>} : memref<80x128xf32, #tpu.memory_space<vmem>>, vector<16xf32>,
        %mul3A_1665 = vector.broadcast %squeeze3A_1629 : f32 to vector<16xf32>
        %mul3A_1666 = arith.mulf %get3A_1664, %mul3A_1665 : vector<16xf32>
        %swap3A_1667 = arith.index_cast %add3A_1624 : i32 to index
        %swap3A_1668 = arith.constant 64 : index
        %swap3A_1669 = tpu.vector_load %arg24[%swap3A_1667, %swap3A_1668] {strides = array<i32>} : memref<80x144xf32, #tpu.memory_space<vmem>>, vector<16xf32>,
        tpu.vector_store %arg24[%swap3A_1667, %swap3A_1668], %mul3A_1666 {strides = array<i32>} : memref<80x144xf32, #tpu.memory_space<vmem>>, vector<16xf32>,
        %get3A_1670 = arith.index_cast %add3A_1624 : i32 to index
        %get3A_1671 = arith.constant 80 : index
        %get3A_1672 = tpu.vector_load %arg23[%get3A_1670, %get3A_1671] {strides = array<i32>} : memref<80x128xf32, #tpu.memory_space<vmem>>, vector<16xf32>,
        %mul3A_1673 = vector.broadcast %squeeze3A_1629 : f32 to vector<16xf32>
        %mul3A_1674 = arith.mulf %get3A_1672, %mul3A_1673 : vector<16xf32>
        %swap3A_1675 = arith.index_cast %add3A_1624 : i32 to index
        %swap3A_1676 = arith.constant 80 : index
        %swap3A_1677 = tpu.vector_load %arg24[%swap3A_1675, %swap3A_1676] {strides = array<i32>} : memref<80x144xf32, #tpu.memory_space<vmem>>, vector<16xf32>,
        tpu.vector_store %arg24[%swap3A_1675, %swap3A_1676], %mul3A_1674 {strides = array<i32>} : memref<80x144xf32, #tpu.memory_space<vmem>>, vector<16xf32>,
        %get3A_1678 = arith.index_cast %add3A_1624 : i32 to index
        %get3A_1679 = arith.constant 96 : index
        %get3A_1680 = tpu.vector_load %arg23[%get3A_1678, %get3A_1679] {strides = array<i32>} : memref<80x128xf32, #tpu.memory_space<vmem>>, vector<16xf32>,
        %mul3A_1681 = vector.broadcast %squeeze3A_1629 : f32 to vector<16xf32>
        %mul3A_1682 = arith.mulf %get3A_1680, %mul3A_1681 : vector<16xf32>
        %swap3A_1683 = arith.index_cast %add3A_1624 : i32 to index
        %swap3A_1684 = arith.constant 96 : index
        %swap3A_1685 = tpu.vector_load %arg24[%swap3A_1683, %swap3A_1684] {strides = array<i32>} : memref<80x144xf32, #tpu.memory_space<vmem>>, vector<16xf32>,
        tpu.vector_store %arg24[%swap3A_1683, %swap3A_1684], %mul3A_1682 {strides = array<i32>} : memref<80x144xf32, #tpu.memory_space<vmem>>, vector<16xf32>,
        %get3A_1686 = arith.index_cast %add3A_1624 : i32 to index
        %get3A_1687 = arith.constant 112 : index
        %get3A_1688 = tpu.vector_load %arg23[%get3A_1686, %get3A_1687] {strides = array<i32>} : memref<80x128xf32, #tpu.memory_space<vmem>>, vector<16xf32>,
        %mul3A_1689 = vector.broadcast %squeeze3A_1629 : f32 to vector<16xf32>
        %mul3A_1690 = arith.mulf %get3A_1688, %mul3A_1689 : vector<16xf32>
        %swap3A_1691 = arith.index_cast %add3A_1624 : i32 to index
        %swap3A_1692 = arith.constant 112 : index
        %swap3A_1693 = tpu.vector_load %arg24[%swap3A_1691, %swap3A_1692] {strides = array<i32>} : memref<80x144xf32, #tpu.memory_space<vmem>>, vector<16xf32>,
        tpu.vector_store %arg24[%swap3A_1691, %swap3A_1692], %mul3A_1690 {strides = array<i32>} : memref<80x144xf32, #tpu.memory_space<vmem>>, vector<16xf32>,
      }
      %scan3A_1408 = arith.constant 80 : i32
      %dma_start3A_1409 = arith.constant 0 : i32
      %dma_start3A_1410 = arith.constant 0 : i32
      %dma_start3A_1411 = tpu.memref_slice %arg27[%dma_start3A_1409, %dma_start3A_1410] : memref<10000x144xf32, #tpu.memory_space<vmem_shared>> -> memref<10000x144xf32, #tpu.memory_space<vmem_shared>>
      tpu.enqueue_indirect_dma source(%arg24 : memref<80x144xf32, #tpu.memory_space<vmem>>) target(%dma_start3A_1411 : memref<10000x144xf32, #tpu.memory_space<vmem_shared>>) offsets(%arg17 : memref<80xi32, #tpu.memory_space<vmem>>) semaphore(%arg34 : memref<!tpu.dma_semaphore, #tpu.memory_space<semaphore_mem>>) {add = true}
      %dma_wait3A_1412 = arith.constant 0 : i32
      %dma_wait3A_1413 = arith.constant 0 : i32
      %dma_wait3A_1414 = tpu.memref_slice %arg27[%dma_wait3A_1412, %dma_wait3A_1413] : memref<10000x144xf32, #tpu.memory_space<vmem_shared>> -> memref<10000x144xf32, #tpu.memory_space<vmem_shared>>
      tpu.wait_indirect_dma semaphore(%arg34 : memref<!tpu.dma_semaphore, #tpu.memory_space<semaphore_mem>>) src(%arg24 : memref<80x144xf32, #tpu.memory_space<vmem>>) dst(%dma_wait3A_1414 : memref<10000x144xf32, #tpu.memory_space<vmem_shared>>)
      %dma_wait3A_1415 = arith.constant 0 : i32
      %dma_wait3A_1416 = arith.constant 0 : i32
      %dma_wait3A_1417 = tpu.memref_slice %arg2[%dma_wait3A_1415, %dma_wait3A_1416] : memref<20000x16xf32, #tpu.memory_space<hbm>> -> memref<20000x16xf32, #tpu.memory_space<hbm>>
      tpu.wait_indirect_dma semaphore(%arg28 : memref<!tpu.dma_semaphore, #tpu.memory_space<semaphore_mem>>) src(%dma_wait3A_1417 : memref<20000x16xf32, #tpu.memory_space<hbm>>) dst(%arg18 : memref<80x16xf32, #tpu.memory_space<vmem>>)
      %dma_wait3A_1418 = arith.constant 0 : i32
      %dma_wait3A_1419 = arith.constant 0 : i32
      %dma_wait3A_1420 = tpu.memref_slice %arg2[%dma_wait3A_1418, %dma_wait3A_1419] : memref<20000x16xf32, #tpu.memory_space<hbm>> -> memref<20000x16xf32, #tpu.memory_space<hbm>>
      tpu.wait_indirect_dma semaphore(%arg30 : memref<!tpu.dma_semaphore, #tpu.memory_space<semaphore_mem>>) src(%dma_wait3A_1420 : memref<20000x16xf32, #tpu.memory_space<hbm>>) dst(%arg20 : memref<80x16xf32, #tpu.memory_space<vmem>>)
      %add3A_1421 = arith.constant 0 : i32
      %add3A_1422 = vector.broadcast %add3A_1421 : i32 to vector<16xi32>
      %add3A_1423 = arith.addi %iota3A, %add3A_1422 : vector<16xi32>
      %broadcast_in_dim3A_1424 = arith.constant 0 : i32
      %broadcast_in_dim3A_1425 = vector.broadcast %broadcast_in_dim3A_1424 : i32 to vector<16xi32>
      %gather3A_1426 = tpu.vector_load_idx %arg18[%add3A_1423, %broadcast_in_dim3A_1425] : memref<80x16xf32, #tpu.memory_space<vmem>>[vector<16xi32>, vector<16xi32>], vector<16xf32>,
      %broadcast_in_dim3A_1427 = arith.constant 2 : i32
      %broadcast_in_dim3A_1428 = vector.broadcast %broadcast_in_dim3A_1427 : i32 to vector<16xi32>
      %gather3A_1429 = tpu.vector_load_idx %arg20[%add3A_1423, %broadcast_in_dim3A_1428] : memref<80x16xf32, #tpu.memory_space<vmem>>[vector<16xi32>, vector<16xi32>], vector<16xf32>,
      %add3A_1430 = arith.addf %gather3A_1426, %gather3A_1429 : vector<16xf32>
      %gt3A_1431 = arith.constant 0.000000e+00 : f32
      %gt3A_1432 = vector.broadcast %gt3A_1431 : f32 to vector<16xf32>
      %gt3A_1433 = arith.cmpf ogt, %add3A_1430, %gt3A_1432 : vector<16xf32>
      %mul3A_1434 = arith.constant 2.000000e-01 : f32
      %mul3A_1435 = vector.broadcast %mul3A_1434 : f32 to vector<16xf32>
      %mul3A_1436 = arith.mulf %add3A_1430, %mul3A_1435 : vector<16xf32>
      %select_n3A_1437 = arith.select %gt3A_1433, %add3A_1430, %mul3A_1436 : vector<16xi1>, vector<16xf32>
      %exp3A_1438 = math.exp %select_n3A_1437 : vector<16xf32>
      %broadcast_in_dim3A_1439 = arith.constant 128 : i32
      %broadcast_in_dim3A_1440 = vector.broadcast %broadcast_in_dim3A_1439 : i32 to vector<16xi32>
      tpu.vector_store_idx %arg24[%add3A_1423, %broadcast_in_dim3A_1440], %exp3A_1438 : memref<80x144xf32, #tpu.memory_space<vmem>>[vector<16xi32>, vector<16xi32>], vector<16xf32>,
      %broadcast_in_dim3A_1441 = arith.constant 1 : i32
      %broadcast_in_dim3A_1442 = vector.broadcast %broadcast_in_dim3A_1441 : i32 to vector<16xi32>
      %gather3A_1443 = tpu.vector_load_idx %arg18[%add3A_1423, %broadcast_in_dim3A_1442] : memref<80x16xf32, #tpu.memory_space<vmem>>[vector<16xi32>, vector<16xi32>], vector<16xf32>,
      %broadcast_in_dim3A_1444 = arith.constant 3 : i32
      %broadcast_in_dim3A_1445 = vector.broadcast %broadcast_in_dim3A_1444 : i32 to vector<16xi32>
      %gather3A_1446 = tpu.vector_load_idx %arg20[%add3A_1423, %broadcast_in_dim3A_1445] : memref<80x16xf32, #tpu.memory_space<vmem>>[vector<16xi32>, vector<16xi32>], vector<16xf32>,
      %add3A_1447 = arith.addf %gather3A_1443, %gather3A_1446 : vector<16xf32>
      %gt3A_1448 = arith.constant 0.000000e+00 : f32
      %gt3A_1449 = vector.broadcast %gt3A_1448 : f32 to vector<16xf32>
      %gt3A_1450 = arith.cmpf ogt, %add3A_1447, %gt3A_1449 : vector<16xf32>
      %mul3A_1451 = arith.constant 2.000000e-01 : f32
      %mul3A_1452 = vector.broadcast %mul3A_1451 : f32 to vector<16xf32>
      %mul3A_1453 = arith.mulf %add3A_1447, %mul3A_1452 : vector<16xf32>
      %select_n3A_1454 = arith.select %gt3A_1450, %add3A_1447, %mul3A_1453 : vector<16xi1>, vector<16xf32>
      %exp3A_1455 = math.exp %select_n3A_1454 : vector<16xf32>
      %broadcast_in_dim3A_1456 = arith.constant 129 : i32
      %broadcast_in_dim3A_1457 = vector.broadcast %broadcast_in_dim3A_1456 : i32 to vector<16xi32>
      tpu.vector_store_idx %arg24[%add3A_1423, %broadcast_in_dim3A_1457], %exp3A_1455 : memref<80x144xf32, #tpu.memory_space<vmem>>[vector<16xi32>, vector<16xi32>], vector<16xf32>,
      %add3A_1458 = arith.constant 16 : i32
      %add3A_1459 = vector.broadcast %add3A_1458 : i32 to vector<16xi32>
      %add3A_1460 = arith.addi %iota3A, %add3A_1459 : vector<16xi32>
      %broadcast_in_dim3A_1461 = arith.constant 0 : i32
      %broadcast_in_dim3A_1462 = vector.broadcast %broadcast_in_dim3A_1461 : i32 to vector<16xi32>
      %gather3A_1463 = tpu.vector_load_idx %arg18[%add3A_1460, %broadcast_in_dim3A_1462] : memref<80x16xf32, #tpu.memory_space<vmem>>[vector<16xi32>, vector<16xi32>], vector<16xf32>,
      %broadcast_in_dim3A_1464 = arith.constant 2 : i32
      %broadcast_in_dim3A_1465 = vector.broadcast %broadcast_in_dim3A_1464 : i32 to vector<16xi32>
      %gather3A_1466 = tpu.vector_load_idx %arg20[%add3A_1460, %broadcast_in_dim3A_1465] : memref<80x16xf32, #tpu.memory_space<vmem>>[vector<16xi32>, vector<16xi32>], vector<16xf32>,
      %add3A_1467 = arith.addf %gather3A_1463, %gather3A_1466 : vector<16xf32>
      %gt3A_1468 = arith.constant 0.000000e+00 : f32
      %gt3A_1469 = vector.broadcast %gt3A_1468 : f32 to vector<16xf32>
      %gt3A_1470 = arith.cmpf ogt, %add3A_1467, %gt3A_1469 : vector<16xf32>
      %mul3A_1471 = arith.constant 2.000000e-01 : f32
      %mul3A_1472 = vector.broadcast %mul3A_1471 : f32 to vector<16xf32>
      %mul3A_1473 = arith.mulf %add3A_1467, %mul3A_1472 : vector<16xf32>
      %select_n3A_1474 = arith.select %gt3A_1470, %add3A_1467, %mul3A_1473 : vector<16xi1>, vector<16xf32>
      %exp3A_1475 = math.exp %select_n3A_1474 : vector<16xf32>
      %broadcast_in_dim3A_1476 = arith.constant 128 : i32
      %broadcast_in_dim3A_1477 = vector.broadcast %broadcast_in_dim3A_1476 : i32 to vector<16xi32>
      tpu.vector_store_idx %arg24[%add3A_1460, %broadcast_in_dim3A_1477], %exp3A_1475 : memref<80x144xf32, #tpu.memory_space<vmem>>[vector<16xi32>, vector<16xi32>], vector<16xf32>,
      %broadcast_in_dim3A_1478 = arith.constant 1 : i32
      %broadcast_in_dim3A_1479 = vector.broadcast %broadcast_in_dim3A_1478 : i32 to vector<16xi32>
      %gather3A_1480 = tpu.vector_load_idx %arg18[%add3A_1460, %broadcast_in_dim3A_1479] : memref<80x16xf32, #tpu.memory_space<vmem>>[vector<16xi32>, vector<16xi32>], vector<16xf32>,
      %broadcast_in_dim3A_1481 = arith.constant 3 : i32
      %broadcast_in_dim3A_1482 = vector.broadcast %broadcast_in_dim3A_1481 : i32 to vector<16xi32>
      %gather3A_1483 = tpu.vector_load_idx %arg20[%add3A_1460, %broadcast_in_dim3A_1482] : memref<80x16xf32, #tpu.memory_space<vmem>>[vector<16xi32>, vector<16xi32>], vector<16xf32>,
      %add3A_1484 = arith.addf %gather3A_1480, %gather3A_1483 : vector<16xf32>
      %gt3A_1485 = arith.constant 0.000000e+00 : f32
      %gt3A_1486 = vector.broadcast %gt3A_1485 : f32 to vector<16xf32>
      %gt3A_1487 = arith.cmpf ogt, %add3A_1484, %gt3A_1486 : vector<16xf32>
      %mul3A_1488 = arith.constant 2.000000e-01 : f32
      %mul3A_1489 = vector.broadcast %mul3A_1488 : f32 to vector<16xf32>
      %mul3A_1490 = arith.mulf %add3A_1484, %mul3A_1489 : vector<16xf32>
      %select_n3A_1491 = arith.select %gt3A_1487, %add3A_1484, %mul3A_1490 : vector<16xi1>, vector<16xf32>
      %exp3A_1492 = math.exp %select_n3A_1491 : vector<16xf32>
      %broadcast_in_dim3A_1493 = arith.constant 129 : i32
      %broadcast_in_dim3A_1494 = vector.broadcast %broadcast_in_dim3A_1493 : i32 to vector<16xi32>
      tpu.vector_store_idx %arg24[%add3A_1460, %broadcast_in_dim3A_1494], %exp3A_1492 : memref<80x144xf32, #tpu.memory_space<vmem>>[vector<16xi32>, vector<16xi32>], vector<16xf32>,
      %add3A_1495 = arith.constant 32 : i32
      %add3A_1496 = vector.broadcast %add3A_1495 : i32 to vector<16xi32>
      %add3A_1497 = arith.addi %iota3A, %add3A_1496 : vector<16xi32>
      %broadcast_in_dim3A_1498 = arith.constant 0 : i32
      %broadcast_in_dim3A_1499 = vector.broadcast %broadcast_in_dim3A_1498 : i32 to vector<16xi32>
      %gather3A_1500 = tpu.vector_load_idx %arg18[%add3A_1497, %broadcast_in_dim3A_1499] : memref<80x16xf32, #tpu.memory_space<vmem>>[vector<16xi32>, vector<16xi32>], vector<16xf32>,
      %broadcast_in_dim3A_1501 = arith.constant 2 : i32
      %broadcast_in_dim3A_1502 = vector.broadcast %broadcast_in_dim3A_1501 : i32 to vector<16xi32>
      %gather3A_1503 = tpu.vector_load_idx %arg20[%add3A_1497, %broadcast_in_dim3A_1502] : memref<80x16xf32, #tpu.memory_space<vmem>>[vector<16xi32>, vector<16xi32>], vector<16xf32>,
      %add3A_1504 = arith.addf %gather3A_1500, %gather3A_1503 : vector<16xf32>
      %gt3A_1505 = arith.constant 0.000000e+00 : f32
      %gt3A_1506 = vector.broadcast %gt3A_1505 : f32 to vector<16xf32>
      %gt3A_1507 = arith.cmpf ogt, %add3A_1504, %gt3A_1506 : vector<16xf32>
      %mul3A_1508 = arith.constant 2.000000e-01 : f32
      %mul3A_1509 = vector.broadcast %mul3A_1508 : f32 to vector<16xf32>
      %mul3A_1510 = arith.mulf %add3A_1504, %mul3A_1509 : vector<16xf32>
      %select_n3A_1511 = arith.select %gt3A_1507, %add3A_1504, %mul3A_1510 : vector<16xi1>, vector<16xf32>
      %exp3A_1512 = math.exp %select_n3A_1511 : vector<16xf32>
      %broadcast_in_dim3A_1513 = arith.constant 128 : i32
      %broadcast_in_dim3A_1514 = vector.broadcast %broadcast_in_dim3A_1513 : i32 to vector<16xi32>
      tpu.vector_store_idx %arg24[%add3A_1497, %broadcast_in_dim3A_1514], %exp3A_1512 : memref<80x144xf32, #tpu.memory_space<vmem>>[vector<16xi32>, vector<16xi32>], vector<16xf32>,
      %broadcast_in_dim3A_1515 = arith.constant 1 : i32
      %broadcast_in_dim3A_1516 = vector.broadcast %broadcast_in_dim3A_1515 : i32 to vector<16xi32>
      %gather3A_1517 = tpu.vector_load_idx %arg18[%add3A_1497, %broadcast_in_dim3A_1516] : memref<80x16xf32, #tpu.memory_space<vmem>>[vector<16xi32>, vector<16xi32>], vector<16xf32>,
      %broadcast_in_dim3A_1518 = arith.constant 3 : i32
      %broadcast_in_dim3A_1519 = vector.broadcast %broadcast_in_dim3A_1518 : i32 to vector<16xi32>
      %gather3A_1520 = tpu.vector_load_idx %arg20[%add3A_1497, %broadcast_in_dim3A_1519] : memref<80x16xf32, #tpu.memory_space<vmem>>[vector<16xi32>, vector<16xi32>], vector<16xf32>,
      %add3A_1521 = arith.addf %gather3A_1517, %gather3A_1520 : vector<16xf32>
      %gt3A_1522 = arith.constant 0.000000e+00 : f32
      %gt3A_1523 = vector.broadcast %gt3A_1522 : f32 to vector<16xf32>
      %gt3A_1524 = arith.cmpf ogt, %add3A_1521, %gt3A_1523 : vector<16xf32>
      %mul3A_1525 = arith.constant 2.000000e-01 : f32
      %mul3A_1526 = vector.broadcast %mul3A_1525 : f32 to vector<16xf32>
      %mul3A_1527 = arith.mulf %add3A_1521, %mul3A_1526 : vector<16xf32>
      %select_n3A_1528 = arith.select %gt3A_1524, %add3A_1521, %mul3A_1527 : vector<16xi1>, vector<16xf32>
      %exp3A_1529 = math.exp %select_n3A_1528 : vector<16xf32>
      %broadcast_in_dim3A_1530 = arith.constant 129 : i32
      %broadcast_in_dim3A_1531 = vector.broadcast %broadcast_in_dim3A_1530 : i32 to vector<16xi32>
      tpu.vector_store_idx %arg24[%add3A_1497, %broadcast_in_dim3A_1531], %exp3A_1529 : memref<80x144xf32, #tpu.memory_space<vmem>>[vector<16xi32>, vector<16xi32>], vector<16xf32>,
      %add3A_1532 = arith.constant 48 : i32
      %add3A_1533 = vector.broadcast %add3A_1532 : i32 to vector<16xi32>
      %add3A_1534 = arith.addi %iota3A, %add3A_1533 : vector<16xi32>
      %broadcast_in_dim3A_1535 = arith.constant 0 : i32
      %broadcast_in_dim3A_1536 = vector.broadcast %broadcast_in_dim3A_1535 : i32 to vector<16xi32>
      %gather3A_1537 = tpu.vector_load_idx %arg18[%add3A_1534, %broadcast_in_dim3A_1536] : memref<80x16xf32, #tpu.memory_space<vmem>>[vector<16xi32>, vector<16xi32>], vector<16xf32>,
      %broadcast_in_dim3A_1538 = arith.constant 2 : i32
      %broadcast_in_dim3A_1539 = vector.broadcast %broadcast_in_dim3A_1538 : i32 to vector<16xi32>
      %gather3A_1540 = tpu.vector_load_idx %arg20[%add3A_1534, %broadcast_in_dim3A_1539] : memref<80x16xf32, #tpu.memory_space<vmem>>[vector<16xi32>, vector<16xi32>], vector<16xf32>,
      %add3A_1541 = arith.addf %gather3A_1537, %gather3A_1540 : vector<16xf32>
      %gt3A_1542 = arith.constant 0.000000e+00 : f32
      %gt3A_1543 = vector.broadcast %gt3A_1542 : f32 to vector<16xf32>
      %gt3A_1544 = arith.cmpf ogt, %add3A_1541, %gt3A_1543 : vector<16xf32>
      %mul3A_1545 = arith.constant 2.000000e-01 : f32
      %mul3A_1546 = vector.broadcast %mul3A_1545 : f32 to vector<16xf32>
      %mul3A_1547 = arith.mulf %add3A_1541, %mul3A_1546 : vector<16xf32>
      %select_n3A_1548 = arith.select %gt3A_1544, %add3A_1541, %mul3A_1547 : vector<16xi1>, vector<16xf32>
      %exp3A_1549 = math.exp %select_n3A_1548 : vector<16xf32>
      %broadcast_in_dim3A_1550 = arith.constant 128 : i32
      %broadcast_in_dim3A_1551 = vector.broadcast %broadcast_in_dim3A_1550 : i32 to vector<16xi32>
      tpu.vector_store_idx %arg24[%add3A_1534, %broadcast_in_dim3A_1551], %exp3A_1549 : memref<80x144xf32, #tpu.memory_space<vmem>>[vector<16xi32>, vector<16xi32>], vector<16xf32>,
      %broadcast_in_dim3A_1552 = arith.constant 1 : i32
      %broadcast_in_dim3A_1553 = vector.broadcast %broadcast_in_dim3A_1552 : i32 to vector<16xi32>
      %gather3A_1554 = tpu.vector_load_idx %arg18[%add3A_1534, %broadcast_in_dim3A_1553] : memref<80x16xf32, #tpu.memory_space<vmem>>[vector<16xi32>, vector<16xi32>], vector<16xf32>,
      %broadcast_in_dim3A_1555 = arith.constant 3 : i32
      %broadcast_in_dim3A_1556 = vector.broadcast %broadcast_in_dim3A_1555 : i32 to vector<16xi32>
      %gather3A_1557 = tpu.vector_load_idx %arg20[%add3A_1534, %broadcast_in_dim3A_1556] : memref<80x16xf32, #tpu.memory_space<vmem>>[vector<16xi32>, vector<16xi32>], vector<16xf32>,
      %add3A_1558 = arith.addf %gather3A_1554, %gather3A_1557 : vector<16xf32>
      %gt3A_1559 = arith.constant 0.000000e+00 : f32
      %gt3A_1560 = vector.broadcast %gt3A_1559 : f32 to vector<16xf32>
      %gt3A_1561 = arith.cmpf ogt, %add3A_1558, %gt3A_1560 : vector<16xf32>
      %mul3A_1562 = arith.constant 2.000000e-01 : f32
      %mul3A_1563 = vector.broadcast %mul3A_1562 : f32 to vector<16xf32>
      %mul3A_1564 = arith.mulf %add3A_1558, %mul3A_1563 : vector<16xf32>
      %select_n3A_1565 = arith.select %gt3A_1561, %add3A_1558, %mul3A_1564 : vector<16xi1>, vector<16xf32>
      %exp3A_1566 = math.exp %select_n3A_1565 : vector<16xf32>
      %broadcast_in_dim3A_1567 = arith.constant 129 : i32
      %broadcast_in_dim3A_1568 = vector.broadcast %broadcast_in_dim3A_1567 : i32 to vector<16xi32>
      tpu.vector_store_idx %arg24[%add3A_1534, %broadcast_in_dim3A_1568], %exp3A_1566 : memref<80x144xf32, #tpu.memory_space<vmem>>[vector<16xi32>, vector<16xi32>], vector<16xf32>,
      %add3A_1569 = arith.constant 64 : i32
      %add3A_1570 = vector.broadcast %add3A_1569 : i32 to vector<16xi32>
      %add3A_1571 = arith.addi %iota3A, %add3A_1570 : vector<16xi32>
      %broadcast_in_dim3A_1572 = arith.constant 0 : i32
      %broadcast_in_dim3A_1573 = vector.broadcast %broadcast_in_dim3A_1572 : i32 to vector<16xi32>
      %gather3A_1574 = tpu.vector_load_idx %arg18[%add3A_1571, %broadcast_in_dim3A_1573] : memref<80x16xf32, #tpu.memory_space<vmem>>[vector<16xi32>, vector<16xi32>], vector<16xf32>,
      %broadcast_in_dim3A_1575 = arith.constant 2 : i32
      %broadcast_in_dim3A_1576 = vector.broadcast %broadcast_in_dim3A_1575 : i32 to vector<16xi32>
      %gather3A_1577 = tpu.vector_load_idx %arg20[%add3A_1571, %broadcast_in_dim3A_1576] : memref<80x16xf32, #tpu.memory_space<vmem>>[vector<16xi32>, vector<16xi32>], vector<16xf32>,
      %add3A_1578 = arith.addf %gather3A_1574, %gather3A_1577 : vector<16xf32>
      %gt3A_1579 = arith.constant 0.000000e+00 : f32
      %gt3A_1580 = vector.broadcast %gt3A_1579 : f32 to vector<16xf32>
      %gt3A_1581 = arith.cmpf ogt, %add3A_1578, %gt3A_1580 : vector<16xf32>
      %mul3A_1582 = arith.constant 2.000000e-01 : f32
      %mul3A_1583 = vector.broadcast %mul3A_1582 : f32 to vector<16xf32>
      %mul3A_1584 = arith.mulf %add3A_1578, %mul3A_1583 : vector<16xf32>
      %select_n3A_1585 = arith.select %gt3A_1581, %add3A_1578, %mul3A_1584 : vector<16xi1>, vector<16xf32>
      %exp3A_1586 = math.exp %select_n3A_1585 : vector<16xf32>
      %broadcast_in_dim3A_1587 = arith.constant 128 : i32
      %broadcast_in_dim3A_1588 = vector.broadcast %broadcast_in_dim3A_1587 : i32 to vector<16xi32>
      tpu.vector_store_idx %arg24[%add3A_1571, %broadcast_in_dim3A_1588], %exp3A_1586 : memref<80x144xf32, #tpu.memory_space<vmem>>[vector<16xi32>, vector<16xi32>], vector<16xf32>,
      %broadcast_in_dim3A_1589 = arith.constant 1 : i32
      %broadcast_in_dim3A_1590 = vector.broadcast %broadcast_in_dim3A_1589 : i32 to vector<16xi32>
      %gather3A_1591 = tpu.vector_load_idx %arg18[%add3A_1571, %broadcast_in_dim3A_1590] : memref<80x16xf32, #tpu.memory_space<vmem>>[vector<16xi32>, vector<16xi32>], vector<16xf32>,
      %broadcast_in_dim3A_1592 = arith.constant 3 : i32
      %broadcast_in_dim3A_1593 = vector.broadcast %broadcast_in_dim3A_1592 : i32 to vector<16xi32>
      %gather3A_1594 = tpu.vector_load_idx %arg20[%add3A_1571, %broadcast_in_dim3A_1593] : memref<80x16xf32, #tpu.memory_space<vmem>>[vector<16xi32>, vector<16xi32>], vector<16xf32>,
      %add3A_1595 = arith.addf %gather3A_1591, %gather3A_1594 : vector<16xf32>
      %gt3A_1596 = arith.constant 0.000000e+00 : f32
      %gt3A_1597 = vector.broadcast %gt3A_1596 : f32 to vector<16xf32>
      %gt3A_1598 = arith.cmpf ogt, %add3A_1595, %gt3A_1597 : vector<16xf32>
      %mul3A_1599 = arith.constant 2.000000e-01 : f32
      %mul3A_1600 = vector.broadcast %mul3A_1599 : f32 to vector<16xf32>
      %mul3A_1601 = arith.mulf %add3A_1595, %mul3A_1600 : vector<16xf32>
      %select_n3A_1602 = arith.select %gt3A_1598, %add3A_1595, %mul3A_1601 : vector<16xi1>, vector<16xf32>
      %exp3A_1603 = math.exp %select_n3A_1602 : vector<16xf32>
      %broadcast_in_dim3A_1604 = arith.constant 129 : i32
      %broadcast_in_dim3A_1605 = vector.broadcast %broadcast_in_dim3A_1604 : i32 to vector<16xi32>
      tpu.vector_store_idx %arg24[%add3A_1571, %broadcast_in_dim3A_1605], %exp3A_1603 : memref<80x144xf32, #tpu.memory_space<vmem>>[vector<16xi32>, vector<16xi32>], vector<16xf32>,
      %dma_wait3A_1606 = arith.constant 0 : i32
      %dma_wait3A_1607 = arith.constant 0 : i32
      %dma_wait3A_1608 = tpu.memref_slice %arg3[%dma_wait3A_1606, %dma_wait3A_1607] : memref<20000x128xf32, #tpu.memory_space<hbm>> -> memref<20000x128xf32, #tpu.memory_space<hbm>>
      tpu.wait_indirect_dma semaphore(%arg32 : memref<!tpu.dma_semaphore, #tpu.memory_space<semaphore_mem>>) src(%dma_wait3A_1608 : memref<20000x128xf32, #tpu.memory_space<hbm>>) dst(%arg22 : memref<80x128xf32, #tpu.memory_space<vmem>>)
      %scan3A_1609 = arith.constant 0 : i32
      %scan3A_1610 = arith.constant 80 : i32
      %scan3A_1611 = arith.addi %scan3A_1609, %scan3A_1610 : i32
      %scan3A_1612 = arith.constant 1 : i32
      scf.for %scan3A_1620 = %scan3A_1609 to %scan3A_1611 step %scan3A_1612  : i32 {
        %mul3A_1621 = arith.constant 1 : i32
        %mul3A_1622 = arith.muli %scan3A_1620, %mul3A_1621 : i32
        %add3A_1623 = arith.constant 0 : i32
        %add3A_1624 = arith.addi %add3A_1623, %mul3A_1622 : i32
        %get3A_1625 = arith.index_cast %add3A_1624 : i32 to index
        %get3A_1626 = arith.constant 128 : index
        %get3A_1627 = tpu.vector_load %arg24[%get3A_1625, %get3A_1626] {strides = array<i32>} : memref<80x144xf32, #tpu.memory_space<vmem>>, vector<16xf32>,
        %slice3A = vector.extract_strided_slice %get3A_1627 {offsets = [0], sizes = [1], strides = [1]} : vector<16xf32> to vector<1xf32>
        %squeeze3A = vector.extract %slice3A[0] : f32 from vector<1xf32>
        %slice3A_1628 = vector.extract_strided_slice %get3A_1627 {offsets = [1], sizes = [1], strides = [1]} : vector<16xf32> to vector<1xf32>
        %squeeze3A_1629 = vector.extract %slice3A_1628[0] : f32 from vector<1xf32>
        %get3A_1630 = arith.index_cast %add3A_1624 : i32 to index
        %get3A_1631 = arith.constant 0 : index
        %get3A_1632 = tpu.vector_load %arg22[%get3A_1630, %get3A_1631] {strides = array<i32>} : memref<80x128xf32, #tpu.memory_space<vmem>>, vector<16xf32>,
        %mul3A_1633 = vector.broadcast %squeeze3A : f32 to vector<16xf32>
        %mul3A_1634 = arith.mulf %get3A_1632, %mul3A_1633 : vector<16xf32>
        %swap3A_1635 = arith.index_cast %add3A_1624 : i32 to index
        %swap3A_1636 = arith.constant 0 : index
        %swap3A_1637 = tpu.vector_load %arg24[%swap3A_1635, %swap3A_1636] {strides = array<i32>} : memref<80x144xf32, #tpu.memory_space<vmem>>, vector<16xf32>,
        tpu.vector_store %arg24[%swap3A_1635, %swap3A_1636], %mul3A_1634 {strides = array<i32>} : memref<80x144xf32, #tpu.memory_space<vmem>>, vector<16xf32>,
        %get3A_1638 = arith.index_cast %add3A_1624 : i32 to index
        %get3A_1639 = arith.constant 16 : index
        %get3A_1640 = tpu.vector_load %arg22[%get3A_1638, %get3A_1639] {strides = array<i32>} : memref<80x128xf32, #tpu.memory_space<vmem>>, vector<16xf32>,
        %mul3A_1641 = vector.broadcast %squeeze3A : f32 to vector<16xf32>
        %mul3A_1642 = arith.mulf %get3A_1640, %mul3A_1641 : vector<16xf32>
        %swap3A_1643 = arith.index_cast %add3A_1624 : i32 to index
        %swap3A_1644 = arith.constant 16 : index
        %swap3A_1645 = tpu.vector_load %arg24[%swap3A_1643, %swap3A_1644] {strides = array<i32>} : memref<80x144xf32, #tpu.memory_space<vmem>>, vector<16xf32>,
        tpu.vector_store %arg24[%swap3A_1643, %swap3A_1644], %mul3A_1642 {strides = array<i32>} : memref<80x144xf32, #tpu.memory_space<vmem>>, vector<16xf32>,
        %get3A_1646 = arith.index_cast %add3A_1624 : i32 to index
        %get3A_1647 = arith.constant 32 : index
        %get3A_1648 = tpu.vector_load %arg22[%get3A_1646, %get3A_1647] {strides = array<i32>} : memref<80x128xf32, #tpu.memory_space<vmem>>, vector<16xf32>,
        %mul3A_1649 = vector.broadcast %squeeze3A : f32 to vector<16xf32>
        %mul3A_1650 = arith.mulf %get3A_1648, %mul3A_1649 : vector<16xf32>
        %swap3A_1651 = arith.index_cast %add3A_1624 : i32 to index
        %swap3A_1652 = arith.constant 32 : index
        %swap3A_1653 = tpu.vector_load %arg24[%swap3A_1651, %swap3A_1652] {strides = array<i32>} : memref<80x144xf32, #tpu.memory_space<vmem>>, vector<16xf32>,
        tpu.vector_store %arg24[%swap3A_1651, %swap3A_1652], %mul3A_1650 {strides = array<i32>} : memref<80x144xf32, #tpu.memory_space<vmem>>, vector<16xf32>,
        %get3A_1654 = arith.index_cast %add3A_1624 : i32 to index
        %get3A_1655 = arith.constant 48 : index
        %get3A_1656 = tpu.vector_load %arg22[%get3A_1654, %get3A_1655] {strides = array<i32>} : memref<80x128xf32, #tpu.memory_space<vmem>>, vector<16xf32>,
        %mul3A_1657 = vector.broadcast %squeeze3A : f32 to vector<16xf32>
        %mul3A_1658 = arith.mulf %get3A_1656, %mul3A_1657 : vector<16xf32>
        %swap3A_1659 = arith.index_cast %add3A_1624 : i32 to index
        %swap3A_1660 = arith.constant 48 : index
        %swap3A_1661 = tpu.vector_load %arg24[%swap3A_1659, %swap3A_1660] {strides = array<i32>} : memref<80x144xf32, #tpu.memory_space<vmem>>, vector<16xf32>,
        tpu.vector_store %arg24[%swap3A_1659, %swap3A_1660], %mul3A_1658 {strides = array<i32>} : memref<80x144xf32, #tpu.memory_space<vmem>>, vector<16xf32>,
        %get3A_1662 = arith.index_cast %add3A_1624 : i32 to index
        %get3A_1663 = arith.constant 64 : index
        %get3A_1664 = tpu.vector_load %arg22[%get3A_1662, %get3A_1663] {strides = array<i32>} : memref<80x128xf32, #tpu.memory_space<vmem>>, vector<16xf32>,
        %mul3A_1665 = vector.broadcast %squeeze3A_1629 : f32 to vector<16xf32>
        %mul3A_1666 = arith.mulf %get3A_1664, %mul3A_1665 : vector<16xf32>
        %swap3A_1667 = arith.index_cast %add3A_1624 : i32 to index
        %swap3A_1668 = arith.constant 64 : index
        %swap3A_1669 = tpu.vector_load %arg24[%swap3A_1667, %swap3A_1668] {strides = array<i32>} : memref<80x144xf32, #tpu.memory_space<vmem>>, vector<16xf32>,
        tpu.vector_store %arg24[%swap3A_1667, %swap3A_1668], %mul3A_1666 {strides = array<i32>} : memref<80x144xf32, #tpu.memory_space<vmem>>, vector<16xf32>,
        %get3A_1670 = arith.index_cast %add3A_1624 : i32 to index
        %get3A_1671 = arith.constant 80 : index
        %get3A_1672 = tpu.vector_load %arg22[%get3A_1670, %get3A_1671] {strides = array<i32>} : memref<80x128xf32, #tpu.memory_space<vmem>>, vector<16xf32>,
        %mul3A_1673 = vector.broadcast %squeeze3A_1629 : f32 to vector<16xf32>
        %mul3A_1674 = arith.mulf %get3A_1672, %mul3A_1673 : vector<16xf32>
        %swap3A_1675 = arith.index_cast %add3A_1624 : i32 to index
        %swap3A_1676 = arith.constant 80 : index
        %swap3A_1677 = tpu.vector_load %arg24[%swap3A_1675, %swap3A_1676] {strides = array<i32>} : memref<80x144xf32, #tpu.memory_space<vmem>>, vector<16xf32>,
        tpu.vector_store %arg24[%swap3A_1675, %swap3A_1676], %mul3A_1674 {strides = array<i32>} : memref<80x144xf32, #tpu.memory_space<vmem>>, vector<16xf32>,
        %get3A_1678 = arith.index_cast %add3A_1624 : i32 to index
        %get3A_1679 = arith.constant 96 : index
        %get3A_1680 = tpu.vector_load %arg22[%get3A_1678, %get3A_1679] {strides = array<i32>} : memref<80x128xf32, #tpu.memory_space<vmem>>, vector<16xf32>,
        %mul3A_1681 = vector.broadcast %squeeze3A_1629 : f32 to vector<16xf32>
        %mul3A_1682 = arith.mulf %get3A_1680, %mul3A_1681 : vector<16xf32>
        %swap3A_1683 = arith.index_cast %add3A_1624 : i32 to index
        %swap3A_1684 = arith.constant 96 : index
        %swap3A_1685 = tpu.vector_load %arg24[%swap3A_1683, %swap3A_1684] {strides = array<i32>} : memref<80x144xf32, #tpu.memory_space<vmem>>, vector<16xf32>,
        tpu.vector_store %arg24[%swap3A_1683, %swap3A_1684], %mul3A_1682 {strides = array<i32>} : memref<80x144xf32, #tpu.memory_space<vmem>>, vector<16xf32>,
        %get3A_1686 = arith.index_cast %add3A_1624 : i32 to index
        %get3A_1687 = arith.constant 112 : index
        %get3A_1688 = tpu.vector_load %arg22[%get3A_1686, %get3A_1687] {strides = array<i32>} : memref<80x128xf32, #tpu.memory_space<vmem>>, vector<16xf32>,
        %mul3A_1689 = vector.broadcast %squeeze3A_1629 : f32 to vector<16xf32>
        %mul3A_1690 = arith.mulf %get3A_1688, %mul3A_1689 : vector<16xf32>
        %swap3A_1691 = arith.index_cast %add3A_1624 : i32 to index
        %swap3A_1692 = arith.constant 112 : index
        %swap3A_1693 = tpu.vector_load %arg24[%swap3A_1691, %swap3A_1692] {strides = array<i32>} : memref<80x144xf32, #tpu.memory_space<vmem>>, vector<16xf32>,
        tpu.vector_store %arg24[%swap3A_1691, %swap3A_1692], %mul3A_1690 {strides = array<i32>} : memref<80x144xf32, #tpu.memory_space<vmem>>, vector<16xf32>,
      }
      %scan3A_1613 = arith.constant 80 : i32
      %dma_start3A_1614 = arith.constant 0 : i32
      %dma_start3A_1615 = arith.constant 0 : i32
      %dma_start3A_1616 = tpu.memref_slice %arg27[%dma_start3A_1614, %dma_start3A_1615] : memref<10000x144xf32, #tpu.memory_space<vmem_shared>> -> memref<10000x144xf32, #tpu.memory_space<vmem_shared>>
      tpu.enqueue_indirect_dma source(%arg24 : memref<80x144xf32, #tpu.memory_space<vmem>>) target(%dma_start3A_1616 : memref<10000x144xf32, #tpu.memory_space<vmem_shared>>) offsets(%arg16 : memref<80xi32, #tpu.memory_space<vmem>>) semaphore(%arg34 : memref<!tpu.dma_semaphore, #tpu.memory_space<semaphore_mem>>) {add = true}
      %dma_wait3A_1617 = arith.constant 0 : i32
      %dma_wait3A_1618 = arith.constant 0 : i32
      %dma_wait3A_1619 = tpu.memref_slice %arg27[%dma_wait3A_1617, %dma_wait3A_1618] : memref<10000x144xf32, #tpu.memory_space<vmem_shared>> -> memref<10000x144xf32, #tpu.memory_space<vmem_shared>>
      tpu.wait_indirect_dma semaphore(%arg34 : memref<!tpu.dma_semaphore, #tpu.memory_space<semaphore_mem>>) src(%arg24 : memref<80x144xf32, #tpu.memory_space<vmem>>) dst(%dma_wait3A_1619 : memref<10000x144xf32, #tpu.memory_space<vmem_shared>>)
    }
    %scan3A_19 = arith.constant 25 : i32
    %barrier3A_20 = arith.constant 0 : index
    tpu.barrier barrier_id(%barrier3A_20)
    %scan3A_21 = arith.constant 0 : i32
    %scan3A_22 = arith.constant 8 : i32
    %scan3A_23 = arith.addi %scan3A_21, %scan3A_22 : i32
    %scan3A_24 = arith.constant 1 : i32
    scf.for %scan3A_26 = %scan3A_21 to %scan3A_23 step %scan3A_24  : i32 {
      %mul3A_27 = arith.constant 1 : i32
      %mul3A_28 = arith.muli %scan3A_26, %mul3A_27 : i32
      %add3A = arith.constant 0 : i32
      %add3A_29 = arith.addi %add3A, %mul3A_28 : i32
      %mul3A_30 = arith.constant 16 : i32
      %mul3A_31 = arith.muli %add3A_29, %mul3A_30 : i32
      %add3A_32 = arith.addi %arg1, %mul3A_31 : i32
      %lt3A = arith.constant 125 : i32
      %lt3A_33 = arith.cmpi slt, %add3A_32, %lt3A : i32
      %convert_element_type3A = arith.extui %lt3A_33 : i1 to i32
      %cond3A = arith.constant 0 : i32
      %cond3A_34 = arith.cmpi ne, %convert_element_type3A, %cond3A : i32
      scf.if %cond3A_34 {
        %mul3A_35 = arith.constant 80 : i32
        %mul3A_36 = arith.muli %add3A_32, %mul3A_35 : i32
        %add3A_37 = arith.constant 0 : i32
        %add3A_38 = arith.addi %add3A_37, %mul3A_36 : i32
        %add3A_39 = arith.addi %add3A_38, %mul3A_14 : i32
        %add3A_40 = vector.broadcast %add3A_39 : i32 to vector<16xi32>
        %add3A_41 = arith.addi %iota3A, %add3A_40 : vector<16xi32>
        %swap3A = arith.constant 0 : index
        %swap3A_42 = tpu.vector_load %arg10[%swap3A] {strides = array<i32>} : memref<80xi32, #tpu.memory_space<vmem>>, vector<16xi32>,
        tpu.vector_store %arg10[%swap3A], %add3A_41 {strides = array<i32>} : memref<80xi32, #tpu.memory_space<vmem>>, vector<16xi32>,
        %add3A_43 = arith.constant 0 : i32
        %add3A_44 = arith.addi %add3A_43, %mul3A_36 : i32
        %add3A_45 = vector.broadcast %add3A_44 : i32 to vector<16xi32>
        %add3A_46 = arith.addi %iota3A, %add3A_45 : vector<16xi32>
        %mul3A_47 = arith.constant 2 : i32
        %mul3A_48 = vector.broadcast %mul3A_47 : i32 to vector<16xi32>
        %mul3A_49 = arith.muli %add3A_46, %mul3A_48 : vector<16xi32>
        %add3A_50 = vector.broadcast %arg0 : i32 to vector<16xi32>
        %add3A_51 = arith.addi %mul3A_49, %add3A_50 : vector<16xi32>
        %swap3A_52 = arith.constant 0 : index
        %swap3A_53 = tpu.vector_load %arg14[%swap3A_52] {strides = array<i32>} : memref<80xi32, #tpu.memory_space<vmem>>, vector<16xi32>,
        tpu.vector_store %arg14[%swap3A_52], %add3A_51 {strides = array<i32>} : memref<80xi32, #tpu.memory_space<vmem>>, vector<16xi32>,
        %add3A_54 = arith.constant 16 : i32
        %add3A_55 = arith.addi %add3A_54, %mul3A_36 : i32
        %add3A_56 = arith.addi %add3A_55, %mul3A_14 : i32
        %add3A_57 = vector.broadcast %add3A_56 : i32 to vector<16xi32>
        %add3A_58 = arith.addi %iota3A, %add3A_57 : vector<16xi32>
        %swap3A_59 = arith.constant 16 : index
        %swap3A_60 = tpu.vector_load %arg10[%swap3A_59] {strides = array<i32>} : memref<80xi32, #tpu.memory_space<vmem>>, vector<16xi32>,
        tpu.vector_store %arg10[%swap3A_59], %add3A_58 {strides = array<i32>} : memref<80xi32, #tpu.memory_space<vmem>>, vector<16xi32>,
        %add3A_61 = arith.constant 16 : i32
        %add3A_62 = arith.addi %add3A_61, %mul3A_36 : i32
        %add3A_63 = vector.broadcast %add3A_62 : i32 to vector<16xi32>
        %add3A_64 = arith.addi %iota3A, %add3A_63 : vector<16xi32>
        %mul3A_65 = arith.constant 2 : i32
        %mul3A_66 = vector.broadcast %mul3A_65 : i32 to vector<16xi32>
        %mul3A_67 = arith.muli %add3A_64, %mul3A_66 : vector<16xi32>
        %add3A_68 = vector.broadcast %arg0 : i32 to vector<16xi32>
        %add3A_69 = arith.addi %mul3A_67, %add3A_68 : vector<16xi32>
        %swap3A_70 = arith.constant 16 : index
        %swap3A_71 = tpu.vector_load %arg14[%swap3A_70] {strides = array<i32>} : memref<80xi32, #tpu.memory_space<vmem>>, vector<16xi32>,
        tpu.vector_store %arg14[%swap3A_70], %add3A_69 {strides = array<i32>} : memref<80xi32, #tpu.memory_space<vmem>>, vector<16xi32>,
        %add3A_72 = arith.constant 32 : i32
        %add3A_73 = arith.addi %add3A_72, %mul3A_36 : i32
        %add3A_74 = arith.addi %add3A_73, %mul3A_14 : i32
        %add3A_75 = vector.broadcast %add3A_74 : i32 to vector<16xi32>
        %add3A_76 = arith.addi %iota3A, %add3A_75 : vector<16xi32>
        %swap3A_77 = arith.constant 32 : index
        %swap3A_78 = tpu.vector_load %arg10[%swap3A_77] {strides = array<i32>} : memref<80xi32, #tpu.memory_space<vmem>>, vector<16xi32>,
        tpu.vector_store %arg10[%swap3A_77], %add3A_76 {strides = array<i32>} : memref<80xi32, #tpu.memory_space<vmem>>, vector<16xi32>,
        %add3A_79 = arith.constant 32 : i32
        %add3A_80 = arith.addi %add3A_79, %mul3A_36 : i32
        %add3A_81 = vector.broadcast %add3A_80 : i32 to vector<16xi32>
        %add3A_82 = arith.addi %iota3A, %add3A_81 : vector<16xi32>
        %mul3A_83 = arith.constant 2 : i32
        %mul3A_84 = vector.broadcast %mul3A_83 : i32 to vector<16xi32>
        %mul3A_85 = arith.muli %add3A_82, %mul3A_84 : vector<16xi32>
        %add3A_86 = vector.broadcast %arg0 : i32 to vector<16xi32>
        %add3A_87 = arith.addi %mul3A_85, %add3A_86 : vector<16xi32>
        %swap3A_88 = arith.constant 32 : index
        %swap3A_89 = tpu.vector_load %arg14[%swap3A_88] {strides = array<i32>} : memref<80xi32, #tpu.memory_space<vmem>>, vector<16xi32>,
        tpu.vector_store %arg14[%swap3A_88], %add3A_87 {strides = array<i32>} : memref<80xi32, #tpu.memory_space<vmem>>, vector<16xi32>,
        %add3A_90 = arith.constant 48 : i32
        %add3A_91 = arith.addi %add3A_90, %mul3A_36 : i32
        %add3A_92 = arith.addi %add3A_91, %mul3A_14 : i32
        %add3A_93 = vector.broadcast %add3A_92 : i32 to vector<16xi32>
        %add3A_94 = arith.addi %iota3A, %add3A_93 : vector<16xi32>
        %swap3A_95 = arith.constant 48 : index
        %swap3A_96 = tpu.vector_load %arg10[%swap3A_95] {strides = array<i32>} : memref<80xi32, #tpu.memory_space<vmem>>, vector<16xi32>,
        tpu.vector_store %arg10[%swap3A_95], %add3A_94 {strides = array<i32>} : memref<80xi32, #tpu.memory_space<vmem>>, vector<16xi32>,
        %add3A_97 = arith.constant 48 : i32
        %add3A_98 = arith.addi %add3A_97, %mul3A_36 : i32
        %add3A_99 = vector.broadcast %add3A_98 : i32 to vector<16xi32>
        %add3A_100 = arith.addi %iota3A, %add3A_99 : vector<16xi32>
        %mul3A_101 = arith.constant 2 : i32
        %mul3A_102 = vector.broadcast %mul3A_101 : i32 to vector<16xi32>
        %mul3A_103 = arith.muli %add3A_100, %mul3A_102 : vector<16xi32>
        %add3A_104 = vector.broadcast %arg0 : i32 to vector<16xi32>
        %add3A_105 = arith.addi %mul3A_103, %add3A_104 : vector<16xi32>
        %swap3A_106 = arith.constant 48 : index
        %swap3A_107 = tpu.vector_load %arg14[%swap3A_106] {strides = array<i32>} : memref<80xi32, #tpu.memory_space<vmem>>, vector<16xi32>,
        tpu.vector_store %arg14[%swap3A_106], %add3A_105 {strides = array<i32>} : memref<80xi32, #tpu.memory_space<vmem>>, vector<16xi32>,
        %add3A_108 = arith.constant 64 : i32
        %add3A_109 = arith.addi %add3A_108, %mul3A_36 : i32
        %add3A_110 = arith.addi %add3A_109, %mul3A_14 : i32
        %add3A_111 = vector.broadcast %add3A_110 : i32 to vector<16xi32>
        %add3A_112 = arith.addi %iota3A, %add3A_111 : vector<16xi32>
        %swap3A_113 = arith.constant 64 : index
        %swap3A_114 = tpu.vector_load %arg10[%swap3A_113] {strides = array<i32>} : memref<80xi32, #tpu.memory_space<vmem>>, vector<16xi32>,
        tpu.vector_store %arg10[%swap3A_113], %add3A_112 {strides = array<i32>} : memref<80xi32, #tpu.memory_space<vmem>>, vector<16xi32>,
        %add3A_115 = arith.constant 64 : i32
        %add3A_116 = arith.addi %add3A_115, %mul3A_36 : i32
        %add3A_117 = vector.broadcast %add3A_116 : i32 to vector<16xi32>
        %add3A_118 = arith.addi %iota3A, %add3A_117 : vector<16xi32>
        %mul3A_119 = arith.constant 2 : i32
        %mul3A_120 = vector.broadcast %mul3A_119 : i32 to vector<16xi32>
        %mul3A_121 = arith.muli %add3A_118, %mul3A_120 : vector<16xi32>
        %add3A_122 = vector.broadcast %arg0 : i32 to vector<16xi32>
        %add3A_123 = arith.addi %mul3A_121, %add3A_122 : vector<16xi32>
        %swap3A_124 = arith.constant 64 : index
        %swap3A_125 = tpu.vector_load %arg14[%swap3A_124] {strides = array<i32>} : memref<80xi32, #tpu.memory_space<vmem>>, vector<16xi32>,
        tpu.vector_store %arg14[%swap3A_124], %add3A_123 {strides = array<i32>} : memref<80xi32, #tpu.memory_space<vmem>>, vector<16xi32>,
        %dma_start3A = arith.constant 0 : i32
        %dma_start3A_126 = arith.constant 0 : i32
        %dma_start3A_127 = tpu.memref_slice %arg2[%dma_start3A, %dma_start3A_126] : memref<20000x16xf32, #tpu.memory_space<hbm>> -> memref<20000x16xf32, #tpu.memory_space<hbm>>
        tpu.enqueue_indirect_dma source(%dma_start3A_127 : memref<20000x16xf32, #tpu.memory_space<hbm>>) target(%arg18 : memref<80x16xf32, #tpu.memory_space<vmem>>) offsets(%arg10 : memref<80xi32, #tpu.memory_space<vmem>>) semaphore(%arg28 : memref<!tpu.dma_semaphore, #tpu.memory_space<semaphore_mem>>)
        %dma_start3A_128 = arith.constant 0 : i32
        %dma_start3A_129 = arith.constant 0 : i32
        %dma_start3A_130 = tpu.memref_slice %arg3[%dma_start3A_128, %dma_start3A_129] : memref<20000x128xf32, #tpu.memory_space<hbm>> -> memref<20000x128xf32, #tpu.memory_space<hbm>>
        tpu.enqueue_indirect_dma source(%dma_start3A_130 : memref<20000x128xf32, #tpu.memory_space<hbm>>) target(%arg22 : memref<80x128xf32, #tpu.memory_space<vmem>>) offsets(%arg14 : memref<80xi32, #tpu.memory_space<vmem>>) semaphore(%arg30 : memref<!tpu.dma_semaphore, #tpu.memory_space<semaphore_mem>>)
        "tpu.region"() ({
          %run_scoped3A = tpu.sem_alloc : memref<!tpu.dma_semaphore, #tpu.memory_space<semaphore_mem>>
          %dma_start3A_443 = arith.constant 0 : i32
          %dma_start3A_444 = tpu.memref_slice %arg27[%mul3A_36, %dma_start3A_443] : memref<10000x144xf32, #tpu.memory_space<vmem_shared>> -> memref<80x144xf32, #tpu.memory_space<vmem_shared>>
          %dma_start3A_445 = arith.constant 0 : i32
          %dma_start3A_446 = tpu.memref_slice %arg27[%mul3A_36, %dma_start3A_445] : memref<10000x144xf32, #tpu.memory_space<vmem_shared>> -> memref<80x144xf32, #tpu.memory_space<vmem_shared>>
          tpu.enqueue_dma source(%dma_start3A_446 : memref<80x144xf32, #tpu.memory_space<vmem_shared>>) target(%arg24 : memref<80x144xf32, #tpu.memory_space<vmem>>) target_semaphore(%run_scoped3A : memref<!tpu.dma_semaphore, #tpu.memory_space<semaphore_mem>>)
          %dma_wait3A_447 = arith.constant 0 : i32
          %dma_wait3A_448 = tpu.memref_slice %arg27[%mul3A_36, %dma_wait3A_447] : memref<10000x144xf32, #tpu.memory_space<vmem_shared>> -> memref<80x144xf32, #tpu.memory_space<vmem_shared>>
          %dma_wait3A_449 = arith.constant 0 : i32
          %dma_wait3A_450 = tpu.memref_slice %arg27[%mul3A_36, %dma_wait3A_449] : memref<10000x144xf32, #tpu.memory_space<vmem_shared>> -> memref<80x144xf32, #tpu.memory_space<vmem_shared>>
          tpu.wait_dma2 semaphore(%run_scoped3A : memref<!tpu.dma_semaphore, #tpu.memory_space<semaphore_mem>>) src(%dma_wait3A_450 : memref<80x144xf32, #tpu.memory_space<vmem_shared>>) dst(%arg24 : memref<80x144xf32, #tpu.memory_space<vmem>>)
          tpu.yield
        }) : () -> ()
        %dma_wait3A = arith.constant 0 : i32
        %dma_wait3A_131 = arith.constant 0 : i32
        %dma_wait3A_132 = tpu.memref_slice %arg2[%dma_wait3A, %dma_wait3A_131] : memref<20000x16xf32, #tpu.memory_space<hbm>> -> memref<20000x16xf32, #tpu.memory_space<hbm>>
        tpu.wait_indirect_dma semaphore(%arg28 : memref<!tpu.dma_semaphore, #tpu.memory_space<semaphore_mem>>) src(%dma_wait3A_132 : memref<20000x16xf32, #tpu.memory_space<hbm>>) dst(%arg18 : memref<80x16xf32, #tpu.memory_space<vmem>>)
        %dma_wait3A_133 = arith.constant 0 : i32
        %dma_wait3A_134 = arith.constant 0 : i32
        %dma_wait3A_135 = tpu.memref_slice %arg3[%dma_wait3A_133, %dma_wait3A_134] : memref<20000x128xf32, #tpu.memory_space<hbm>> -> memref<20000x128xf32, #tpu.memory_space<hbm>>
        tpu.wait_indirect_dma semaphore(%arg30 : memref<!tpu.dma_semaphore, #tpu.memory_space<semaphore_mem>>) src(%dma_wait3A_135 : memref<20000x128xf32, #tpu.memory_space<hbm>>) dst(%arg22 : memref<80x128xf32, #tpu.memory_space<vmem>>)
        %add3A_136 = arith.constant 0 : i32
        %add3A_137 = vector.broadcast %add3A_136 : i32 to vector<16xi32>
        %add3A_138 = arith.addi %iota3A, %add3A_137 : vector<16xi32>
        %broadcast_in_dim3A_139 = arith.constant 0 : i32
        %broadcast_in_dim3A_140 = vector.broadcast %broadcast_in_dim3A_139 : i32 to vector<16xi32>
        %gather3A = tpu.vector_load_idx %arg18[%add3A_138, %broadcast_in_dim3A_140] : memref<80x16xf32, #tpu.memory_space<vmem>>[vector<16xi32>, vector<16xi32>], vector<16xf32>,
        %broadcast_in_dim3A_141 = arith.constant 2 : i32
        %broadcast_in_dim3A_142 = vector.broadcast %broadcast_in_dim3A_141 : i32 to vector<16xi32>
        %gather3A_143 = tpu.vector_load_idx %arg18[%add3A_138, %broadcast_in_dim3A_142] : memref<80x16xf32, #tpu.memory_space<vmem>>[vector<16xi32>, vector<16xi32>], vector<16xf32>,
        %add3A_144 = arith.addf %gather3A, %gather3A_143 : vector<16xf32>
        %gt3A = arith.constant 0.000000e+00 : f32
        %gt3A_145 = vector.broadcast %gt3A : f32 to vector<16xf32>
        %gt3A_146 = arith.cmpf ogt, %add3A_144, %gt3A_145 : vector<16xf32>
        %mul3A_147 = arith.constant 2.000000e-01 : f32
        %mul3A_148 = vector.broadcast %mul3A_147 : f32 to vector<16xf32>
        %mul3A_149 = arith.mulf %add3A_144, %mul3A_148 : vector<16xf32>
        %select_n3A = arith.select %gt3A_146, %add3A_144, %mul3A_149 : vector<16xi1>, vector<16xf32>
        %exp3A = math.exp %select_n3A : vector<16xf32>
        %broadcast_in_dim3A_150 = arith.constant 128 : i32
        %broadcast_in_dim3A_151 = vector.broadcast %broadcast_in_dim3A_150 : i32 to vector<16xi32>
        %gather3A_152 = tpu.vector_load_idx %arg24[%add3A_138, %broadcast_in_dim3A_151] : memref<80x144xf32, #tpu.memory_space<vmem>>[vector<16xi32>, vector<16xi32>], vector<16xf32>,
        %add3A_153 = arith.addf %gather3A_152, %exp3A : vector<16xf32>
        %add3A_154 = arith.constant 1.000000e-16 : f32
        %add3A_155 = vector.broadcast %add3A_154 : f32 to vector<16xf32>
        %add3A_156 = arith.addf %add3A_153, %add3A_155 : vector<16xf32>
        %div3A = arith.constant 1.000000e+00 : f32
        %div3A_157 = vector.broadcast %div3A : f32 to vector<16xf32>
        %div3A_158 = arith.divf %div3A_157, %add3A_156 : vector<16xf32>
        %broadcast_in_dim3A_159 = arith.constant 0 : i32
        %broadcast_in_dim3A_160 = vector.broadcast %broadcast_in_dim3A_159 : i32 to vector<16xi32>
        tpu.vector_store_idx %arg25[%add3A_138, %broadcast_in_dim3A_160], %exp3A : memref<80x16xf32, #tpu.memory_space<vmem>>[vector<16xi32>, vector<16xi32>], vector<16xf32>,
        %broadcast_in_dim3A_161 = arith.constant 2 : i32
        %broadcast_in_dim3A_162 = vector.broadcast %broadcast_in_dim3A_161 : i32 to vector<16xi32>
        tpu.vector_store_idx %arg25[%add3A_138, %broadcast_in_dim3A_162], %div3A_158 : memref<80x16xf32, #tpu.memory_space<vmem>>[vector<16xi32>, vector<16xi32>], vector<16xf32>,
        %broadcast_in_dim3A_163 = arith.constant 1 : i32
        %broadcast_in_dim3A_164 = vector.broadcast %broadcast_in_dim3A_163 : i32 to vector<16xi32>
        %gather3A_165 = tpu.vector_load_idx %arg18[%add3A_138, %broadcast_in_dim3A_164] : memref<80x16xf32, #tpu.memory_space<vmem>>[vector<16xi32>, vector<16xi32>], vector<16xf32>,
        %broadcast_in_dim3A_166 = arith.constant 3 : i32
        %broadcast_in_dim3A_167 = vector.broadcast %broadcast_in_dim3A_166 : i32 to vector<16xi32>
        %gather3A_168 = tpu.vector_load_idx %arg18[%add3A_138, %broadcast_in_dim3A_167] : memref<80x16xf32, #tpu.memory_space<vmem>>[vector<16xi32>, vector<16xi32>], vector<16xf32>,
        %add3A_169 = arith.addf %gather3A_165, %gather3A_168 : vector<16xf32>
        %gt3A_170 = arith.constant 0.000000e+00 : f32
        %gt3A_171 = vector.broadcast %gt3A_170 : f32 to vector<16xf32>
        %gt3A_172 = arith.cmpf ogt, %add3A_169, %gt3A_171 : vector<16xf32>
        %mul3A_173 = arith.constant 2.000000e-01 : f32
        %mul3A_174 = vector.broadcast %mul3A_173 : f32 to vector<16xf32>
        %mul3A_175 = arith.mulf %add3A_169, %mul3A_174 : vector<16xf32>
        %select_n3A_176 = arith.select %gt3A_172, %add3A_169, %mul3A_175 : vector<16xi1>, vector<16xf32>
        %exp3A_177 = math.exp %select_n3A_176 : vector<16xf32>
        %broadcast_in_dim3A_178 = arith.constant 129 : i32
        %broadcast_in_dim3A_179 = vector.broadcast %broadcast_in_dim3A_178 : i32 to vector<16xi32>
        %gather3A_180 = tpu.vector_load_idx %arg24[%add3A_138, %broadcast_in_dim3A_179] : memref<80x144xf32, #tpu.memory_space<vmem>>[vector<16xi32>, vector<16xi32>], vector<16xf32>,
        %add3A_181 = arith.addf %gather3A_180, %exp3A_177 : vector<16xf32>
        %add3A_182 = arith.constant 1.000000e-16 : f32
        %add3A_183 = vector.broadcast %add3A_182 : f32 to vector<16xf32>
        %add3A_184 = arith.addf %add3A_181, %add3A_183 : vector<16xf32>
        %div3A_185 = arith.constant 1.000000e+00 : f32
        %div3A_186 = vector.broadcast %div3A_185 : f32 to vector<16xf32>
        %div3A_187 = arith.divf %div3A_186, %add3A_184 : vector<16xf32>
        %broadcast_in_dim3A_188 = arith.constant 1 : i32
        %broadcast_in_dim3A_189 = vector.broadcast %broadcast_in_dim3A_188 : i32 to vector<16xi32>
        tpu.vector_store_idx %arg25[%add3A_138, %broadcast_in_dim3A_189], %exp3A_177 : memref<80x16xf32, #tpu.memory_space<vmem>>[vector<16xi32>, vector<16xi32>], vector<16xf32>,
        %broadcast_in_dim3A_190 = arith.constant 3 : i32
        %broadcast_in_dim3A_191 = vector.broadcast %broadcast_in_dim3A_190 : i32 to vector<16xi32>
        tpu.vector_store_idx %arg25[%add3A_138, %broadcast_in_dim3A_191], %div3A_187 : memref<80x16xf32, #tpu.memory_space<vmem>>[vector<16xi32>, vector<16xi32>], vector<16xf32>,
        %add3A_192 = arith.constant 16 : i32
        %add3A_193 = vector.broadcast %add3A_192 : i32 to vector<16xi32>
        %add3A_194 = arith.addi %iota3A, %add3A_193 : vector<16xi32>
        %broadcast_in_dim3A_195 = arith.constant 0 : i32
        %broadcast_in_dim3A_196 = vector.broadcast %broadcast_in_dim3A_195 : i32 to vector<16xi32>
        %gather3A_197 = tpu.vector_load_idx %arg18[%add3A_194, %broadcast_in_dim3A_196] : memref<80x16xf32, #tpu.memory_space<vmem>>[vector<16xi32>, vector<16xi32>], vector<16xf32>,
        %broadcast_in_dim3A_198 = arith.constant 2 : i32
        %broadcast_in_dim3A_199 = vector.broadcast %broadcast_in_dim3A_198 : i32 to vector<16xi32>
        %gather3A_200 = tpu.vector_load_idx %arg18[%add3A_194, %broadcast_in_dim3A_199] : memref<80x16xf32, #tpu.memory_space<vmem>>[vector<16xi32>, vector<16xi32>], vector<16xf32>,
        %add3A_201 = arith.addf %gather3A_197, %gather3A_200 : vector<16xf32>
        %gt3A_202 = arith.constant 0.000000e+00 : f32
        %gt3A_203 = vector.broadcast %gt3A_202 : f32 to vector<16xf32>
        %gt3A_204 = arith.cmpf ogt, %add3A_201, %gt3A_203 : vector<16xf32>
        %mul3A_205 = arith.constant 2.000000e-01 : f32
        %mul3A_206 = vector.broadcast %mul3A_205 : f32 to vector<16xf32>
        %mul3A_207 = arith.mulf %add3A_201, %mul3A_206 : vector<16xf32>
        %select_n3A_208 = arith.select %gt3A_204, %add3A_201, %mul3A_207 : vector<16xi1>, vector<16xf32>
        %exp3A_209 = math.exp %select_n3A_208 : vector<16xf32>
        %broadcast_in_dim3A_210 = arith.constant 128 : i32
        %broadcast_in_dim3A_211 = vector.broadcast %broadcast_in_dim3A_210 : i32 to vector<16xi32>
        %gather3A_212 = tpu.vector_load_idx %arg24[%add3A_194, %broadcast_in_dim3A_211] : memref<80x144xf32, #tpu.memory_space<vmem>>[vector<16xi32>, vector<16xi32>], vector<16xf32>,
        %add3A_213 = arith.addf %gather3A_212, %exp3A_209 : vector<16xf32>
        %add3A_214 = arith.constant 1.000000e-16 : f32
        %add3A_215 = vector.broadcast %add3A_214 : f32 to vector<16xf32>
        %add3A_216 = arith.addf %add3A_213, %add3A_215 : vector<16xf32>
        %div3A_217 = arith.constant 1.000000e+00 : f32
        %div3A_218 = vector.broadcast %div3A_217 : f32 to vector<16xf32>
        %div3A_219 = arith.divf %div3A_218, %add3A_216 : vector<16xf32>
        %broadcast_in_dim3A_220 = arith.constant 0 : i32
        %broadcast_in_dim3A_221 = vector.broadcast %broadcast_in_dim3A_220 : i32 to vector<16xi32>
        tpu.vector_store_idx %arg25[%add3A_194, %broadcast_in_dim3A_221], %exp3A_209 : memref<80x16xf32, #tpu.memory_space<vmem>>[vector<16xi32>, vector<16xi32>], vector<16xf32>,
        %broadcast_in_dim3A_222 = arith.constant 2 : i32
        %broadcast_in_dim3A_223 = vector.broadcast %broadcast_in_dim3A_222 : i32 to vector<16xi32>
        tpu.vector_store_idx %arg25[%add3A_194, %broadcast_in_dim3A_223], %div3A_219 : memref<80x16xf32, #tpu.memory_space<vmem>>[vector<16xi32>, vector<16xi32>], vector<16xf32>,
        %broadcast_in_dim3A_224 = arith.constant 1 : i32
        %broadcast_in_dim3A_225 = vector.broadcast %broadcast_in_dim3A_224 : i32 to vector<16xi32>
        %gather3A_226 = tpu.vector_load_idx %arg18[%add3A_194, %broadcast_in_dim3A_225] : memref<80x16xf32, #tpu.memory_space<vmem>>[vector<16xi32>, vector<16xi32>], vector<16xf32>,
        %broadcast_in_dim3A_227 = arith.constant 3 : i32
        %broadcast_in_dim3A_228 = vector.broadcast %broadcast_in_dim3A_227 : i32 to vector<16xi32>
        %gather3A_229 = tpu.vector_load_idx %arg18[%add3A_194, %broadcast_in_dim3A_228] : memref<80x16xf32, #tpu.memory_space<vmem>>[vector<16xi32>, vector<16xi32>], vector<16xf32>,
        %add3A_230 = arith.addf %gather3A_226, %gather3A_229 : vector<16xf32>
        %gt3A_231 = arith.constant 0.000000e+00 : f32
        %gt3A_232 = vector.broadcast %gt3A_231 : f32 to vector<16xf32>
        %gt3A_233 = arith.cmpf ogt, %add3A_230, %gt3A_232 : vector<16xf32>
        %mul3A_234 = arith.constant 2.000000e-01 : f32
        %mul3A_235 = vector.broadcast %mul3A_234 : f32 to vector<16xf32>
        %mul3A_236 = arith.mulf %add3A_230, %mul3A_235 : vector<16xf32>
        %select_n3A_237 = arith.select %gt3A_233, %add3A_230, %mul3A_236 : vector<16xi1>, vector<16xf32>
        %exp3A_238 = math.exp %select_n3A_237 : vector<16xf32>
        %broadcast_in_dim3A_239 = arith.constant 129 : i32
        %broadcast_in_dim3A_240 = vector.broadcast %broadcast_in_dim3A_239 : i32 to vector<16xi32>
        %gather3A_241 = tpu.vector_load_idx %arg24[%add3A_194, %broadcast_in_dim3A_240] : memref<80x144xf32, #tpu.memory_space<vmem>>[vector<16xi32>, vector<16xi32>], vector<16xf32>,
        %add3A_242 = arith.addf %gather3A_241, %exp3A_238 : vector<16xf32>
        %add3A_243 = arith.constant 1.000000e-16 : f32
        %add3A_244 = vector.broadcast %add3A_243 : f32 to vector<16xf32>
        %add3A_245 = arith.addf %add3A_242, %add3A_244 : vector<16xf32>
        %div3A_246 = arith.constant 1.000000e+00 : f32
        %div3A_247 = vector.broadcast %div3A_246 : f32 to vector<16xf32>
        %div3A_248 = arith.divf %div3A_247, %add3A_245 : vector<16xf32>
        %broadcast_in_dim3A_249 = arith.constant 1 : i32
        %broadcast_in_dim3A_250 = vector.broadcast %broadcast_in_dim3A_249 : i32 to vector<16xi32>
        tpu.vector_store_idx %arg25[%add3A_194, %broadcast_in_dim3A_250], %exp3A_238 : memref<80x16xf32, #tpu.memory_space<vmem>>[vector<16xi32>, vector<16xi32>], vector<16xf32>,
        %broadcast_in_dim3A_251 = arith.constant 3 : i32
        %broadcast_in_dim3A_252 = vector.broadcast %broadcast_in_dim3A_251 : i32 to vector<16xi32>
        tpu.vector_store_idx %arg25[%add3A_194, %broadcast_in_dim3A_252], %div3A_248 : memref<80x16xf32, #tpu.memory_space<vmem>>[vector<16xi32>, vector<16xi32>], vector<16xf32>,
        %add3A_253 = arith.constant 32 : i32
        %add3A_254 = vector.broadcast %add3A_253 : i32 to vector<16xi32>
        %add3A_255 = arith.addi %iota3A, %add3A_254 : vector<16xi32>
        %broadcast_in_dim3A_256 = arith.constant 0 : i32
        %broadcast_in_dim3A_257 = vector.broadcast %broadcast_in_dim3A_256 : i32 to vector<16xi32>
        %gather3A_258 = tpu.vector_load_idx %arg18[%add3A_255, %broadcast_in_dim3A_257] : memref<80x16xf32, #tpu.memory_space<vmem>>[vector<16xi32>, vector<16xi32>], vector<16xf32>,
        %broadcast_in_dim3A_259 = arith.constant 2 : i32
        %broadcast_in_dim3A_260 = vector.broadcast %broadcast_in_dim3A_259 : i32 to vector<16xi32>
        %gather3A_261 = tpu.vector_load_idx %arg18[%add3A_255, %broadcast_in_dim3A_260] : memref<80x16xf32, #tpu.memory_space<vmem>>[vector<16xi32>, vector<16xi32>], vector<16xf32>,
        %add3A_262 = arith.addf %gather3A_258, %gather3A_261 : vector<16xf32>
        %gt3A_263 = arith.constant 0.000000e+00 : f32
        %gt3A_264 = vector.broadcast %gt3A_263 : f32 to vector<16xf32>
        %gt3A_265 = arith.cmpf ogt, %add3A_262, %gt3A_264 : vector<16xf32>
        %mul3A_266 = arith.constant 2.000000e-01 : f32
        %mul3A_267 = vector.broadcast %mul3A_266 : f32 to vector<16xf32>
        %mul3A_268 = arith.mulf %add3A_262, %mul3A_267 : vector<16xf32>
        %select_n3A_269 = arith.select %gt3A_265, %add3A_262, %mul3A_268 : vector<16xi1>, vector<16xf32>
        %exp3A_270 = math.exp %select_n3A_269 : vector<16xf32>
        %broadcast_in_dim3A_271 = arith.constant 128 : i32
        %broadcast_in_dim3A_272 = vector.broadcast %broadcast_in_dim3A_271 : i32 to vector<16xi32>
        %gather3A_273 = tpu.vector_load_idx %arg24[%add3A_255, %broadcast_in_dim3A_272] : memref<80x144xf32, #tpu.memory_space<vmem>>[vector<16xi32>, vector<16xi32>], vector<16xf32>,
        %add3A_274 = arith.addf %gather3A_273, %exp3A_270 : vector<16xf32>
        %add3A_275 = arith.constant 1.000000e-16 : f32
        %add3A_276 = vector.broadcast %add3A_275 : f32 to vector<16xf32>
        %add3A_277 = arith.addf %add3A_274, %add3A_276 : vector<16xf32>
        %div3A_278 = arith.constant 1.000000e+00 : f32
        %div3A_279 = vector.broadcast %div3A_278 : f32 to vector<16xf32>
        %div3A_280 = arith.divf %div3A_279, %add3A_277 : vector<16xf32>
        %broadcast_in_dim3A_281 = arith.constant 0 : i32
        %broadcast_in_dim3A_282 = vector.broadcast %broadcast_in_dim3A_281 : i32 to vector<16xi32>
        tpu.vector_store_idx %arg25[%add3A_255, %broadcast_in_dim3A_282], %exp3A_270 : memref<80x16xf32, #tpu.memory_space<vmem>>[vector<16xi32>, vector<16xi32>], vector<16xf32>,
        %broadcast_in_dim3A_283 = arith.constant 2 : i32
        %broadcast_in_dim3A_284 = vector.broadcast %broadcast_in_dim3A_283 : i32 to vector<16xi32>
        tpu.vector_store_idx %arg25[%add3A_255, %broadcast_in_dim3A_284], %div3A_280 : memref<80x16xf32, #tpu.memory_space<vmem>>[vector<16xi32>, vector<16xi32>], vector<16xf32>,
        %broadcast_in_dim3A_285 = arith.constant 1 : i32
        %broadcast_in_dim3A_286 = vector.broadcast %broadcast_in_dim3A_285 : i32 to vector<16xi32>
        %gather3A_287 = tpu.vector_load_idx %arg18[%add3A_255, %broadcast_in_dim3A_286] : memref<80x16xf32, #tpu.memory_space<vmem>>[vector<16xi32>, vector<16xi32>], vector<16xf32>,
        %broadcast_in_dim3A_288 = arith.constant 3 : i32
        %broadcast_in_dim3A_289 = vector.broadcast %broadcast_in_dim3A_288 : i32 to vector<16xi32>
        %gather3A_290 = tpu.vector_load_idx %arg18[%add3A_255, %broadcast_in_dim3A_289] : memref<80x16xf32, #tpu.memory_space<vmem>>[vector<16xi32>, vector<16xi32>], vector<16xf32>,
        %add3A_291 = arith.addf %gather3A_287, %gather3A_290 : vector<16xf32>
        %gt3A_292 = arith.constant 0.000000e+00 : f32
        %gt3A_293 = vector.broadcast %gt3A_292 : f32 to vector<16xf32>
        %gt3A_294 = arith.cmpf ogt, %add3A_291, %gt3A_293 : vector<16xf32>
        %mul3A_295 = arith.constant 2.000000e-01 : f32
        %mul3A_296 = vector.broadcast %mul3A_295 : f32 to vector<16xf32>
        %mul3A_297 = arith.mulf %add3A_291, %mul3A_296 : vector<16xf32>
        %select_n3A_298 = arith.select %gt3A_294, %add3A_291, %mul3A_297 : vector<16xi1>, vector<16xf32>
        %exp3A_299 = math.exp %select_n3A_298 : vector<16xf32>
        %broadcast_in_dim3A_300 = arith.constant 129 : i32
        %broadcast_in_dim3A_301 = vector.broadcast %broadcast_in_dim3A_300 : i32 to vector<16xi32>
        %gather3A_302 = tpu.vector_load_idx %arg24[%add3A_255, %broadcast_in_dim3A_301] : memref<80x144xf32, #tpu.memory_space<vmem>>[vector<16xi32>, vector<16xi32>], vector<16xf32>,
        %add3A_303 = arith.addf %gather3A_302, %exp3A_299 : vector<16xf32>
        %add3A_304 = arith.constant 1.000000e-16 : f32
        %add3A_305 = vector.broadcast %add3A_304 : f32 to vector<16xf32>
        %add3A_306 = arith.addf %add3A_303, %add3A_305 : vector<16xf32>
        %div3A_307 = arith.constant 1.000000e+00 : f32
        %div3A_308 = vector.broadcast %div3A_307 : f32 to vector<16xf32>
        %div3A_309 = arith.divf %div3A_308, %add3A_306 : vector<16xf32>
        %broadcast_in_dim3A_310 = arith.constant 1 : i32
        %broadcast_in_dim3A_311 = vector.broadcast %broadcast_in_dim3A_310 : i32 to vector<16xi32>
        tpu.vector_store_idx %arg25[%add3A_255, %broadcast_in_dim3A_311], %exp3A_299 : memref<80x16xf32, #tpu.memory_space<vmem>>[vector<16xi32>, vector<16xi32>], vector<16xf32>,
        %broadcast_in_dim3A_312 = arith.constant 3 : i32
        %broadcast_in_dim3A_313 = vector.broadcast %broadcast_in_dim3A_312 : i32 to vector<16xi32>
        tpu.vector_store_idx %arg25[%add3A_255, %broadcast_in_dim3A_313], %div3A_309 : memref<80x16xf32, #tpu.memory_space<vmem>>[vector<16xi32>, vector<16xi32>], vector<16xf32>,
        %add3A_314 = arith.constant 48 : i32
        %add3A_315 = vector.broadcast %add3A_314 : i32 to vector<16xi32>
        %add3A_316 = arith.addi %iota3A, %add3A_315 : vector<16xi32>
        %broadcast_in_dim3A_317 = arith.constant 0 : i32
        %broadcast_in_dim3A_318 = vector.broadcast %broadcast_in_dim3A_317 : i32 to vector<16xi32>
        %gather3A_319 = tpu.vector_load_idx %arg18[%add3A_316, %broadcast_in_dim3A_318] : memref<80x16xf32, #tpu.memory_space<vmem>>[vector<16xi32>, vector<16xi32>], vector<16xf32>,
        %broadcast_in_dim3A_320 = arith.constant 2 : i32
        %broadcast_in_dim3A_321 = vector.broadcast %broadcast_in_dim3A_320 : i32 to vector<16xi32>
        %gather3A_322 = tpu.vector_load_idx %arg18[%add3A_316, %broadcast_in_dim3A_321] : memref<80x16xf32, #tpu.memory_space<vmem>>[vector<16xi32>, vector<16xi32>], vector<16xf32>,
        %add3A_323 = arith.addf %gather3A_319, %gather3A_322 : vector<16xf32>
        %gt3A_324 = arith.constant 0.000000e+00 : f32
        %gt3A_325 = vector.broadcast %gt3A_324 : f32 to vector<16xf32>
        %gt3A_326 = arith.cmpf ogt, %add3A_323, %gt3A_325 : vector<16xf32>
        %mul3A_327 = arith.constant 2.000000e-01 : f32
        %mul3A_328 = vector.broadcast %mul3A_327 : f32 to vector<16xf32>
        %mul3A_329 = arith.mulf %add3A_323, %mul3A_328 : vector<16xf32>
        %select_n3A_330 = arith.select %gt3A_326, %add3A_323, %mul3A_329 : vector<16xi1>, vector<16xf32>
        %exp3A_331 = math.exp %select_n3A_330 : vector<16xf32>
        %broadcast_in_dim3A_332 = arith.constant 128 : i32
        %broadcast_in_dim3A_333 = vector.broadcast %broadcast_in_dim3A_332 : i32 to vector<16xi32>
        %gather3A_334 = tpu.vector_load_idx %arg24[%add3A_316, %broadcast_in_dim3A_333] : memref<80x144xf32, #tpu.memory_space<vmem>>[vector<16xi32>, vector<16xi32>], vector<16xf32>,
        %add3A_335 = arith.addf %gather3A_334, %exp3A_331 : vector<16xf32>
        %add3A_336 = arith.constant 1.000000e-16 : f32
        %add3A_337 = vector.broadcast %add3A_336 : f32 to vector<16xf32>
        %add3A_338 = arith.addf %add3A_335, %add3A_337 : vector<16xf32>
        %div3A_339 = arith.constant 1.000000e+00 : f32
        %div3A_340 = vector.broadcast %div3A_339 : f32 to vector<16xf32>
        %div3A_341 = arith.divf %div3A_340, %add3A_338 : vector<16xf32>
        %broadcast_in_dim3A_342 = arith.constant 0 : i32
        %broadcast_in_dim3A_343 = vector.broadcast %broadcast_in_dim3A_342 : i32 to vector<16xi32>
        tpu.vector_store_idx %arg25[%add3A_316, %broadcast_in_dim3A_343], %exp3A_331 : memref<80x16xf32, #tpu.memory_space<vmem>>[vector<16xi32>, vector<16xi32>], vector<16xf32>,
        %broadcast_in_dim3A_344 = arith.constant 2 : i32
        %broadcast_in_dim3A_345 = vector.broadcast %broadcast_in_dim3A_344 : i32 to vector<16xi32>
        tpu.vector_store_idx %arg25[%add3A_316, %broadcast_in_dim3A_345], %div3A_341 : memref<80x16xf32, #tpu.memory_space<vmem>>[vector<16xi32>, vector<16xi32>], vector<16xf32>,
        %broadcast_in_dim3A_346 = arith.constant 1 : i32
        %broadcast_in_dim3A_347 = vector.broadcast %broadcast_in_dim3A_346 : i32 to vector<16xi32>
        %gather3A_348 = tpu.vector_load_idx %arg18[%add3A_316, %broadcast_in_dim3A_347] : memref<80x16xf32, #tpu.memory_space<vmem>>[vector<16xi32>, vector<16xi32>], vector<16xf32>,
        %broadcast_in_dim3A_349 = arith.constant 3 : i32
        %broadcast_in_dim3A_350 = vector.broadcast %broadcast_in_dim3A_349 : i32 to vector<16xi32>
        %gather3A_351 = tpu.vector_load_idx %arg18[%add3A_316, %broadcast_in_dim3A_350] : memref<80x16xf32, #tpu.memory_space<vmem>>[vector<16xi32>, vector<16xi32>], vector<16xf32>,
        %add3A_352 = arith.addf %gather3A_348, %gather3A_351 : vector<16xf32>
        %gt3A_353 = arith.constant 0.000000e+00 : f32
        %gt3A_354 = vector.broadcast %gt3A_353 : f32 to vector<16xf32>
        %gt3A_355 = arith.cmpf ogt, %add3A_352, %gt3A_354 : vector<16xf32>
        %mul3A_356 = arith.constant 2.000000e-01 : f32
        %mul3A_357 = vector.broadcast %mul3A_356 : f32 to vector<16xf32>
        %mul3A_358 = arith.mulf %add3A_352, %mul3A_357 : vector<16xf32>
        %select_n3A_359 = arith.select %gt3A_355, %add3A_352, %mul3A_358 : vector<16xi1>, vector<16xf32>
        %exp3A_360 = math.exp %select_n3A_359 : vector<16xf32>
        %broadcast_in_dim3A_361 = arith.constant 129 : i32
        %broadcast_in_dim3A_362 = vector.broadcast %broadcast_in_dim3A_361 : i32 to vector<16xi32>
        %gather3A_363 = tpu.vector_load_idx %arg24[%add3A_316, %broadcast_in_dim3A_362] : memref<80x144xf32, #tpu.memory_space<vmem>>[vector<16xi32>, vector<16xi32>], vector<16xf32>,
        %add3A_364 = arith.addf %gather3A_363, %exp3A_360 : vector<16xf32>
        %add3A_365 = arith.constant 1.000000e-16 : f32
        %add3A_366 = vector.broadcast %add3A_365 : f32 to vector<16xf32>
        %add3A_367 = arith.addf %add3A_364, %add3A_366 : vector<16xf32>
        %div3A_368 = arith.constant 1.000000e+00 : f32
        %div3A_369 = vector.broadcast %div3A_368 : f32 to vector<16xf32>
        %div3A_370 = arith.divf %div3A_369, %add3A_367 : vector<16xf32>
        %broadcast_in_dim3A_371 = arith.constant 1 : i32
        %broadcast_in_dim3A_372 = vector.broadcast %broadcast_in_dim3A_371 : i32 to vector<16xi32>
        tpu.vector_store_idx %arg25[%add3A_316, %broadcast_in_dim3A_372], %exp3A_360 : memref<80x16xf32, #tpu.memory_space<vmem>>[vector<16xi32>, vector<16xi32>], vector<16xf32>,
        %broadcast_in_dim3A_373 = arith.constant 3 : i32
        %broadcast_in_dim3A_374 = vector.broadcast %broadcast_in_dim3A_373 : i32 to vector<16xi32>
        tpu.vector_store_idx %arg25[%add3A_316, %broadcast_in_dim3A_374], %div3A_370 : memref<80x16xf32, #tpu.memory_space<vmem>>[vector<16xi32>, vector<16xi32>], vector<16xf32>,
        %add3A_375 = arith.constant 64 : i32
        %add3A_376 = vector.broadcast %add3A_375 : i32 to vector<16xi32>
        %add3A_377 = arith.addi %iota3A, %add3A_376 : vector<16xi32>
        %broadcast_in_dim3A_378 = arith.constant 0 : i32
        %broadcast_in_dim3A_379 = vector.broadcast %broadcast_in_dim3A_378 : i32 to vector<16xi32>
        %gather3A_380 = tpu.vector_load_idx %arg18[%add3A_377, %broadcast_in_dim3A_379] : memref<80x16xf32, #tpu.memory_space<vmem>>[vector<16xi32>, vector<16xi32>], vector<16xf32>,
        %broadcast_in_dim3A_381 = arith.constant 2 : i32
        %broadcast_in_dim3A_382 = vector.broadcast %broadcast_in_dim3A_381 : i32 to vector<16xi32>
        %gather3A_383 = tpu.vector_load_idx %arg18[%add3A_377, %broadcast_in_dim3A_382] : memref<80x16xf32, #tpu.memory_space<vmem>>[vector<16xi32>, vector<16xi32>], vector<16xf32>,
        %add3A_384 = arith.addf %gather3A_380, %gather3A_383 : vector<16xf32>
        %gt3A_385 = arith.constant 0.000000e+00 : f32
        %gt3A_386 = vector.broadcast %gt3A_385 : f32 to vector<16xf32>
        %gt3A_387 = arith.cmpf ogt, %add3A_384, %gt3A_386 : vector<16xf32>
        %mul3A_388 = arith.constant 2.000000e-01 : f32
        %mul3A_389 = vector.broadcast %mul3A_388 : f32 to vector<16xf32>
        %mul3A_390 = arith.mulf %add3A_384, %mul3A_389 : vector<16xf32>
        %select_n3A_391 = arith.select %gt3A_387, %add3A_384, %mul3A_390 : vector<16xi1>, vector<16xf32>
        %exp3A_392 = math.exp %select_n3A_391 : vector<16xf32>
        %broadcast_in_dim3A_393 = arith.constant 128 : i32
        %broadcast_in_dim3A_394 = vector.broadcast %broadcast_in_dim3A_393 : i32 to vector<16xi32>
        %gather3A_395 = tpu.vector_load_idx %arg24[%add3A_377, %broadcast_in_dim3A_394] : memref<80x144xf32, #tpu.memory_space<vmem>>[vector<16xi32>, vector<16xi32>], vector<16xf32>,
        %add3A_396 = arith.addf %gather3A_395, %exp3A_392 : vector<16xf32>
        %add3A_397 = arith.constant 1.000000e-16 : f32
        %add3A_398 = vector.broadcast %add3A_397 : f32 to vector<16xf32>
        %add3A_399 = arith.addf %add3A_396, %add3A_398 : vector<16xf32>
        %div3A_400 = arith.constant 1.000000e+00 : f32
        %div3A_401 = vector.broadcast %div3A_400 : f32 to vector<16xf32>
        %div3A_402 = arith.divf %div3A_401, %add3A_399 : vector<16xf32>
        %broadcast_in_dim3A_403 = arith.constant 0 : i32
        %broadcast_in_dim3A_404 = vector.broadcast %broadcast_in_dim3A_403 : i32 to vector<16xi32>
        tpu.vector_store_idx %arg25[%add3A_377, %broadcast_in_dim3A_404], %exp3A_392 : memref<80x16xf32, #tpu.memory_space<vmem>>[vector<16xi32>, vector<16xi32>], vector<16xf32>,
        %broadcast_in_dim3A_405 = arith.constant 2 : i32
        %broadcast_in_dim3A_406 = vector.broadcast %broadcast_in_dim3A_405 : i32 to vector<16xi32>
        tpu.vector_store_idx %arg25[%add3A_377, %broadcast_in_dim3A_406], %div3A_402 : memref<80x16xf32, #tpu.memory_space<vmem>>[vector<16xi32>, vector<16xi32>], vector<16xf32>,
        %broadcast_in_dim3A_407 = arith.constant 1 : i32
        %broadcast_in_dim3A_408 = vector.broadcast %broadcast_in_dim3A_407 : i32 to vector<16xi32>
        %gather3A_409 = tpu.vector_load_idx %arg18[%add3A_377, %broadcast_in_dim3A_408] : memref<80x16xf32, #tpu.memory_space<vmem>>[vector<16xi32>, vector<16xi32>], vector<16xf32>,
        %broadcast_in_dim3A_410 = arith.constant 3 : i32
        %broadcast_in_dim3A_411 = vector.broadcast %broadcast_in_dim3A_410 : i32 to vector<16xi32>
        %gather3A_412 = tpu.vector_load_idx %arg18[%add3A_377, %broadcast_in_dim3A_411] : memref<80x16xf32, #tpu.memory_space<vmem>>[vector<16xi32>, vector<16xi32>], vector<16xf32>,
        %add3A_413 = arith.addf %gather3A_409, %gather3A_412 : vector<16xf32>
        %gt3A_414 = arith.constant 0.000000e+00 : f32
        %gt3A_415 = vector.broadcast %gt3A_414 : f32 to vector<16xf32>
        %gt3A_416 = arith.cmpf ogt, %add3A_413, %gt3A_415 : vector<16xf32>
        %mul3A_417 = arith.constant 2.000000e-01 : f32
        %mul3A_418 = vector.broadcast %mul3A_417 : f32 to vector<16xf32>
        %mul3A_419 = arith.mulf %add3A_413, %mul3A_418 : vector<16xf32>
        %select_n3A_420 = arith.select %gt3A_416, %add3A_413, %mul3A_419 : vector<16xi1>, vector<16xf32>
        %exp3A_421 = math.exp %select_n3A_420 : vector<16xf32>
        %broadcast_in_dim3A_422 = arith.constant 129 : i32
        %broadcast_in_dim3A_423 = vector.broadcast %broadcast_in_dim3A_422 : i32 to vector<16xi32>
        %gather3A_424 = tpu.vector_load_idx %arg24[%add3A_377, %broadcast_in_dim3A_423] : memref<80x144xf32, #tpu.memory_space<vmem>>[vector<16xi32>, vector<16xi32>], vector<16xf32>,
        %add3A_425 = arith.addf %gather3A_424, %exp3A_421 : vector<16xf32>
        %add3A_426 = arith.constant 1.000000e-16 : f32
        %add3A_427 = vector.broadcast %add3A_426 : f32 to vector<16xf32>
        %add3A_428 = arith.addf %add3A_425, %add3A_427 : vector<16xf32>
        %div3A_429 = arith.constant 1.000000e+00 : f32
        %div3A_430 = vector.broadcast %div3A_429 : f32 to vector<16xf32>
        %div3A_431 = arith.divf %div3A_430, %add3A_428 : vector<16xf32>
        %broadcast_in_dim3A_432 = arith.constant 1 : i32
        %broadcast_in_dim3A_433 = vector.broadcast %broadcast_in_dim3A_432 : i32 to vector<16xi32>
        tpu.vector_store_idx %arg25[%add3A_377, %broadcast_in_dim3A_433], %exp3A_421 : memref<80x16xf32, #tpu.memory_space<vmem>>[vector<16xi32>, vector<16xi32>], vector<16xf32>,
        %broadcast_in_dim3A_434 = arith.constant 3 : i32
        %broadcast_in_dim3A_435 = vector.broadcast %broadcast_in_dim3A_434 : i32 to vector<16xi32>
        tpu.vector_store_idx %arg25[%add3A_377, %broadcast_in_dim3A_435], %div3A_431 : memref<80x16xf32, #tpu.memory_space<vmem>>[vector<16xi32>, vector<16xi32>], vector<16xf32>,
        %scan3A_436 = arith.constant 0 : i32
        %scan3A_437 = arith.constant 80 : i32
        %scan3A_438 = arith.addi %scan3A_436, %scan3A_437 : i32
        %scan3A_439 = arith.constant 1 : i32
        scf.for %scan3A_443 = %scan3A_436 to %scan3A_438 step %scan3A_439  : i32 {
          %mul3A_444 = arith.constant 1 : i32
          %mul3A_445 = arith.muli %scan3A_443, %mul3A_444 : i32
          %add3A_446 = arith.constant 0 : i32
          %add3A_447 = arith.addi %add3A_446, %mul3A_445 : i32
          %get3A = arith.index_cast %add3A_447 : i32 to index
          %get3A_448 = arith.constant 0 : index
          %get3A_449 = tpu.vector_load %arg25[%get3A, %get3A_448] {strides = array<i32>} : memref<80x16xf32, #tpu.memory_space<vmem>>, vector<16xf32>,
          %slice3A = vector.extract_strided_slice %get3A_449 {offsets = [0], sizes = [1], strides = [1]} : vector<16xf32> to vector<1xf32>
          %squeeze3A = vector.extract %slice3A[0] : f32 from vector<1xf32>
          %slice3A_450 = vector.extract_strided_slice %get3A_449 {offsets = [1], sizes = [1], strides = [1]} : vector<16xf32> to vector<1xf32>
          %squeeze3A_451 = vector.extract %slice3A_450[0] : f32 from vector<1xf32>
          %slice3A_452 = vector.extract_strided_slice %get3A_449 {offsets = [2], sizes = [1], strides = [1]} : vector<16xf32> to vector<1xf32>
          %squeeze3A_453 = vector.extract %slice3A_452[0] : f32 from vector<1xf32>
          %slice3A_454 = vector.extract_strided_slice %get3A_449 {offsets = [3], sizes = [1], strides = [1]} : vector<16xf32> to vector<1xf32>
          %squeeze3A_455 = vector.extract %slice3A_454[0] : f32 from vector<1xf32>
          %get3A_456 = arith.index_cast %add3A_447 : i32 to index
          %get3A_457 = arith.constant 0 : index
          %get3A_458 = tpu.vector_load %arg24[%get3A_456, %get3A_457] {strides = array<i32>} : memref<80x144xf32, #tpu.memory_space<vmem>>, vector<16xf32>,
          %get3A_459 = arith.index_cast %add3A_447 : i32 to index
          %get3A_460 = arith.constant 0 : index
          %get3A_461 = tpu.vector_load %arg22[%get3A_459, %get3A_460] {strides = array<i32>} : memref<80x128xf32, #tpu.memory_space<vmem>>, vector<16xf32>,
          %mul3A_462 = vector.broadcast %squeeze3A : f32 to vector<16xf32>
          %mul3A_463 = arith.mulf %mul3A_462, %get3A_461 : vector<16xf32>
          %add3A_464 = arith.addf %get3A_458, %mul3A_463 : vector<16xf32>
          %mul3A_465 = vector.broadcast %squeeze3A_453 : f32 to vector<16xf32>
          %mul3A_466 = arith.mulf %add3A_464, %mul3A_465 : vector<16xf32>
          %get3A_467 = arith.constant 0 : index
          %get3A_468 = tpu.vector_load %arg26[%get3A_467] {strides = array<i32>} : memref<128xf32, #tpu.memory_space<vmem>>, vector<16xf32>,
          %add3A_469 = arith.addf %mul3A_466, %get3A_468 : vector<16xf32>
          %max3A = arith.constant 0.000000e+00 : f32
          %max3A_470 = vector.broadcast %max3A : f32 to vector<16xf32>
          %max3A_471 = arith.maximumf %add3A_469, %max3A_470 : vector<16xf32>
          %swap3A_472 = arith.index_cast %add3A_447 : i32 to index
          %swap3A_473 = arith.constant 0 : index
          %swap3A_474 = tpu.vector_load %arg22[%swap3A_472, %swap3A_473] {strides = array<i32>} : memref<80x128xf32, #tpu.memory_space<vmem>>, vector<16xf32>,
          tpu.vector_store %arg22[%swap3A_472, %swap3A_473], %max3A_471 {strides = array<i32>} : memref<80x128xf32, #tpu.memory_space<vmem>>, vector<16xf32>,
          %get3A_475 = arith.index_cast %add3A_447 : i32 to index
          %get3A_476 = arith.constant 16 : index
          %get3A_477 = tpu.vector_load %arg24[%get3A_475, %get3A_476] {strides = array<i32>} : memref<80x144xf32, #tpu.memory_space<vmem>>, vector<16xf32>,
          %get3A_478 = arith.index_cast %add3A_447 : i32 to index
          %get3A_479 = arith.constant 16 : index
          %get3A_480 = tpu.vector_load %arg22[%get3A_478, %get3A_479] {strides = array<i32>} : memref<80x128xf32, #tpu.memory_space<vmem>>, vector<16xf32>,
          %mul3A_481 = vector.broadcast %squeeze3A : f32 to vector<16xf32>
          %mul3A_482 = arith.mulf %mul3A_481, %get3A_480 : vector<16xf32>
          %add3A_483 = arith.addf %get3A_477, %mul3A_482 : vector<16xf32>
          %mul3A_484 = vector.broadcast %squeeze3A_453 : f32 to vector<16xf32>
          %mul3A_485 = arith.mulf %add3A_483, %mul3A_484 : vector<16xf32>
          %get3A_486 = arith.constant 16 : index
          %get3A_487 = tpu.vector_load %arg26[%get3A_486] {strides = array<i32>} : memref<128xf32, #tpu.memory_space<vmem>>, vector<16xf32>,
          %add3A_488 = arith.addf %mul3A_485, %get3A_487 : vector<16xf32>
          %max3A_489 = arith.constant 0.000000e+00 : f32
          %max3A_490 = vector.broadcast %max3A_489 : f32 to vector<16xf32>
          %max3A_491 = arith.maximumf %add3A_488, %max3A_490 : vector<16xf32>
          %swap3A_492 = arith.index_cast %add3A_447 : i32 to index
          %swap3A_493 = arith.constant 16 : index
          %swap3A_494 = tpu.vector_load %arg22[%swap3A_492, %swap3A_493] {strides = array<i32>} : memref<80x128xf32, #tpu.memory_space<vmem>>, vector<16xf32>,
          tpu.vector_store %arg22[%swap3A_492, %swap3A_493], %max3A_491 {strides = array<i32>} : memref<80x128xf32, #tpu.memory_space<vmem>>, vector<16xf32>,
          %get3A_495 = arith.index_cast %add3A_447 : i32 to index
          %get3A_496 = arith.constant 32 : index
          %get3A_497 = tpu.vector_load %arg24[%get3A_495, %get3A_496] {strides = array<i32>} : memref<80x144xf32, #tpu.memory_space<vmem>>, vector<16xf32>,
          %get3A_498 = arith.index_cast %add3A_447 : i32 to index
          %get3A_499 = arith.constant 32 : index
          %get3A_500 = tpu.vector_load %arg22[%get3A_498, %get3A_499] {strides = array<i32>} : memref<80x128xf32, #tpu.memory_space<vmem>>, vector<16xf32>,
          %mul3A_501 = vector.broadcast %squeeze3A : f32 to vector<16xf32>
          %mul3A_502 = arith.mulf %mul3A_501, %get3A_500 : vector<16xf32>
          %add3A_503 = arith.addf %get3A_497, %mul3A_502 : vector<16xf32>
          %mul3A_504 = vector.broadcast %squeeze3A_453 : f32 to vector<16xf32>
          %mul3A_505 = arith.mulf %add3A_503, %mul3A_504 : vector<16xf32>
          %get3A_506 = arith.constant 32 : index
          %get3A_507 = tpu.vector_load %arg26[%get3A_506] {strides = array<i32>} : memref<128xf32, #tpu.memory_space<vmem>>, vector<16xf32>,
          %add3A_508 = arith.addf %mul3A_505, %get3A_507 : vector<16xf32>
          %max3A_509 = arith.constant 0.000000e+00 : f32
          %max3A_510 = vector.broadcast %max3A_509 : f32 to vector<16xf32>
          %max3A_511 = arith.maximumf %add3A_508, %max3A_510 : vector<16xf32>
          %swap3A_512 = arith.index_cast %add3A_447 : i32 to index
          %swap3A_513 = arith.constant 32 : index
          %swap3A_514 = tpu.vector_load %arg22[%swap3A_512, %swap3A_513] {strides = array<i32>} : memref<80x128xf32, #tpu.memory_space<vmem>>, vector<16xf32>,
          tpu.vector_store %arg22[%swap3A_512, %swap3A_513], %max3A_511 {strides = array<i32>} : memref<80x128xf32, #tpu.memory_space<vmem>>, vector<16xf32>,
          %get3A_515 = arith.index_cast %add3A_447 : i32 to index
          %get3A_516 = arith.constant 48 : index
          %get3A_517 = tpu.vector_load %arg24[%get3A_515, %get3A_516] {strides = array<i32>} : memref<80x144xf32, #tpu.memory_space<vmem>>, vector<16xf32>,
          %get3A_518 = arith.index_cast %add3A_447 : i32 to index
          %get3A_519 = arith.constant 48 : index
          %get3A_520 = tpu.vector_load %arg22[%get3A_518, %get3A_519] {strides = array<i32>} : memref<80x128xf32, #tpu.memory_space<vmem>>, vector<16xf32>,
          %mul3A_521 = vector.broadcast %squeeze3A : f32 to vector<16xf32>
          %mul3A_522 = arith.mulf %mul3A_521, %get3A_520 : vector<16xf32>
          %add3A_523 = arith.addf %get3A_517, %mul3A_522 : vector<16xf32>
          %mul3A_524 = vector.broadcast %squeeze3A_453 : f32 to vector<16xf32>
          %mul3A_525 = arith.mulf %add3A_523, %mul3A_524 : vector<16xf32>
          %get3A_526 = arith.constant 48 : index
          %get3A_527 = tpu.vector_load %arg26[%get3A_526] {strides = array<i32>} : memref<128xf32, #tpu.memory_space<vmem>>, vector<16xf32>,
          %add3A_528 = arith.addf %mul3A_525, %get3A_527 : vector<16xf32>
          %max3A_529 = arith.constant 0.000000e+00 : f32
          %max3A_530 = vector.broadcast %max3A_529 : f32 to vector<16xf32>
          %max3A_531 = arith.maximumf %add3A_528, %max3A_530 : vector<16xf32>
          %swap3A_532 = arith.index_cast %add3A_447 : i32 to index
          %swap3A_533 = arith.constant 48 : index
          %swap3A_534 = tpu.vector_load %arg22[%swap3A_532, %swap3A_533] {strides = array<i32>} : memref<80x128xf32, #tpu.memory_space<vmem>>, vector<16xf32>,
          tpu.vector_store %arg22[%swap3A_532, %swap3A_533], %max3A_531 {strides = array<i32>} : memref<80x128xf32, #tpu.memory_space<vmem>>, vector<16xf32>,
          %get3A_535 = arith.index_cast %add3A_447 : i32 to index
          %get3A_536 = arith.constant 64 : index
          %get3A_537 = tpu.vector_load %arg24[%get3A_535, %get3A_536] {strides = array<i32>} : memref<80x144xf32, #tpu.memory_space<vmem>>, vector<16xf32>,
          %get3A_538 = arith.index_cast %add3A_447 : i32 to index
          %get3A_539 = arith.constant 64 : index
          %get3A_540 = tpu.vector_load %arg22[%get3A_538, %get3A_539] {strides = array<i32>} : memref<80x128xf32, #tpu.memory_space<vmem>>, vector<16xf32>,
          %mul3A_541 = vector.broadcast %squeeze3A_451 : f32 to vector<16xf32>
          %mul3A_542 = arith.mulf %mul3A_541, %get3A_540 : vector<16xf32>
          %add3A_543 = arith.addf %get3A_537, %mul3A_542 : vector<16xf32>
          %mul3A_544 = vector.broadcast %squeeze3A_455 : f32 to vector<16xf32>
          %mul3A_545 = arith.mulf %add3A_543, %mul3A_544 : vector<16xf32>
          %get3A_546 = arith.constant 64 : index
          %get3A_547 = tpu.vector_load %arg26[%get3A_546] {strides = array<i32>} : memref<128xf32, #tpu.memory_space<vmem>>, vector<16xf32>,
          %add3A_548 = arith.addf %mul3A_545, %get3A_547 : vector<16xf32>
          %max3A_549 = arith.constant 0.000000e+00 : f32
          %max3A_550 = vector.broadcast %max3A_549 : f32 to vector<16xf32>
          %max3A_551 = arith.maximumf %add3A_548, %max3A_550 : vector<16xf32>
          %swap3A_552 = arith.index_cast %add3A_447 : i32 to index
          %swap3A_553 = arith.constant 64 : index
          %swap3A_554 = tpu.vector_load %arg22[%swap3A_552, %swap3A_553] {strides = array<i32>} : memref<80x128xf32, #tpu.memory_space<vmem>>, vector<16xf32>,
          tpu.vector_store %arg22[%swap3A_552, %swap3A_553], %max3A_551 {strides = array<i32>} : memref<80x128xf32, #tpu.memory_space<vmem>>, vector<16xf32>,
          %get3A_555 = arith.index_cast %add3A_447 : i32 to index
          %get3A_556 = arith.constant 80 : index
          %get3A_557 = tpu.vector_load %arg24[%get3A_555, %get3A_556] {strides = array<i32>} : memref<80x144xf32, #tpu.memory_space<vmem>>, vector<16xf32>,
          %get3A_558 = arith.index_cast %add3A_447 : i32 to index
          %get3A_559 = arith.constant 80 : index
          %get3A_560 = tpu.vector_load %arg22[%get3A_558, %get3A_559] {strides = array<i32>} : memref<80x128xf32, #tpu.memory_space<vmem>>, vector<16xf32>,
          %mul3A_561 = vector.broadcast %squeeze3A_451 : f32 to vector<16xf32>
          %mul3A_562 = arith.mulf %mul3A_561, %get3A_560 : vector<16xf32>
          %add3A_563 = arith.addf %get3A_557, %mul3A_562 : vector<16xf32>
          %mul3A_564 = vector.broadcast %squeeze3A_455 : f32 to vector<16xf32>
          %mul3A_565 = arith.mulf %add3A_563, %mul3A_564 : vector<16xf32>
          %get3A_566 = arith.constant 80 : index
          %get3A_567 = tpu.vector_load %arg26[%get3A_566] {strides = array<i32>} : memref<128xf32, #tpu.memory_space<vmem>>, vector<16xf32>,
          %add3A_568 = arith.addf %mul3A_565, %get3A_567 : vector<16xf32>
          %max3A_569 = arith.constant 0.000000e+00 : f32
          %max3A_570 = vector.broadcast %max3A_569 : f32 to vector<16xf32>
          %max3A_571 = arith.maximumf %add3A_568, %max3A_570 : vector<16xf32>
          %swap3A_572 = arith.index_cast %add3A_447 : i32 to index
          %swap3A_573 = arith.constant 80 : index
          %swap3A_574 = tpu.vector_load %arg22[%swap3A_572, %swap3A_573] {strides = array<i32>} : memref<80x128xf32, #tpu.memory_space<vmem>>, vector<16xf32>,
          tpu.vector_store %arg22[%swap3A_572, %swap3A_573], %max3A_571 {strides = array<i32>} : memref<80x128xf32, #tpu.memory_space<vmem>>, vector<16xf32>,
          %get3A_575 = arith.index_cast %add3A_447 : i32 to index
          %get3A_576 = arith.constant 96 : index
          %get3A_577 = tpu.vector_load %arg24[%get3A_575, %get3A_576] {strides = array<i32>} : memref<80x144xf32, #tpu.memory_space<vmem>>, vector<16xf32>,
          %get3A_578 = arith.index_cast %add3A_447 : i32 to index
          %get3A_579 = arith.constant 96 : index
          %get3A_580 = tpu.vector_load %arg22[%get3A_578, %get3A_579] {strides = array<i32>} : memref<80x128xf32, #tpu.memory_space<vmem>>, vector<16xf32>,
          %mul3A_581 = vector.broadcast %squeeze3A_451 : f32 to vector<16xf32>
          %mul3A_582 = arith.mulf %mul3A_581, %get3A_580 : vector<16xf32>
          %add3A_583 = arith.addf %get3A_577, %mul3A_582 : vector<16xf32>
          %mul3A_584 = vector.broadcast %squeeze3A_455 : f32 to vector<16xf32>
          %mul3A_585 = arith.mulf %add3A_583, %mul3A_584 : vector<16xf32>
          %get3A_586 = arith.constant 96 : index
          %get3A_587 = tpu.vector_load %arg26[%get3A_586] {strides = array<i32>} : memref<128xf32, #tpu.memory_space<vmem>>, vector<16xf32>,
          %add3A_588 = arith.addf %mul3A_585, %get3A_587 : vector<16xf32>
          %max3A_589 = arith.constant 0.000000e+00 : f32
          %max3A_590 = vector.broadcast %max3A_589 : f32 to vector<16xf32>
          %max3A_591 = arith.maximumf %add3A_588, %max3A_590 : vector<16xf32>
          %swap3A_592 = arith.index_cast %add3A_447 : i32 to index
          %swap3A_593 = arith.constant 96 : index
          %swap3A_594 = tpu.vector_load %arg22[%swap3A_592, %swap3A_593] {strides = array<i32>} : memref<80x128xf32, #tpu.memory_space<vmem>>, vector<16xf32>,
          tpu.vector_store %arg22[%swap3A_592, %swap3A_593], %max3A_591 {strides = array<i32>} : memref<80x128xf32, #tpu.memory_space<vmem>>, vector<16xf32>,
          %get3A_595 = arith.index_cast %add3A_447 : i32 to index
          %get3A_596 = arith.constant 112 : index
          %get3A_597 = tpu.vector_load %arg24[%get3A_595, %get3A_596] {strides = array<i32>} : memref<80x144xf32, #tpu.memory_space<vmem>>, vector<16xf32>,
          %get3A_598 = arith.index_cast %add3A_447 : i32 to index
          %get3A_599 = arith.constant 112 : index
          %get3A_600 = tpu.vector_load %arg22[%get3A_598, %get3A_599] {strides = array<i32>} : memref<80x128xf32, #tpu.memory_space<vmem>>, vector<16xf32>,
          %mul3A_601 = vector.broadcast %squeeze3A_451 : f32 to vector<16xf32>
          %mul3A_602 = arith.mulf %mul3A_601, %get3A_600 : vector<16xf32>
          %add3A_603 = arith.addf %get3A_597, %mul3A_602 : vector<16xf32>
          %mul3A_604 = vector.broadcast %squeeze3A_455 : f32 to vector<16xf32>
          %mul3A_605 = arith.mulf %add3A_603, %mul3A_604 : vector<16xf32>
          %get3A_606 = arith.constant 112 : index
          %get3A_607 = tpu.vector_load %arg26[%get3A_606] {strides = array<i32>} : memref<128xf32, #tpu.memory_space<vmem>>, vector<16xf32>,
          %add3A_608 = arith.addf %mul3A_605, %get3A_607 : vector<16xf32>
          %max3A_609 = arith.constant 0.000000e+00 : f32
          %max3A_610 = vector.broadcast %max3A_609 : f32 to vector<16xf32>
          %max3A_611 = arith.maximumf %add3A_608, %max3A_610 : vector<16xf32>
          %swap3A_612 = arith.index_cast %add3A_447 : i32 to index
          %swap3A_613 = arith.constant 112 : index
          %swap3A_614 = tpu.vector_load %arg22[%swap3A_612, %swap3A_613] {strides = array<i32>} : memref<80x128xf32, #tpu.memory_space<vmem>>, vector<16xf32>,
          tpu.vector_store %arg22[%swap3A_612, %swap3A_613], %max3A_611 {strides = array<i32>} : memref<80x128xf32, #tpu.memory_space<vmem>>, vector<16xf32>,
        }
        %scan3A_440 = arith.constant 80 : i32
        %mul3A_441 = arith.constant 128 : i32
        %mul3A_442 = arith.muli %arg0, %mul3A_441 : i32
        "tpu.region"() ({
          %run_scoped3A = tpu.sem_alloc : memref<!tpu.dma_semaphore, #tpu.memory_space<semaphore_mem>>
          %dma_start3A_443 = tpu.memref_slice %arg7[%mul3A_36, %mul3A_442] : memref<10000x256xf32, #tpu.memory_space<hbm>> -> memref<80x128xf32, #tpu.memory_space<hbm>>
          %dma_start3A_444 = tpu.memref_slice %arg7[%mul3A_36, %mul3A_442] : memref<10000x256xf32, #tpu.memory_space<hbm>> -> memref<80x128xf32, #tpu.memory_space<hbm>>
          tpu.enqueue_dma source(%arg22 : memref<80x128xf32, #tpu.memory_space<vmem>>) target(%dma_start3A_444 : memref<80x128xf32, #tpu.memory_space<hbm>>) target_semaphore(%run_scoped3A : memref<!tpu.dma_semaphore, #tpu.memory_space<semaphore_mem>>)
          %dma_wait3A_445 = tpu.memref_slice %arg7[%mul3A_36, %mul3A_442] : memref<10000x256xf32, #tpu.memory_space<hbm>> -> memref<80x128xf32, #tpu.memory_space<hbm>>
          %dma_wait3A_446 = tpu.memref_slice %arg7[%mul3A_36, %mul3A_442] : memref<10000x256xf32, #tpu.memory_space<hbm>> -> memref<80x128xf32, #tpu.memory_space<hbm>>
          tpu.wait_dma2 semaphore(%run_scoped3A : memref<!tpu.dma_semaphore, #tpu.memory_space<semaphore_mem>>) src(%arg22 : memref<80x128xf32, #tpu.memory_space<vmem>>) dst(%dma_wait3A_446 : memref<80x128xf32, #tpu.memory_space<hbm>>)
          tpu.yield
        }) : () -> ()
      } else {
      }
    }
    %scan3A_25 = arith.constant 8 : i32
    return
  }
}

module attributes {stable_mosaic.version = 14 : i64} {
  func.func @_tc_body(%arg0: i32, %arg1: memref<1000x256xf32, #tpu.memory_space<vmem>>, %arg2: memref<256x256xf32, #tpu.memory_space<vmem>>, %arg3: memref<256x8xf32, #tpu.memory_space<vmem>>, %arg4: memref<1000x256xf32, #tpu.memory_space<vmem>>, %arg5: memref<2x1000x16xf32, #tpu.memory_space<vmem>>) attributes {dimension_semantics = [#tpu.dimension_semantics<arbitrary>], iteration_bounds = array<i64: 10>, scalar_prefetch = 0 : i64, scratch_operands = 0 : i64, tpu.core_type = #tpu.core_type<tc>, window_params = [{transform_indices = @transform_0, window_bounds = array<i64: 1000, 256>}, {pipeline_mode = #tpu.pipeline_mode<synchronous>, transform_indices = @transform_1, window_bounds = array<i64: 256, 256>}, {pipeline_mode = #tpu.pipeline_mode<synchronous>, transform_indices = @transform_2, window_bounds = array<i64: 256, 8>}, {transform_indices = @transform_3, window_bounds = array<i64: 1000, 256>}, {transform_indices = @transform_4, window_bounds = array<i64: 2, 1000, 16>}]} {
    %get3A = arith.constant 0 : index
    %get3A_0 = arith.constant 0 : index
    %get3A_1 = vector.load %arg1[%get3A, %get3A_0] : memref<1000x256xf32, #tpu.memory_space<vmem>>, vector<1000x256xf32>
    %get3A_2 = arith.constant 0 : index
    %get3A_3 = arith.constant 0 : index
    %get3A_4 = vector.load %arg2[%get3A_2, %get3A_3] : memref<256x256xf32, #tpu.memory_space<vmem>>, vector<256x256xf32>
    %dot_general3A = arith.constant dense<0.000000e+00> : vector<1000x256xf32>
    %dot_general3A_5 = tpu.matmul %get3A_1, %get3A_4, %dot_general3A {dimension_numbers = #tpu.dot_dimension_numbers<[1], [0], [0], [1], [0, 0, 1, 1], [], []>, transpose_lhs_hint = false} : vector<1000x256xf32>, vector<256x256xf32>, vector<1000x256xf32> -> vector<1000x256xf32>
    %swap3A = arith.constant 0 : index
    %swap3A_6 = arith.constant 0 : index
    %swap3A_7 = vector.load %arg4[%swap3A, %swap3A_6] : memref<1000x256xf32, #tpu.memory_space<vmem>>, vector<1000x256xf32>
    tpu.vector_store %arg4[%swap3A, %swap3A_6], %dot_general3A_5 {strides = array<i32>} : memref<1000x256xf32, #tpu.memory_space<vmem>>, vector<1000x256xf32>,
    %get3A_8 = arith.constant 0 : index
    %get3A_9 = arith.constant 0 : index
    %get3A_10 = vector.load %arg3[%get3A_8, %get3A_9] : memref<256x8xf32, #tpu.memory_space<vmem>>, vector<256x4xf32>
    %dot_general3A_11 = arith.constant dense<0.000000e+00> : vector<1000x4xf32>
    %dot_general3A_12 = tpu.matmul %dot_general3A_5, %get3A_10, %dot_general3A_11 {dimension_numbers = #tpu.dot_dimension_numbers<[1], [0], [0], [1], [0, 0, 1, 1], [], []>, transpose_lhs_hint = false} : vector<1000x256xf32>, vector<256x4xf32>, vector<1000x4xf32> -> vector<1000x4xf32>
    %broadcast_in_dim3A = arith.constant 0.000000e+00 : f32
    %broadcast_in_dim3A_13 = vector.broadcast %broadcast_in_dim3A : f32 to vector<1000x12xf32>
    %concatenate3A = tpu.concatenate %dot_general3A_12, %broadcast_in_dim3A_13 in 1 : vector<1000x4xf32>, vector<1000x12xf32> -> vector<1000x16xf32>
    %swap3A_14 = arith.constant 0 : index
    %swap3A_15 = arith.constant 0 : index
    %swap3A_16 = arith.constant 0 : index
    %swap3A_17 = vector.load %arg5[%swap3A_14, %swap3A_15, %swap3A_16] : memref<2x1000x16xf32, #tpu.memory_space<vmem>>, vector<1x1000x16xf32>
    %swap3A_18 = vector.shape_cast %swap3A_17 : vector<1x1000x16xf32> to vector<1000x16xf32>
    %swap3A_19 = vector.shape_cast %concatenate3A : vector<1000x16xf32> to vector<1x1000x16xf32>
    tpu.vector_store %arg5[%swap3A_14, %swap3A_15, %swap3A_16], %swap3A_19 {strides = array<i32>} : memref<2x1000x16xf32, #tpu.memory_space<vmem>>, vector<1x1000x16xf32>,
    %get3A_20 = arith.constant 0 : index
    %get3A_21 = arith.constant 4 : index
    %get3A_22 = vector.load %arg3[%get3A_20, %get3A_21] : memref<256x8xf32, #tpu.memory_space<vmem>>, vector<256x4xf32>
    %dot_general3A_23 = arith.constant dense<0.000000e+00> : vector<1000x4xf32>
    %dot_general3A_24 = tpu.matmul %dot_general3A_5, %get3A_22, %dot_general3A_23 {dimension_numbers = #tpu.dot_dimension_numbers<[1], [0], [0], [1], [0, 0, 1, 1], [], []>, transpose_lhs_hint = false} : vector<1000x256xf32>, vector<256x4xf32>, vector<1000x4xf32> -> vector<1000x4xf32>
    %broadcast_in_dim3A_25 = arith.constant 0.000000e+00 : f32
    %broadcast_in_dim3A_26 = vector.broadcast %broadcast_in_dim3A_25 : f32 to vector<1000x12xf32>
    %concatenate3A_27 = tpu.concatenate %dot_general3A_24, %broadcast_in_dim3A_26 in 1 : vector<1000x4xf32>, vector<1000x12xf32> -> vector<1000x16xf32>
    %swap3A_28 = arith.constant 1 : index
    %swap3A_29 = arith.constant 0 : index
    %swap3A_30 = arith.constant 0 : index
    %swap3A_31 = vector.load %arg5[%swap3A_28, %swap3A_29, %swap3A_30] : memref<2x1000x16xf32, #tpu.memory_space<vmem>>, vector<1x1000x16xf32>
    %swap3A_32 = vector.shape_cast %swap3A_31 : vector<1x1000x16xf32> to vector<1000x16xf32>
    %swap3A_33 = vector.shape_cast %concatenate3A_27 : vector<1000x16xf32> to vector<1x1000x16xf32>
    tpu.vector_store %arg5[%swap3A_28, %swap3A_29, %swap3A_30], %swap3A_33 {strides = array<i32>} : memref<2x1000x16xf32, #tpu.memory_space<vmem>>, vector<1x1000x16xf32>,
    return
  }
  func.func @transform_0(%arg0: i32) -> (i32, i32) {
    %c0_i32 = arith.constant 0 : i32
    %c0_i32_0 = arith.constant 0 : i32
    return %arg0, %c0_i32 : i32, i32
  }
  func.func @transform_1(%arg0: i32) -> (i32, i32) {
    %c0_i32 = arith.constant 0 : i32
    %c0_i32_0 = arith.constant 0 : i32
    %c0_i32_1 = arith.constant 0 : i32
    return %c0_i32, %c0_i32_0 : i32, i32
  }
  func.func @transform_2(%arg0: i32) -> (i32, i32) {
    %c0_i32 = arith.constant 0 : i32
    %c0_i32_0 = arith.constant 0 : i32
    %c0_i32_1 = arith.constant 0 : i32
    return %c0_i32, %c0_i32_0 : i32, i32
  }
  func.func @transform_3(%arg0: i32) -> (i32, i32) {
    %c0_i32 = arith.constant 0 : i32
    %c0_i32_0 = arith.constant 0 : i32
    return %arg0, %c0_i32 : i32, i32
  }
  func.func @transform_4(%arg0: i32) -> (i32, i32, i32) {
    %c0_i32 = arith.constant 0 : i32
    %c0_i32_0 = arith.constant 0 : i32
    %c0_i32_1 = arith.constant 0 : i32
    return %c0_i32, %arg0, %c0_i32_0 : i32, i32, i32
  }
}

</mosaic_0001>

<sc_bundles>
// kernel: kernel.4.cloned.1.call-start
scs
__scs_entry_jumppad:
0x0: {  	(pc) =	sbr.rel $0x88, $3  }
0x1: {  	(tag) =	ssettag $0x0;
	lr =	simm.s32 $0x1  }
0x2: {  	[smem:$0x3F9B] =	sst lr;
	_ =	strace $0xD0000000  }
0x3: {  	_ = 	snop  }
0x4: {  	_ = 	snop  }
0x5: {  	_ = 	snop  }
0x6: {  	_ = 	snop  }
0x7: {  	_ = 	snop  }
__scs_overlays_trampoline_lowered:
0x8: {  	[smem:$0x3FAA] =	sst s0  }
0x9: {  	[smem:$0x3FAB] =	sst s1  }
0xa: {  	[smem:$0x3FAC] =	sst s2  }
0xb: {  	[smem:$0x3FAD] =	sst s3  }
0xc: {  	[smem:$0x3FAE] =	sst s4  }
0xd: {  	[smem:$0x3FAF] =	sst s5  }
0xe: {  	[smem:$0x3FB0] =	sst s6  }
0xf: {  	[smem:$0x3FB1] =	sst s7  }
0x10: {  	[smem:$0x3FB2] =	sst s8  }
0x11: {  	[smem:$0x3FB3] =	sst s9;
	s0 =	simm.s32 @!p0 $0x0  }
0x12: {  	s1 =	sld [smem:$0x3F99];
	s0 =	simm.s32 @p0 $0x1  }
0x13: {  	[smem:$0x3FB4] =	sst s0;
	s0 =	simm.s32 @!p1 $0x0  }
0x14: {  	s2 =	sld [smem:$0x3F98];
	s0 =	simm.s32 @p1 $0x1  }
0x15: {  	[smem:$0x3FB5] =	sst s0;
	s0 =	simm.s32 @!p2 $0x0  }
0x16: {  	s3 =	sld [smem:$0x3FDB];
	s0 =	simm.s32 @p2 $0x1  }
0x17: {  	s4 =	simm.s32 $0x1BF5;
	[smem:$0x3FB7] =	sst s0  }
0x18: {  	s0 =	sld [smem:$0x3F9A];
	_ =	swait.ge [sflag:s4], $0x0  }
0x19: {  	s7 =	sld [smem:$0x3F9B]  }
0x1a: {  	s8 =	sadd.s32 $0xFFFFE003, lr  }
0x1b: {  	s9 =	sadd.s32 $0xFFFFFEF7, lr;
	s5 =	simm.s32 $0xFFFFFFFF;
	p2 =	slt.u32 s8, $0xFFFFF086  }
0x1c: {  	p1 =	slt.u32 s9, $0xF7A;
	s5 =	simm.s32 @!p2 $0x0  }
0x1d: {  	s5 =	simm.s32 @p1 $0x1;
	p0 =	seq.s32 s7, s2  }
0x1e: {  	s7 =	smul.u32 @!p0 $0xF7A, s2;
	p2 =	seq.s32 @!p0 s5, $0x0  }
0x1f: {  	s9 =	smul.u32 $0xF7A, s1;
	s8 =	simm.s32 @!p0 $0x1BF5;
	p2 =	por !p2, p0  }
0x20: {  	[sflag:s8] =	ssyncset.s32 @!p0 $0xFFFFF086;
	s6 =	sadd.s32 @!p0 s3, s7;
	s7 =	simm.s32 @!p0 $0x108  }
0x21: {  	s3 =	sadd.s32 s3, s9;
	s6 =	sadd.s32 @!p0 $0x88, s6;
	s7 =	simm.s32 @p2 $0x1082  }
0x22: {  	[simem:s7], [sflag:s8] =	dma.local @!p0 [hbm:s6], $0xF7A  }
0x23: {  	s9 =	sor.u32 $0xD0000000, s2;
	s6 =	simm.s32 $0x108;
	_ =	swait.ge @!p0 [sflag:s8], $0x0  }
0x24: {  	s3 =	sadd.s32 $0x88, s3;
	s6 =	simm.s32 @!p1 $0x1082;
	[sflag:s4] =	ssyncset.s32 $0xFFFFF086  }
0x25: {  	[simem:s6], [sflag:s4] =	dma.local [hbm:s3], $0xF7A  }
0x26: {  	[smem:$0x3F9B] =	sst s1;
	(tag) =	ssettag s2;
	_ =	strace s9  }
0x27: {  	s1 =	sld [smem:$0x3FAB]  }
0x28: {  	s2 =	sld [smem:$0x3FAC]  }
0x29: {  	s4 =	sld [smem:$0x3FAE]  }
0x2a: {  	p0 =	seq.s32 s5, $0x0;
	s5 =	sld [smem:$0x3FAF]  }
0x2b: {  	s6 =	sld [smem:$0x3FB0]  }
0x2c: {  	s7 =	sld [smem:$0x3FB1]  }
0x2d: {  	s3 =	simm.s32 $0x108;
	s8 =	sld [smem:$0x3FB2]  }
0x2e: {  	s3 =	simm.s32 @!p0 $0x1082;
	s9 =	sld [smem:$0x3FB3]  }
0x2f: {  	lr =	sadd.s32 s0, s3;
	s0 =	sld [smem:$0x3FAA]  }
0x30: {  	s3 =	sld [smem:$0x3FAD]  }
0x31: {  	[smem:$0x3FB6] =	sst s10  }
0x32: {  	s10 =	sld [smem:$0x3FB4];
	_ =	sdelay $0x3  }
0x33: {  	p0 =	seq.s32 s10, $0x1;
	s10 =	sld [smem:$0x3FB6];
	_ =	sdelay $0x3  }
0x34: {  	[smem:$0x3FB6] =	sst s10  }
0x35: {  	s10 =	sld [smem:$0x3FB5];
	_ =	sdelay $0x3  }
0x36: {  	p1 =	seq.s32 s10, $0x1;
	s10 =	sld [smem:$0x3FB6];
	_ =	sdelay $0x3  }
0x37: {  	[smem:$0x3FB6] =	sst s10  }
0x38: {  	s10 =	sld [smem:$0x3FB7]  }
0x39: {  	_ = 	snop;
	(pc) =	sbr.ind lr, $3  }
0x3a: {  	_ = 	snop  }
0x3b: {  	_ = 	snop  }
0x3c: {  	p2 =	seq.s32 s10, $0x1;
	s10 =	sld [smem:$0x3FB6]  }
0x3d: {  	_ =	shalt  }
0x3e: {  	_ =	shalt  }
0x3f: {  	_ =	shalt  }
0x40: {  	_ =	shalt  }
0x41: {  	_ =	shalt  }
0x42: {  	_ =	shalt  }
0x43: {  	_ =	shalt  }
0x44: {  	_ =	shalt  }
0x45: {  	_ =	shalt  }
0x46: {  	_ =	shalt  }
0x47: {  	_ =	shalt  }
0x48: {  	_ =	shalt  }
0x49: {  	_ =	shalt  }
0x4a: {  	_ =	shalt  }
0x4b: {  	_ =	shalt  }
0x4c: {  	_ =	shalt  }
0x4d: {  	_ =	shalt  }
0x4e: {  	_ =	shalt  }
0x4f: {  	_ =	shalt  }
0x50: {  	_ =	shalt  }
0x51: {  	_ =	shalt  }
0x52: {  	_ =	shalt  }
0x53: {  	_ =	shalt  }
0x54: {  	_ =	shalt  }
0x55: {  	_ =	shalt  }
0x56: {  	_ =	shalt  }
0x57: {  	_ =	shalt  }
0x58: {  	_ =	shalt  }
0x59: {  	_ =	shalt  }
0x5a: {  	_ =	shalt  }
0x5b: {  	_ =	shalt  }
0x5c: {  	_ =	shalt  }
0x5d: {  	_ =	shalt  }
0x5e: {  	_ =	shalt  }
0x5f: {  	_ =	shalt  }
0x60: {  	_ =	shalt  }
0x61: {  	_ =	shalt  }
0x62: {  	_ =	shalt  }
0x63: {  	_ =	shalt  }
0x64: {  	_ =	shalt  }
0x65: {  	_ =	shalt  }
0x66: {  	_ =	shalt  }
0x67: {  	_ =	shalt  }
0x68: {  	_ =	shalt  }
0x69: {  	_ =	shalt  }
0x6a: {  	_ =	shalt  }
0x6b: {  	_ =	shalt  }
0x6c: {  	_ =	shalt  }
0x6d: {  	_ =	shalt  }
0x6e: {  	_ =	shalt  }
0x6f: {  	_ =	shalt  }
0x70: {  	_ =	shalt  }
0x71: {  	_ =	shalt  }
0x72: {  	_ =	shalt  }
0x73: {  	_ =	shalt  }
0x74: {  	_ =	shalt  }
0x75: {  	_ =	shalt  }
0x76: {  	_ =	shalt  }
0x77: {  	_ =	shalt  }
0x78: {  	_ =	shalt  }
0x79: {  	_ =	shalt  }
0x7a: {  	_ =	shalt  }
0x7b: {  	_ =	shalt  }
0x7c: {  	_ =	shalt  }
0x7d: {  	_ =	shalt  }
0x7e: {  	_ =	shalt  }
0x7f: {  	_ =	shalt  }
0x80: {  	_ =	shalt  }
0x81: {  	_ =	shalt  }
0x82: {  	_ =	shalt  }
0x83: {  	_ =	shalt  }
0x84: {  	_ =	shalt  }
0x85: {  	_ =	shalt  }
0x86: {  	_ =	shalt  }
0x87: {  	_ =	shalt  }
.Lfunc_end0:
.L_simem_size_0:
called_computation_lowered:
.L_overlay_start_0:
0x88: {  	s2 =	sld [smem:$0x3FD9]  }
0x89: {  	s3 =	sld [smem:$0x3FFE];
	_ =	sdelay $0x1  }
0x8a: {  	s1 =	srdreg.scid  }
0x8b: {  	s0 =	sand.u32 $0x1, s1  }
0x8c: {  	s17 =	sshll.u32 s0, $0xA;
	s2 =	sadd.s32 s3, s2  }
0x8d: {  	s2 =	sadd.s32 s2, s17  }
0x8e: {  	[smem:$0x3FC2] =	sst s2  }
0x8f: {  	_ = 	snop  }
0x90: {  	s2 =	sld [smem:$0x3FC4]  }
0x91: {  	s18 =	sld [smem:$0x3FD0];
	(tm) =	ssettm $0x1  }
0x92: {  	s4 =	sld [smem:$0x3FFB];
	_ =	sdelay $0x3  }
0x93: {  	_ =	strace s4  }
0x94: {  	s4 =	sld [smem:$0x3FFC];
	_ =	sdelay $0x3  }
0x95: {  	_ =	strace s4  }
0x96: {  	s4 =	sld [smem:$0x3FFD];
	_ =	sdelay $0x3  }
0x97: {  	_ =	strace s4  }
0x98: {  	_ =	strace $0x8FFFFFFF  }
0x99: {  	s19 =	sld [smem:$0x3FDB];
	_ =	sdelay $0x1  }
0x9a: {  	s5 =	simm.s32 $_scs_section_size  }
0x9b: {  	s6 =	simm.s32 $_size__tile_overlayer_lowered;
	s7 =	simm.s32 $_tile_overlayer_lowered  }
0x9c: {  	s22 =	simm.s32 $0x1BFF;
	s21 =	sshll.u32 s7, $0x1;
	s4 =	sadd.s32 s5, s19  }
0x9d: {  	s8 =	simm.s32 $0x0;
	s20 =	sshll.u32 s6, $0x1;
	s6 =	sadd.s32 s21, s4  }
0x9e: {  	[timem:s8], [sflag:s22] =	dma.local [hbm:s6], s20  }
0x9f: {  	_ =	swait.ge [sflag:s22], s20  }
0xa0: {  	s5 =	ssub.s32 $0x0, s20;
	[sflag:s22] =	ssyncset.done $0x0  }
0xa1: {  	[sflag:s22] =	ssyncadd.s32 s5;
	_ =	sdelay $0x1  }
0xa2: {  	s23 =	simm.s32 $0x1B8B  }
0xa3: {  	_ =	swait.ge [sflag:s23], $0x1  }
0xa4: {  	[sflag:s23] =	ssyncset.done $0x0  }
0xa5: {  	s25 =	simm.s32 $0x1B8E;
	s24 =	sld [smem:$0x3FFE];
	[sflag:s23] =	ssyncadd.s32 $0xFFFFFFFF  }
0xa6: {  	s26 =	simm.s32 $execute0_lowered;
	[smem:$0x3FD2] =	sst s25  }
0xa7: {  	s6 =	sshll.u32 s26, $0x1;
	_ =	strace $0x80000046;
	[dreg:$0x1] =	wrdreg $0xFFFFFFFF  }
0xa8: {  	s28 =	simm.s32 $_size_execute0_lowered;
	s4 =	sadd.s32 s4, s6;
	[dreg:$0x0] =	wrdreg $0x0  }
0xa9: {  	s6 =	sshll.u32 s28, $0x1;
	[dreg:$0x2] =	wrdreg s4  }
0xaa: {  	[dreg:$0x3] =	wrdreg s6  }
0xab: {  	[dreg:$0x4] =	wrdreg $0xC0  }
0xac: {  	_ =	task [dreg:s8], $0x5FFFF  }
0xad: {  	[dreg:$0x1] =	wrdreg $0xFFFFFFFF  }
0xae: {  	[dreg:$0x0] =	wrdreg $0x60  }
0xaf: {  	[dreg:$0x2] =	wrdreg s24  }
0xb0: {  	[dreg:$0x3] =	wrdreg s18  }
0xb1: {  	[dreg:$0x4] =	wrdreg s2  }
0xb2: {  	[dreg:$0x5] =	wrdreg $0x9C200  }
0xb3: {  	[dreg:$0x6] =	wrdreg $0x9  }
0xb4: {  	_ =	task.clear_ibuf [dreg:s8], $0x7FFFF;
	_ =	strace $0x90000046  }
0xb5: {  	s29 =	simm.s32 $0x9;
	_ =	strace $0x80000048  }
0xb6: {  	_ =	swait.ge [sflag:s29], $0x1  }
0xb7: {  	[sflag:s29] =	ssyncadd.s32 $0xFFFFFFFF  }
0xb8: {  	_ =	strace $0x90000048  }
0xb9: {  	_ =	sfence  }
0xba: {  	s30 =	sld [smem:$0x0];
	_ =	sdelay $0x2  }
0xbb: {  	s31 =	sshll.u32 s1, $0xD;
	s1 =	sshrl.u32 s1, $0x2  }
0xbc: {  	s3 =	sand.u32 $0x4000, s31;
	s1 =	sadd.s32 s1, s30  }
0xbd: {  	s0 =	sor.u32 s3, s0;
	s1 =	sshll.u32 s1, $0x11  }
0xbe: {  	s0 =	sor.u32 s1, s0  }
0xbf: {  	s0 =	sadd.s32 $0x8F2B, s0  }
0xc0: {  	[sflag:s0] =	ssyncadd.remote.s32 $0x1  }
0xc1: {  	_ =	sfence.sel $0xFFFF  }
0xc2: {  	[dreg:$0x0] =	wrdreg $0xFFFFFFFF;
	(pc) =	sbr.abs _section_cstart, $3  }
0xc3: {  	[dreg:$0x1] =	wrdreg $0xFFFFFFFF  }
0xc4: {  	_ =	task.clear_ibuf [dreg:s8], $0x2FFFF;
	_ =	strace $0x9FFFFFFF  }
0xc5: {  	(tm) =	ssettm $0x7FFFFFFF  }
tec
execute0_lowered:
.L_overlay_start_1:
0x0: {  	(tag) =	ssettag $0x1  }
0x1: {  	s0 =	rddreg [dreg:$0x0]  }
0x2: {  	s1 =	rddreg [dreg:$0x1]  }
0x3: {  	s3 =	rddreg [dreg:$0x2]  }
0x4: {  	s2 =	rddreg [dreg:$0x3];
	s10 =	simm.s32 $0x0;
	s5 =	srdreg.scid  }
0x5: {  	s30 =	stileid.u32;
	s28 =	simm.s32 $0x320;
	s29 =	simm.s32 $0x5A0  }
0x6: {  	s31 =	simm.s32 $0xFA0;
	s13 =	simm.s32 $0xAA0;
	s9 =	simm.s32 $0x6  }
0x7: {  	[smem:$0x7FF] =	sst s10;
	s4 =	sadd.s32 $0xA600, s0;
	s5 =	sand.u32 $0x1, s5  }
0x8: {  	s6 =	sadd.s32 $0x5600, s0;
	s14 =	sadd.s32 $0x600, s0;
	s0 =	sadd.s32 $0x14400, s0  }
0x9: {  	s7 =	smul.u32 $0xB400, s30;
	_ =	strace $0x80000047;
	[dreg:$0x6] =	wrdreg s6  }
0xa: {  	s18 =	smul.u32 $0x2710, s30;
	s20 =	sor.u32 $0x70, s30;
	[dreg:$0x7] =	wrdreg s14  }
0xb: {  	s15 =	ssub.s32 $0x2, s5;
	[dreg:$0x8] =	wrdreg s0;
	s12 =	smul.u32 $0x2710, s5  }
0xc: {  	s17 =	sshll.u32 s5, $0x4;
	s8 =	sshll.u32 s5, $0x7;
	s21 =	smul.u32 $0xB400, s20  }
0xd: {  	p0 =	sgt.u32 s20, $0x7C;
	s16 =	sshrl.u32 s15, $0x1;
	[dreg:$0x9] =	wrdreg s8  }
0xe: {  	v0 =	vlaneseq.u32;
	s3 =	sadd.s32 s3, s17;
	[dreg:$0xb] =	wrdreg s18;
	s19 =	sshrl.u32 s7, $0x2  }
0xf: {  	v1 =	vmul.u32 $0x10, v0;
	v33 =	vmul.u32 $0x90, v0;
	s0 =	ssub.s32 s15, s16;
	[dreg:$0xa] =	wrdreg s3;
	s3 =	sadd.s32 s19, s2  }
0x10: {  	v4 =	vimm.f32 $0.0e+00;
	v3 =	vmov s5;
	s20 =	simm.s32 $0x3;
	s0 =	smax.u32 s0, $0x1;
	[dreg:$0xd] =	wrdreg s3  }
0x11: {  	s14 =	simm.s32 $0x500;
	v5 =	vor.u32 $0x2, v1;
	v6 =	vadd.s32 $0x80, v33;
	v7 =	vor.u32 $0x1, v1;
	s22 =	sadd.s32 $0x2D000, s3;
	[dreg:$0xc] =	wrdreg s0  }
0x12: {  	s5 =	simm.s32 $0x4;
	v8 =	vor.u32 $0x3, v1;
	v9 =	vadd.s32 $0x81, v33;
	v10 =	vor.u32 $0x100, v1;
	s23 =	sadd.s32 $0x5A000, s3;
	[dreg:$0xe] =	wrdreg s22  }
0x13: {  	s6 =	simm.s32 $0x96A0;
	v11 =	vor.u32 $0x102, v1;
	v12 =	vadd.s32 $0x980, v33;
	v13 =	vor.u32 $0x101, v1;
	s24 =	sadd.s32 $0x87000, s3;
	[dreg:$0xf] =	wrdreg s23  }
0x14: {  	v14 =	vor.u32 $0x103, v1;
	v15 =	vadd.s32 $0x981, v33;
	v16 =	vor.u32 $0x200, v1;
	s8 =	simm.s32 $0x2;
	s25 =	sadd.s32 $0xB4000, s3;
	[dreg:$0x10] =	wrdreg s24  }
0x15: {  	v17 =	vor.u32 $0x202, v1;
	v18 =	vadd.s32 $0x1280, v33;
	v19 =	vor.u32 $0x201, v1;
	s16 =	simm.s32 $0x14A0;
	s26 =	sadd.s32 $0xE1000, s3;
	[dreg:$0x11] =	wrdreg s25  }
.Ltmp0:
0x16: {  	v20 =	vor.u32 $0x203, v1;
	v21 =	vadd.s32 $0x1281, v33;
	v22 =	vor.u32 $0x300, v1;
	s3 =	sadd.s32 $0x10E000, s3;
	[dreg:$0x12] =	wrdreg s26;
	(pc) =	sbr.rel .LBB2_1-.Ltmp0, $4  }
0x17: {  	v23 =	vor.u32 $0x302, v1;
	v24 =	vadd.s32 $0x1B80, v33;
	v25 =	vor.u32 $0x301, v1;
	s19 =	simm.s32 $0x1;
	s0 =	sshrl.u32 s21, $0x2;
	[dreg:$0x13] =	wrdreg s3  }
0x18: {  	v26 =	vor.u32 $0x303, v1;
	v27 =	vadd.s32 $0x1B81, v33;
	v28 =	vor.u32 $0x400, v1;
	s22 =	simm.s32 $0x69A0;
	s23 =	simm.s32 $0x8;
	s26 =	simm.s32 $0x50  }
0x19: {  	v29 =	vor.u32 $0x402, v1;
	v30 =	vadd.s32 $0x2480, v33;
	v31 =	vor.u32 $0x401, v1;
	s24 =	simm.s32 $0x19A0;
	s21 =	simm.s32 $0x5;
	s0 =	sadd.s32 s0, s2  }
0x1a: {  	v32 =	vor.u32 $0x403, v1;
	v33 =	vadd.s32 $0x2481, v33;
	v2 =	vmov s12;
	s3 =	simm.s32 $0x7;
	[dreg:$0x14] =	wrdreg s0;
	s0 =	simm.s32 $0x460  }
.LBB2_21:
0x1b: {  	s10 =	rddreg [dreg:$0x5]  }
0x1c: {  	s7 =	rddreg [dreg:$0xc];
	s10 =	sadd.s32 $0x1, s10  }
0x1d: {  	p1 =	sne.s32 s10, s7  }
.Ltmp1:
0x1e: {  	_ = 	snop;
	(pc) =	sbr.rel @!p1 .LBB2_22-.Ltmp1, $1  }
0x1f: {  	_ =	sdelay $0x3  }
.LBB2_1:
0x20: {  	[dreg:$0x5] =	wrdreg s10;
	s7 =	simm.s32 $0x0;
	s10 =	simm.s32 $0x240  }
.LBB2_2:
0x21: {  	p1 =	sne.s32 s10, $0xB1C0;
	[tilespmem:s7+$0x6A20] =	vst v4  }
0x22: {  	[tilespmem:s7+$0x69A0] =	vst v4  }
0x23: {  	[tilespmem:s7+$0x69B0] =	vst v4  }
0x24: {  	[tilespmem:s7+$0x69C0] =	vst v4  }
.Ltmp2:
0x25: {  	[tilespmem:s7+$0x69D0] =	vst v4;
	(pc) =	sbr.rel @p1 .LBB2_2-.Ltmp2, $4  }
0x26: {  	[tilespmem:s7+$0x69E0] =	vst v4  }
0x27: {  	[tilespmem:s7+$0x69F0] =	vst v4  }
0x28: {  	[tilespmem:s7+$0x6A00] =	vst v4  }
0x29: {  	[tilespmem:s7+$0x6A10] =	vst v4;
	s7 =	sshra.s32 s10, $0x2;
	s10 =	sadd.s32 $0x240, s10  }
0x2a: {  	[tilespmem:s7+$0x6A20] =	vst v4  }
0x2b: {  	[tilespmem:s7+$0x69A0] =	vst v4  }
0x2c: {  	[tilespmem:s7+$0x69B0] =	vst v4  }
0x2d: {  	[tilespmem:s7+$0x69C0] =	vst v4  }
0x2e: {  	[tilespmem:s7+$0x69D0] =	vst v4  }
0x2f: {  	[tilespmem:s7+$0x69E0] =	vst v4  }
0x30: {  	[tilespmem:s7+$0x69F0] =	vst v4  }
0x31: {  	[tilespmem:s7+$0x6A00] =	vst v4  }
0x32: {  	[tilespmem:s7+$0x6A10] =	vst v4;
	s18 =	rddreg [dreg:$0xd]  }
0x33: {  	[spmem:s18] =	stream.linear.scatter [tilespmem:s22], [sflag:$0x8], $0x2D00, $0x38;
	[tilespmem:$0x1FBB0] =	vst v63  }
0x34: {  	_ =	swait.ge [sflag:s23], $0x2D00  }
0x35: {  	[sflag:s23] =	ssyncset.done $0x0  }
0x36: {  	s25 =	rddreg [dreg:$0xe];
	[sflag:s23] =	ssyncadd.s32 $0xFFFFD300  }
0x37: {  	[spmem:s25] =	stream.linear.scatter [tilespmem:s22], [sflag:$0x8], $0x2D00, $0x38;
	[tilespmem:$0x1FBB0] =	vst v63  }
0x38: {  	_ =	swait.ge [sflag:s23], $0x2D00  }
0x39: {  	[sflag:s23] =	ssyncset.done $0x0  }
0x3a: {  	s10 =	rddreg [dreg:$0xf];
	[sflag:s23] =	ssyncadd.s32 $0xFFFFD300  }
0x3b: {  	[spmem:s10] =	stream.linear.scatter [tilespmem:s22], [sflag:$0x8], $0x2D00, $0x38;
	[tilespmem:$0x1FBB0] =	vst v63  }
0x3c: {  	_ =	swait.ge [sflag:s23], $0x2D00  }
0x3d: {  	[sflag:s23] =	ssyncset.done $0x0  }
0x3e: {  	s11 =	rddreg [dreg:$0x10];
	[sflag:s23] =	ssyncadd.s32 $0xFFFFD300  }
0x3f: {  	[spmem:s11] =	stream.linear.scatter [tilespmem:s22], [sflag:$0x8], $0x2D00, $0x38;
	[tilespmem:$0x1FBB0] =	vst v63  }
0x40: {  	_ =	swait.ge [sflag:s23], $0x2D00  }
0x41: {  	[sflag:s23] =	ssyncset.done $0x0  }
0x42: {  	s15 =	rddreg [dreg:$0x11];
	[sflag:s23] =	ssyncadd.s32 $0xFFFFD300  }
0x43: {  	[spmem:s15] =	stream.linear.scatter [tilespmem:s22], [sflag:$0x8], $0x2D00, $0x38;
	[tilespmem:$0x1FBB0] =	vst v63  }
0x44: {  	_ =	swait.ge [sflag:s23], $0x2D00  }
0x45: {  	[sflag:s23] =	ssyncset.done $0x0  }
0x46: {  	s17 =	rddreg [dreg:$0x12];
	[sflag:s23] =	ssyncadd.s32 $0xFFFFD300  }
0x47: {  	[spmem:s17] =	stream.linear.scatter [tilespmem:s22], [sflag:$0x8], $0x2D00, $0x38;
	[tilespmem:$0x1FBB0] =	vst v63  }
0x48: {  	_ =	swait.ge [sflag:s23], $0x2D00  }
0x49: {  	[sflag:s23] =	ssyncset.done $0x0  }
0x4a: {  	s18 =	rddreg [dreg:$0x13];
	[sflag:s23] =	ssyncadd.s32 $0xFFFFD300  }
0x4b: {  	[spmem:s18] =	stream.linear.scatter [tilespmem:s22], [sflag:$0x8], $0x2D00, $0x38;
	[tilespmem:$0x1FBB0] =	vst v63  }
0x4c: {  	_ =	swait.ge [sflag:s23], $0x2D00  }
0x4d: {  	[sflag:s23] =	ssyncset.done $0x0  }
0x4e: {  	s7 =	simm.s32 @!p0 $0x69A0;
	s10 =	rddreg [dreg:$0x14];
	[sflag:s23] =	ssyncadd.s32 $0xFFFFD300  }
0x4f: {  	[spmem:s10] =	stream.linear.scatter @!p0 [tilespmem:s7], [sflag:$0x8], $0x2D00, $0x38;
	[tilespmem:$0x1FBB0] =	vst v63  }
0x50: {  	s7 =	simm.s32 @!p0 $0x8  }
0x51: {  	_ =	swait.ge @!p0 [sflag:s7], $0x2D00  }
0x52: {  	s11 =	simm.s32 $0x9BA0;
	[sflag:s7] =	ssyncset.done @!p0 $0x0  }
0x53: {  	s25 =	rddreg [dreg:$0xa];
	[sflag:s7] =	ssyncadd.s32 @!p0 $0xFFFFD300;
	s7 =	simm.s32 $0x0  }
0x54: {  	[tilespmem:s11], [sflag:$0x8] =	stream.linear.gather [hbm4b:s25+s7], $0x80, $0x38;
	[tilespmem:$0x1FBB0] =	vst v63  }
0x55: {  	_ =	swait.ge [sflag:s23], $0x80  }
0x56: {  	[sflag:s23] =	ssyncset.done $0x0  }
0x57: {  	[sflag:s23] =	ssyncadd.s32 $0xFFFFFF80  }
0x58: {  	s11 =	simm.s32 $0x0;
	[bflag:$0x0] =	sbarrier.arrive $0xFFFF  }
.LBB2_4:
0x59: {  	s10 =	smul.u32 $0x190, s11  }
0x5a: {  	s15 =	rddreg [dreg:$0xb]  }
0x5b: {  	s10 =	sadd.s32 s15, s10  }
0x5c: {  	s18 =	rddreg [dreg:$0x6];
	s10 =	sshrl.u32 s10, $0x3  }
0x5d: {  	s15 =	sadd.s32 s18, s10  }
0x5e: {  	[tilespmem:s7], [sflag:$0x8] =	stream.linear.gather [hbm4b:s15+s7], $0x190, $0x38;
	[tilespmem:$0x1FBB0] =	vst v63  }
0x5f: {  	_ =	swait.ge [sflag:s23], $0x190  }
0x60: {  	[sflag:s23] =	ssyncset.done $0x0;
	s25 =	rddreg [dreg:$0x7]  }
0x61: {  	s17 =	simm.s32 $0x190;
	[sflag:s23] =	ssyncadd.s32 $0xFFFFFE70;
	s10 =	sadd.s32 s25, s10  }
0x62: {  	[tilespmem:s17], [sflag:$0x8] =	stream.linear.gather [hbm4b:s10+s7], $0x190, $0x38;
	[tilespmem:$0x1FBB0] =	vst v63  }
0x63: {  	_ =	swait.ge [sflag:s23], $0x190  }
0x64: {  	[sflag:s23] =	ssyncset.done $0x0  }
0x65: {  	[sflag:s23] =	ssyncadd.s32 $0xFFFFFE70  }
0x66: {  	v34 =	vld [tilespmem:$0x0]  }
0x67: {  	v35 =	vld [tilespmem:$0x190]  }
0x68: {  	v38 =	vld [tilespmem:$0x1A0]  }
0x69: {  	v41 =	vld [tilespmem:$0x1B0]  }
0x6a: {  	v46 =	vld [tilespmem:$0x1C0]  }
0x6b: {  	v50 =	vld [tilespmem:$0x1D0]  }
0x6c: {  	[tilespmem:$0x500] =	vst v35  }
0x6d: {  	v36 =	vld [tilespmem:$0x10];
	[tilespmem:$0x510] =	vst v38  }
0x6e: {  	[tilespmem:$0x520] =	vst v41  }
0x6f: {  	v63 =	vld [tilespmem:$0x20];
	[tilespmem:$0x530] =	vst v46  }
0x70: {  	v37 =	vadd.s32 v2, v34;
	[tilespmem:$0x540] =	vst v50  }
0x71: {  	v44 =	vld [tilespmem:$0x30];
	v62 =	vadd.s32 v2, v35;
	[tilespmem:$0x320] =	vst v37  }
0x72: {  	v40 =	vadd.s32 v2, v36;
	[tilespmem:$0x3C0] =	vst v62  }
0x73: {  	v48 =	vld [tilespmem:$0x40];
	v42 =	vadd.s32 v2, v38;
	[tilespmem:$0x330] =	vst v40  }
0x74: {  	v45 =	vadd.s32 v2, v63;
	[tilespmem:$0x3D0] =	vst v42  }
0x75: {  	v47 =	vadd.s32 v2, v41;
	[tilespmem:$0x340] =	vst v45  }
0x76: {  	v49 =	vadd.s32 v2, v44;
	[tilespmem:$0x3E0] =	vst v47  }
0x77: {  	v51 =	vadd.s32 v2, v46;
	[tilespmem:$0x350] =	vst v49  }
0x78: {  	v52 =	vadd.s32 v2, v48;
	[tilespmem:$0x3F0] =	vst v51  }
0x79: {  	v34 =	vshll.u32 v34, $0x1;
	v53 =	vadd.s32 v2, v50;
	[tilespmem:$0x360] =	vst v52  }
0x7a: {  	v36 =	vshll.u32 v36, $0x1;
	v34 =	vor.u32 v3, v34;
	[tilespmem:$0x400] =	vst v53  }
0x7b: {  	v43 =	vor.u32 v3, v36;
	[tilespmem:$0x460] =	vst v34;
	v34 =	vshll.u32 v63, $0x1  }
0x7c: {  	v35 =	vshll.u32 v44, $0x1;
	[tilespmem:$0x470] =	vst v43;
	v34 =	vor.u32 v3, v34  }
0x7d: {  	v35 =	vor.u32 v3, v35;
	[tilespmem:$0x480] =	vst v34;
	v34 =	vshll.u32 v48, $0x1  }
0x7e: {  	[tilespmem:$0x490] =	vst v35;
	v34 =	vor.u32 v3, v34  }
0x7f: {  	[tilespmem:$0x4A0] =	vst v34  }
0x80: {  	[tilespmem:s29], [sflag:$0x1] =	stream.indirect.gather [hbm4b:s4+s26], $0x10, s28, s26, $0xb8;
	[tilespmem:$0x1FBB0] =	vst v63  }
0x81: {  	s18 =	simm.s32 $0x3C0  }
0x82: {  	[tilespmem:s31], [sflag:$0x3] =	stream.indirect.gather [hbm4b:s4+s26], $0x10, s18, s26, $0xb8;
	[tilespmem:$0x1FBB0] =	vst v63  }
0x83: {  	_ = 	snop  }
0x84: {  	[tilespmem:s24], [sflag:$0x5] =	stream.indirect.gather [hbm4b:s1+s26], $0x80, s0, s26, $0xb8;
	[tilespmem:$0x1FBB0] =	vst v63  }
0x85: {  	v54 =	vld [tilespmem:$0x50]  }
0x86: {  	v55 =	vld [tilespmem:$0x1E0]  }
0x87: {  	v58 =	vld [tilespmem:$0x1F0]  }
0x88: {  	v62 =	vld [tilespmem:$0x200]  }
0x89: {  	v42 =	vld [tilespmem:$0x210]  }
0x8a: {  	v46 =	vld [tilespmem:$0x220]  }
0x8b: {  	[tilespmem:$0x550] =	vst v55  }
0x8c: {  	v56 =	vld [tilespmem:$0x60];
	[tilespmem:$0x560] =	vst v58  }
0x8d: {  	[tilespmem:$0x570] =	vst v62  }
0x8e: {  	v60 =	vld [tilespmem:$0x70];
	[tilespmem:$0x580] =	vst v42  }
0x8f: {  	v57 =	vadd.s32 v2, v54;
	[tilespmem:$0x590] =	vst v46  }
0x90: {  	v40 =	vld [tilespmem:$0x80];
	v59 =	vadd.s32 v2, v55;
	[tilespmem:$0x370] =	vst v57  }
0x91: {  	v61 =	vadd.s32 v2, v56;
	[tilespmem:$0x410] =	vst v59  }
0x92: {  	v44 =	vld [tilespmem:$0x90];
	v63 =	vadd.s32 v2, v58;
	[tilespmem:$0x380] =	vst v61  }
0x93: {  	v41 =	vadd.s32 v2, v60;
	[tilespmem:$0x420] =	vst v63  }
0x94: {  	v43 =	vadd.s32 v2, v62;
	[tilespmem:$0x390] =	vst v41  }
0x95: {  	v45 =	vadd.s32 v2, v40;
	[tilespmem:$0x430] =	vst v43  }
0x96: {  	v47 =	vadd.s32 v2, v42;
	[tilespmem:$0x3A0] =	vst v45  }
0x97: {  	v48 =	vadd.s32 v2, v44;
	[tilespmem:$0x440] =	vst v47  }
0x98: {  	v34 =	vshll.u32 v54, $0x1;
	v49 =	vadd.s32 v2, v46;
	[tilespmem:$0x3B0] =	vst v48  }
0x99: {  	v36 =	vshll.u32 v56, $0x1;
	v34 =	vor.u32 v3, v34;
	[tilespmem:$0x450] =	vst v49  }
0x9a: {  	v39 =	vor.u32 v3, v36;
	[tilespmem:$0x4B0] =	vst v34;
	v34 =	vshll.u32 v60, $0x1  }
0x9b: {  	v35 =	vshll.u32 v40, $0x1;
	[tilespmem:$0x4C0] =	vst v39;
	v34 =	vor.u32 v3, v34  }
0x9c: {  	v35 =	vor.u32 v3, v35;
	[tilespmem:$0x4D0] =	vst v34;
	v34 =	vshll.u32 v44, $0x1  }
0x9d: {  	[tilespmem:$0x4E0] =	vst v35;
	v34 =	vor.u32 v3, v34  }
0x9e: {  	s25 =	simm.s32 $0x370;
	[tilespmem:$0x4F0] =	vst v34  }
0x9f: {  	[tilespmem:s13], [sflag:$0x2] =	stream.indirect.gather [hbm4b:s4+s26], $0x10, s25, s26, $0xb8;
	[tilespmem:$0x1FBB0] =	vst v63  }
0xa0: {  	s15 =	simm.s32 $0x410  }
0xa1: {  	[tilespmem:s16], [sflag:$0x4] =	stream.indirect.gather [hbm4b:s4+s26], $0x10, s15, s26, $0xb8;
	[tilespmem:$0x1FBB0] =	vst v63  }
0xa2: {  	s17 =	simm.s32 $0x4B0;
	s18 =	simm.s32 $0x41A0  }
0xa3: {  	[tilespmem:s18], [sflag:$0x6] =	stream.indirect.gather [hbm4b:s1+s26], $0x80, s17, s26, $0xb8;
	[tilespmem:$0x1FBB0] =	vst v63  }
0xa4: {  	_ =	swait.ge [sflag:s19], $0x500  }
0xa5: {  	[sflag:s19] =	ssyncset.done $0x0  }
0xa6: {  	[sflag:s19] =	ssyncadd.s32 $0xFFFFFB00  }
0xa7: {  	_ =	swait.ge [sflag:s20], $0x500  }
0xa8: {  	[sflag:s20] =	ssyncset.done $0x0  }
0xa9: {  	[sflag:s20] =	ssyncadd.s32 $0xFFFFFB00  }
0xaa: {  	v50 =	vld.idx.msk [tilespmem:v1+s29+$0x0], $0xffff  }
0xab: {  	v51 =	vld.idx.msk [tilespmem:v5+s31+$0x0], $0xffff;
	_ =	sdelay $0x4  }
0xac: {  	v34 =	vadd.f32 v51, v50;
	_ =	sdelay $0x1  }
0xad: {  	v35 =	vmul.f32 $2.000000030e-01, v34  }
0xae: {  	vm0 =	vgt.f32 v34, $0.0e+00  }
0xaf: {  	v34 =	vsel vm0, v34, v35  }
0xb0: {  	v34 =	vmul.f32 $1.442695020e+00, v34;
	_ =	sdelay $0x1  }
0xb1: {  	(erf) = vpow2.f32 v34;
	_ =	sdelay $0x8  }
0xb2: {  	v34 =	vpop (erf)  }
0xb3: {  	[tilespmem:v6+s22+$0x0] =	vst.idx.msk $0xffff, v34  }
0xb4: {  	v34 =	vld.idx.msk [tilespmem:v7+s29+$0x0], $0xffff  }
0xb5: {  	v52 =	vld.idx.msk [tilespmem:v8+s31+$0x0], $0xffff;
	_ =	sdelay $0x4  }
0xb6: {  	v34 =	vadd.f32 v52, v34;
	_ =	sdelay $0x1  }
0xb7: {  	v35 =	vmul.f32 $2.000000030e-01, v34  }
0xb8: {  	vm7 =	vgt.f32 v34, $0.0e+00  }
0xb9: {  	v34 =	vsel vm7, v34, v35  }
0xba: {  	v34 =	vmul.f32 $1.442695020e+00, v34;
	_ =	sdelay $0x1  }
0xbb: {  	(erf) = vpow2.f32 v34;
	_ =	sdelay $0x8  }
0xbc: {  	v34 =	vpop (erf)  }
0xbd: {  	[tilespmem:v9+s22+$0x0] =	vst.idx.msk $0xffff, v34  }
0xbe: {  	v34 =	vld.idx.msk [tilespmem:v10+s29+$0x0], $0xffff  }
0xbf: {  	v53 =	vld.idx.msk [tilespmem:v11+s31+$0x0], $0xffff;
	_ =	sdelay $0x4  }
0xc0: {  	v34 =	vadd.f32 v53, v34;
	_ =	sdelay $0x1  }
0xc1: {  	v35 =	vmul.f32 $2.000000030e-01, v34  }
0xc2: {  	vm8 =	vgt.f32 v34, $0.0e+00  }
0xc3: {  	v34 =	vsel vm8, v34, v35  }
0xc4: {  	v34 =	vmul.f32 $1.442695020e+00, v34;
	_ =	sdelay $0x1  }
0xc5: {  	(erf) = vpow2.f32 v34;
	_ =	sdelay $0x8  }
0xc6: {  	v34 =	vpop (erf)  }
0xc7: {  	[tilespmem:v12+s22+$0x0] =	vst.idx.msk $0xffff, v34  }
0xc8: {  	v34 =	vld.idx.msk [tilespmem:v13+s29+$0x0], $0xffff  }
0xc9: {  	v54 =	vld.idx.msk [tilespmem:v14+s31+$0x0], $0xffff;
	_ =	sdelay $0x4  }
0xca: {  	v34 =	vadd.f32 v54, v34;
	_ =	sdelay $0x1  }
0xcb: {  	v35 =	vmul.f32 $2.000000030e-01, v34  }
0xcc: {  	vm9 =	vgt.f32 v34, $0.0e+00  }
0xcd: {  	v34 =	vsel vm9, v34, v35  }
0xce: {  	v34 =	vmul.f32 $1.442695020e+00, v34;
	_ =	sdelay $0x1  }
0xcf: {  	(erf) = vpow2.f32 v34;
	_ =	sdelay $0x8  }
0xd0: {  	v34 =	vpop (erf)  }
0xd1: {  	[tilespmem:v15+s22+$0x0] =	vst.idx.msk $0xffff, v34  }
0xd2: {  	v34 =	vld.idx.msk [tilespmem:v16+s29+$0x0], $0xffff  }
0xd3: {  	v55 =	vld.idx.msk [tilespmem:v17+s31+$0x0], $0xffff;
	_ =	sdelay $0x4  }
0xd4: {  	v34 =	vadd.f32 v55, v34;
	_ =	sdelay $0x1  }
0xd5: {  	v35 =	vmul.f32 $2.000000030e-01, v34  }
0xd6: {  	vm10 =	vgt.f32 v34, $0.0e+00  }
0xd7: {  	v34 =	vsel vm10, v34, v35  }
0xd8: {  	v34 =	vmul.f32 $1.442695020e+00, v34;
	_ =	sdelay $0x1  }
0xd9: {  	(erf) = vpow2.f32 v34;
	_ =	sdelay $0x8  }
0xda: {  	v34 =	vpop (erf)  }
0xdb: {  	[tilespmem:v18+s22+$0x0] =	vst.idx.msk $0xffff, v34  }
0xdc: {  	v34 =	vld.idx.msk [tilespmem:v19+s29+$0x0], $0xffff  }
0xdd: {  	v56 =	vld.idx.msk [tilespmem:v20+s31+$0x0], $0xffff;
	_ =	sdelay $0x4  }
0xde: {  	v34 =	vadd.f32 v56, v34;
	_ =	sdelay $0x1  }
0xdf: {  	v35 =	vmul.f32 $2.000000030e-01, v34  }
0xe0: {  	vm11 =	vgt.f32 v34, $0.0e+00  }
0xe1: {  	v34 =	vsel vm11, v34, v35  }
0xe2: {  	v34 =	vmul.f32 $1.442695020e+00, v34;
	_ =	sdelay $0x1  }
0xe3: {  	(erf) = vpow2.f32 v34;
	_ =	sdelay $0x8  }
0xe4: {  	v34 =	vpop (erf)  }
0xe5: {  	[tilespmem:v21+s22+$0x0] =	vst.idx.msk $0xffff, v34  }
0xe6: {  	v34 =	vld.idx.msk [tilespmem:v22+s29+$0x0], $0xffff  }
0xe7: {  	v57 =	vld.idx.msk [tilespmem:v23+s31+$0x0], $0xffff;
	_ =	sdelay $0x4  }
0xe8: {  	v34 =	vadd.f32 v57, v34;
	_ =	sdelay $0x1  }
0xe9: {  	v35 =	vmul.f32 $2.000000030e-01, v34  }
0xea: {  	vm12 =	vgt.f32 v34, $0.0e+00  }
0xeb: {  	v34 =	vsel vm12, v34, v35  }
0xec: {  	v34 =	vmul.f32 $1.442695020e+00, v34;
	_ =	sdelay $0x1  }
0xed: {  	(erf) = vpow2.f32 v34;
	_ =	sdelay $0x8  }
0xee: {  	v34 =	vpop (erf)  }
0xef: {  	[tilespmem:v24+s22+$0x0] =	vst.idx.msk $0xffff, v34  }
0xf0: {  	v34 =	vld.idx.msk [tilespmem:v25+s29+$0x0], $0xffff  }
0xf1: {  	v58 =	vld.idx.msk [tilespmem:v26+s31+$0x0], $0xffff;
	_ =	sdelay $0x4  }
0xf2: {  	v34 =	vadd.f32 v58, v34;
	_ =	sdelay $0x1  }
0xf3: {  	v35 =	vmul.f32 $2.000000030e-01, v34  }
0xf4: {  	vm13 =	vgt.f32 v34, $0.0e+00  }
0xf5: {  	v34 =	vsel vm13, v34, v35  }
0xf6: {  	v34 =	vmul.f32 $1.442695020e+00, v34;
	_ =	sdelay $0x1  }
0xf7: {  	(erf) = vpow2.f32 v34;
	_ =	sdelay $0x8  }
0xf8: {  	v34 =	vpop (erf)  }
0xf9: {  	[tilespmem:v27+s22+$0x0] =	vst.idx.msk $0xffff, v34  }
0xfa: {  	v34 =	vld.idx.msk [tilespmem:v28+s29+$0x0], $0xffff  }
0xfb: {  	v59 =	vld.idx.msk [tilespmem:v29+s31+$0x0], $0xffff;
	_ =	sdelay $0x4  }
0xfc: {  	v34 =	vadd.f32 v59, v34;
	_ =	sdelay $0x1  }
0xfd: {  	v35 =	vmul.f32 $2.000000030e-01, v34  }
0xfe: {  	vm14 =	vgt.f32 v34, $0.0e+00  }
0xff: {  	v34 =	vsel vm14, v34, v35  }
0x100: {  	v34 =	vmul.f32 $1.442695020e+00, v34;
	_ =	sdelay $0x1  }
0x101: {  	(erf) = vpow2.f32 v34;
	_ =	sdelay $0x8  }
0x102: {  	v34 =	vpop (erf)  }
0x103: {  	[tilespmem:v30+s22+$0x0] =	vst.idx.msk $0xffff, v34  }
0x104: {  	v34 =	vld.idx.msk [tilespmem:v31+s29+$0x0], $0xffff  }
0x105: {  	v60 =	vld.idx.msk [tilespmem:v32+s31+$0x0], $0xffff;
	_ =	sdelay $0x4  }
0x106: {  	v34 =	vadd.f32 v60, v34;
	_ =	sdelay $0x1  }
0x107: {  	v35 =	vmul.f32 $2.000000030e-01, v34  }
0x108: {  	vm15 =	vgt.f32 v34, $0.0e+00  }
0x109: {  	v34 =	vsel vm15, v34, v35  }
0x10a: {  	v34 =	vmul.f32 $1.442695020e+00, v34;
	_ =	sdelay $0x1  }
0x10b: {  	(erf) = vpow2.f32 v34;
	_ =	sdelay $0x8  }
0x10c: {  	v34 =	vpop (erf)  }
0x10d: {  	[tilespmem:v33+s22+$0x0] =	vst.idx.msk $0xffff, v34  }
0x10e: {  	_ =	swait.ge [sflag:s21], $0x2800  }
0x10f: {  	[sflag:s21] =	ssyncset.done $0x0  }
0x110: {  	s10 =	simm.s32 $0x69E0;
	[sflag:s21] =	ssyncadd.s32 $0xFFFFD800  }
0x111: {  	v61 =	vld [tilespmem:s10+$0x40]  }
0x112: {  	s25 =	simm.s32 $0x0  }
0x113: {  	v62 =	vld [tilespmem:s25+$0x19A0];
	_ =	sdelay $0x2  }
0x114: {  	v63 =	vbroadcast v61, $0x0;
	_ =	sdelay $0x1  }
0x115: {  	v35 =	vmul.f32 v63, v62;
	_ =	sdelay $0x1  }
0x116: {  	[tilespmem:s10+$0xFFFFFFC0] =	vst v35  }
0x117: {  	v35 =	vld [tilespmem:s25+$0x19B0];
	_ =	sdelay $0x4  }
0x118: {  	v35 =	vmul.f32 v35, v63;
	_ =	sdelay $0x1  }
0x119: {  	[tilespmem:s10+$0xFFFFFFD0] =	vst v35  }
0x11a: {  	v35 =	vld [tilespmem:s25+$0x19C0];
	_ =	sdelay $0x4  }
0x11b: {  	v35 =	vmul.f32 v35, v63;
	_ =	sdelay $0x1  }
0x11c: {  	[tilespmem:s10+$0xFFFFFFE0] =	vst v35  }
0x11d: {  	v35 =	vld [tilespmem:s25+$0x19D0];
	_ =	sdelay $0x4  }
0x11e: {  	v35 =	vmul.f32 v35, v63;
	_ =	sdelay $0x1  }
0x11f: {  	[tilespmem:s10+$0xFFFFFFF0] =	vst v35  }
0x120: {  	v35 =	vld [tilespmem:s25+$0x19E0];
	_ =	sdelay $0x2  }
0x121: {  	v34 =	vbroadcast v61, $0x1;
	_ =	sdelay $0x1  }
0x122: {  	v35 =	vmul.f32 v35, v34;
	_ =	sdelay $0x1  }
0x123: {  	[tilespmem:s10+$0x0] =	vst v35  }
0x124: {  	v35 =	vld [tilespmem:s25+$0x19F0];
	_ =	sdelay $0x4  }
0x125: {  	v35 =	vmul.f32 v35, v34;
	_ =	sdelay $0x1  }
0x126: {  	[tilespmem:s10+$0x10] =	vst v35  }
0x127: {  	v35 =	vld [tilespmem:s25+$0x1A00];
	_ =	sdelay $0x4  }
0x128: {  	v35 =	vmul.f32 v35, v34;
	_ =	sdelay $0x1  }
0x129: {  	[tilespmem:s10+$0x20] =	vst v35  }
0x12a: {  	v35 =	vld [tilespmem:s25+$0x1A10];
	_ =	sdelay $0x4  }
0x12b: {  	s15 =	simm.s32 $0x6A70;
	v35 =	vmul.f32 v35, v34  }
0x12c: {  	s18 =	simm.s32 $0x200;
	s17 =	simm.s32 $0x400;
	v34 =	vld [tilespmem:s15+$0x40]  }
.LBB2_5:
0x12d: {  	p1 =	sne.s32 s17, $0x9E00;
	s25 =	sshra.s32 s18, $0x2;
	[tilespmem:s10+$0x30] =	vst v35;
	s10 =	smov.u32 s15  }
0x12e: {  	s18 =	smov.u32 s17;
	v35 =	vld [tilespmem:s25+$0x19A0];
	_ =	sdelay $0x2  }
0x12f: {  	v36 =	vbroadcast v34, $0x0;
	_ =	sdelay $0x1  }
0x130: {  	v35 =	vmul.f32 v36, v35;
	_ =	sdelay $0x1  }
0x131: {  	[tilespmem:s15+$0xFFFFFFC0] =	vst v35  }
0x132: {  	v35 =	vld [tilespmem:s25+$0x19B0];
	_ =	sdelay $0x4  }
0x133: {  	v35 =	vmul.f32 v35, v36;
	_ =	sdelay $0x1  }
0x134: {  	[tilespmem:s15+$0xFFFFFFD0] =	vst v35  }
0x135: {  	v35 =	vld [tilespmem:s25+$0x19C0];
	_ =	sdelay $0x4  }
0x136: {  	v35 =	vmul.f32 v35, v36;
	_ =	sdelay $0x1  }
0x137: {  	[tilespmem:s15+$0xFFFFFFE0] =	vst v35  }
0x138: {  	v35 =	vld [tilespmem:s25+$0x19D0];
	_ =	sdelay $0x4  }
0x139: {  	v35 =	vmul.f32 v35, v36;
	_ =	sdelay $0x1  }
0x13a: {  	[tilespmem:s15+$0xFFFFFFF0] =	vst v35  }
0x13b: {  	v35 =	vld [tilespmem:s25+$0x19E0];
	_ =	sdelay $0x2  }
0x13c: {  	v34 =	vbroadcast v34, $0x1;
	_ =	sdelay $0x1  }
0x13d: {  	v35 =	vmul.f32 v35, v34;
	_ =	sdelay $0x1  }
0x13e: {  	[tilespmem:s15+$0x0] =	vst v35  }
0x13f: {  	v35 =	vld [tilespmem:s25+$0x19F0];
	_ =	sdelay $0x4  }
0x140: {  	v35 =	vmul.f32 v35, v34;
	_ =	sdelay $0x1  }
0x141: {  	[tilespmem:s15+$0x10] =	vst v35  }
0x142: {  	v35 =	vld [tilespmem:s25+$0x1A00];
	_ =	sdelay $0x4  }
0x143: {  	v35 =	vmul.f32 v35, v34;
	_ =	sdelay $0x1  }
0x144: {  	[tilespmem:s15+$0x20] =	vst v35  }
0x145: {  	v35 =	vld [tilespmem:s25+$0x1A10];
	_ =	sdelay $0x1  }
.Ltmp3:
0x146: {  	(pc) =	sbr.rel @p1 .LBB2_5-.Ltmp3, $3  }
0x147: {  	_ =	sdelay $0x1  }
0x148: {  	s15 =	sadd.s32 $0x90, s15;
	v35 =	vmul.f32 v35, v34  }
0x149: {  	s17 =	sadd.s32 $0x200, s17;
	v34 =	vld [tilespmem:s15+$0x40]  }
0x14a: {  	s17 =	sshra.s32 s18, $0x2;
	[tilespmem:s10+$0x30] =	vst v35  }
0x14b: {  	v35 =	vld [tilespmem:s17+$0x19A0];
	_ =	sdelay $0x2  }
0x14c: {  	v36 =	vbroadcast v34, $0x0;
	_ =	sdelay $0x1  }
0x14d: {  	v35 =	vmul.f32 v36, v35;
	_ =	sdelay $0x1  }
0x14e: {  	[tilespmem:s15+$0xFFFFFFC0] =	vst v35  }
0x14f: {  	v35 =	vld [tilespmem:s17+$0x19B0];
	_ =	sdelay $0x4  }
0x150: {  	v35 =	vmul.f32 v35, v36;
	_ =	sdelay $0x1  }
0x151: {  	[tilespmem:s15+$0xFFFFFFD0] =	vst v35  }
0x152: {  	v35 =	vld [tilespmem:s17+$0x19C0];
	_ =	sdelay $0x4  }
0x153: {  	v35 =	vmul.f32 v35, v36;
	_ =	sdelay $0x1  }
0x154: {  	[tilespmem:s15+$0xFFFFFFE0] =	vst v35  }
0x155: {  	v35 =	vld [tilespmem:s17+$0x19D0];
	_ =	sdelay $0x4  }
0x156: {  	v35 =	vmul.f32 v35, v36;
	_ =	sdelay $0x1  }
0x157: {  	[tilespmem:s15+$0xFFFFFFF0] =	vst v35  }
0x158: {  	v35 =	vld [tilespmem:s17+$0x19E0];
	_ =	sdelay $0x2  }
0x159: {  	v55 =	vbroadcast v34, $0x1;
	_ =	sdelay $0x1  }
0x15a: {  	v35 =	vmul.f32 v35, v55;
	_ =	sdelay $0x1  }
0x15b: {  	[tilespmem:s15+$0x0] =	vst v35  }
0x15c: {  	v35 =	vld [tilespmem:s17+$0x19F0];
	_ =	sdelay $0x4  }
0x15d: {  	v35 =	vmul.f32 v35, v55;
	_ =	sdelay $0x1  }
0x15e: {  	[tilespmem:s15+$0x10] =	vst v35  }
0x15f: {  	v35 =	vld [tilespmem:s17+$0x1A00];
	_ =	sdelay $0x4  }
0x160: {  	v35 =	vmul.f32 v35, v55;
	_ =	sdelay $0x1  }
0x161: {  	[tilespmem:s15+$0x20] =	vst v35  }
0x162: {  	v35 =	vld [tilespmem:s17+$0x1A10];
	_ =	sdelay $0x4  }
0x163: {  	v34 =	vmul.f32 v35, v55;
	_ =	sdelay $0x1  }
0x164: {  	[tilespmem:s15+$0x30] =	vst v34  }
0x165: {  	[spmem:s2] =	stream.indirect.scatter.add.f32 [tilespmem:s22], [sflag:$0x7], $0x90, s14, s26, $0xb8;
	[tilespmem:$0x1FBB0] =	vst v63  }
0x166: {  	_ =	swait.ge [sflag:s3], $0x2D00  }
0x167: {  	[sflag:s3] =	ssyncset.done $0x0  }
0x168: {  	[sflag:s3] =	ssyncadd.s32 $0xFFFFD300  }
0x169: {  	v56 =	vld [tilespmem:$0xA0]  }
0x16a: {  	v57 =	vld [tilespmem:$0x230]  }
0x16b: {  	v38 =	vld [tilespmem:$0x240]  }
0x16c: {  	v62 =	vld [tilespmem:$0x250]  }
0x16d: {  	v42 =	vld [tilespmem:$0x260]  }
0x16e: {  	v46 =	vld [tilespmem:$0x270]  }
0x16f: {  	[tilespmem:$0x500] =	vst v57  }
0x170: {  	v58 =	vld [tilespmem:$0xB0];
	[tilespmem:$0x510] =	vst v38  }
0x171: {  	[tilespmem:$0x520] =	vst v62  }
0x172: {  	v60 =	vld [tilespmem:$0xC0];
	[tilespmem:$0x530] =	vst v42  }
0x173: {  	v37 =	vadd.s32 v2, v56;
	[tilespmem:$0x540] =	vst v46  }
0x174: {  	v40 =	vld [tilespmem:$0xD0];
	v59 =	vadd.s32 v2, v57;
	[tilespmem:$0x320] =	vst v37  }
0x175: {  	v61 =	vadd.s32 v2, v58;
	[tilespmem:$0x3C0] =	vst v59  }
0x176: {  	v44 =	vld [tilespmem:$0xE0];
	v63 =	vadd.s32 v2, v38;
	[tilespmem:$0x330] =	vst v61  }
0x177: {  	v41 =	vadd.s32 v2, v60;
	[tilespmem:$0x3D0] =	vst v63  }
0x178: {  	v43 =	vadd.s32 v2, v62;
	[tilespmem:$0x340] =	vst v41  }
0x179: {  	v45 =	vadd.s32 v2, v40;
	[tilespmem:$0x3E0] =	vst v43  }
0x17a: {  	v47 =	vadd.s32 v2, v42;
	[tilespmem:$0x350] =	vst v45  }
0x17b: {  	v48 =	vadd.s32 v2, v44;
	[tilespmem:$0x3F0] =	vst v47  }
0x17c: {  	v34 =	vshll.u32 v56, $0x1;
	v49 =	vadd.s32 v2, v46;
	[tilespmem:$0x360] =	vst v48  }
0x17d: {  	v36 =	vshll.u32 v58, $0x1;
	v34 =	vor.u32 v3, v34;
	[tilespmem:$0x400] =	vst v49  }
0x17e: {  	v39 =	vor.u32 v3, v36;
	[tilespmem:$0x460] =	vst v34;
	v34 =	vshll.u32 v60, $0x1  }
0x17f: {  	v35 =	vshll.u32 v40, $0x1;
	[tilespmem:$0x470] =	vst v39;
	v34 =	vor.u32 v3, v34  }
0x180: {  	v35 =	vor.u32 v3, v35;
	[tilespmem:$0x480] =	vst v34;
	v34 =	vshll.u32 v44, $0x1  }
0x181: {  	[tilespmem:$0x490] =	vst v35;
	v34 =	vor.u32 v3, v34  }
0x182: {  	[tilespmem:$0x4A0] =	vst v34  }
0x183: {  	[tilespmem:s29], [sflag:$0x1] =	stream.indirect.gather [hbm4b:s4+s26], $0x10, s28, s26, $0xb8;
	[tilespmem:$0x1FBB0] =	vst v63  }
0x184: {  	s18 =	simm.s32 $0x3C0  }
0x185: {  	[tilespmem:s31], [sflag:$0x3] =	stream.indirect.gather [hbm4b:s4+s26], $0x10, s18, s26, $0xb8;
	[tilespmem:$0x1FBB0] =	vst v63  }
0x186: {  	_ = 	snop  }
0x187: {  	[tilespmem:s24], [sflag:$0x5] =	stream.indirect.gather [hbm4b:s1+s26], $0x80, s0, s26, $0xb8;
	[tilespmem:$0x1FBB0] =	vst v63  }
0x188: {  	_ =	swait.ge [sflag:s8], $0x500  }
0x189: {  	[sflag:s8] =	ssyncset.done $0x0  }
0x18a: {  	[sflag:s8] =	ssyncadd.s32 $0xFFFFFB00  }
0x18b: {  	_ =	swait.ge [sflag:s5], $0x500  }
0x18c: {  	[sflag:s5] =	ssyncset.done $0x0  }
0x18d: {  	[sflag:s5] =	ssyncadd.s32 $0xFFFFFB00  }
0x18e: {  	v50 =	vld.idx.msk [tilespmem:v1+s13+$0x0], $0xffff  }
0x18f: {  	v51 =	vld.idx.msk [tilespmem:v5+s16+$0x0], $0xffff;
	_ =	sdelay $0x4  }
0x190: {  	v34 =	vadd.f32 v51, v50;
	_ =	sdelay $0x1  }
0x191: {  	v35 =	vmul.f32 $2.000000030e-01, v34  }
0x192: {  	vm0 =	vgt.f32 v34, $0.0e+00  }
0x193: {  	v34 =	vsel vm0, v34, v35  }
0x194: {  	v34 =	vmul.f32 $1.442695020e+00, v34;
	_ =	sdelay $0x1  }
0x195: {  	(erf) = vpow2.f32 v34;
	_ =	sdelay $0x8  }
0x196: {  	v34 =	vpop (erf)  }
0x197: {  	[tilespmem:v6+s22+$0x0] =	vst.idx.msk $0xffff, v34  }
0x198: {  	v34 =	vld.idx.msk [tilespmem:v7+s13+$0x0], $0xffff  }
0x199: {  	v52 =	vld.idx.msk [tilespmem:v8+s16+$0x0], $0xffff;
	_ =	sdelay $0x4  }
0x19a: {  	v34 =	vadd.f32 v52, v34;
	_ =	sdelay $0x1  }
0x19b: {  	v35 =	vmul.f32 $2.000000030e-01, v34  }
0x19c: {  	vm7 =	vgt.f32 v34, $0.0e+00  }
0x19d: {  	v34 =	vsel vm7, v34, v35  }
0x19e: {  	v34 =	vmul.f32 $1.442695020e+00, v34;
	_ =	sdelay $0x1  }
0x19f: {  	(erf) = vpow2.f32 v34;
	_ =	sdelay $0x8  }
0x1a0: {  	v34 =	vpop (erf)  }
0x1a1: {  	[tilespmem:v9+s22+$0x0] =	vst.idx.msk $0xffff, v34  }
0x1a2: {  	v34 =	vld.idx.msk [tilespmem:v10+s13+$0x0], $0xffff  }
0x1a3: {  	v53 =	vld.idx.msk [tilespmem:v11+s16+$0x0], $0xffff;
	_ =	sdelay $0x4  }
0x1a4: {  	v34 =	vadd.f32 v53, v34;
	_ =	sdelay $0x1  }
0x1a5: {  	v35 =	vmul.f32 $2.000000030e-01, v34  }
0x1a6: {  	vm8 =	vgt.f32 v34, $0.0e+00  }
0x1a7: {  	v34 =	vsel vm8, v34, v35  }
0x1a8: {  	v34 =	vmul.f32 $1.442695020e+00, v34;
	_ =	sdelay $0x1  }
0x1a9: {  	(erf) = vpow2.f32 v34;
	_ =	sdelay $0x8  }
0x1aa: {  	v34 =	vpop (erf)  }
0x1ab: {  	[tilespmem:v12+s22+$0x0] =	vst.idx.msk $0xffff, v34  }
0x1ac: {  	v34 =	vld.idx.msk [tilespmem:v13+s13+$0x0], $0xffff  }
0x1ad: {  	v54 =	vld.idx.msk [tilespmem:v14+s16+$0x0], $0xffff;
	_ =	sdelay $0x4  }
0x1ae: {  	v34 =	vadd.f32 v54, v34;
	_ =	sdelay $0x1  }
0x1af: {  	v35 =	vmul.f32 $2.000000030e-01, v34  }
0x1b0: {  	vm9 =	vgt.f32 v34, $0.0e+00  }
0x1b1: {  	v34 =	vsel vm9, v34, v35  }
0x1b2: {  	v34 =	vmul.f32 $1.442695020e+00, v34;
	_ =	sdelay $0x1  }
0x1b3: {  	(erf) = vpow2.f32 v34;
	_ =	sdelay $0x8  }
0x1b4: {  	v34 =	vpop (erf)  }
0x1b5: {  	[tilespmem:v15+s22+$0x0] =	vst.idx.msk $0xffff, v34  }
0x1b6: {  	v34 =	vld.idx.msk [tilespmem:v16+s13+$0x0], $0xffff  }
0x1b7: {  	v55 =	vld.idx.msk [tilespmem:v17+s16+$0x0], $0xffff;
	_ =	sdelay $0x4  }
0x1b8: {  	v34 =	vadd.f32 v55, v34;
	_ =	sdelay $0x1  }
0x1b9: {  	v35 =	vmul.f32 $2.000000030e-01, v34  }
0x1ba: {  	vm10 =	vgt.f32 v34, $0.0e+00  }
0x1bb: {  	v34 =	vsel vm10, v34, v35  }
0x1bc: {  	v34 =	vmul.f32 $1.442695020e+00, v34;
	_ =	sdelay $0x1  }
0x1bd: {  	(erf) = vpow2.f32 v34;
	_ =	sdelay $0x8  }
0x1be: {  	v34 =	vpop (erf)  }
0x1bf: {  	[tilespmem:v18+s22+$0x0] =	vst.idx.msk $0xffff, v34  }
0x1c0: {  	v34 =	vld.idx.msk [tilespmem:v19+s13+$0x0], $0xffff  }
0x1c1: {  	v56 =	vld.idx.msk [tilespmem:v20+s16+$0x0], $0xffff;
	_ =	sdelay $0x4  }
0x1c2: {  	v34 =	vadd.f32 v56, v34;
	_ =	sdelay $0x1  }
0x1c3: {  	v35 =	vmul.f32 $2.000000030e-01, v34  }
0x1c4: {  	vm11 =	vgt.f32 v34, $0.0e+00  }
0x1c5: {  	v34 =	vsel vm11, v34, v35  }
0x1c6: {  	v34 =	vmul.f32 $1.442695020e+00, v34;
	_ =	sdelay $0x1  }
0x1c7: {  	(erf) = vpow2.f32 v34;
	_ =	sdelay $0x8  }
0x1c8: {  	v34 =	vpop (erf)  }
0x1c9: {  	[tilespmem:v21+s22+$0x0] =	vst.idx.msk $0xffff, v34  }
0x1ca: {  	v34 =	vld.idx.msk [tilespmem:v22+s13+$0x0], $0xffff  }
0x1cb: {  	v57 =	vld.idx.msk [tilespmem:v23+s16+$0x0], $0xffff;
	_ =	sdelay $0x4  }
0x1cc: {  	v34 =	vadd.f32 v57, v34;
	_ =	sdelay $0x1  }
0x1cd: {  	v35 =	vmul.f32 $2.000000030e-01, v34  }
0x1ce: {  	vm12 =	vgt.f32 v34, $0.0e+00  }
0x1cf: {  	v34 =	vsel vm12, v34, v35  }
0x1d0: {  	v34 =	vmul.f32 $1.442695020e+00, v34;
	_ =	sdelay $0x1  }
0x1d1: {  	(erf) = vpow2.f32 v34;
	_ =	sdelay $0x8  }
0x1d2: {  	v34 =	vpop (erf)  }
0x1d3: {  	[tilespmem:v24+s22+$0x0] =	vst.idx.msk $0xffff, v34  }
0x1d4: {  	v34 =	vld.idx.msk [tilespmem:v25+s13+$0x0], $0xffff  }
0x1d5: {  	v58 =	vld.idx.msk [tilespmem:v26+s16+$0x0], $0xffff;
	_ =	sdelay $0x4  }
0x1d6: {  	v34 =	vadd.f32 v58, v34;
	_ =	sdelay $0x1  }
0x1d7: {  	v35 =	vmul.f32 $2.000000030e-01, v34  }
0x1d8: {  	vm13 =	vgt.f32 v34, $0.0e+00  }
0x1d9: {  	v34 =	vsel vm13, v34, v35  }
0x1da: {  	v34 =	vmul.f32 $1.442695020e+00, v34;
	_ =	sdelay $0x1  }
0x1db: {  	(erf) = vpow2.f32 v34;
	_ =	sdelay $0x8  }
0x1dc: {  	v34 =	vpop (erf)  }
0x1dd: {  	[tilespmem:v27+s22+$0x0] =	vst.idx.msk $0xffff, v34  }
0x1de: {  	v34 =	vld.idx.msk [tilespmem:v28+s13+$0x0], $0xffff  }
0x1df: {  	v59 =	vld.idx.msk [tilespmem:v29+s16+$0x0], $0xffff;
	_ =	sdelay $0x4  }
0x1e0: {  	v34 =	vadd.f32 v59, v34;
	_ =	sdelay $0x1  }
0x1e1: {  	v35 =	vmul.f32 $2.000000030e-01, v34  }
0x1e2: {  	vm14 =	vgt.f32 v34, $0.0e+00  }
0x1e3: {  	v34 =	vsel vm14, v34, v35  }
0x1e4: {  	v34 =	vmul.f32 $1.442695020e+00, v34;
	_ =	sdelay $0x1  }
0x1e5: {  	(erf) = vpow2.f32 v34;
	_ =	sdelay $0x8  }
0x1e6: {  	v34 =	vpop (erf)  }
0x1e7: {  	[tilespmem:v30+s22+$0x0] =	vst.idx.msk $0xffff, v34  }
0x1e8: {  	v34 =	vld.idx.msk [tilespmem:v31+s13+$0x0], $0xffff  }
0x1e9: {  	v60 =	vld.idx.msk [tilespmem:v32+s16+$0x0], $0xffff;
	_ =	sdelay $0x4  }
0x1ea: {  	v34 =	vadd.f32 v60, v34;
	_ =	sdelay $0x1  }
0x1eb: {  	v35 =	vmul.f32 $2.000000030e-01, v34  }
0x1ec: {  	vm15 =	vgt.f32 v34, $0.0e+00  }
0x1ed: {  	v34 =	vsel vm15, v34, v35  }
0x1ee: {  	v34 =	vmul.f32 $1.442695020e+00, v34;
	_ =	sdelay $0x1  }
0x1ef: {  	(erf) = vpow2.f32 v34;
	_ =	sdelay $0x8  }
0x1f0: {  	v34 =	vpop (erf)  }
0x1f1: {  	[tilespmem:v33+s22+$0x0] =	vst.idx.msk $0xffff, v34  }
0x1f2: {  	_ =	swait.ge [sflag:s9], $0x2800  }
0x1f3: {  	[sflag:s9] =	ssyncset.done $0x0  }
0x1f4: {  	s10 =	simm.s32 $0x69E0;
	[sflag:s9] =	ssyncadd.s32 $0xFFFFD800  }
0x1f5: {  	v61 =	vld [tilespmem:s10+$0x40]  }
0x1f6: {  	s25 =	simm.s32 $0x0  }
0x1f7: {  	v62 =	vld [tilespmem:s25+$0x41A0];
	_ =	sdelay $0x2  }
0x1f8: {  	v63 =	vbroadcast v61, $0x0;
	_ =	sdelay $0x1  }
0x1f9: {  	v35 =	vmul.f32 v63, v62;
	_ =	sdelay $0x1  }
0x1fa: {  	[tilespmem:s10+$0xFFFFFFC0] =	vst v35  }
0x1fb: {  	v35 =	vld [tilespmem:s25+$0x41B0];
	_ =	sdelay $0x4  }
0x1fc: {  	v35 =	vmul.f32 v35, v63;
	_ =	sdelay $0x1  }
0x1fd: {  	[tilespmem:s10+$0xFFFFFFD0] =	vst v35  }
0x1fe: {  	v35 =	vld [tilespmem:s25+$0x41C0];
	_ =	sdelay $0x4  }
0x1ff: {  	v35 =	vmul.f32 v35, v63;
	_ =	sdelay $0x1  }
0x200: {  	[tilespmem:s10+$0xFFFFFFE0] =	vst v35  }
0x201: {  	v35 =	vld [tilespmem:s25+$0x41D0];
	_ =	sdelay $0x4  }
0x202: {  	v35 =	vmul.f32 v35, v63;
	_ =	sdelay $0x1  }
0x203: {  	[tilespmem:s10+$0xFFFFFFF0] =	vst v35  }
0x204: {  	v35 =	vld [tilespmem:s25+$0x41E0];
	_ =	sdelay $0x2  }
0x205: {  	v34 =	vbroadcast v61, $0x1;
	_ =	sdelay $0x1  }
0x206: {  	v35 =	vmul.f32 v35, v34;
	_ =	sdelay $0x1  }
0x207: {  	[tilespmem:s10+$0x0] =	vst v35  }
0x208: {  	v35 =	vld [tilespmem:s25+$0x41F0];
	_ =	sdelay $0x4  }
0x209: {  	v35 =	vmul.f32 v35, v34;
	_ =	sdelay $0x1  }
0x20a: {  	[tilespmem:s10+$0x10] =	vst v35  }
0x20b: {  	v35 =	vld [tilespmem:s25+$0x4200];
	_ =	sdelay $0x4  }
0x20c: {  	v35 =	vmul.f32 v35, v34;
	_ =	sdelay $0x1  }
0x20d: {  	[tilespmem:s10+$0x20] =	vst v35  }
0x20e: {  	v35 =	vld [tilespmem:s25+$0x4210];
	_ =	sdelay $0x4  }
0x20f: {  	s15 =	simm.s32 $0x6A70;
	v35 =	vmul.f32 v35, v34  }
0x210: {  	s17 =	simm.s32 $0x400;
	s18 =	simm.s32 $0x200;
	v34 =	vld [tilespmem:s15+$0x40]  }
.LBB2_7:
0x211: {  	p1 =	sne.s32 s17, $0x9E00;
	s25 =	sshra.s32 s18, $0x2;
	[tilespmem:s10+$0x30] =	vst v35;
	s10 =	smov.u32 s15  }
0x212: {  	s18 =	smov.u32 s17;
	v35 =	vld [tilespmem:s25+$0x41A0];
	_ =	sdelay $0x2  }
0x213: {  	v36 =	vbroadcast v34, $0x0;
	_ =	sdelay $0x1  }
0x214: {  	v35 =	vmul.f32 v36, v35;
	_ =	sdelay $0x1  }
0x215: {  	[tilespmem:s15+$0xFFFFFFC0] =	vst v35  }
0x216: {  	v35 =	vld [tilespmem:s25+$0x41B0];
	_ =	sdelay $0x4  }
0x217: {  	v35 =	vmul.f32 v35, v36;
	_ =	sdelay $0x1  }
0x218: {  	[tilespmem:s15+$0xFFFFFFD0] =	vst v35  }
0x219: {  	v35 =	vld [tilespmem:s25+$0x41C0];
	_ =	sdelay $0x4  }
0x21a: {  	v35 =	vmul.f32 v35, v36;
	_ =	sdelay $0x1  }
0x21b: {  	[tilespmem:s15+$0xFFFFFFE0] =	vst v35  }
0x21c: {  	v35 =	vld [tilespmem:s25+$0x41D0];
	_ =	sdelay $0x4  }
0x21d: {  	v35 =	vmul.f32 v35, v36;
	_ =	sdelay $0x1  }
0x21e: {  	[tilespmem:s15+$0xFFFFFFF0] =	vst v35  }
0x21f: {  	v35 =	vld [tilespmem:s25+$0x41E0];
	_ =	sdelay $0x2  }
0x220: {  	v34 =	vbroadcast v34, $0x1;
	_ =	sdelay $0x1  }
0x221: {  	v35 =	vmul.f32 v35, v34;
	_ =	sdelay $0x1  }
0x222: {  	[tilespmem:s15+$0x0] =	vst v35  }
0x223: {  	v35 =	vld [tilespmem:s25+$0x41F0];
	_ =	sdelay $0x4  }
0x224: {  	v35 =	vmul.f32 v35, v34;
	_ =	sdelay $0x1  }
0x225: {  	[tilespmem:s15+$0x10] =	vst v35  }
0x226: {  	v35 =	vld [tilespmem:s25+$0x4200];
	_ =	sdelay $0x4  }
0x227: {  	v35 =	vmul.f32 v35, v34;
	_ =	sdelay $0x1  }
0x228: {  	[tilespmem:s15+$0x20] =	vst v35  }
0x229: {  	v35 =	vld [tilespmem:s25+$0x4210];
	_ =	sdelay $0x1  }
.Ltmp4:
0x22a: {  	(pc) =	sbr.rel @p1 .LBB2_7-.Ltmp4, $3  }
0x22b: {  	_ =	sdelay $0x1  }
0x22c: {  	s15 =	sadd.s32 $0x90, s15;
	v35 =	vmul.f32 v35, v34  }
0x22d: {  	s17 =	sadd.s32 $0x200, s17;
	v34 =	vld [tilespmem:s15+$0x40]  }
0x22e: {  	s17 =	sshra.s32 s18, $0x2;
	[tilespmem:s10+$0x30] =	vst v35  }
0x22f: {  	v35 =	vld [tilespmem:s17+$0x41A0];
	_ =	sdelay $0x2  }
0x230: {  	v36 =	vbroadcast v34, $0x0;
	_ =	sdelay $0x1  }
0x231: {  	v35 =	vmul.f32 v36, v35;
	_ =	sdelay $0x1  }
0x232: {  	[tilespmem:s15+$0xFFFFFFC0] =	vst v35  }
0x233: {  	v35 =	vld [tilespmem:s17+$0x41B0];
	_ =	sdelay $0x4  }
0x234: {  	v35 =	vmul.f32 v35, v36;
	_ =	sdelay $0x1  }
0x235: {  	[tilespmem:s15+$0xFFFFFFD0] =	vst v35  }
0x236: {  	v35 =	vld [tilespmem:s17+$0x41C0];
	_ =	sdelay $0x4  }
0x237: {  	v35 =	vmul.f32 v35, v36;
	_ =	sdelay $0x1  }
0x238: {  	[tilespmem:s15+$0xFFFFFFE0] =	vst v35  }
0x239: {  	v35 =	vld [tilespmem:s17+$0x41D0];
	_ =	sdelay $0x4  }
0x23a: {  	v35 =	vmul.f32 v35, v36;
	_ =	sdelay $0x1  }
0x23b: {  	[tilespmem:s15+$0xFFFFFFF0] =	vst v35  }
0x23c: {  	v35 =	vld [tilespmem:s17+$0x41E0];
	_ =	sdelay $0x2  }
0x23d: {  	v55 =	vbroadcast v34, $0x1;
	_ =	sdelay $0x1  }
0x23e: {  	v35 =	vmul.f32 v35, v55;
	_ =	sdelay $0x1  }
0x23f: {  	[tilespmem:s15+$0x0] =	vst v35  }
0x240: {  	v35 =	vld [tilespmem:s17+$0x41F0];
	_ =	sdelay $0x4  }
0x241: {  	v35 =	vmul.f32 v35, v55;
	_ =	sdelay $0x1  }
0x242: {  	[tilespmem:s15+$0x10] =	vst v35  }
0x243: {  	v35 =	vld [tilespmem:s17+$0x4200];
	_ =	sdelay $0x4  }
0x244: {  	v35 =	vmul.f32 v35, v55;
	_ =	sdelay $0x1  }
0x245: {  	[tilespmem:s15+$0x20] =	vst v35  }
0x246: {  	v35 =	vld [tilespmem:s17+$0x4210];
	_ =	sdelay $0x4  }
0x247: {  	v34 =	vmul.f32 v35, v55;
	_ =	sdelay $0x1  }
0x248: {  	s18 =	simm.s32 $0x550;
	[tilespmem:s15+$0x30] =	vst v34  }
0x249: {  	[spmem:s2] =	stream.indirect.scatter.add.f32 [tilespmem:s22], [sflag:$0x7], $0x90, s18, s26, $0xb8;
	[tilespmem:$0x1FBB0] =	vst v63  }
0x24a: {  	_ =	swait.ge [sflag:s3], $0x2D00  }
0x24b: {  	[sflag:s3] =	ssyncset.done $0x0  }
0x24c: {  	[sflag:s3] =	ssyncadd.s32 $0xFFFFD300  }
0x24d: {  	v56 =	vld [tilespmem:$0xF0]  }
0x24e: {  	v57 =	vld [tilespmem:$0x280]  }
0x24f: {  	v38 =	vld [tilespmem:$0x290]  }
0x250: {  	v62 =	vld [tilespmem:$0x2A0]  }
0x251: {  	v42 =	vld [tilespmem:$0x2B0]  }
0x252: {  	v46 =	vld [tilespmem:$0x2C0]  }
0x253: {  	[tilespmem:$0x550] =	vst v57  }
0x254: {  	v58 =	vld [tilespmem:$0x100];
	[tilespmem:$0x560] =	vst v38  }
0x255: {  	[tilespmem:$0x570] =	vst v62  }
0x256: {  	v60 =	vld [tilespmem:$0x110];
	[tilespmem:$0x580] =	vst v42  }
0x257: {  	v37 =	vadd.s32 v2, v56;
	[tilespmem:$0x590] =	vst v46  }
0x258: {  	v40 =	vld [tilespmem:$0x120];
	v59 =	vadd.s32 v2, v57;
	[tilespmem:$0x370] =	vst v37  }
0x259: {  	v61 =	vadd.s32 v2, v58;
	[tilespmem:$0x410] =	vst v59  }
0x25a: {  	v44 =	vld [tilespmem:$0x130];
	v63 =	vadd.s32 v2, v38;
	[tilespmem:$0x380] =	vst v61  }
0x25b: {  	v41 =	vadd.s32 v2, v60;
	[tilespmem:$0x420] =	vst v63  }
0x25c: {  	v43 =	vadd.s32 v2, v62;
	[tilespmem:$0x390] =	vst v41  }
0x25d: {  	v45 =	vadd.s32 v2, v40;
	[tilespmem:$0x430] =	vst v43  }
0x25e: {  	v47 =	vadd.s32 v2, v42;
	[tilespmem:$0x3A0] =	vst v45  }
0x25f: {  	v48 =	vadd.s32 v2, v44;
	[tilespmem:$0x440] =	vst v47  }
0x260: {  	v34 =	vshll.u32 v56, $0x1;
	v49 =	vadd.s32 v2, v46;
	[tilespmem:$0x3B0] =	vst v48  }
0x261: {  	v36 =	vshll.u32 v58, $0x1;
	v34 =	vor.u32 v3, v34;
	[tilespmem:$0x450] =	vst v49  }
0x262: {  	v39 =	vor.u32 v3, v36;
	[tilespmem:$0x4B0] =	vst v34;
	v34 =	vshll.u32 v60, $0x1  }
0x263: {  	v35 =	vshll.u32 v40, $0x1;
	[tilespmem:$0x4C0] =	vst v39;
	v34 =	vor.u32 v3, v34  }
0x264: {  	v35 =	vor.u32 v3, v35;
	[tilespmem:$0x4D0] =	vst v34;
	v34 =	vshll.u32 v44, $0x1  }
0x265: {  	[tilespmem:$0x4E0] =	vst v35;
	v34 =	vor.u32 v3, v34  }
0x266: {  	s25 =	simm.s32 $0x370;
	[tilespmem:$0x4F0] =	vst v34  }
0x267: {  	[tilespmem:s13], [sflag:$0x2] =	stream.indirect.gather [hbm4b:s4+s26], $0x10, s25, s26, $0xb8;
	[tilespmem:$0x1FBB0] =	vst v63  }
0x268: {  	s15 =	simm.s32 $0x410  }
0x269: {  	[tilespmem:s16], [sflag:$0x4] =	stream.indirect.gather [hbm4b:s4+s26], $0x10, s15, s26, $0xb8;
	[tilespmem:$0x1FBB0] =	vst v63  }
0x26a: {  	s17 =	simm.s32 $0x4B0;
	s18 =	simm.s32 $0x41A0  }
0x26b: {  	[tilespmem:s18], [sflag:$0x6] =	stream.indirect.gather [hbm4b:s1+s26], $0x80, s17, s26, $0xb8;
	[tilespmem:$0x1FBB0] =	vst v63  }
0x26c: {  	_ =	swait.ge [sflag:s19], $0x500  }
0x26d: {  	[sflag:s19] =	ssyncset.done $0x0  }
0x26e: {  	[sflag:s19] =	ssyncadd.s32 $0xFFFFFB00  }
0x26f: {  	_ =	swait.ge [sflag:s20], $0x500  }
0x270: {  	[sflag:s20] =	ssyncset.done $0x0  }
0x271: {  	[sflag:s20] =	ssyncadd.s32 $0xFFFFFB00  }
0x272: {  	v50 =	vld.idx.msk [tilespmem:v1+s29+$0x0], $0xffff  }
0x273: {  	v51 =	vld.idx.msk [tilespmem:v5+s31+$0x0], $0xffff;
	_ =	sdelay $0x4  }
0x274: {  	v34 =	vadd.f32 v51, v50;
	_ =	sdelay $0x1  }
0x275: {  	v35 =	vmul.f32 $2.000000030e-01, v34  }
0x276: {  	vm0 =	vgt.f32 v34, $0.0e+00  }
0x277: {  	v34 =	vsel vm0, v34, v35  }
0x278: {  	v34 =	vmul.f32 $1.442695020e+00, v34;
	_ =	sdelay $0x1  }
0x279: {  	(erf) = vpow2.f32 v34;
	_ =	sdelay $0x8  }
0x27a: {  	v34 =	vpop (erf)  }
0x27b: {  	[tilespmem:v6+s22+$0x0] =	vst.idx.msk $0xffff, v34  }
0x27c: {  	v34 =	vld.idx.msk [tilespmem:v7+s29+$0x0], $0xffff  }
0x27d: {  	v52 =	vld.idx.msk [tilespmem:v8+s31+$0x0], $0xffff;
	_ =	sdelay $0x4  }
0x27e: {  	v34 =	vadd.f32 v52, v34;
	_ =	sdelay $0x1  }
0x27f: {  	v35 =	vmul.f32 $2.000000030e-01, v34  }
0x280: {  	vm7 =	vgt.f32 v34, $0.0e+00  }
0x281: {  	v34 =	vsel vm7, v34, v35  }
0x282: {  	v34 =	vmul.f32 $1.442695020e+00, v34;
	_ =	sdelay $0x1  }
0x283: {  	(erf) = vpow2.f32 v34;
	_ =	sdelay $0x8  }
0x284: {  	v34 =	vpop (erf)  }
0x285: {  	[tilespmem:v9+s22+$0x0] =	vst.idx.msk $0xffff, v34  }
0x286: {  	v34 =	vld.idx.msk [tilespmem:v10+s29+$0x0], $0xffff  }
0x287: {  	v53 =	vld.idx.msk [tilespmem:v11+s31+$0x0], $0xffff;
	_ =	sdelay $0x4  }
0x288: {  	v34 =	vadd.f32 v53, v34;
	_ =	sdelay $0x1  }
0x289: {  	v35 =	vmul.f32 $2.000000030e-01, v34  }
0x28a: {  	vm8 =	vgt.f32 v34, $0.0e+00  }
0x28b: {  	v34 =	vsel vm8, v34, v35  }
0x28c: {  	v34 =	vmul.f32 $1.442695020e+00, v34;
	_ =	sdelay $0x1  }
0x28d: {  	(erf) = vpow2.f32 v34;
	_ =	sdelay $0x8  }
0x28e: {  	v34 =	vpop (erf)  }
0x28f: {  	[tilespmem:v12+s22+$0x0] =	vst.idx.msk $0xffff, v34  }
0x290: {  	v34 =	vld.idx.msk [tilespmem:v13+s29+$0x0], $0xffff  }
0x291: {  	v54 =	vld.idx.msk [tilespmem:v14+s31+$0x0], $0xffff;
	_ =	sdelay $0x4  }
0x292: {  	v34 =	vadd.f32 v54, v34;
	_ =	sdelay $0x1  }
0x293: {  	v35 =	vmul.f32 $2.000000030e-01, v34  }
0x294: {  	vm9 =	vgt.f32 v34, $0.0e+00  }
0x295: {  	v34 =	vsel vm9, v34, v35  }
0x296: {  	v34 =	vmul.f32 $1.442695020e+00, v34;
	_ =	sdelay $0x1  }
0x297: {  	(erf) = vpow2.f32 v34;
	_ =	sdelay $0x8  }
0x298: {  	v34 =	vpop (erf)  }
0x299: {  	[tilespmem:v15+s22+$0x0] =	vst.idx.msk $0xffff, v34  }
0x29a: {  	v34 =	vld.idx.msk [tilespmem:v16+s29+$0x0], $0xffff  }
0x29b: {  	v55 =	vld.idx.msk [tilespmem:v17+s31+$0x0], $0xffff;
	_ =	sdelay $0x4  }
0x29c: {  	v34 =	vadd.f32 v55, v34;
	_ =	sdelay $0x1  }
0x29d: {  	v35 =	vmul.f32 $2.000000030e-01, v34  }
0x29e: {  	vm10 =	vgt.f32 v34, $0.0e+00  }
0x29f: {  	v34 =	vsel vm10, v34, v35  }
0x2a0: {  	v34 =	vmul.f32 $1.442695020e+00, v34;
	_ =	sdelay $0x1  }
0x2a1: {  	(erf) = vpow2.f32 v34;
	_ =	sdelay $0x8  }
0x2a2: {  	v34 =	vpop (erf)  }
0x2a3: {  	[tilespmem:v18+s22+$0x0] =	vst.idx.msk $0xffff, v34  }
0x2a4: {  	v34 =	vld.idx.msk [tilespmem:v19+s29+$0x0], $0xffff  }
0x2a5: {  	v56 =	vld.idx.msk [tilespmem:v20+s31+$0x0], $0xffff;
	_ =	sdelay $0x4  }
0x2a6: {  	v34 =	vadd.f32 v56, v34;
	_ =	sdelay $0x1  }
0x2a7: {  	v35 =	vmul.f32 $2.000000030e-01, v34  }
0x2a8: {  	vm11 =	vgt.f32 v34, $0.0e+00  }
0x2a9: {  	v34 =	vsel vm11, v34, v35  }
0x2aa: {  	v34 =	vmul.f32 $1.442695020e+00, v34;
	_ =	sdelay $0x1  }
0x2ab: {  	(erf) = vpow2.f32 v34;
	_ =	sdelay $0x8  }
0x2ac: {  	v34 =	vpop (erf)  }
0x2ad: {  	[tilespmem:v21+s22+$0x0] =	vst.idx.msk $0xffff, v34  }
0x2ae: {  	v34 =	vld.idx.msk [tilespmem:v22+s29+$0x0], $0xffff  }
0x2af: {  	v57 =	vld.idx.msk [tilespmem:v23+s31+$0x0], $0xffff;
	_ =	sdelay $0x4  }
0x2b0: {  	v34 =	vadd.f32 v57, v34;
	_ =	sdelay $0x1  }
0x2b1: {  	v35 =	vmul.f32 $2.000000030e-01, v34  }
0x2b2: {  	vm12 =	vgt.f32 v34, $0.0e+00  }
0x2b3: {  	v34 =	vsel vm12, v34, v35  }
0x2b4: {  	v34 =	vmul.f32 $1.442695020e+00, v34;
	_ =	sdelay $0x1  }
0x2b5: {  	(erf) = vpow2.f32 v34;
	_ =	sdelay $0x8  }
0x2b6: {  	v34 =	vpop (erf)  }
0x2b7: {  	[tilespmem:v24+s22+$0x0] =	vst.idx.msk $0xffff, v34  }
0x2b8: {  	v34 =	vld.idx.msk [tilespmem:v25+s29+$0x0], $0xffff  }
0x2b9: {  	v58 =	vld.idx.msk [tilespmem:v26+s31+$0x0], $0xffff;
	_ =	sdelay $0x4  }
0x2ba: {  	v34 =	vadd.f32 v58, v34;
	_ =	sdelay $0x1  }
0x2bb: {  	v35 =	vmul.f32 $2.000000030e-01, v34  }
0x2bc: {  	vm13 =	vgt.f32 v34, $0.0e+00  }
0x2bd: {  	v34 =	vsel vm13, v34, v35  }
0x2be: {  	v34 =	vmul.f32 $1.442695020e+00, v34;
	_ =	sdelay $0x1  }
0x2bf: {  	(erf) = vpow2.f32 v34;
	_ =	sdelay $0x8  }
0x2c0: {  	v34 =	vpop (erf)  }
0x2c1: {  	[tilespmem:v27+s22+$0x0] =	vst.idx.msk $0xffff, v34  }
0x2c2: {  	v34 =	vld.idx.msk [tilespmem:v28+s29+$0x0], $0xffff  }
0x2c3: {  	v59 =	vld.idx.msk [tilespmem:v29+s31+$0x0], $0xffff;
	_ =	sdelay $0x4  }
0x2c4: {  	v34 =	vadd.f32 v59, v34;
	_ =	sdelay $0x1  }
0x2c5: {  	v35 =	vmul.f32 $2.000000030e-01, v34  }
0x2c6: {  	vm14 =	vgt.f32 v34, $0.0e+00  }
0x2c7: {  	v34 =	vsel vm14, v34, v35  }
0x2c8: {  	v34 =	vmul.f32 $1.442695020e+00, v34;
	_ =	sdelay $0x1  }
0x2c9: {  	(erf) = vpow2.f32 v34;
	_ =	sdelay $0x8  }
0x2ca: {  	v34 =	vpop (erf)  }
0x2cb: {  	[tilespmem:v30+s22+$0x0] =	vst.idx.msk $0xffff, v34  }
0x2cc: {  	v34 =	vld.idx.msk [tilespmem:v31+s29+$0x0], $0xffff  }
0x2cd: {  	v60 =	vld.idx.msk [tilespmem:v32+s31+$0x0], $0xffff;
	_ =	sdelay $0x4  }
0x2ce: {  	v34 =	vadd.f32 v60, v34;
	_ =	sdelay $0x1  }
0x2cf: {  	v35 =	vmul.f32 $2.000000030e-01, v34  }
0x2d0: {  	vm15 =	vgt.f32 v34, $0.0e+00  }
0x2d1: {  	v34 =	vsel vm15, v34, v35  }
0x2d2: {  	v34 =	vmul.f32 $1.442695020e+00, v34;
	_ =	sdelay $0x1  }
0x2d3: {  	(erf) = vpow2.f32 v34;
	_ =	sdelay $0x8  }
0x2d4: {  	v34 =	vpop (erf)  }
0x2d5: {  	[tilespmem:v33+s22+$0x0] =	vst.idx.msk $0xffff, v34  }
0x2d6: {  	_ =	swait.ge [sflag:s21], $0x2800  }
0x2d7: {  	[sflag:s21] =	ssyncset.done $0x0  }
0x2d8: {  	s10 =	simm.s32 $0x69E0;
	[sflag:s21] =	ssyncadd.s32 $0xFFFFD800  }
0x2d9: {  	v61 =	vld [tilespmem:s10+$0x40]  }
0x2da: {  	s25 =	simm.s32 $0x0  }
0x2db: {  	v62 =	vld [tilespmem:s25+$0x19A0];
	_ =	sdelay $0x2  }
0x2dc: {  	v63 =	vbroadcast v61, $0x0;
	_ =	sdelay $0x1  }
0x2dd: {  	v35 =	vmul.f32 v63, v62;
	_ =	sdelay $0x1  }
0x2de: {  	[tilespmem:s10+$0xFFFFFFC0] =	vst v35  }
0x2df: {  	v35 =	vld [tilespmem:s25+$0x19B0];
	_ =	sdelay $0x4  }
0x2e0: {  	v35 =	vmul.f32 v35, v63;
	_ =	sdelay $0x1  }
0x2e1: {  	[tilespmem:s10+$0xFFFFFFD0] =	vst v35  }
0x2e2: {  	v35 =	vld [tilespmem:s25+$0x19C0];
	_ =	sdelay $0x4  }
0x2e3: {  	v35 =	vmul.f32 v35, v63;
	_ =	sdelay $0x1  }
0x2e4: {  	[tilespmem:s10+$0xFFFFFFE0] =	vst v35  }
0x2e5: {  	v35 =	vld [tilespmem:s25+$0x19D0];
	_ =	sdelay $0x4  }
0x2e6: {  	v35 =	vmul.f32 v35, v63;
	_ =	sdelay $0x1  }
0x2e7: {  	[tilespmem:s10+$0xFFFFFFF0] =	vst v35  }
0x2e8: {  	v35 =	vld [tilespmem:s25+$0x19E0];
	_ =	sdelay $0x2  }
0x2e9: {  	v34 =	vbroadcast v61, $0x1;
	_ =	sdelay $0x1  }
0x2ea: {  	v35 =	vmul.f32 v35, v34;
	_ =	sdelay $0x1  }
0x2eb: {  	[tilespmem:s10+$0x0] =	vst v35  }
0x2ec: {  	v35 =	vld [tilespmem:s25+$0x19F0];
	_ =	sdelay $0x4  }
0x2ed: {  	v35 =	vmul.f32 v35, v34;
	_ =	sdelay $0x1  }
0x2ee: {  	[tilespmem:s10+$0x10] =	vst v35  }
0x2ef: {  	v35 =	vld [tilespmem:s25+$0x1A00];
	_ =	sdelay $0x4  }
0x2f0: {  	v35 =	vmul.f32 v35, v34;
	_ =	sdelay $0x1  }
0x2f1: {  	[tilespmem:s10+$0x20] =	vst v35  }
0x2f2: {  	v35 =	vld [tilespmem:s25+$0x1A10];
	_ =	sdelay $0x4  }
0x2f3: {  	s15 =	simm.s32 $0x6A70;
	v35 =	vmul.f32 v35, v34  }
0x2f4: {  	s18 =	simm.s32 $0x200;
	s17 =	simm.s32 $0x400;
	v34 =	vld [tilespmem:s15+$0x40]  }
.LBB2_9:
0x2f5: {  	p1 =	sne.s32 s17, $0x9E00;
	s25 =	sshra.s32 s18, $0x2;
	[tilespmem:s10+$0x30] =	vst v35;
	s10 =	smov.u32 s15  }
0x2f6: {  	s18 =	smov.u32 s17;
	v35 =	vld [tilespmem:s25+$0x19A0];
	_ =	sdelay $0x2  }
0x2f7: {  	v36 =	vbroadcast v34, $0x0;
	_ =	sdelay $0x1  }
0x2f8: {  	v35 =	vmul.f32 v36, v35;
	_ =	sdelay $0x1  }
0x2f9: {  	[tilespmem:s15+$0xFFFFFFC0] =	vst v35  }
0x2fa: {  	v35 =	vld [tilespmem:s25+$0x19B0];
	_ =	sdelay $0x4  }
0x2fb: {  	v35 =	vmul.f32 v35, v36;
	_ =	sdelay $0x1  }
0x2fc: {  	[tilespmem:s15+$0xFFFFFFD0] =	vst v35  }
0x2fd: {  	v35 =	vld [tilespmem:s25+$0x19C0];
	_ =	sdelay $0x4  }
0x2fe: {  	v35 =	vmul.f32 v35, v36;
	_ =	sdelay $0x1  }
0x2ff: {  	[tilespmem:s15+$0xFFFFFFE0] =	vst v35  }
0x300: {  	v35 =	vld [tilespmem:s25+$0x19D0];
	_ =	sdelay $0x4  }
0x301: {  	v35 =	vmul.f32 v35, v36;
	_ =	sdelay $0x1  }
0x302: {  	[tilespmem:s15+$0xFFFFFFF0] =	vst v35  }
0x303: {  	v35 =	vld [tilespmem:s25+$0x19E0];
	_ =	sdelay $0x2  }
0x304: {  	v34 =	vbroadcast v34, $0x1;
	_ =	sdelay $0x1  }
0x305: {  	v35 =	vmul.f32 v35, v34;
	_ =	sdelay $0x1  }
0x306: {  	[tilespmem:s15+$0x0] =	vst v35  }
0x307: {  	v35 =	vld [tilespmem:s25+$0x19F0];
	_ =	sdelay $0x4  }
0x308: {  	v35 =	vmul.f32 v35, v34;
	_ =	sdelay $0x1  }
0x309: {  	[tilespmem:s15+$0x10] =	vst v35  }
0x30a: {  	v35 =	vld [tilespmem:s25+$0x1A00];
	_ =	sdelay $0x4  }
0x30b: {  	v35 =	vmul.f32 v35, v34;
	_ =	sdelay $0x1  }
0x30c: {  	[tilespmem:s15+$0x20] =	vst v35  }
0x30d: {  	v35 =	vld [tilespmem:s25+$0x1A10];
	_ =	sdelay $0x1  }
.Ltmp5:
0x30e: {  	(pc) =	sbr.rel @p1 .LBB2_9-.Ltmp5, $3  }
0x30f: {  	_ =	sdelay $0x1  }
0x310: {  	s15 =	sadd.s32 $0x90, s15;
	v35 =	vmul.f32 v35, v34  }
0x311: {  	s17 =	sadd.s32 $0x200, s17;
	v34 =	vld [tilespmem:s15+$0x40]  }
0x312: {  	s17 =	sshra.s32 s18, $0x2;
	[tilespmem:s10+$0x30] =	vst v35  }
0x313: {  	v35 =	vld [tilespmem:s17+$0x19A0];
	_ =	sdelay $0x2  }
0x314: {  	v36 =	vbroadcast v34, $0x0;
	_ =	sdelay $0x1  }
0x315: {  	v35 =	vmul.f32 v36, v35;
	_ =	sdelay $0x1  }
0x316: {  	[tilespmem:s15+$0xFFFFFFC0] =	vst v35  }
0x317: {  	v35 =	vld [tilespmem:s17+$0x19B0];
	_ =	sdelay $0x4  }
0x318: {  	v35 =	vmul.f32 v35, v36;
	_ =	sdelay $0x1  }
0x319: {  	[tilespmem:s15+$0xFFFFFFD0] =	vst v35  }
0x31a: {  	v35 =	vld [tilespmem:s17+$0x19C0];
	_ =	sdelay $0x4  }
0x31b: {  	v35 =	vmul.f32 v35, v36;
	_ =	sdelay $0x1  }
0x31c: {  	[tilespmem:s15+$0xFFFFFFE0] =	vst v35  }
0x31d: {  	v35 =	vld [tilespmem:s17+$0x19D0];
	_ =	sdelay $0x4  }
0x31e: {  	v35 =	vmul.f32 v35, v36;
	_ =	sdelay $0x1  }
0x31f: {  	[tilespmem:s15+$0xFFFFFFF0] =	vst v35  }
0x320: {  	v35 =	vld [tilespmem:s17+$0x19E0];
	_ =	sdelay $0x2  }
0x321: {  	v55 =	vbroadcast v34, $0x1;
	_ =	sdelay $0x1  }
0x322: {  	v35 =	vmul.f32 v35, v55;
	_ =	sdelay $0x1  }
0x323: {  	[tilespmem:s15+$0x0] =	vst v35  }
0x324: {  	v35 =	vld [tilespmem:s17+$0x19F0];
	_ =	sdelay $0x4  }
0x325: {  	v35 =	vmul.f32 v35, v55;
	_ =	sdelay $0x1  }
0x326: {  	[tilespmem:s15+$0x10] =	vst v35  }
0x327: {  	v35 =	vld [tilespmem:s17+$0x1A00];
	_ =	sdelay $0x4  }
0x328: {  	v35 =	vmul.f32 v35, v55;
	_ =	sdelay $0x1  }
0x329: {  	[tilespmem:s15+$0x20] =	vst v35  }
0x32a: {  	v35 =	vld [tilespmem:s17+$0x1A10];
	_ =	sdelay $0x4  }
0x32b: {  	v34 =	vmul.f32 v35, v55;
	_ =	sdelay $0x1  }
0x32c: {  	[tilespmem:s15+$0x30] =	vst v34  }
0x32d: {  	[spmem:s2] =	stream.indirect.scatter.add.f32 [tilespmem:s22], [sflag:$0x7], $0x90, s14, s26, $0xb8;
	[tilespmem:$0x1FBB0] =	vst v63  }
0x32e: {  	_ =	swait.ge [sflag:s3], $0x2D00  }
0x32f: {  	[sflag:s3] =	ssyncset.done $0x0  }
0x330: {  	[sflag:s3] =	ssyncadd.s32 $0xFFFFD300  }
0x331: {  	v56 =	vld [tilespmem:$0x140]  }
0x332: {  	v57 =	vld [tilespmem:$0x2D0]  }
0x333: {  	v38 =	vld [tilespmem:$0x2E0]  }
0x334: {  	v62 =	vld [tilespmem:$0x2F0]  }
0x335: {  	v42 =	vld [tilespmem:$0x300]  }
0x336: {  	v46 =	vld [tilespmem:$0x310]  }
0x337: {  	[tilespmem:$0x500] =	vst v57  }
0x338: {  	v58 =	vld [tilespmem:$0x150];
	[tilespmem:$0x510] =	vst v38  }
0x339: {  	[tilespmem:$0x520] =	vst v62  }
0x33a: {  	v60 =	vld [tilespmem:$0x160];
	[tilespmem:$0x530] =	vst v42  }
0x33b: {  	v37 =	vadd.s32 v2, v56;
	[tilespmem:$0x540] =	vst v46  }
0x33c: {  	v40 =	vld [tilespmem:$0x170];
	v59 =	vadd.s32 v2, v57;
	[tilespmem:$0x320] =	vst v37  }
0x33d: {  	v61 =	vadd.s32 v2, v58;
	[tilespmem:$0x3C0] =	vst v59  }
0x33e: {  	v44 =	vld [tilespmem:$0x180];
	v63 =	vadd.s32 v2, v38;
	[tilespmem:$0x330] =	vst v61  }
0x33f: {  	v41 =	vadd.s32 v2, v60;
	[tilespmem:$0x3D0] =	vst v63  }
0x340: {  	v43 =	vadd.s32 v2, v62;
	[tilespmem:$0x340] =	vst v41  }
0x341: {  	v45 =	vadd.s32 v2, v40;
	[tilespmem:$0x3E0] =	vst v43  }
0x342: {  	v47 =	vadd.s32 v2, v42;
	[tilespmem:$0x350] =	vst v45  }
0x343: {  	v48 =	vadd.s32 v2, v44;
	[tilespmem:$0x3F0] =	vst v47  }
0x344: {  	v34 =	vshll.u32 v56, $0x1;
	v49 =	vadd.s32 v2, v46;
	[tilespmem:$0x360] =	vst v48  }
0x345: {  	v36 =	vshll.u32 v58, $0x1;
	v34 =	vor.u32 v3, v34;
	[tilespmem:$0x400] =	vst v49  }
0x346: {  	v39 =	vor.u32 v3, v36;
	[tilespmem:$0x460] =	vst v34;
	v34 =	vshll.u32 v60, $0x1  }
0x347: {  	v35 =	vshll.u32 v40, $0x1;
	[tilespmem:$0x470] =	vst v39;
	v34 =	vor.u32 v3, v34  }
0x348: {  	v35 =	vor.u32 v3, v35;
	[tilespmem:$0x480] =	vst v34;
	v34 =	vshll.u32 v44, $0x1  }
0x349: {  	[tilespmem:$0x490] =	vst v35;
	v34 =	vor.u32 v3, v34  }
0x34a: {  	[tilespmem:$0x4A0] =	vst v34  }
0x34b: {  	[tilespmem:s29], [sflag:$0x1] =	stream.indirect.gather [hbm4b:s4+s26], $0x10, s28, s26, $0xb8;
	[tilespmem:$0x1FBB0] =	vst v63  }
0x34c: {  	s18 =	simm.s32 $0x3C0  }
0x34d: {  	[tilespmem:s31], [sflag:$0x3] =	stream.indirect.gather [hbm4b:s4+s26], $0x10, s18, s26, $0xb8;
	[tilespmem:$0x1FBB0] =	vst v63  }
0x34e: {  	_ = 	snop  }
0x34f: {  	[tilespmem:s24], [sflag:$0x5] =	stream.indirect.gather [hbm4b:s1+s26], $0x80, s0, s26, $0xb8;
	[tilespmem:$0x1FBB0] =	vst v63  }
0x350: {  	_ =	swait.ge [sflag:s8], $0x500  }
0x351: {  	[sflag:s8] =	ssyncset.done $0x0  }
0x352: {  	[sflag:s8] =	ssyncadd.s32 $0xFFFFFB00  }
0x353: {  	_ =	swait.ge [sflag:s5], $0x500  }
0x354: {  	[sflag:s5] =	ssyncset.done $0x0  }
0x355: {  	[sflag:s5] =	ssyncadd.s32 $0xFFFFFB00  }
0x356: {  	v50 =	vld.idx.msk [tilespmem:v1+s13+$0x0], $0xffff  }
0x357: {  	v51 =	vld.idx.msk [tilespmem:v5+s16+$0x0], $0xffff;
	_ =	sdelay $0x4  }
0x358: {  	v34 =	vadd.f32 v51, v50;
	_ =	sdelay $0x1  }
0x359: {  	v35 =	vmul.f32 $2.000000030e-01, v34  }
0x35a: {  	vm0 =	vgt.f32 v34, $0.0e+00  }
0x35b: {  	v34 =	vsel vm0, v34, v35  }
0x35c: {  	v34 =	vmul.f32 $1.442695020e+00, v34;
	_ =	sdelay $0x1  }
0x35d: {  	(erf) = vpow2.f32 v34;
	_ =	sdelay $0x8  }
0x35e: {  	v34 =	vpop (erf)  }
0x35f: {  	[tilespmem:v6+s22+$0x0] =	vst.idx.msk $0xffff, v34  }
0x360: {  	v34 =	vld.idx.msk [tilespmem:v7+s13+$0x0], $0xffff  }
0x361: {  	v52 =	vld.idx.msk [tilespmem:v8+s16+$0x0], $0xffff;
	_ =	sdelay $0x4  }
0x362: {  	v34 =	vadd.f32 v52, v34;
	_ =	sdelay $0x1  }
0x363: {  	v35 =	vmul.f32 $2.000000030e-01, v34  }
0x364: {  	vm7 =	vgt.f32 v34, $0.0e+00  }
0x365: {  	v34 =	vsel vm7, v34, v35  }
0x366: {  	v34 =	vmul.f32 $1.442695020e+00, v34;
	_ =	sdelay $0x1  }
0x367: {  	(erf) = vpow2.f32 v34;
	_ =	sdelay $0x8  }
0x368: {  	v34 =	vpop (erf)  }
0x369: {  	[tilespmem:v9+s22+$0x0] =	vst.idx.msk $0xffff, v34  }
0x36a: {  	v34 =	vld.idx.msk [tilespmem:v10+s13+$0x0], $0xffff  }
0x36b: {  	v53 =	vld.idx.msk [tilespmem:v11+s16+$0x0], $0xffff;
	_ =	sdelay $0x4  }
0x36c: {  	v34 =	vadd.f32 v53, v34;
	_ =	sdelay $0x1  }
0x36d: {  	v35 =	vmul.f32 $2.000000030e-01, v34  }
0x36e: {  	vm8 =	vgt.f32 v34, $0.0e+00  }
0x36f: {  	v34 =	vsel vm8, v34, v35  }
0x370: {  	v34 =	vmul.f32 $1.442695020e+00, v34;
	_ =	sdelay $0x1  }
0x371: {  	(erf) = vpow2.f32 v34;
	_ =	sdelay $0x8  }
0x372: {  	v34 =	vpop (erf)  }
0x373: {  	[tilespmem:v12+s22+$0x0] =	vst.idx.msk $0xffff, v34  }
0x374: {  	v34 =	vld.idx.msk [tilespmem:v13+s13+$0x0], $0xffff  }
0x375: {  	v54 =	vld.idx.msk [tilespmem:v14+s16+$0x0], $0xffff;
	_ =	sdelay $0x4  }
0x376: {  	v34 =	vadd.f32 v54, v34;
	_ =	sdelay $0x1  }
0x377: {  	v35 =	vmul.f32 $2.000000030e-01, v34  }
0x378: {  	vm9 =	vgt.f32 v34, $0.0e+00  }
0x379: {  	v34 =	vsel vm9, v34, v35  }
0x37a: {  	v34 =	vmul.f32 $1.442695020e+00, v34;
	_ =	sdelay $0x1  }
0x37b: {  	(erf) = vpow2.f32 v34;
	_ =	sdelay $0x8  }
0x37c: {  	v34 =	vpop (erf)  }
0x37d: {  	[tilespmem:v15+s22+$0x0] =	vst.idx.msk $0xffff, v34  }
0x37e: {  	v34 =	vld.idx.msk [tilespmem:v16+s13+$0x0], $0xffff  }
0x37f: {  	v55 =	vld.idx.msk [tilespmem:v17+s16+$0x0], $0xffff;
	_ =	sdelay $0x4  }
0x380: {  	v34 =	vadd.f32 v55, v34;
	_ =	sdelay $0x1  }
0x381: {  	v35 =	vmul.f32 $2.000000030e-01, v34  }
0x382: {  	vm10 =	vgt.f32 v34, $0.0e+00  }
0x383: {  	v34 =	vsel vm10, v34, v35  }
0x384: {  	v34 =	vmul.f32 $1.442695020e+00, v34;
	_ =	sdelay $0x1  }
0x385: {  	(erf) = vpow2.f32 v34;
	_ =	sdelay $0x8  }
0x386: {  	v34 =	vpop (erf)  }
0x387: {  	[tilespmem:v18+s22+$0x0] =	vst.idx.msk $0xffff, v34  }
0x388: {  	v34 =	vld.idx.msk [tilespmem:v19+s13+$0x0], $0xffff  }
0x389: {  	v56 =	vld.idx.msk [tilespmem:v20+s16+$0x0], $0xffff;
	_ =	sdelay $0x4  }
0x38a: {  	v34 =	vadd.f32 v56, v34;
	_ =	sdelay $0x1  }
0x38b: {  	v35 =	vmul.f32 $2.000000030e-01, v34  }
0x38c: {  	vm11 =	vgt.f32 v34, $0.0e+00  }
0x38d: {  	v34 =	vsel vm11, v34, v35  }
0x38e: {  	v34 =	vmul.f32 $1.442695020e+00, v34;
	_ =	sdelay $0x1  }
0x38f: {  	(erf) = vpow2.f32 v34;
	_ =	sdelay $0x8  }
0x390: {  	v34 =	vpop (erf)  }
0x391: {  	[tilespmem:v21+s22+$0x0] =	vst.idx.msk $0xffff, v34  }
0x392: {  	v34 =	vld.idx.msk [tilespmem:v22+s13+$0x0], $0xffff  }
0x393: {  	v57 =	vld.idx.msk [tilespmem:v23+s16+$0x0], $0xffff;
	_ =	sdelay $0x4  }
0x394: {  	v34 =	vadd.f32 v57, v34;
	_ =	sdelay $0x1  }
0x395: {  	v35 =	vmul.f32 $2.000000030e-01, v34  }
0x396: {  	vm12 =	vgt.f32 v34, $0.0e+00  }
0x397: {  	v34 =	vsel vm12, v34, v35  }
0x398: {  	v34 =	vmul.f32 $1.442695020e+00, v34;
	_ =	sdelay $0x1  }
0x399: {  	(erf) = vpow2.f32 v34;
	_ =	sdelay $0x8  }
0x39a: {  	v34 =	vpop (erf)  }
0x39b: {  	[tilespmem:v24+s22+$0x0] =	vst.idx.msk $0xffff, v34  }
0x39c: {  	v34 =	vld.idx.msk [tilespmem:v25+s13+$0x0], $0xffff  }
0x39d: {  	v58 =	vld.idx.msk [tilespmem:v26+s16+$0x0], $0xffff;
	_ =	sdelay $0x4  }
0x39e: {  	v34 =	vadd.f32 v58, v34;
	_ =	sdelay $0x1  }
0x39f: {  	v35 =	vmul.f32 $2.000000030e-01, v34  }
0x3a0: {  	vm13 =	vgt.f32 v34, $0.0e+00  }
0x3a1: {  	v34 =	vsel vm13, v34, v35  }
0x3a2: {  	v34 =	vmul.f32 $1.442695020e+00, v34;
	_ =	sdelay $0x1  }
0x3a3: {  	(erf) = vpow2.f32 v34;
	_ =	sdelay $0x8  }
0x3a4: {  	v34 =	vpop (erf)  }
0x3a5: {  	[tilespmem:v27+s22+$0x0] =	vst.idx.msk $0xffff, v34  }
0x3a6: {  	v34 =	vld.idx.msk [tilespmem:v28+s13+$0x0], $0xffff  }
0x3a7: {  	v59 =	vld.idx.msk [tilespmem:v29+s16+$0x0], $0xffff;
	_ =	sdelay $0x4  }
0x3a8: {  	v34 =	vadd.f32 v59, v34;
	_ =	sdelay $0x1  }
0x3a9: {  	v35 =	vmul.f32 $2.000000030e-01, v34  }
0x3aa: {  	vm14 =	vgt.f32 v34, $0.0e+00  }
0x3ab: {  	v34 =	vsel vm14, v34, v35  }
0x3ac: {  	v34 =	vmul.f32 $1.442695020e+00, v34;
	_ =	sdelay $0x1  }
0x3ad: {  	(erf) = vpow2.f32 v34;
	_ =	sdelay $0x8  }
0x3ae: {  	v34 =	vpop (erf)  }
0x3af: {  	[tilespmem:v30+s22+$0x0] =	vst.idx.msk $0xffff, v34  }
0x3b0: {  	v34 =	vld.idx.msk [tilespmem:v31+s13+$0x0], $0xffff  }
0x3b1: {  	v60 =	vld.idx.msk [tilespmem:v32+s16+$0x0], $0xffff;
	_ =	sdelay $0x4  }
0x3b2: {  	v34 =	vadd.f32 v60, v34;
	_ =	sdelay $0x1  }
0x3b3: {  	v35 =	vmul.f32 $2.000000030e-01, v34  }
0x3b4: {  	vm15 =	vgt.f32 v34, $0.0e+00  }
0x3b5: {  	v34 =	vsel vm15, v34, v35  }
0x3b6: {  	v34 =	vmul.f32 $1.442695020e+00, v34;
	_ =	sdelay $0x1  }
0x3b7: {  	(erf) = vpow2.f32 v34;
	_ =	sdelay $0x8  }
0x3b8: {  	v34 =	vpop (erf)  }
0x3b9: {  	[tilespmem:v33+s22+$0x0] =	vst.idx.msk $0xffff, v34  }
0x3ba: {  	_ =	swait.ge [sflag:s9], $0x2800  }
0x3bb: {  	[sflag:s9] =	ssyncset.done $0x0  }
0x3bc: {  	s10 =	simm.s32 $0x69E0;
	[sflag:s9] =	ssyncadd.s32 $0xFFFFD800  }
0x3bd: {  	v61 =	vld [tilespmem:s10+$0x40]  }
0x3be: {  	s25 =	simm.s32 $0x0  }
0x3bf: {  	v62 =	vld [tilespmem:s25+$0x41A0];
	_ =	sdelay $0x2  }
0x3c0: {  	v63 =	vbroadcast v61, $0x0;
	_ =	sdelay $0x1  }
0x3c1: {  	v35 =	vmul.f32 v63, v62;
	_ =	sdelay $0x1  }
0x3c2: {  	[tilespmem:s10+$0xFFFFFFC0] =	vst v35  }
0x3c3: {  	v35 =	vld [tilespmem:s25+$0x41B0];
	_ =	sdelay $0x4  }
0x3c4: {  	v35 =	vmul.f32 v35, v63;
	_ =	sdelay $0x1  }
0x3c5: {  	[tilespmem:s10+$0xFFFFFFD0] =	vst v35  }
0x3c6: {  	v35 =	vld [tilespmem:s25+$0x41C0];
	_ =	sdelay $0x4  }
0x3c7: {  	v35 =	vmul.f32 v35, v63;
	_ =	sdelay $0x1  }
0x3c8: {  	[tilespmem:s10+$0xFFFFFFE0] =	vst v35  }
0x3c9: {  	v35 =	vld [tilespmem:s25+$0x41D0];
	_ =	sdelay $0x4  }
0x3ca: {  	v35 =	vmul.f32 v35, v63;
	_ =	sdelay $0x1  }
0x3cb: {  	[tilespmem:s10+$0xFFFFFFF0] =	vst v35  }
0x3cc: {  	v35 =	vld [tilespmem:s25+$0x41E0];
	_ =	sdelay $0x2  }
0x3cd: {  	v34 =	vbroadcast v61, $0x1;
	_ =	sdelay $0x1  }
0x3ce: {  	v35 =	vmul.f32 v35, v34;
	_ =	sdelay $0x1  }
0x3cf: {  	[tilespmem:s10+$0x0] =	vst v35  }
0x3d0: {  	v35 =	vld [tilespmem:s25+$0x41F0];
	_ =	sdelay $0x4  }
0x3d1: {  	v35 =	vmul.f32 v35, v34;
	_ =	sdelay $0x1  }
0x3d2: {  	[tilespmem:s10+$0x10] =	vst v35  }
0x3d3: {  	v35 =	vld [tilespmem:s25+$0x4200];
	_ =	sdelay $0x4  }
0x3d4: {  	v35 =	vmul.f32 v35, v34;
	_ =	sdelay $0x1  }
0x3d5: {  	[tilespmem:s10+$0x20] =	vst v35  }
0x3d6: {  	v35 =	vld [tilespmem:s25+$0x4210];
	_ =	sdelay $0x4  }
0x3d7: {  	s15 =	simm.s32 $0x6A70;
	v35 =	vmul.f32 v35, v34  }
0x3d8: {  	s17 =	simm.s32 $0x400;
	s18 =	simm.s32 $0x200;
	v34 =	vld [tilespmem:s15+$0x40]  }
.LBB2_11:
0x3d9: {  	p1 =	sne.s32 s17, $0x9E00;
	s25 =	sshra.s32 s18, $0x2;
	[tilespmem:s10+$0x30] =	vst v35;
	s10 =	smov.u32 s15  }
0x3da: {  	s18 =	smov.u32 s17;
	v35 =	vld [tilespmem:s25+$0x41A0];
	_ =	sdelay $0x2  }
0x3db: {  	v36 =	vbroadcast v34, $0x0;
	_ =	sdelay $0x1  }
0x3dc: {  	v35 =	vmul.f32 v36, v35;
	_ =	sdelay $0x1  }
0x3dd: {  	[tilespmem:s15+$0xFFFFFFC0] =	vst v35  }
0x3de: {  	v35 =	vld [tilespmem:s25+$0x41B0];
	_ =	sdelay $0x4  }
0x3df: {  	v35 =	vmul.f32 v35, v36;
	_ =	sdelay $0x1  }
0x3e0: {  	[tilespmem:s15+$0xFFFFFFD0] =	vst v35  }
0x3e1: {  	v35 =	vld [tilespmem:s25+$0x41C0];
	_ =	sdelay $0x4  }
0x3e2: {  	v35 =	vmul.f32 v35, v36;
	_ =	sdelay $0x1  }
0x3e3: {  	[tilespmem:s15+$0xFFFFFFE0] =	vst v35  }
0x3e4: {  	v35 =	vld [tilespmem:s25+$0x41D0];
	_ =	sdelay $0x4  }
0x3e5: {  	v35 =	vmul.f32 v35, v36;
	_ =	sdelay $0x1  }
0x3e6: {  	[tilespmem:s15+$0xFFFFFFF0] =	vst v35  }
0x3e7: {  	v35 =	vld [tilespmem:s25+$0x41E0];
	_ =	sdelay $0x2  }
0x3e8: {  	v34 =	vbroadcast v34, $0x1;
	_ =	sdelay $0x1  }
0x3e9: {  	v35 =	vmul.f32 v35, v34;
	_ =	sdelay $0x1  }
0x3ea: {  	[tilespmem:s15+$0x0] =	vst v35  }
0x3eb: {  	v35 =	vld [tilespmem:s25+$0x41F0];
	_ =	sdelay $0x4  }
0x3ec: {  	v35 =	vmul.f32 v35, v34;
	_ =	sdelay $0x1  }
0x3ed: {  	[tilespmem:s15+$0x10] =	vst v35  }
0x3ee: {  	v35 =	vld [tilespmem:s25+$0x4200];
	_ =	sdelay $0x4  }
0x3ef: {  	v35 =	vmul.f32 v35, v34;
	_ =	sdelay $0x1  }
0x3f0: {  	[tilespmem:s15+$0x20] =	vst v35  }
0x3f1: {  	v35 =	vld [tilespmem:s25+$0x4210];
	_ =	sdelay $0x1  }
.Ltmp6:
0x3f2: {  	(pc) =	sbr.rel @p1 .LBB2_11-.Ltmp6, $3  }
0x3f3: {  	_ =	sdelay $0x1  }
0x3f4: {  	s15 =	sadd.s32 $0x90, s15;
	v35 =	vmul.f32 v35, v34  }
0x3f5: {  	s17 =	sadd.s32 $0x200, s17;
	v34 =	vld [tilespmem:s15+$0x40]  }
0x3f6: {  	s17 =	sshra.s32 s18, $0x2;
	[tilespmem:s10+$0x30] =	vst v35  }
0x3f7: {  	v35 =	vld [tilespmem:s17+$0x41A0];
	_ =	sdelay $0x2  }
0x3f8: {  	v36 =	vbroadcast v34, $0x0;
	_ =	sdelay $0x1  }
0x3f9: {  	v35 =	vmul.f32 v36, v35;
	_ =	sdelay $0x1  }
0x3fa: {  	[tilespmem:s15+$0xFFFFFFC0] =	vst v35  }
0x3fb: {  	v35 =	vld [tilespmem:s17+$0x41B0];
	_ =	sdelay $0x4  }
0x3fc: {  	v35 =	vmul.f32 v35, v36;
	_ =	sdelay $0x1  }
0x3fd: {  	[tilespmem:s15+$0xFFFFFFD0] =	vst v35  }
0x3fe: {  	v35 =	vld [tilespmem:s17+$0x41C0];
	_ =	sdelay $0x4  }
0x3ff: {  	v35 =	vmul.f32 v35, v36;
	_ =	sdelay $0x1  }
0x400: {  	[tilespmem:s15+$0xFFFFFFE0] =	vst v35  }
0x401: {  	v35 =	vld [tilespmem:s17+$0x41D0];
	_ =	sdelay $0x4  }
0x402: {  	v35 =	vmul.f32 v35, v36;
	_ =	sdelay $0x1  }
0x403: {  	[tilespmem:s15+$0xFFFFFFF0] =	vst v35  }
0x404: {  	v35 =	vld [tilespmem:s17+$0x41E0];
	_ =	sdelay $0x2  }
0x405: {  	v49 =	vbroadcast v34, $0x1;
	_ =	sdelay $0x1  }
0x406: {  	v35 =	vmul.f32 v35, v49;
	_ =	sdelay $0x1  }
0x407: {  	[tilespmem:s15+$0x0] =	vst v35  }
0x408: {  	v35 =	vld [tilespmem:s17+$0x41F0];
	_ =	sdelay $0x4  }
0x409: {  	v35 =	vmul.f32 v35, v49;
	_ =	sdelay $0x1  }
0x40a: {  	[tilespmem:s15+$0x10] =	vst v35  }
0x40b: {  	v35 =	vld [tilespmem:s17+$0x4200];
	_ =	sdelay $0x4  }
0x40c: {  	v35 =	vmul.f32 v35, v49;
	_ =	sdelay $0x1  }
0x40d: {  	[tilespmem:s15+$0x20] =	vst v35  }
0x40e: {  	v35 =	vld [tilespmem:s17+$0x4210];
	_ =	sdelay $0x4  }
0x40f: {  	v34 =	vmul.f32 v35, v49;
	_ =	sdelay $0x1  }
0x410: {  	s18 =	simm.s32 $0x550;
	[tilespmem:s15+$0x30] =	vst v34  }
0x411: {  	[spmem:s2] =	stream.indirect.scatter.add.f32 [tilespmem:s22], [sflag:$0x7], $0x90, s18, s26, $0xb8;
	[tilespmem:$0x1FBB0] =	vst v63  }
0x412: {  	_ =	swait.ge [sflag:s3], $0x2D00  }
0x413: {  	[sflag:s3] =	ssyncset.done $0x0  }
0x414: {  	[sflag:s3] =	ssyncadd.s32 $0xFFFFD300  }
0x415: {  	_ =	swait.ge [sflag:s19], $0x500  }
0x416: {  	[sflag:s19] =	ssyncset.done $0x0  }
0x417: {  	[sflag:s19] =	ssyncadd.s32 $0xFFFFFB00  }
0x418: {  	_ =	swait.ge [sflag:s20], $0x500  }
0x419: {  	[sflag:s20] =	ssyncset.done $0x0  }
0x41a: {  	[sflag:s20] =	ssyncadd.s32 $0xFFFFFB00  }
0x41b: {  	v50 =	vld.idx.msk [tilespmem:v1+s29+$0x0], $0xffff  }
0x41c: {  	v51 =	vld.idx.msk [tilespmem:v5+s31+$0x0], $0xffff;
	_ =	sdelay $0x4  }
0x41d: {  	v34 =	vadd.f32 v51, v50;
	_ =	sdelay $0x1  }
0x41e: {  	v35 =	vmul.f32 $2.000000030e-01, v34  }
0x41f: {  	vm0 =	vgt.f32 v34, $0.0e+00  }
0x420: {  	v34 =	vsel vm0, v34, v35  }
0x421: {  	v34 =	vmul.f32 $1.442695020e+00, v34;
	_ =	sdelay $0x1  }
0x422: {  	(erf) = vpow2.f32 v34;
	_ =	sdelay $0x8  }
0x423: {  	v34 =	vpop (erf)  }
0x424: {  	[tilespmem:v6+s22+$0x0] =	vst.idx.msk $0xffff, v34  }
0x425: {  	v34 =	vld.idx.msk [tilespmem:v7+s29+$0x0], $0xffff  }
0x426: {  	v52 =	vld.idx.msk [tilespmem:v8+s31+$0x0], $0xffff;
	_ =	sdelay $0x4  }
0x427: {  	v34 =	vadd.f32 v52, v34;
	_ =	sdelay $0x1  }
0x428: {  	v35 =	vmul.f32 $2.000000030e-01, v34  }
0x429: {  	vm7 =	vgt.f32 v34, $0.0e+00  }
0x42a: {  	v34 =	vsel vm7, v34, v35  }
0x42b: {  	v34 =	vmul.f32 $1.442695020e+00, v34;
	_ =	sdelay $0x1  }
0x42c: {  	(erf) = vpow2.f32 v34;
	_ =	sdelay $0x8  }
0x42d: {  	v34 =	vpop (erf)  }
0x42e: {  	[tilespmem:v9+s22+$0x0] =	vst.idx.msk $0xffff, v34  }
0x42f: {  	v34 =	vld.idx.msk [tilespmem:v10+s29+$0x0], $0xffff  }
0x430: {  	v53 =	vld.idx.msk [tilespmem:v11+s31+$0x0], $0xffff;
	_ =	sdelay $0x4  }
0x431: {  	v34 =	vadd.f32 v53, v34;
	_ =	sdelay $0x1  }
0x432: {  	v35 =	vmul.f32 $2.000000030e-01, v34  }
0x433: {  	vm8 =	vgt.f32 v34, $0.0e+00  }
0x434: {  	v34 =	vsel vm8, v34, v35  }
0x435: {  	v34 =	vmul.f32 $1.442695020e+00, v34;
	_ =	sdelay $0x1  }
0x436: {  	(erf) = vpow2.f32 v34;
	_ =	sdelay $0x8  }
0x437: {  	v34 =	vpop (erf)  }
0x438: {  	[tilespmem:v12+s22+$0x0] =	vst.idx.msk $0xffff, v34  }
0x439: {  	v34 =	vld.idx.msk [tilespmem:v13+s29+$0x0], $0xffff  }
0x43a: {  	v54 =	vld.idx.msk [tilespmem:v14+s31+$0x0], $0xffff;
	_ =	sdelay $0x4  }
0x43b: {  	v34 =	vadd.f32 v54, v34;
	_ =	sdelay $0x1  }
0x43c: {  	v35 =	vmul.f32 $2.000000030e-01, v34  }
0x43d: {  	vm9 =	vgt.f32 v34, $0.0e+00  }
0x43e: {  	v34 =	vsel vm9, v34, v35  }
0x43f: {  	v34 =	vmul.f32 $1.442695020e+00, v34;
	_ =	sdelay $0x1  }
0x440: {  	(erf) = vpow2.f32 v34;
	_ =	sdelay $0x8  }
0x441: {  	v34 =	vpop (erf)  }
0x442: {  	[tilespmem:v15+s22+$0x0] =	vst.idx.msk $0xffff, v34  }
0x443: {  	v34 =	vld.idx.msk [tilespmem:v16+s29+$0x0], $0xffff  }
0x444: {  	v55 =	vld.idx.msk [tilespmem:v17+s31+$0x0], $0xffff;
	_ =	sdelay $0x4  }
0x445: {  	v34 =	vadd.f32 v55, v34;
	_ =	sdelay $0x1  }
0x446: {  	v35 =	vmul.f32 $2.000000030e-01, v34  }
0x447: {  	vm10 =	vgt.f32 v34, $0.0e+00  }
0x448: {  	v34 =	vsel vm10, v34, v35  }
0x449: {  	v34 =	vmul.f32 $1.442695020e+00, v34;
	_ =	sdelay $0x1  }
0x44a: {  	(erf) = vpow2.f32 v34;
	_ =	sdelay $0x8  }
0x44b: {  	v34 =	vpop (erf)  }
0x44c: {  	[tilespmem:v18+s22+$0x0] =	vst.idx.msk $0xffff, v34  }
0x44d: {  	v34 =	vld.idx.msk [tilespmem:v19+s29+$0x0], $0xffff  }
0x44e: {  	v56 =	vld.idx.msk [tilespmem:v20+s31+$0x0], $0xffff;
	_ =	sdelay $0x4  }
0x44f: {  	v34 =	vadd.f32 v56, v34;
	_ =	sdelay $0x1  }
0x450: {  	v35 =	vmul.f32 $2.000000030e-01, v34  }
0x451: {  	vm11 =	vgt.f32 v34, $0.0e+00  }
0x452: {  	v34 =	vsel vm11, v34, v35  }
0x453: {  	v34 =	vmul.f32 $1.442695020e+00, v34;
	_ =	sdelay $0x1  }
0x454: {  	(erf) = vpow2.f32 v34;
	_ =	sdelay $0x8  }
0x455: {  	v34 =	vpop (erf)  }
0x456: {  	[tilespmem:v21+s22+$0x0] =	vst.idx.msk $0xffff, v34  }
0x457: {  	v34 =	vld.idx.msk [tilespmem:v22+s29+$0x0], $0xffff  }
0x458: {  	v57 =	vld.idx.msk [tilespmem:v23+s31+$0x0], $0xffff;
	_ =	sdelay $0x4  }
0x459: {  	v34 =	vadd.f32 v57, v34;
	_ =	sdelay $0x1  }
0x45a: {  	v35 =	vmul.f32 $2.000000030e-01, v34  }
0x45b: {  	vm12 =	vgt.f32 v34, $0.0e+00  }
0x45c: {  	v34 =	vsel vm12, v34, v35  }
0x45d: {  	v34 =	vmul.f32 $1.442695020e+00, v34;
	_ =	sdelay $0x1  }
0x45e: {  	(erf) = vpow2.f32 v34;
	_ =	sdelay $0x8  }
0x45f: {  	v34 =	vpop (erf)  }
0x460: {  	[tilespmem:v24+s22+$0x0] =	vst.idx.msk $0xffff, v34  }
0x461: {  	v34 =	vld.idx.msk [tilespmem:v25+s29+$0x0], $0xffff  }
0x462: {  	v58 =	vld.idx.msk [tilespmem:v26+s31+$0x0], $0xffff;
	_ =	sdelay $0x4  }
0x463: {  	v34 =	vadd.f32 v58, v34;
	_ =	sdelay $0x1  }
0x464: {  	v35 =	vmul.f32 $2.000000030e-01, v34  }
0x465: {  	vm13 =	vgt.f32 v34, $0.0e+00  }
0x466: {  	v34 =	vsel vm13, v34, v35  }
0x467: {  	v34 =	vmul.f32 $1.442695020e+00, v34;
	_ =	sdelay $0x1  }
0x468: {  	(erf) = vpow2.f32 v34;
	_ =	sdelay $0x8  }
0x469: {  	v34 =	vpop (erf)  }
0x46a: {  	[tilespmem:v27+s22+$0x0] =	vst.idx.msk $0xffff, v34  }
0x46b: {  	v34 =	vld.idx.msk [tilespmem:v28+s29+$0x0], $0xffff  }
0x46c: {  	v59 =	vld.idx.msk [tilespmem:v29+s31+$0x0], $0xffff;
	_ =	sdelay $0x4  }
0x46d: {  	v34 =	vadd.f32 v59, v34;
	_ =	sdelay $0x1  }
0x46e: {  	v35 =	vmul.f32 $2.000000030e-01, v34  }
0x46f: {  	vm14 =	vgt.f32 v34, $0.0e+00  }
0x470: {  	v34 =	vsel vm14, v34, v35  }
0x471: {  	v34 =	vmul.f32 $1.442695020e+00, v34;
	_ =	sdelay $0x1  }
0x472: {  	(erf) = vpow2.f32 v34;
	_ =	sdelay $0x8  }
0x473: {  	v34 =	vpop (erf)  }
0x474: {  	[tilespmem:v30+s22+$0x0] =	vst.idx.msk $0xffff, v34  }
0x475: {  	v34 =	vld.idx.msk [tilespmem:v31+s29+$0x0], $0xffff  }
0x476: {  	v60 =	vld.idx.msk [tilespmem:v32+s31+$0x0], $0xffff;
	_ =	sdelay $0x4  }
0x477: {  	v34 =	vadd.f32 v60, v34;
	_ =	sdelay $0x1  }
0x478: {  	v35 =	vmul.f32 $2.000000030e-01, v34  }
0x479: {  	vm15 =	vgt.f32 v34, $0.0e+00  }
0x47a: {  	v34 =	vsel vm15, v34, v35  }
0x47b: {  	v34 =	vmul.f32 $1.442695020e+00, v34;
	_ =	sdelay $0x1  }
0x47c: {  	(erf) = vpow2.f32 v34;
	_ =	sdelay $0x8  }
0x47d: {  	v34 =	vpop (erf)  }
0x47e: {  	[tilespmem:v33+s22+$0x0] =	vst.idx.msk $0xffff, v34  }
0x47f: {  	_ =	swait.ge [sflag:s21], $0x2800  }
0x480: {  	[sflag:s21] =	ssyncset.done $0x0  }
0x481: {  	s10 =	simm.s32 $0x69E0;
	[sflag:s21] =	ssyncadd.s32 $0xFFFFD800  }
0x482: {  	v61 =	vld [tilespmem:s10+$0x40]  }
0x483: {  	s25 =	simm.s32 $0x0  }
0x484: {  	v62 =	vld [tilespmem:s25+$0x19A0];
	_ =	sdelay $0x2  }
0x485: {  	v63 =	vbroadcast v61, $0x0;
	_ =	sdelay $0x1  }
0x486: {  	v35 =	vmul.f32 v63, v62;
	_ =	sdelay $0x1  }
0x487: {  	[tilespmem:s10+$0xFFFFFFC0] =	vst v35  }
0x488: {  	v35 =	vld [tilespmem:s25+$0x19B0];
	_ =	sdelay $0x4  }
0x489: {  	v35 =	vmul.f32 v35, v63;
	_ =	sdelay $0x1  }
0x48a: {  	[tilespmem:s10+$0xFFFFFFD0] =	vst v35  }
0x48b: {  	v35 =	vld [tilespmem:s25+$0x19C0];
	_ =	sdelay $0x4  }
0x48c: {  	v35 =	vmul.f32 v35, v63;
	_ =	sdelay $0x1  }
0x48d: {  	[tilespmem:s10+$0xFFFFFFE0] =	vst v35  }
0x48e: {  	v35 =	vld [tilespmem:s25+$0x19D0];
	_ =	sdelay $0x4  }
0x48f: {  	v35 =	vmul.f32 v35, v63;
	_ =	sdelay $0x1  }
0x490: {  	[tilespmem:s10+$0xFFFFFFF0] =	vst v35  }
0x491: {  	v35 =	vld [tilespmem:s25+$0x19E0];
	_ =	sdelay $0x2  }
0x492: {  	v34 =	vbroadcast v61, $0x1;
	_ =	sdelay $0x1  }
0x493: {  	v35 =	vmul.f32 v35, v34;
	_ =	sdelay $0x1  }
0x494: {  	[tilespmem:s10+$0x0] =	vst v35  }
0x495: {  	v35 =	vld [tilespmem:s25+$0x19F0];
	_ =	sdelay $0x4  }
0x496: {  	v35 =	vmul.f32 v35, v34;
	_ =	sdelay $0x1  }
0x497: {  	[tilespmem:s10+$0x10] =	vst v35  }
0x498: {  	v35 =	vld [tilespmem:s25+$0x1A00];
	_ =	sdelay $0x4  }
0x499: {  	v35 =	vmul.f32 v35, v34;
	_ =	sdelay $0x1  }
0x49a: {  	[tilespmem:s10+$0x20] =	vst v35  }
0x49b: {  	v35 =	vld [tilespmem:s25+$0x1A10];
	_ =	sdelay $0x4  }
0x49c: {  	s15 =	simm.s32 $0x6A70;
	v35 =	vmul.f32 v35, v34  }
0x49d: {  	s17 =	simm.s32 $0x400;
	s18 =	simm.s32 $0x200;
	v34 =	vld [tilespmem:s15+$0x40]  }
.LBB2_13:
0x49e: {  	p1 =	sne.s32 s17, $0x9E00;
	s25 =	sshra.s32 s18, $0x2;
	[tilespmem:s10+$0x30] =	vst v35;
	s10 =	smov.u32 s15  }
0x49f: {  	s18 =	smov.u32 s17;
	v35 =	vld [tilespmem:s25+$0x19A0];
	_ =	sdelay $0x2  }
0x4a0: {  	v36 =	vbroadcast v34, $0x0;
	_ =	sdelay $0x1  }
0x4a1: {  	v35 =	vmul.f32 v36, v35;
	_ =	sdelay $0x1  }
0x4a2: {  	[tilespmem:s15+$0xFFFFFFC0] =	vst v35  }
0x4a3: {  	v35 =	vld [tilespmem:s25+$0x19B0];
	_ =	sdelay $0x4  }
0x4a4: {  	v35 =	vmul.f32 v35, v36;
	_ =	sdelay $0x1  }
0x4a5: {  	[tilespmem:s15+$0xFFFFFFD0] =	vst v35  }
0x4a6: {  	v35 =	vld [tilespmem:s25+$0x19C0];
	_ =	sdelay $0x4  }
0x4a7: {  	v35 =	vmul.f32 v35, v36;
	_ =	sdelay $0x1  }
0x4a8: {  	[tilespmem:s15+$0xFFFFFFE0] =	vst v35  }
0x4a9: {  	v35 =	vld [tilespmem:s25+$0x19D0];
	_ =	sdelay $0x4  }
0x4aa: {  	v35 =	vmul.f32 v35, v36;
	_ =	sdelay $0x1  }
0x4ab: {  	[tilespmem:s15+$0xFFFFFFF0] =	vst v35  }
0x4ac: {  	v35 =	vld [tilespmem:s25+$0x19E0];
	_ =	sdelay $0x2  }
0x4ad: {  	v34 =	vbroadcast v34, $0x1;
	_ =	sdelay $0x1  }
0x4ae: {  	v35 =	vmul.f32 v35, v34;
	_ =	sdelay $0x1  }
0x4af: {  	[tilespmem:s15+$0x0] =	vst v35  }
0x4b0: {  	v35 =	vld [tilespmem:s25+$0x19F0];
	_ =	sdelay $0x4  }
0x4b1: {  	v35 =	vmul.f32 v35, v34;
	_ =	sdelay $0x1  }
0x4b2: {  	[tilespmem:s15+$0x10] =	vst v35  }
0x4b3: {  	v35 =	vld [tilespmem:s25+$0x1A00];
	_ =	sdelay $0x4  }
0x4b4: {  	v35 =	vmul.f32 v35, v34;
	_ =	sdelay $0x1  }
0x4b5: {  	[tilespmem:s15+$0x20] =	vst v35  }
0x4b6: {  	v35 =	vld [tilespmem:s25+$0x1A10];
	_ =	sdelay $0x1  }
.Ltmp7:
0x4b7: {  	(pc) =	sbr.rel @p1 .LBB2_13-.Ltmp7, $3  }
0x4b8: {  	_ =	sdelay $0x1  }
0x4b9: {  	s15 =	sadd.s32 $0x90, s15;
	v35 =	vmul.f32 v35, v34  }
0x4ba: {  	s17 =	sadd.s32 $0x200, s17;
	v34 =	vld [tilespmem:s15+$0x40]  }
0x4bb: {  	s17 =	sshra.s32 s18, $0x2;
	[tilespmem:s10+$0x30] =	vst v35  }
0x4bc: {  	v35 =	vld [tilespmem:s17+$0x19A0];
	_ =	sdelay $0x2  }
0x4bd: {  	v36 =	vbroadcast v34, $0x0;
	_ =	sdelay $0x1  }
0x4be: {  	v35 =	vmul.f32 v36, v35;
	_ =	sdelay $0x1  }
0x4bf: {  	[tilespmem:s15+$0xFFFFFFC0] =	vst v35  }
0x4c0: {  	v35 =	vld [tilespmem:s17+$0x19B0];
	_ =	sdelay $0x4  }
0x4c1: {  	v35 =	vmul.f32 v35, v36;
	_ =	sdelay $0x1  }
0x4c2: {  	[tilespmem:s15+$0xFFFFFFD0] =	vst v35  }
0x4c3: {  	v35 =	vld [tilespmem:s17+$0x19C0];
	_ =	sdelay $0x4  }
0x4c4: {  	v35 =	vmul.f32 v35, v36;
	_ =	sdelay $0x1  }
0x4c5: {  	[tilespmem:s15+$0xFFFFFFE0] =	vst v35  }
0x4c6: {  	v35 =	vld [tilespmem:s17+$0x19D0];
	_ =	sdelay $0x4  }
0x4c7: {  	v35 =	vmul.f32 v35, v36;
	_ =	sdelay $0x1  }
0x4c8: {  	[tilespmem:s15+$0xFFFFFFF0] =	vst v35  }
0x4c9: {  	v35 =	vld [tilespmem:s17+$0x19E0];
	_ =	sdelay $0x2  }
0x4ca: {  	v63 =	vbroadcast v34, $0x1;
	_ =	sdelay $0x1  }
0x4cb: {  	v35 =	vmul.f32 v35, v63;
	_ =	sdelay $0x1  }
0x4cc: {  	[tilespmem:s15+$0x0] =	vst v35  }
0x4cd: {  	v35 =	vld [tilespmem:s17+$0x19F0];
	_ =	sdelay $0x4  }
0x4ce: {  	v35 =	vmul.f32 v35, v63;
	_ =	sdelay $0x1  }
0x4cf: {  	[tilespmem:s15+$0x10] =	vst v35  }
0x4d0: {  	v35 =	vld [tilespmem:s17+$0x1A00];
	_ =	sdelay $0x4  }
0x4d1: {  	v35 =	vmul.f32 v35, v63;
	_ =	sdelay $0x1  }
0x4d2: {  	[tilespmem:s15+$0x20] =	vst v35  }
0x4d3: {  	v35 =	vld [tilespmem:s17+$0x1A10];
	_ =	sdelay $0x4  }
0x4d4: {  	s11 =	sadd.s32 $0x1, s11;
	v34 =	vmul.f32 v35, v63  }
0x4d5: {  	p1 =	sne.s32 s11, $0x19  }
.Ltmp8:
0x4d6: {  	[tilespmem:s15+$0x30] =	vst v34;
	(pc) =	sbr.rel @p1 .LBB2_4-.Ltmp8, $4  }
0x4d7: {  	[spmem:s2] =	stream.indirect.scatter.add.f32 [tilespmem:s22], [sflag:$0x7], $0x90, s14, s26, $0xb8;
	[tilespmem:$0x1FBB0] =	vst v63  }
0x4d8: {  	_ =	swait.ge [sflag:s3], $0x2D00  }
0x4d9: {  	[sflag:s3] =	ssyncset.done $0x0  }
0x4da: {  	[sflag:s3] =	ssyncadd.s32 $0xFFFFD300  }
.Ltmp9:
0x4db: {  	(pc) =	sbr.rel .LBB2_16-.Ltmp9, $3  }
0x4dc: {  	_ =	sdelay $0x1  }
0x4dd: {  	[bflag:$0x0] =	sbarrier.arrive $0xFFFF  }
0x4de: {  	s7 =	simm.s32 $0x0  }
.LBB2_20:
0x4df: {  	s7 =	sadd.s32 $0x1, s7  }
0x4e0: {  	p1 =	sne.s32 s7, $0x8  }
.Ltmp10:
0x4e1: {  	_ = 	snop;
	(pc) =	sbr.rel @!p1 .LBB2_21-.Ltmp10, $1  }
0x4e2: {  	_ =	sdelay $0x3  }
.LBB2_16:
0x4e3: {  	s10 =	sshll.u32 s7, $0x4  }
0x4e4: {  	s11 =	sor.u32 s30, s10  }
0x4e5: {  	p1 =	sgt.u32 s11, $0x7C  }
.Ltmp11:
0x4e6: {  	_ = 	snop;
	(pc) =	sbr.rel @p1 .LBB2_20-.Ltmp11, $1  }
0x4e7: {  	_ =	sdelay $0x3  }
0x4e8: {  	s10 =	smul.u32 $0x50, s11;
	_ =	sdelay $0x1  }
0x4e9: {  	s15 =	sadd.s32 s12, s10;
	s17 =	sadd.s32 $0x10, s10  }
0x4ea: {  	v35 =	vmul.u32 $0x2, v0;
	v34 =	vmov s10;
	s30 =	sadd.s32 $0x20, s10;
	v36 =	vor.u32 s15, v0;
	s25 =	sadd.s32 s12, s17  }
0x4eb: {  	v34 =	vshll.u32 v34, $0x1;
	v37 =	vmov s17;
	s18 =	sadd.s32 s12, s30;
	[tilespmem:$0x320] =	vst v36;
	v63 =	vor.u32 s25, v0  }
0x4ec: {  	v34 =	vor.u32 v35, v34;
	v62 =	vshll.u32 v37, $0x1;
	v43 =	vor.u32 s18, v0;
	[tilespmem:$0x330] =	vst v63  }
0x4ed: {  	v40 =	vmov s30;
	s25 =	sadd.s32 $0x30, s10;
	v34 =	vor.u32 v3, v34;
	v36 =	vor.u32 v35, v62;
	[tilespmem:$0x340] =	vst v43  }
0x4ee: {  	v42 =	vshll.u32 v40, $0x1;
	s10 =	sadd.s32 $0x40, s10;
	s30 =	sadd.s32 s12, s25;
	[tilespmem:$0x460] =	vst v34;
	v41 =	vor.u32 v3, v36  }
0x4ef: {  	v44 =	vmov s25;
	v48 =	vmov s10;
	s10 =	sadd.s32 s12, s10;
	v47 =	vor.u32 s30, v0;
	[tilespmem:$0x470] =	vst v41  }
0x4f0: {  	v36 =	vor.u32 v35, v42;
	v46 =	vshll.u32 v44, $0x1;
	v51 =	vor.u32 s10, v0;
	[tilespmem:$0x350] =	vst v47  }
0x4f1: {  	v50 =	vshll.u32 v48, $0x1;
	v45 =	vor.u32 v3, v36;
	v36 =	vor.u32 v35, v46;
	[tilespmem:$0x360] =	vst v51  }
0x4f2: {  	v35 =	vor.u32 v35, v50;
	[tilespmem:$0x480] =	vst v45;
	v49 =	vor.u32 v3, v36  }
0x4f3: {  	v52 =	vor.u32 v3, v35;
	[tilespmem:$0x490] =	vst v49  }
0x4f4: {  	s17 =	smul.u32 $0xB400, s11;
	[tilespmem:$0x4A0] =	vst v52  }
0x4f5: {  	[tilespmem:s29], [sflag:$0x1] =	stream.indirect.gather [hbm4b:s4+s26], $0x10, s28, s26, $0xb8;
	[tilespmem:$0x1FBB0] =	vst v63  }
0x4f6: {  	s10 =	sshra.s32 s17, $0x2  }
0x4f7: {  	[tilespmem:s24], [sflag:$0x3] =	stream.indirect.gather [hbm4b:s1+s26], $0x80, s0, s26, $0xb8;
	[tilespmem:$0x1FBB0] =	vst v63  }
0x4f8: {  	s18 =	simm.s32 $0x9;
	s10 =	sadd.s32 s10, s2  }
0x4f9: {  	[tilespmem:s22], [sflag:$0x9] =	stream.linear.gather [spmem:s10], $0x2D00, $0x38;
	[tilespmem:$0x1FBB0] =	vst v63  }
0x4fa: {  	_ =	swait.ge [sflag:s18], $0x2D00  }
0x4fb: {  	[sflag:s18] =	ssyncset.done $0x0  }
0x4fc: {  	[sflag:s18] =	ssyncadd.s32 $0xFFFFD300  }
0x4fd: {  	_ =	swait.ge [sflag:s19], $0x500  }
0x4fe: {  	[sflag:s19] =	ssyncset.done $0x0  }
0x4ff: {  	[sflag:s19] =	ssyncadd.s32 $0xFFFFFB00  }
0x500: {  	_ =	swait.ge [sflag:s20], $0x2800  }
0x501: {  	[sflag:s20] =	ssyncset.done $0x0  }
0x502: {  	[sflag:s20] =	ssyncadd.s32 $0xFFFFD800  }
0x503: {  	v53 =	vld.idx.msk [tilespmem:v1+s29+$0x0], $0xffff  }
0x504: {  	v54 =	vld.idx.msk [tilespmem:v5+s29+$0x0], $0xffff;
	_ =	sdelay $0x4  }
0x505: {  	v34 =	vadd.f32 v54, v53;
	_ =	sdelay $0x1  }
0x506: {  	v35 =	vmul.f32 $2.000000030e-01, v34  }
0x507: {  	vm0 =	vgt.f32 v34, $0.0e+00  }
0x508: {  	v34 =	vsel vm0, v34, v35  }
0x509: {  	v34 =	vmul.f32 $1.442695020e+00, v34;
	_ =	sdelay $0x1  }
0x50a: {  	(erf) = vpow2.f32 v34;
	_ =	sdelay $0x4  }
0x50b: {  	v55 =	vld.idx.msk [tilespmem:v6+s22+$0x0], $0xffff;
	_ =	sdelay $0x3  }
0x50c: {  	v56 =	vpop (erf)  }
0x50d: {  	v34 =	vadd.f32 v56, v55;
	_ =	sdelay $0x1  }
0x50e: {  	v34 =	vadd.f32 $1.000000020e-16, v34;
	_ =	sdelay $0x1  }
0x50f: {  	(erf) = vrcp.f32 v34;
	_ =	sdelay $0x8  }
0x510: {  	[tilespmem:v1+s6+$0x0] =	vst.idx.msk $0xffff, v56;
	v34 =	vpop (erf)  }
0x511: {  	[tilespmem:v5+s6+$0x0] =	vst.idx.msk $0xffff, v34  }
0x512: {  	v34 =	vld.idx.msk [tilespmem:v7+s29+$0x0], $0xffff  }
0x513: {  	v35 =	vld.idx.msk [tilespmem:v8+s29+$0x0], $0xffff;
	_ =	sdelay $0x4  }
0x514: {  	v34 =	vadd.f32 v35, v34;
	_ =	sdelay $0x1  }
0x515: {  	v35 =	vmul.f32 $2.000000030e-01, v34  }
0x516: {  	vm7 =	vgt.f32 v34, $0.0e+00  }
0x517: {  	v34 =	vsel vm7, v34, v35  }
0x518: {  	v34 =	vmul.f32 $1.442695020e+00, v34;
	_ =	sdelay $0x1  }
0x519: {  	(erf) = vpow2.f32 v34;
	_ =	sdelay $0x4  }
0x51a: {  	v57 =	vld.idx.msk [tilespmem:v9+s22+$0x0], $0xffff;
	_ =	sdelay $0x3  }
0x51b: {  	v58 =	vpop (erf)  }
0x51c: {  	v34 =	vadd.f32 v58, v57;
	_ =	sdelay $0x1  }
0x51d: {  	v34 =	vadd.f32 $1.000000020e-16, v34;
	_ =	sdelay $0x1  }
0x51e: {  	(erf) = vrcp.f32 v34;
	_ =	sdelay $0x8  }
0x51f: {  	[tilespmem:v7+s6+$0x0] =	vst.idx.msk $0xffff, v58;
	v34 =	vpop (erf)  }
0x520: {  	[tilespmem:v8+s6+$0x0] =	vst.idx.msk $0xffff, v34  }
0x521: {  	v34 =	vld.idx.msk [tilespmem:v10+s29+$0x0], $0xffff  }
0x522: {  	v35 =	vld.idx.msk [tilespmem:v11+s29+$0x0], $0xffff;
	_ =	sdelay $0x4  }
0x523: {  	v34 =	vadd.f32 v35, v34;
	_ =	sdelay $0x1  }
0x524: {  	v35 =	vmul.f32 $2.000000030e-01, v34  }
0x525: {  	vm8 =	vgt.f32 v34, $0.0e+00  }
0x526: {  	v34 =	vsel vm8, v34, v35  }
0x527: {  	v34 =	vmul.f32 $1.442695020e+00, v34;
	_ =	sdelay $0x1  }
0x528: {  	(erf) = vpow2.f32 v34;
	_ =	sdelay $0x4  }
0x529: {  	v59 =	vld.idx.msk [tilespmem:v12+s22+$0x0], $0xffff;
	_ =	sdelay $0x3  }
0x52a: {  	v60 =	vpop (erf)  }
0x52b: {  	v34 =	vadd.f32 v60, v59;
	_ =	sdelay $0x1  }
0x52c: {  	v34 =	vadd.f32 $1.000000020e-16, v34;
	_ =	sdelay $0x1  }
0x52d: {  	(erf) = vrcp.f32 v34;
	_ =	sdelay $0x8  }
0x52e: {  	[tilespmem:v10+s6+$0x0] =	vst.idx.msk $0xffff, v60;
	v34 =	vpop (erf)  }
0x52f: {  	[tilespmem:v11+s6+$0x0] =	vst.idx.msk $0xffff, v34  }
0x530: {  	v34 =	vld.idx.msk [tilespmem:v13+s29+$0x0], $0xffff  }
0x531: {  	v35 =	vld.idx.msk [tilespmem:v14+s29+$0x0], $0xffff;
	_ =	sdelay $0x4  }
0x532: {  	v34 =	vadd.f32 v35, v34;
	_ =	sdelay $0x1  }
0x533: {  	v35 =	vmul.f32 $2.000000030e-01, v34  }
0x534: {  	vm9 =	vgt.f32 v34, $0.0e+00  }
0x535: {  	v34 =	vsel vm9, v34, v35  }
0x536: {  	v34 =	vmul.f32 $1.442695020e+00, v34;
	_ =	sdelay $0x1  }
0x537: {  	(erf) = vpow2.f32 v34;
	_ =	sdelay $0x4  }
0x538: {  	v61 =	vld.idx.msk [tilespmem:v15+s22+$0x0], $0xffff;
	_ =	sdelay $0x3  }
0x539: {  	v62 =	vpop (erf)  }
0x53a: {  	v34 =	vadd.f32 v62, v61;
	_ =	sdelay $0x1  }
0x53b: {  	v34 =	vadd.f32 $1.000000020e-16, v34;
	_ =	sdelay $0x1  }
0x53c: {  	(erf) = vrcp.f32 v34;
	_ =	sdelay $0x8  }
0x53d: {  	[tilespmem:v13+s6+$0x0] =	vst.idx.msk $0xffff, v62;
	v34 =	vpop (erf)  }
0x53e: {  	[tilespmem:v14+s6+$0x0] =	vst.idx.msk $0xffff, v34  }
0x53f: {  	v34 =	vld.idx.msk [tilespmem:v16+s29+$0x0], $0xffff  }
0x540: {  	v35 =	vld.idx.msk [tilespmem:v17+s29+$0x0], $0xffff;
	_ =	sdelay $0x4  }
0x541: {  	v34 =	vadd.f32 v35, v34;
	_ =	sdelay $0x1  }
0x542: {  	v35 =	vmul.f32 $2.000000030e-01, v34  }
0x543: {  	vm10 =	vgt.f32 v34, $0.0e+00  }
0x544: {  	v34 =	vsel vm10, v34, v35  }
0x545: {  	v34 =	vmul.f32 $1.442695020e+00, v34;
	_ =	sdelay $0x1  }
0x546: {  	(erf) = vpow2.f32 v34;
	_ =	sdelay $0x4  }
0x547: {  	v63 =	vld.idx.msk [tilespmem:v18+s22+$0x0], $0xffff;
	_ =	sdelay $0x3  }
0x548: {  	v36 =	vpop (erf)  }
0x549: {  	v34 =	vadd.f32 v36, v63;
	_ =	sdelay $0x1  }
0x54a: {  	v34 =	vadd.f32 $1.000000020e-16, v34;
	_ =	sdelay $0x1  }
0x54b: {  	(erf) = vrcp.f32 v34;
	_ =	sdelay $0x8  }
0x54c: {  	[tilespmem:v16+s6+$0x0] =	vst.idx.msk $0xffff, v36;
	v34 =	vpop (erf)  }
0x54d: {  	[tilespmem:v17+s6+$0x0] =	vst.idx.msk $0xffff, v34  }
0x54e: {  	v34 =	vld.idx.msk [tilespmem:v19+s29+$0x0], $0xffff  }
0x54f: {  	v35 =	vld.idx.msk [tilespmem:v20+s29+$0x0], $0xffff;
	_ =	sdelay $0x4  }
0x550: {  	v34 =	vadd.f32 v35, v34;
	_ =	sdelay $0x1  }
0x551: {  	v35 =	vmul.f32 $2.000000030e-01, v34  }
0x552: {  	vm11 =	vgt.f32 v34, $0.0e+00  }
0x553: {  	v34 =	vsel vm11, v34, v35  }
0x554: {  	v34 =	vmul.f32 $1.442695020e+00, v34;
	_ =	sdelay $0x1  }
0x555: {  	(erf) = vpow2.f32 v34;
	_ =	sdelay $0x4  }
0x556: {  	v37 =	vld.idx.msk [tilespmem:v21+s22+$0x0], $0xffff;
	_ =	sdelay $0x3  }
0x557: {  	v38 =	vpop (erf)  }
0x558: {  	v34 =	vadd.f32 v38, v37;
	_ =	sdelay $0x1  }
0x559: {  	v34 =	vadd.f32 $1.000000020e-16, v34;
	_ =	sdelay $0x1  }
0x55a: {  	(erf) = vrcp.f32 v34;
	_ =	sdelay $0x8  }
0x55b: {  	[tilespmem:v19+s6+$0x0] =	vst.idx.msk $0xffff, v38;
	v34 =	vpop (erf)  }
0x55c: {  	[tilespmem:v20+s6+$0x0] =	vst.idx.msk $0xffff, v34  }
0x55d: {  	v34 =	vld.idx.msk [tilespmem:v22+s29+$0x0], $0xffff  }
0x55e: {  	v35 =	vld.idx.msk [tilespmem:v23+s29+$0x0], $0xffff;
	_ =	sdelay $0x4  }
0x55f: {  	v34 =	vadd.f32 v35, v34;
	_ =	sdelay $0x1  }
0x560: {  	v35 =	vmul.f32 $2.000000030e-01, v34  }
0x561: {  	vm12 =	vgt.f32 v34, $0.0e+00  }
0x562: {  	v34 =	vsel vm12, v34, v35  }
0x563: {  	v34 =	vmul.f32 $1.442695020e+00, v34;
	_ =	sdelay $0x1  }
0x564: {  	(erf) = vpow2.f32 v34;
	_ =	sdelay $0x4  }
0x565: {  	v39 =	vld.idx.msk [tilespmem:v24+s22+$0x0], $0xffff;
	_ =	sdelay $0x3  }
0x566: {  	v40 =	vpop (erf)  }
0x567: {  	v34 =	vadd.f32 v40, v39;
	_ =	sdelay $0x1  }
0x568: {  	v34 =	vadd.f32 $1.000000020e-16, v34;
	_ =	sdelay $0x1  }
0x569: {  	(erf) = vrcp.f32 v34;
	_ =	sdelay $0x8  }
0x56a: {  	[tilespmem:v22+s6+$0x0] =	vst.idx.msk $0xffff, v40;
	v34 =	vpop (erf)  }
0x56b: {  	[tilespmem:v23+s6+$0x0] =	vst.idx.msk $0xffff, v34  }
0x56c: {  	v34 =	vld.idx.msk [tilespmem:v25+s29+$0x0], $0xffff  }
0x56d: {  	v35 =	vld.idx.msk [tilespmem:v26+s29+$0x0], $0xffff;
	_ =	sdelay $0x4  }
0x56e: {  	v34 =	vadd.f32 v35, v34;
	_ =	sdelay $0x1  }
0x56f: {  	v35 =	vmul.f32 $2.000000030e-01, v34  }
0x570: {  	vm13 =	vgt.f32 v34, $0.0e+00  }
0x571: {  	v34 =	vsel vm13, v34, v35  }
0x572: {  	v34 =	vmul.f32 $1.442695020e+00, v34;
	_ =	sdelay $0x1  }
0x573: {  	(erf) = vpow2.f32 v34;
	_ =	sdelay $0x4  }
0x574: {  	v41 =	vld.idx.msk [tilespmem:v27+s22+$0x0], $0xffff;
	_ =	sdelay $0x3  }
0x575: {  	v42 =	vpop (erf)  }
0x576: {  	v34 =	vadd.f32 v42, v41;
	_ =	sdelay $0x1  }
0x577: {  	v34 =	vadd.f32 $1.000000020e-16, v34;
	_ =	sdelay $0x1  }
0x578: {  	(erf) = vrcp.f32 v34;
	_ =	sdelay $0x8  }
0x579: {  	[tilespmem:v25+s6+$0x0] =	vst.idx.msk $0xffff, v42;
	v34 =	vpop (erf)  }
0x57a: {  	[tilespmem:v26+s6+$0x0] =	vst.idx.msk $0xffff, v34  }
0x57b: {  	v34 =	vld.idx.msk [tilespmem:v28+s29+$0x0], $0xffff  }
0x57c: {  	v35 =	vld.idx.msk [tilespmem:v29+s29+$0x0], $0xffff;
	_ =	sdelay $0x4  }
0x57d: {  	v34 =	vadd.f32 v35, v34;
	_ =	sdelay $0x1  }
0x57e: {  	v35 =	vmul.f32 $2.000000030e-01, v34  }
0x57f: {  	vm14 =	vgt.f32 v34, $0.0e+00  }
0x580: {  	v34 =	vsel vm14, v34, v35  }
0x581: {  	v34 =	vmul.f32 $1.442695020e+00, v34;
	_ =	sdelay $0x1  }
0x582: {  	(erf) = vpow2.f32 v34;
	_ =	sdelay $0x4  }
0x583: {  	v43 =	vld.idx.msk [tilespmem:v30+s22+$0x0], $0xffff;
	_ =	sdelay $0x3  }
0x584: {  	v44 =	vpop (erf)  }
0x585: {  	v34 =	vadd.f32 v44, v43;
	_ =	sdelay $0x1  }
0x586: {  	v34 =	vadd.f32 $1.000000020e-16, v34;
	_ =	sdelay $0x1  }
0x587: {  	(erf) = vrcp.f32 v34;
	_ =	sdelay $0x8  }
0x588: {  	[tilespmem:v28+s6+$0x0] =	vst.idx.msk $0xffff, v44;
	v34 =	vpop (erf)  }
0x589: {  	[tilespmem:v29+s6+$0x0] =	vst.idx.msk $0xffff, v34  }
0x58a: {  	v34 =	vld.idx.msk [tilespmem:v31+s29+$0x0], $0xffff  }
0x58b: {  	v35 =	vld.idx.msk [tilespmem:v32+s29+$0x0], $0xffff;
	_ =	sdelay $0x4  }
0x58c: {  	v34 =	vadd.f32 v35, v34;
	_ =	sdelay $0x1  }
0x58d: {  	v35 =	vmul.f32 $2.000000030e-01, v34  }
0x58e: {  	vm15 =	vgt.f32 v34, $0.0e+00  }
0x58f: {  	v34 =	vsel vm15, v34, v35  }
0x590: {  	v34 =	vmul.f32 $1.442695020e+00, v34;
	_ =	sdelay $0x1  }
0x591: {  	(erf) = vpow2.f32 v34;
	_ =	sdelay $0x4  }
0x592: {  	v45 =	vld.idx.msk [tilespmem:v33+s22+$0x0], $0xffff;
	_ =	sdelay $0x3  }
0x593: {  	v46 =	vpop (erf)  }
0x594: {  	v34 =	vadd.f32 v46, v45;
	_ =	sdelay $0x1  }
0x595: {  	v34 =	vadd.f32 $1.000000020e-16, v34;
	_ =	sdelay $0x1  }
0x596: {  	(erf) = vrcp.f32 v34;
	_ =	sdelay $0x8  }
0x597: {  	[tilespmem:v31+s6+$0x0] =	vst.idx.msk $0xffff, v46;
	v34 =	vpop (erf)  }
0x598: {  	s25 =	simm.s32 $0x0;
	[tilespmem:v32+s6+$0x0] =	vst.idx.msk $0xffff, v34  }
0x599: {  	v34 =	vld [tilespmem:s25+$0x96A0]  }
0x59a: {  	s10 =	simm.s32 $0x19E0  }
0x59b: {  	v35 =	vld [tilespmem:s10+$0xFFFFFFC0]  }
0x59c: {  	s30 =	simm.s32 $0x69E0  }
0x59d: {  	v47 =	vld [tilespmem:s30+$0xFFFFFFC0]  }
0x59e: {  	v48 =	vbroadcast v34, $0x0;
	_ =	sdelay $0x1  }
0x59f: {  	v35 =	vmul.f32 v35, v48  }
0x5a0: {  	v38 =	vld [tilespmem:$0x9BA0]  }
0x5a1: {  	v49 =	vbroadcast v34, $0x2;
	v35 =	vadd.f32 v35, v47;
	_ =	sdelay $0x1  }
0x5a2: {  	v35 =	vmul.f32 v35, v49;
	_ =	sdelay $0x1  }
0x5a3: {  	v35 =	vadd.f32 v35, v38;
	_ =	sdelay $0x1  }
0x5a4: {  	v50 =	vld [tilespmem:s10+$0xFFFFFFD0];
	v35 =	vmax.f32 v35, $0.0e+00  }
0x5a5: {  	[tilespmem:s10+$0xFFFFFFC0] =	vst v35  }
0x5a6: {  	v35 =	vld [tilespmem:s30+$0xFFFFFFD0];
	_ =	sdelay $0x2  }
0x5a7: {  	v38 =	vmul.f32 v50, v48  }
0x5a8: {  	v39 =	vld [tilespmem:$0x9BB0]  }
0x5a9: {  	v35 =	vadd.f32 v38, v35;
	_ =	sdelay $0x1  }
0x5aa: {  	v35 =	vmul.f32 v35, v49;
	_ =	sdelay $0x1  }
0x5ab: {  	v35 =	vadd.f32 v35, v39;
	_ =	sdelay $0x1  }
0x5ac: {  	v51 =	vld [tilespmem:s10+$0xFFFFFFE0];
	v35 =	vmax.f32 v35, $0.0e+00  }
0x5ad: {  	[tilespmem:s10+$0xFFFFFFD0] =	vst v35  }
0x5ae: {  	v35 =	vld [tilespmem:s30+$0xFFFFFFE0];
	_ =	sdelay $0x2  }
0x5af: {  	v38 =	vmul.f32 v51, v48  }
0x5b0: {  	v52 =	vld [tilespmem:$0x9BC0]  }
0x5b1: {  	v35 =	vadd.f32 v38, v35;
	_ =	sdelay $0x1  }
0x5b2: {  	v35 =	vmul.f32 v35, v49;
	_ =	sdelay $0x1  }
0x5b3: {  	v35 =	vadd.f32 v35, v52;
	_ =	sdelay $0x1  }
0x5b4: {  	v53 =	vld [tilespmem:s10+$0xFFFFFFF0];
	v35 =	vmax.f32 v35, $0.0e+00  }
0x5b5: {  	[tilespmem:s10+$0xFFFFFFE0] =	vst v35  }
0x5b6: {  	v35 =	vld [tilespmem:s30+$0xFFFFFFF0];
	_ =	sdelay $0x2  }
0x5b7: {  	v37 =	vmul.f32 v53, v48  }
0x5b8: {  	v54 =	vld [tilespmem:$0x9BD0]  }
0x5b9: {  	v35 =	vadd.f32 v37, v35;
	_ =	sdelay $0x1  }
0x5ba: {  	v35 =	vmul.f32 v35, v49;
	_ =	sdelay $0x1  }
0x5bb: {  	v35 =	vadd.f32 v35, v54;
	_ =	sdelay $0x1  }
0x5bc: {  	v55 =	vld [tilespmem:s10+$0x0];
	v35 =	vmax.f32 v35, $0.0e+00  }
0x5bd: {  	[tilespmem:s10+$0xFFFFFFF0] =	vst v35  }
0x5be: {  	v35 =	vld [tilespmem:s30+$0x0]  }
0x5bf: {  	v56 =	vbroadcast v34, $0x1;
	_ =	sdelay $0x1  }
0x5c0: {  	v36 =	vmul.f32 v55, v56  }
0x5c1: {  	v57 =	vld [tilespmem:$0x9BE0]  }
0x5c2: {  	v34 =	vbroadcast v34, $0x3;
	v35 =	vadd.f32 v36, v35;
	_ =	sdelay $0x1  }
0x5c3: {  	v35 =	vmul.f32 v35, v34;
	_ =	sdelay $0x1  }
0x5c4: {  	v35 =	vadd.f32 v35, v57;
	_ =	sdelay $0x1  }
0x5c5: {  	v58 =	vld [tilespmem:s10+$0x10];
	v35 =	vmax.f32 v35, $0.0e+00  }
0x5c6: {  	[tilespmem:s10+$0x0] =	vst v35  }
0x5c7: {  	v35 =	vld [tilespmem:s30+$0x10];
	_ =	sdelay $0x2  }
0x5c8: {  	v36 =	vmul.f32 v58, v56  }
0x5c9: {  	v59 =	vld [tilespmem:$0x9BF0]  }
0x5ca: {  	v35 =	vadd.f32 v36, v35;
	_ =	sdelay $0x1  }
0x5cb: {  	v35 =	vmul.f32 v35, v34;
	_ =	sdelay $0x1  }
0x5cc: {  	v35 =	vadd.f32 v35, v59;
	_ =	sdelay $0x1  }
0x5cd: {  	v60 =	vld [tilespmem:s10+$0x20];
	v35 =	vmax.f32 v35, $0.0e+00  }
0x5ce: {  	[tilespmem:s10+$0x10] =	vst v35  }
0x5cf: {  	v35 =	vld [tilespmem:s30+$0x20];
	_ =	sdelay $0x2  }
0x5d0: {  	v36 =	vmul.f32 v60, v56  }
0x5d1: {  	v61 =	vld [tilespmem:$0x9C00]  }
0x5d2: {  	v35 =	vadd.f32 v36, v35;
	_ =	sdelay $0x1  }
0x5d3: {  	v35 =	vmul.f32 v35, v34;
	_ =	sdelay $0x1  }
0x5d4: {  	v35 =	vadd.f32 v35, v61;
	_ =	sdelay $0x1  }
0x5d5: {  	v62 =	vld [tilespmem:s10+$0x30];
	v35 =	vmax.f32 v35, $0.0e+00  }
0x5d6: {  	[tilespmem:s10+$0x20] =	vst v35  }
0x5d7: {  	v35 =	vld [tilespmem:s30+$0x30];
	_ =	sdelay $0x2  }
0x5d8: {  	v36 =	vmul.f32 v62, v56  }
0x5d9: {  	v63 =	vld [tilespmem:$0x9C10]  }
0x5da: {  	v35 =	vadd.f32 v36, v35;
	_ =	sdelay $0x1  }
0x5db: {  	v34 =	vmul.f32 v35, v34;
	_ =	sdelay $0x1  }
0x5dc: {  	v34 =	vadd.f32 v34, v63;
	_ =	sdelay $0x1  }
0x5dd: {  	s15 =	simm.s32 $0x6A70;
	s17 =	simm.s32 $0x40;
	s25 =	simm.s32 $0x80;
	v34 =	vmax.f32 v34, $0.0e+00  }
.LBB2_18:
0x5de: {  	s30 =	sshra.s32 s17, $0x2  }
0x5df: {  	[tilespmem:s10+$0x30] =	vst v34;
	s10 =	sadd.s32 $0x80, s10;
	s17 =	smov.u32 s25;
	s18 =	sadd.s32 $0x40, s25  }
0x5e0: {  	p1 =	sne.s32 s25, $0x13C0;
	v35 =	vld [tilespmem:s30+$0x96A0];
	_ =	sdelay $0x1  }
0x5e1: {  	v36 =	vld [tilespmem:s10+$0xFFFFFFC0];
	_ =	sdelay $0x1  }
0x5e2: {  	v37 =	vld [tilespmem:s15+$0xFFFFFFC0]  }
0x5e3: {  	v38 =	vbroadcast v35, $0x0;
	v34 =	vbroadcast v35, $0x1;
	_ =	sdelay $0x1  }
0x5e4: {  	v36 =	vmul.f32 v36, v38  }
0x5e5: {  	v39 =	vld [tilespmem:$0x9BA0]  }
0x5e6: {  	v36 =	vadd.f32 v36, v37;
	v37 =	vbroadcast v35, $0x2;
	_ =	sdelay $0x1  }
0x5e7: {  	v36 =	vmul.f32 v36, v37;
	_ =	sdelay $0x1  }
0x5e8: {  	v36 =	vadd.f32 v36, v39;
	_ =	sdelay $0x1  }
0x5e9: {  	v36 =	vmax.f32 v36, $0.0e+00;
	v39 =	vld [tilespmem:s10+$0xFFFFFFD0]  }
0x5ea: {  	[tilespmem:s10+$0xFFFFFFC0] =	vst v36  }
0x5eb: {  	v36 =	vld [tilespmem:s15+$0xFFFFFFD0];
	_ =	sdelay $0x2  }
0x5ec: {  	v39 =	vmul.f32 v39, v38  }
0x5ed: {  	v40 =	vld [tilespmem:$0x9BB0]  }
0x5ee: {  	v36 =	vadd.f32 v39, v36;
	_ =	sdelay $0x1  }
0x5ef: {  	v36 =	vmul.f32 v36, v37;
	_ =	sdelay $0x1  }
0x5f0: {  	v36 =	vadd.f32 v36, v40;
	_ =	sdelay $0x1  }
0x5f1: {  	v36 =	vmax.f32 v36, $0.0e+00;
	v39 =	vld [tilespmem:s10+$0xFFFFFFE0]  }
0x5f2: {  	[tilespmem:s10+$0xFFFFFFD0] =	vst v36  }
0x5f3: {  	v36 =	vld [tilespmem:s15+$0xFFFFFFE0];
	_ =	sdelay $0x2  }
0x5f4: {  	v39 =	vmul.f32 v39, v38  }
0x5f5: {  	v40 =	vld [tilespmem:$0x9BC0]  }
0x5f6: {  	v36 =	vadd.f32 v39, v36;
	_ =	sdelay $0x1  }
0x5f7: {  	v36 =	vmul.f32 v36, v37;
	_ =	sdelay $0x1  }
0x5f8: {  	v36 =	vadd.f32 v36, v40;
	_ =	sdelay $0x1  }
0x5f9: {  	v36 =	vmax.f32 v36, $0.0e+00;
	v39 =	vld [tilespmem:s10+$0xFFFFFFF0]  }
0x5fa: {  	[tilespmem:s10+$0xFFFFFFE0] =	vst v36  }
0x5fb: {  	v36 =	vld [tilespmem:s15+$0xFFFFFFF0];
	_ =	sdelay $0x2  }
0x5fc: {  	v38 =	vmul.f32 v39, v38  }
0x5fd: {  	v39 =	vld [tilespmem:$0x9BD0]  }
0x5fe: {  	v36 =	vadd.f32 v38, v36;
	_ =	sdelay $0x1  }
0x5ff: {  	v36 =	vmul.f32 v36, v37;
	_ =	sdelay $0x1  }
0x600: {  	v36 =	vadd.f32 v36, v39;
	_ =	sdelay $0x1  }
0x601: {  	v36 =	vmax.f32 v36, $0.0e+00;
	v37 =	vld [tilespmem:s10+$0x0]  }
0x602: {  	[tilespmem:s10+$0xFFFFFFF0] =	vst v36  }
0x603: {  	v36 =	vld [tilespmem:s15+$0x0];
	_ =	sdelay $0x2  }
0x604: {  	v37 =	vmul.f32 v37, v34  }
0x605: {  	v38 =	vld [tilespmem:$0x9BE0]  }
0x606: {  	v35 =	vbroadcast v35, $0x3;
	v36 =	vadd.f32 v37, v36;
	_ =	sdelay $0x1  }
0x607: {  	v36 =	vmul.f32 v36, v35;
	_ =	sdelay $0x1  }
0x608: {  	v36 =	vadd.f32 v36, v38;
	_ =	sdelay $0x1  }
0x609: {  	v36 =	vmax.f32 v36, $0.0e+00;
	v37 =	vld [tilespmem:s10+$0x10]  }
0x60a: {  	[tilespmem:s10+$0x0] =	vst v36  }
0x60b: {  	v36 =	vld [tilespmem:s15+$0x10]  }
0x60c: {  	v38 =	vld [tilespmem:$0x9BF0];
	_ =	sdelay $0x1  }
0x60d: {  	v37 =	vmul.f32 v37, v34;
	_ =	sdelay $0x1  }
0x60e: {  	v36 =	vadd.f32 v37, v36;
	_ =	sdelay $0x1  }
0x60f: {  	v36 =	vmul.f32 v36, v35;
	_ =	sdelay $0x1  }
0x610: {  	v36 =	vadd.f32 v36, v38;
	_ =	sdelay $0x1  }
0x611: {  	v36 =	vmax.f32 v36, $0.0e+00;
	v37 =	vld [tilespmem:s10+$0x20]  }
0x612: {  	[tilespmem:s10+$0x10] =	vst v36  }
0x613: {  	v36 =	vld [tilespmem:s15+$0x20]  }
0x614: {  	v38 =	vld [tilespmem:$0x9C00];
	_ =	sdelay $0x1  }
0x615: {  	v37 =	vmul.f32 v37, v34;
	_ =	sdelay $0x1  }
0x616: {  	v36 =	vadd.f32 v37, v36;
	_ =	sdelay $0x1  }
0x617: {  	v36 =	vmul.f32 v36, v35;
	_ =	sdelay $0x1  }
0x618: {  	v36 =	vadd.f32 v36, v38;
	_ =	sdelay $0x1  }
0x619: {  	v36 =	vmax.f32 v36, $0.0e+00;
	v37 =	vld [tilespmem:s10+$0x30]  }
0x61a: {  	[tilespmem:s10+$0x20] =	vst v36  }
0x61b: {  	v36 =	vld [tilespmem:s15+$0x30]  }
0x61c: {  	v38 =	vld [tilespmem:$0x9C10];
	_ =	sdelay $0x1  }
0x61d: {  	v34 =	vmul.f32 v37, v34;
	_ =	sdelay $0x1  }
0x61e: {  	v34 =	vadd.f32 v34, v36;
	_ =	sdelay $0x1  }
.Ltmp12:
0x61f: {  	v34 =	vmul.f32 v34, v35;
	(pc) =	sbr.rel @p1 .LBB2_18-.Ltmp12, $3  }
0x620: {  	_ = 	snop  }
0x621: {  	v34 =	vadd.f32 v34, v38;
	_ =	sdelay $0x1  }
0x622: {  	s25 =	smov.u32 s18;
	s15 =	sadd.s32 $0x90, s15;
	v34 =	vmax.f32 v34, $0.0e+00  }
0x623: {  	s17 =	sshra.s32 s17, $0x2;
	[tilespmem:s10+$0x30] =	vst v34  }
0x624: {  	v34 =	vld [tilespmem:s17+$0x96A0]  }
0x625: {  	s18 =	sadd.s32 $0x80, s10  }
0x626: {  	v35 =	vld [tilespmem:s18+$0xFFFFFFC0];
	_ =	sdelay $0x1  }
0x627: {  	v36 =	vld [tilespmem:s15+$0xFFFFFFC0]  }
0x628: {  	v37 =	vbroadcast v34, $0x0;
	_ =	sdelay $0x1  }
0x629: {  	v35 =	vmul.f32 v35, v37  }
0x62a: {  	v38 =	vld [tilespmem:$0x9BA0]  }
0x62b: {  	v49 =	vbroadcast v34, $0x2;
	v35 =	vadd.f32 v35, v36;
	_ =	sdelay $0x1  }
0x62c: {  	v35 =	vmul.f32 v35, v49;
	_ =	sdelay $0x1  }
0x62d: {  	v35 =	vadd.f32 v35, v38;
	_ =	sdelay $0x1  }
0x62e: {  	v50 =	vld [tilespmem:s18+$0xFFFFFFD0];
	v35 =	vmax.f32 v35, $0.0e+00  }
0x62f: {  	[tilespmem:s18+$0xFFFFFFC0] =	vst v35  }
0x630: {  	v35 =	vld [tilespmem:s15+$0xFFFFFFD0];
	_ =	sdelay $0x2  }
0x631: {  	v38 =	vmul.f32 v50, v37  }
0x632: {  	v39 =	vld [tilespmem:$0x9BB0]  }
0x633: {  	v35 =	vadd.f32 v38, v35;
	_ =	sdelay $0x1  }
0x634: {  	v35 =	vmul.f32 v35, v49;
	_ =	sdelay $0x1  }
0x635: {  	v35 =	vadd.f32 v35, v39;
	_ =	sdelay $0x1  }
0x636: {  	v51 =	vld [tilespmem:s18+$0xFFFFFFE0];
	v35 =	vmax.f32 v35, $0.0e+00  }
0x637: {  	[tilespmem:s18+$0xFFFFFFD0] =	vst v35  }
0x638: {  	v35 =	vld [tilespmem:s15+$0xFFFFFFE0];
	_ =	sdelay $0x2  }
0x639: {  	v38 =	vmul.f32 v51, v37  }
0x63a: {  	v52 =	vld [tilespmem:$0x9BC0]  }
0x63b: {  	v35 =	vadd.f32 v38, v35;
	_ =	sdelay $0x1  }
0x63c: {  	v35 =	vmul.f32 v35, v49;
	_ =	sdelay $0x1  }
0x63d: {  	v35 =	vadd.f32 v35, v52;
	_ =	sdelay $0x1  }
0x63e: {  	v53 =	vld [tilespmem:s18+$0xFFFFFFF0];
	v35 =	vmax.f32 v35, $0.0e+00  }
0x63f: {  	[tilespmem:s18+$0xFFFFFFE0] =	vst v35  }
0x640: {  	v35 =	vld [tilespmem:s15+$0xFFFFFFF0];
	_ =	sdelay $0x2  }
0x641: {  	v37 =	vmul.f32 v53, v37  }
0x642: {  	v54 =	vld [tilespmem:$0x9BD0]  }
0x643: {  	v35 =	vadd.f32 v37, v35;
	_ =	sdelay $0x1  }
0x644: {  	v35 =	vmul.f32 v35, v49;
	_ =	sdelay $0x1  }
0x645: {  	v35 =	vadd.f32 v35, v54;
	_ =	sdelay $0x1  }
0x646: {  	v55 =	vld [tilespmem:s18+$0x0];
	v35 =	vmax.f32 v35, $0.0e+00  }
0x647: {  	[tilespmem:s18+$0xFFFFFFF0] =	vst v35  }
0x648: {  	v35 =	vld [tilespmem:s15+$0x0]  }
0x649: {  	v56 =	vbroadcast v34, $0x1;
	_ =	sdelay $0x1  }
0x64a: {  	v36 =	vmul.f32 v55, v56  }
0x64b: {  	v57 =	vld [tilespmem:$0x9BE0]  }
0x64c: {  	v34 =	vbroadcast v34, $0x3;
	v35 =	vadd.f32 v36, v35;
	_ =	sdelay $0x1  }
0x64d: {  	v35 =	vmul.f32 v35, v34;
	_ =	sdelay $0x1  }
0x64e: {  	v35 =	vadd.f32 v35, v57;
	_ =	sdelay $0x1  }
0x64f: {  	v58 =	vld [tilespmem:s18+$0x10];
	v35 =	vmax.f32 v35, $0.0e+00  }
0x650: {  	[tilespmem:s18+$0x0] =	vst v35  }
0x651: {  	v35 =	vld [tilespmem:s15+$0x10];
	_ =	sdelay $0x2  }
0x652: {  	v36 =	vmul.f32 v58, v56  }
0x653: {  	v59 =	vld [tilespmem:$0x9BF0]  }
0x654: {  	v35 =	vadd.f32 v36, v35;
	_ =	sdelay $0x1  }
0x655: {  	v35 =	vmul.f32 v35, v34;
	_ =	sdelay $0x1  }
0x656: {  	v35 =	vadd.f32 v35, v59;
	_ =	sdelay $0x1  }
0x657: {  	v60 =	vld [tilespmem:s18+$0x20];
	v35 =	vmax.f32 v35, $0.0e+00  }
0x658: {  	[tilespmem:s18+$0x10] =	vst v35  }
0x659: {  	v35 =	vld [tilespmem:s15+$0x20];
	_ =	sdelay $0x2  }
0x65a: {  	v36 =	vmul.f32 v60, v56  }
0x65b: {  	v61 =	vld [tilespmem:$0x9C00]  }
0x65c: {  	v35 =	vadd.f32 v36, v35;
	_ =	sdelay $0x1  }
0x65d: {  	v35 =	vmul.f32 v35, v34;
	_ =	sdelay $0x1  }
0x65e: {  	v35 =	vadd.f32 v35, v61;
	_ =	sdelay $0x1  }
0x65f: {  	v62 =	vld [tilespmem:s18+$0x30];
	v35 =	vmax.f32 v35, $0.0e+00  }
0x660: {  	[tilespmem:s18+$0x20] =	vst v35  }
0x661: {  	v35 =	vld [tilespmem:s15+$0x30];
	_ =	sdelay $0x2  }
0x662: {  	v36 =	vmul.f32 v62, v56  }
0x663: {  	v63 =	vld [tilespmem:$0x9C10]  }
0x664: {  	v35 =	vadd.f32 v36, v35;
	_ =	sdelay $0x1  }
0x665: {  	v34 =	vmul.f32 v35, v34  }
0x666: {  	s11 =	smul.u32 $0x5000, s11  }
0x667: {  	s25 =	rddreg [dreg:$0x9];
	v34 =	vadd.f32 v34, v63  }
0x668: {  	s11 =	sor.u32 s25, s11  }
0x669: {  	s17 =	rddreg [dreg:$0x8];
	s25 =	simm.s32 $0x100;
	s11 =	sshrl.u32 s11, $0x3;
	v34 =	vmax.f32 v34, $0.0e+00  }
.Ltmp13:
0x66a: {  	s10 =	sadd.s32 s17, s11;
	[tilespmem:s18+$0x30] =	vst v34;
	s18 =	simm.s32 $0x80;
	(pc) =	sbr.rel .LBB2_20-.Ltmp13, $4  }
0x66b: {  	[hbm4b:s10+s18] =	stream.strided.scatter [tilespmem:s24], [sflag:$0x8], $0x2800, s25, s18, $0x38;
	[tilespmem:$0x1FBB0] =	vst v63  }
0x66c: {  	_ =	swait.ge [sflag:s23], $0x2800  }
0x66d: {  	[sflag:s23] =	ssyncset.done $0x0  }
0x66e: {  	s30 =	stileid.u32;
	[sflag:s23] =	ssyncadd.s32 $0xFFFFD800  }
.LBB2_22:
0x66f: {  	_ =	sfence.sel $0x180000  }
0x670: {  	[bflag:$0x0] =	sbarrier.arrive $0xFFFF  }
0x671: {  	_ =	strace $0x90000047  }
0x672: {  	[bflag:$0x2] =	sbarrier.arrive $0xFFFF  }
0x673: {  	p0 =	sne.s32 s30, $0x0;
	s0 =	rddreg [dreg:$0x4]  }
0x674: {  	s0 =	sadd.s32 @!p0 $0x100000, s0  }
0x675: {  	[sflag:s0] =	ssyncadd.tile.s32 @!p0 $0x1;
	_ =	shalt  }
.Lfunc_end2:
_tile_overlayer_lowered:
.L_overlay_start_2:
0x676: {  	(tag) =	ssettag $0x2  }
0x677: {  	s0 =	rddreg [dreg:$0x0];
	s2 =	stileid.u32  }
0x678: {  	s1 =	rddreg [dreg:$0x1];
	p0 =	sne.s32 s2, $0x0  }
0x679: {  	s3 =	rddreg [dreg:$0x2];
	[bflag:$0x3] =	sbarrier.arrive $0xFFFF;
	s2 =	simm.s32 @!p0 $0x1C08  }
0x67a: {  	[timem:s3], [sflag:s2] =	dma.local @!p0 [hbm:s0], s1  }
0x67b: {  	s0 =	simm.s32 @!p0 $0x8  }
0x67c: {  	_ =	swait.ge @!p0 [sflag:s0], s1  }
0x67d: {  	s1 =	ssub.s32 @!p0 $0x0, s1;
	[sflag:s0] =	ssyncset.done @!p0 $0x0  }
0x67e: {  	[sflag:s0] =	ssyncadd.s32 @!p0 s1  }
0x67f: {  	[bflag:$0x3] =	sbarrier.arrive $0xFFFF  }
0x680: {  	_ =	shalt  }

</sc_bundles>
